<compile_context>
chip_gen: v7x
topology: tpu7x:2x2x1
jax: 0.10.2.dev20260603
libtpu: 0.0.44.dev20260713+nightly
codegen_flags: <defaults>
</compile_context>

<pallas_src>
import functools

import jax
import jax.numpy as jnp
from jax import lax
from jax.experimental import pallas as pl
from jax.experimental.pallas import tpu as pltpu
from jax.experimental.pallas import tpu_sc as plsc

VOCAB = 1000000
EMBED_DIM = 64
EMOTION_DIM = 8
BATCH = 16384
SEQ = 200

DPAD = 8
NSLAB = 16
BLKQ = 4096
NQ = 16
S0 = NQ * BLKQ
PROWS = NSLAB * S0
BLAST = (-(-VOCAB // BLKQ) - NQ) * BLKQ
SLAB_BLK0 = tuple(NQ * s for s in range(NSLAB - 1)) + (BLAST // BLKQ,)

NW = 32
B_PER_W = BATCH // NW
CHUNK_B = 16
CHUNK_T = CHUNK_B * SEQ
N_CHUNKS = B_PER_W // CHUNK_B


def _project_body(*refs):
    embt_refs, wt_ref, out_ref = refs[:NSLAB], refs[NSLAB], refs[NSLAB + 1]
    wt = wt_ref[...]
    pts = [jnp.dot(wt, embt_refs[s][...], preferred_element_type=jnp.float32)
           for s in range(NSLAB)]
    out_ref[...] = jnp.concatenate(pts, axis=0).T


def _project(embt, w):
    in_specs = [
        pl.BlockSpec((EMBED_DIM, BLKQ),
                     functools.partial(lambda b0, i: (0, b0 + i), b0))
        for b0 in SLAB_BLK0
    ]
    in_specs.append(pl.BlockSpec((DPAD, EMBED_DIM), lambda i: (0, 0)))
    return pl.pallas_call(
        _project_body,
        grid=(NQ,),
        in_specs=in_specs,
        out_specs=pl.BlockSpec((BLKQ, NSLAB * DPAD), lambda i: (i, 0)),
        out_shape=jax.ShapeDtypeStruct((S0, NSLAB * DPAD), jnp.float32),
        compiler_params=pltpu.CompilerParams(
            fuse_transposed_lhs_in_matmul=True,
            vmem_limit_bytes=100 * 1024 * 1024),
    )(*([embt] * NSLAB), w.T)


def _sc_pool(p_table, ids_flat, bias_pad):
    mesh = plsc.VectorSubcoreMesh(core_axis_name="c", subcore_axis_name="s")

    @functools.partial(
        pl.kernel,
        out_type=jax.ShapeDtypeStruct((BATCH * DPAD,), jnp.float32),
        mesh=mesh,
        compiler_params=pltpu.CompilerParams(use_tc_tiling_on_sc=False,
                                             needs_layout_passes=False),
        scratch_types=[
            pltpu.VMEM((CHUNK_T,), jnp.int32),
            pltpu.VMEM((CHUNK_T,), jnp.int32),
            pltpu.VMEM((CHUNK_T, DPAD), jnp.float32),
            pltpu.VMEM((CHUNK_T, DPAD), jnp.float32),
            pltpu.VMEM((CHUNK_B * DPAD + 8,), jnp.float32),
            pltpu.VMEM((24,), jnp.float32),
            pltpu.VMEM((DPAD * 2,), jnp.float32),
            pltpu.SemaphoreType.DMA,
            pltpu.SemaphoreType.DMA,
        ],
    )
    def k(p_hbm, ids_hbm, bias_hbm, out_hbm, idx0_v, idx1_v, rows0_v,
          rows1_v, outc_v, fold_v, bias_v, sem0, sem1):
        wid = lax.axis_index("s") * 2 + lax.axis_index("c")
        pltpu.sync_copy(bias_hbm, bias_v)
        bias = bias_v[...]
        base_b = wid * B_PER_W
        lanes = lax.iota(jnp.int32, 16)
        pairc = jnp.where(lanes < 8, 0, 1)
        colc = lanes & 7

        def fire(c, idx_v, rows_v, sem):
            tok0 = (base_b + c * CHUNK_B) * SEQ
            pltpu.sync_copy(ids_hbm.at[pl.ds(tok0, CHUNK_T)], idx_v)
            sub = CHUNK_T // 4
            for j in range(4):
                pltpu.async_copy(
                    p_hbm.at[idx_v.at[pl.ds(j * sub, sub)]],
                    rows_v.at[pl.ds(j * sub, sub)], sem)

        def drain(idx_v, rows_v, sem):
            pltpu.make_async_copy(p_hbm.at[idx_v], rows_v, sem).wait()

        def accum(c, rows_v):
            cb = base_b + c * CHUNK_B
            for kk in range(CHUNK_B):
                r0 = kk * SEQ

                def add_body(i, accs):
                    a0, a1 = accs
                    r = r0 + i * 8
                    a0 = a0 + plsc.load_gather(rows_v, [pairc + r, colc])
                    a1 = a1 + plsc.load_gather(rows_v, [pairc + (r + 2), colc])
                    a0 = a0 + plsc.load_gather(rows_v, [pairc + (r + 4), colc])
                    a1 = a1 + plsc.load_gather(rows_v, [pairc + (r + 6), colc])
                    return a0, a1

                z = jnp.zeros((16,), jnp.float32)
                a0, a1 = lax.fori_loop(0, SEQ // 8, add_body, (z, z))
                fold_v[pl.ds(0, 16)] = a0 + a1
                s8 = fold_v[pl.ds(0, 16)] + fold_v[pl.ds(8, 16)]
                x = s8 * (1.0 / SEQ) + bias
                r16 = 1.0 / (1.0 + jnp.exp(-x))
                outc_v[pl.ds(kk * DPAD, 16)] = r16

            pltpu.sync_copy(outc_v.at[pl.ds(0, CHUNK_B * DPAD)],
                            out_hbm.at[pl.ds(cb * DPAD, CHUNK_B * DPAD)])

        fire(0, idx0_v, rows0_v, sem0)

        def pair_body(g, _):
            base = 2 * g
            fire(base + 1, idx1_v, rows1_v, sem1)
            drain(idx0_v, rows0_v, sem0)
            accum(base, rows0_v)

            @pl.when(base + 2 < N_CHUNKS)
            def _():
                fire(base + 2, idx0_v, rows0_v, sem0)

            drain(idx1_v, rows1_v, sem1)
            accum(base + 1, rows1_v)
            return 0

        lax.fori_loop(0, N_CHUNKS // 2, pair_body, 0)

    return k(p_table, ids_flat, bias_pad)


def kernel(input_ids, emb_table, W, b):
    bias_pad = jnp.concatenate([b, b])
    p2 = _project(emb_table.T, W)
    p_table = p2.reshape(PROWS, DPAD)
    ids = input_ids.reshape(-1).astype(jnp.int32)
    s = ids // S0
    q = ids - s * S0 + jnp.where(s == NSLAB - 1, (NSLAB - 1) * S0 - BLAST, 0)
    ids2 = NSLAB * q + s
    out_flat = _sc_pool(p_table, ids2, bias_pad)
    return out_flat.reshape(BATCH, EMOTION_DIM)

# --- scband reference (transcript-rebuilt; emitter-appended) ---
"""Pipeline reference for scband-context-encoder-51221779972215 (READ-ONLY COPY).

The authoritative reference and input builder live on the scoring server;
editing this copy changes nothing except your own understanding.
"""

import jax, jax.numpy as jnp
import numpy as np

VOCAB = 1000000
EMBED_DIM = 64
EMOTION_DIM = 8
BATCH = 16384
SEQ = 200

def setup_inputs(seed: int = 0) -> dict:
    key = jax.random.key(seed)
    k1, k2, k3 = jax.random.split(key, 3)
    input_ids = jax.random.randint(k1, (BATCH, SEQ), 0, VOCAB, dtype=jnp.int64 if jax.config.jax_enable_x64 else jnp.int32)
    emb_table = jax.random.normal(k2, (VOCAB, EMBED_DIM), dtype=jnp.float32) * 0.02
    W = jax.random.normal(k3, (EMBED_DIM, EMOTION_DIM), dtype=jnp.float32) * 0.1
    b = jnp.zeros((EMOTION_DIM,), dtype=jnp.float32)
    return {"input_ids": input_ids, "emb_table": emb_table, "W": W, "b": b}

def reference(input_ids, emb_table, W, b):
    # Embedding lookup (gather): maps to SparseCore embedding fetch
    context_embeddings = jnp.take(emb_table, input_ids, axis=0)  # [B, S, D]
    # Mean pool over the token dimension
    pooled = context_embeddings.mean(axis=1)  # [B, D]
    # Linear projection to emotion space + sigmoid
    context_emotion = jax.nn.sigmoid(pooled @ W + b)  # [B, emotion_dim]
    return context_emotion

if __name__ == "__main__":
    import jax
    _d = setup_inputs()
    print(jax.jit(kernel)(*tuple(_d.values())))

</pallas_src>

<mosaic_0001>
#map = affine_map<(d0, d1) -> (0, 0)>
#map1 = affine_map<(d0, d1) -> (0)>
module attributes {stable_mosaic.version = 14 : i64} {
  func.func @k(%arg0: i32, %arg1: i32, %arg2: memref<1048576x8xf32, #tpu.memory_space<hbm>>, %arg3: memref<3276800xi32, #tpu.memory_space<hbm>>, %arg4: memref<16xf32, #tpu.memory_space<hbm>>, %arg5: memref<131072xf32, #tpu.memory_space<hbm>>, %arg6: memref<3200xi32, #tpu.memory_space<vmem>>, %arg7: memref<3200xi32, #tpu.memory_space<vmem>>, %arg8: memref<3200x8xf32, #tpu.memory_space<vmem>>, %arg9: memref<3200x8xf32, #tpu.memory_space<vmem>>, %arg10: memref<136xf32, #tpu.memory_space<vmem>>, %arg11: memref<24xf32, #tpu.memory_space<vmem>>, %arg12: memref<16xf32, #tpu.memory_space<vmem>>, %arg13: memref<!tpu.dma_semaphore, #tpu.memory_space<semaphore_mem>>, %arg14: memref<!tpu.dma_semaphore, #tpu.memory_space<semaphore_mem>>) attributes {dimension_semantics = [#tpu.dimension_semantics<core_parallel>, #tpu.dimension_semantics<subcore_parallel>], iteration_bounds = array<i64: 2, 16>, scalar_prefetch = 0 : i64, scratch_operands = 9 : i64, tpu.core_type = #tpu.core_type<sc_vector_subcore>, window_params = [{transform_indices = #map}, {transform_indices = #map1}, {transform_indices = #map1}, {transform_indices = #map1}]} {
    %mul3A = arith.constant 2 : i32
    %mul3A_0 = arith.muli %arg1, %mul3A : i32
    %add3A = arith.addi %mul3A_0, %arg0 : i32
    "tpu.region"() ({
      %run_scoped3A = tpu.sem_alloc : memref<!tpu.dma_semaphore, #tpu.memory_space<semaphore_mem>>
      tpu.enqueue_dma source(%arg4 : memref<16xf32, #tpu.memory_space<hbm>>) target(%arg12 : memref<16xf32, #tpu.memory_space<vmem>>) target_semaphore(%run_scoped3A : memref<!tpu.dma_semaphore, #tpu.memory_space<semaphore_mem>>)
      tpu.wait_dma2 semaphore(%run_scoped3A : memref<!tpu.dma_semaphore, #tpu.memory_space<semaphore_mem>>) src(%arg4 : memref<16xf32, #tpu.memory_space<hbm>>) dst(%arg12 : memref<16xf32, #tpu.memory_space<vmem>>)
      tpu.yield
    }) : () -> ()
    %get3A = arith.constant 0 : index
    %get3A_1 = tpu.vector_load %arg12[%get3A] {strides = array<i32>} : memref<16xf32, #tpu.memory_space<vmem>>, vector<16xf32>,
    %mul3A_2 = arith.constant 512 : i32
    %mul3A_3 = arith.muli %add3A, %mul3A_2 : i32
    %iota3A = tpu.iota {dimensions = array<i32: 0>} : vector<16xi32>
    %lt3A = arith.constant 8 : i32
    %lt3A_4 = vector.broadcast %lt3A : i32 to vector<16xi32>
    %lt3A_5 = arith.cmpi slt, %iota3A, %lt3A_4 : vector<16xi32>
    %jit3A = arith.constant 0 : i32
    %jit3A_6 = arith.constant 1 : i32
    %broadcast_in_dim3A = vector.broadcast %jit3A : i32 to vector<16xi32>
    %broadcast_in_dim3A_7 = vector.broadcast %jit3A_6 : i32 to vector<16xi32>
    %select_n3A = arith.select %lt3A_5, %broadcast_in_dim3A, %broadcast_in_dim3A_7 : vector<16xi1>, vector<16xi32>
    %and3A = arith.constant 7 : i32
    %and3A_8 = vector.broadcast %and3A : i32 to vector<16xi32>
    %and3A_9 = arith.andi %iota3A, %and3A_8 : vector<16xi32>
    %add3A_10 = arith.constant 0 : i32
    %add3A_11 = arith.addi %mul3A_3, %add3A_10 : i32
    %mul3A_12 = arith.constant 200 : i32
    %mul3A_13 = arith.muli %add3A_11, %mul3A_12 : i32
    "tpu.region"() ({
      %run_scoped3A = tpu.sem_alloc : memref<!tpu.dma_semaphore, #tpu.memory_space<semaphore_mem>>
      %dma_start3A_51 = tpu.memref_slice %arg3[%mul3A_13] : memref<3276800xi32, #tpu.memory_space<hbm>> -> memref<3200xi32, #tpu.memory_space<hbm>>
      %dma_start3A_52 = tpu.memref_slice %arg3[%mul3A_13] : memref<3276800xi32, #tpu.memory_space<hbm>> -> memref<3200xi32, #tpu.memory_space<hbm>>
      tpu.enqueue_dma source(%dma_start3A_52 : memref<3200xi32, #tpu.memory_space<hbm>>) target(%arg6 : memref<3200xi32, #tpu.memory_space<vmem>>) target_semaphore(%run_scoped3A : memref<!tpu.dma_semaphore, #tpu.memory_space<semaphore_mem>>)
      %dma_wait3A = tpu.memref_slice %arg3[%mul3A_13] : memref<3276800xi32, #tpu.memory_space<hbm>> -> memref<3200xi32, #tpu.memory_space<hbm>>
      %dma_wait3A_53 = tpu.memref_slice %arg3[%mul3A_13] : memref<3276800xi32, #tpu.memory_space<hbm>> -> memref<3200xi32, #tpu.memory_space<hbm>>
      tpu.wait_dma2 semaphore(%run_scoped3A : memref<!tpu.dma_semaphore, #tpu.memory_space<semaphore_mem>>) src(%dma_wait3A_53 : memref<3200xi32, #tpu.memory_space<hbm>>) dst(%arg6 : memref<3200xi32, #tpu.memory_space<vmem>>)
      tpu.yield
    }) : () -> ()
    %dma_start3A = arith.constant 0 : i32
    %dma_start3A_14 = arith.constant 0 : i32
    %dma_start3A_15 = tpu.memref_slice %arg8[%dma_start3A, %dma_start3A_14] : memref<3200x8xf32, #tpu.memory_space<vmem>> -> memref<800x8xf32, #tpu.memory_space<vmem>>
    %dma_start3A_16 = arith.constant 0 : i32
    %dma_start3A_17 = tpu.memref_slice %arg6[%dma_start3A_16] : memref<3200xi32, #tpu.memory_space<vmem>> -> memref<800xi32, #tpu.memory_space<vmem>>
    %dma_start3A_18 = arith.constant 0 : i32
    %dma_start3A_19 = arith.constant 0 : i32
    %dma_start3A_20 = tpu.memref_slice %arg2[%dma_start3A_18, %dma_start3A_19] : memref<1048576x8xf32, #tpu.memory_space<hbm>> -> memref<1048576x8xf32, #tpu.memory_space<hbm>>
    tpu.enqueue_indirect_dma source(%dma_start3A_20 : memref<1048576x8xf32, #tpu.memory_space<hbm>>) target(%dma_start3A_15 : memref<800x8xf32, #tpu.memory_space<vmem>>) offsets(%dma_start3A_17 : memref<800xi32, #tpu.memory_space<vmem>>) semaphore(%arg13 : memref<!tpu.dma_semaphore, #tpu.memory_space<semaphore_mem>>)
    %dma_start3A_21 = arith.constant 800 : i32
    %dma_start3A_22 = arith.constant 0 : i32
    %dma_start3A_23 = tpu.memref_slice %arg8[%dma_start3A_21, %dma_start3A_22] : memref<3200x8xf32, #tpu.memory_space<vmem>> -> memref<800x8xf32, #tpu.memory_space<vmem>>
    %dma_start3A_24 = arith.constant 800 : i32
    %dma_start3A_25 = tpu.memref_slice %arg6[%dma_start3A_24] : memref<3200xi32, #tpu.memory_space<vmem>> -> memref<800xi32, #tpu.memory_space<vmem>>
    %dma_start3A_26 = arith.constant 0 : i32
    %dma_start3A_27 = arith.constant 0 : i32
    %dma_start3A_28 = tpu.memref_slice %arg2[%dma_start3A_26, %dma_start3A_27] : memref<1048576x8xf32, #tpu.memory_space<hbm>> -> memref<1048576x8xf32, #tpu.memory_space<hbm>>
    tpu.enqueue_indirect_dma source(%dma_start3A_28 : memref<1048576x8xf32, #tpu.memory_space<hbm>>) target(%dma_start3A_23 : memref<800x8xf32, #tpu.memory_space<vmem>>) offsets(%dma_start3A_25 : memref<800xi32, #tpu.memory_space<vmem>>) semaphore(%arg13 : memref<!tpu.dma_semaphore, #tpu.memory_space<semaphore_mem>>)
    %dma_start3A_29 = arith.constant 1600 : i32
    %dma_start3A_30 = arith.constant 0 : i32
    %dma_start3A_31 = tpu.memref_slice %arg8[%dma_start3A_29, %dma_start3A_30] : memref<3200x8xf32, #tpu.memory_space<vmem>> -> memref<800x8xf32, #tpu.memory_space<vmem>>
    %dma_start3A_32 = arith.constant 1600 : i32
    %dma_start3A_33 = tpu.memref_slice %arg6[%dma_start3A_32] : memref<3200xi32, #tpu.memory_space<vmem>> -> memref<800xi32, #tpu.memory_space<vmem>>
    %dma_start3A_34 = arith.constant 0 : i32
    %dma_start3A_35 = arith.constant 0 : i32
    %dma_start3A_36 = tpu.memref_slice %arg2[%dma_start3A_34, %dma_start3A_35] : memref<1048576x8xf32, #tpu.memory_space<hbm>> -> memref<1048576x8xf32, #tpu.memory_space<hbm>>
    tpu.enqueue_indirect_dma source(%dma_start3A_36 : memref<1048576x8xf32, #tpu.memory_space<hbm>>) target(%dma_start3A_31 : memref<800x8xf32, #tpu.memory_space<vmem>>) offsets(%dma_start3A_33 : memref<800xi32, #tpu.memory_space<vmem>>) semaphore(%arg13 : memref<!tpu.dma_semaphore, #tpu.memory_space<semaphore_mem>>)
    %dma_start3A_37 = arith.constant 2400 : i32
    %dma_start3A_38 = arith.constant 0 : i32
    %dma_start3A_39 = tpu.memref_slice %arg8[%dma_start3A_37, %dma_start3A_38] : memref<3200x8xf32, #tpu.memory_space<vmem>> -> memref<800x8xf32, #tpu.memory_space<vmem>>
    %dma_start3A_40 = arith.constant 2400 : i32
    %dma_start3A_41 = tpu.memref_slice %arg6[%dma_start3A_40] : memref<3200xi32, #tpu.memory_space<vmem>> -> memref<800xi32, #tpu.memory_space<vmem>>
    %dma_start3A_42 = arith.constant 0 : i32
    %dma_start3A_43 = arith.constant 0 : i32
    %dma_start3A_44 = tpu.memref_slice %arg2[%dma_start3A_42, %dma_start3A_43] : memref<1048576x8xf32, #tpu.memory_space<hbm>> -> memref<1048576x8xf32, #tpu.memory_space<hbm>>
    tpu.enqueue_indirect_dma source(%dma_start3A_44 : memref<1048576x8xf32, #tpu.memory_space<hbm>>) target(%dma_start3A_39 : memref<800x8xf32, #tpu.memory_space<vmem>>) offsets(%dma_start3A_41 : memref<800xi32, #tpu.memory_space<vmem>>) semaphore(%arg13 : memref<!tpu.dma_semaphore, #tpu.memory_space<semaphore_mem>>)
    %scan3A = arith.constant 0 : i32
    %scan3A_45 = arith.constant 0 : i32
    %scan3A_46 = arith.constant 16 : i32
    %scan3A_47 = arith.addi %scan3A_45, %scan3A_46 : i32
    %scan3A_48 = arith.constant 1 : i32
    %scan3A_49 = scf.for %scan3A_51 = %scan3A_45 to %scan3A_47 step %scan3A_48 iter_args(%scan3A_52 = %scan3A) -> (i32)  : i32 {
      %mul3A_53 = arith.constant 2 : i32
      %mul3A_54 = arith.muli %mul3A_53, %scan3A_51 : i32
      %add3A_55 = arith.constant 1 : i32
      %add3A_56 = arith.addi %mul3A_54, %add3A_55 : i32
      %mul3A_57 = arith.constant 16 : i32
      %mul3A_58 = arith.muli %add3A_56, %mul3A_57 : i32
      %add3A_59 = arith.addi %mul3A_3, %mul3A_58 : i32
      %mul3A_60 = arith.constant 200 : i32
      %mul3A_61 = arith.muli %add3A_59, %mul3A_60 : i32
      "tpu.region"() ({
        %run_scoped3A = tpu.sem_alloc : memref<!tpu.dma_semaphore, #tpu.memory_space<semaphore_mem>>
        %dma_start3A_1137 = tpu.memref_slice %arg3[%mul3A_61] : memref<3276800xi32, #tpu.memory_space<hbm>> -> memref<3200xi32, #tpu.memory_space<hbm>>
        %dma_start3A_1138 = tpu.memref_slice %arg3[%mul3A_61] : memref<3276800xi32, #tpu.memory_space<hbm>> -> memref<3200xi32, #tpu.memory_space<hbm>>
        tpu.enqueue_dma source(%dma_start3A_1138 : memref<3200xi32, #tpu.memory_space<hbm>>) target(%arg7 : memref<3200xi32, #tpu.memory_space<vmem>>) target_semaphore(%run_scoped3A : memref<!tpu.dma_semaphore, #tpu.memory_space<semaphore_mem>>)
        %dma_wait3A_1139 = tpu.memref_slice %arg3[%mul3A_61] : memref<3276800xi32, #tpu.memory_space<hbm>> -> memref<3200xi32, #tpu.memory_space<hbm>>
        %dma_wait3A_1140 = tpu.memref_slice %arg3[%mul3A_61] : memref<3276800xi32, #tpu.memory_space<hbm>> -> memref<3200xi32, #tpu.memory_space<hbm>>
        tpu.wait_dma2 semaphore(%run_scoped3A : memref<!tpu.dma_semaphore, #tpu.memory_space<semaphore_mem>>) src(%dma_wait3A_1140 : memref<3200xi32, #tpu.memory_space<hbm>>) dst(%arg7 : memref<3200xi32, #tpu.memory_space<vmem>>)
        tpu.yield
      }) : () -> ()
      %dma_start3A_62 = arith.constant 0 : i32
      %dma_start3A_63 = arith.constant 0 : i32
      %dma_start3A_64 = tpu.memref_slice %arg9[%dma_start3A_62, %dma_start3A_63] : memref<3200x8xf32, #tpu.memory_space<vmem>> -> memref<800x8xf32, #tpu.memory_space<vmem>>
      %dma_start3A_65 = arith.constant 0 : i32
      %dma_start3A_66 = tpu.memref_slice %arg7[%dma_start3A_65] : memref<3200xi32, #tpu.memory_space<vmem>> -> memref<800xi32, #tpu.memory_space<vmem>>
      %dma_start3A_67 = arith.constant 0 : i32
      %dma_start3A_68 = arith.constant 0 : i32
      %dma_start3A_69 = tpu.memref_slice %arg2[%dma_start3A_67, %dma_start3A_68] : memref<1048576x8xf32, #tpu.memory_space<hbm>> -> memref<1048576x8xf32, #tpu.memory_space<hbm>>
      tpu.enqueue_indirect_dma source(%dma_start3A_69 : memref<1048576x8xf32, #tpu.memory_space<hbm>>) target(%dma_start3A_64 : memref<800x8xf32, #tpu.memory_space<vmem>>) offsets(%dma_start3A_66 : memref<800xi32, #tpu.memory_space<vmem>>) semaphore(%arg14 : memref<!tpu.dma_semaphore, #tpu.memory_space<semaphore_mem>>)
      %dma_start3A_70 = arith.constant 800 : i32
      %dma_start3A_71 = arith.constant 0 : i32
      %dma_start3A_72 = tpu.memref_slice %arg9[%dma_start3A_70, %dma_start3A_71] : memref<3200x8xf32, #tpu.memory_space<vmem>> -> memref<800x8xf32, #tpu.memory_space<vmem>>
      %dma_start3A_73 = arith.constant 800 : i32
      %dma_start3A_74 = tpu.memref_slice %arg7[%dma_start3A_73] : memref<3200xi32, #tpu.memory_space<vmem>> -> memref<800xi32, #tpu.memory_space<vmem>>
      %dma_start3A_75 = arith.constant 0 : i32
      %dma_start3A_76 = arith.constant 0 : i32
      %dma_start3A_77 = tpu.memref_slice %arg2[%dma_start3A_75, %dma_start3A_76] : memref<1048576x8xf32, #tpu.memory_space<hbm>> -> memref<1048576x8xf32, #tpu.memory_space<hbm>>
      tpu.enqueue_indirect_dma source(%dma_start3A_77 : memref<1048576x8xf32, #tpu.memory_space<hbm>>) target(%dma_start3A_72 : memref<800x8xf32, #tpu.memory_space<vmem>>) offsets(%dma_start3A_74 : memref<800xi32, #tpu.memory_space<vmem>>) semaphore(%arg14 : memref<!tpu.dma_semaphore, #tpu.memory_space<semaphore_mem>>)
      %dma_start3A_78 = arith.constant 1600 : i32
      %dma_start3A_79 = arith.constant 0 : i32
      %dma_start3A_80 = tpu.memref_slice %arg9[%dma_start3A_78, %dma_start3A_79] : memref<3200x8xf32, #tpu.memory_space<vmem>> -> memref<800x8xf32, #tpu.memory_space<vmem>>
      %dma_start3A_81 = arith.constant 1600 : i32
      %dma_start3A_82 = tpu.memref_slice %arg7[%dma_start3A_81] : memref<3200xi32, #tpu.memory_space<vmem>> -> memref<800xi32, #tpu.memory_space<vmem>>
      %dma_start3A_83 = arith.constant 0 : i32
      %dma_start3A_84 = arith.constant 0 : i32
      %dma_start3A_85 = tpu.memref_slice %arg2[%dma_start3A_83, %dma_start3A_84] : memref<1048576x8xf32, #tpu.memory_space<hbm>> -> memref<1048576x8xf32, #tpu.memory_space<hbm>>
      tpu.enqueue_indirect_dma source(%dma_start3A_85 : memref<1048576x8xf32, #tpu.memory_space<hbm>>) target(%dma_start3A_80 : memref<800x8xf32, #tpu.memory_space<vmem>>) offsets(%dma_start3A_82 : memref<800xi32, #tpu.memory_space<vmem>>) semaphore(%arg14 : memref<!tpu.dma_semaphore, #tpu.memory_space<semaphore_mem>>)
      %dma_start3A_86 = arith.constant 2400 : i32
      %dma_start3A_87 = arith.constant 0 : i32
      %dma_start3A_88 = tpu.memref_slice %arg9[%dma_start3A_86, %dma_start3A_87] : memref<3200x8xf32, #tpu.memory_space<vmem>> -> memref<800x8xf32, #tpu.memory_space<vmem>>
      %dma_start3A_89 = arith.constant 2400 : i32
      %dma_start3A_90 = tpu.memref_slice %arg7[%dma_start3A_89] : memref<3200xi32, #tpu.memory_space<vmem>> -> memref<800xi32, #tpu.memory_space<vmem>>
      %dma_start3A_91 = arith.constant 0 : i32
      %dma_start3A_92 = arith.constant 0 : i32
      %dma_start3A_93 = tpu.memref_slice %arg2[%dma_start3A_91, %dma_start3A_92] : memref<1048576x8xf32, #tpu.memory_space<hbm>> -> memref<1048576x8xf32, #tpu.memory_space<hbm>>
      tpu.enqueue_indirect_dma source(%dma_start3A_93 : memref<1048576x8xf32, #tpu.memory_space<hbm>>) target(%dma_start3A_88 : memref<800x8xf32, #tpu.memory_space<vmem>>) offsets(%dma_start3A_90 : memref<800xi32, #tpu.memory_space<vmem>>) semaphore(%arg14 : memref<!tpu.dma_semaphore, #tpu.memory_space<semaphore_mem>>)
      %dma_wait3A = arith.constant 0 : i32
      %dma_wait3A_94 = arith.constant 0 : i32
      %dma_wait3A_95 = tpu.memref_slice %arg2[%dma_wait3A, %dma_wait3A_94] : memref<1048576x8xf32, #tpu.memory_space<hbm>> -> memref<1048576x8xf32, #tpu.memory_space<hbm>>
      tpu.wait_indirect_dma semaphore(%arg13 : memref<!tpu.dma_semaphore, #tpu.memory_space<semaphore_mem>>) src(%dma_wait3A_95 : memref<1048576x8xf32, #tpu.memory_space<hbm>>) dst(%arg8 : memref<3200x8xf32, #tpu.memory_space<vmem>>)
      %mul3A_96 = arith.constant 16 : i32
      %mul3A_97 = arith.muli %mul3A_54, %mul3A_96 : i32
      %add3A_98 = arith.addi %mul3A_3, %mul3A_97 : i32
      %broadcast_in_dim3A_99 = arith.constant 0.000000e+00 : f32
      %broadcast_in_dim3A_100 = vector.broadcast %broadcast_in_dim3A_99 : f32 to vector<16xf32>
      %scan3A_101 = arith.constant 0 : i32
      %scan3A_102 = arith.constant 25 : i32
      %scan3A_103 = arith.addi %scan3A_101, %scan3A_102 : i32
      %scan3A_104 = arith.constant 1 : i32
      %scan3A_105:2 = scf.for %scan3A_1137 = %scan3A_101 to %scan3A_103 step %scan3A_104 iter_args(%scan3A_1138 = %broadcast_in_dim3A_100, %scan3A_1139 = %broadcast_in_dim3A_100) -> (vector<16xf32>, vector<16xf32>)  : i32 {
        %mul3A_1140 = arith.constant 8 : i32
        %mul3A_1141 = arith.muli %scan3A_1137, %mul3A_1140 : i32
        %add3A_1142 = arith.constant 0 : i32
        %add3A_1143 = arith.addi %add3A_1142, %mul3A_1141 : i32
        %add3A_1144 = vector.broadcast %add3A_1143 : i32 to vector<16xi32>
        %add3A_1145 = arith.addi %select_n3A, %add3A_1144 : vector<16xi32>
        %gather3A = tpu.vector_load_idx %arg8[%add3A_1145, %and3A_9] : memref<3200x8xf32, #tpu.memory_space<vmem>>[vector<16xi32>, vector<16xi32>], vector<16xf32>,
        %add3A_1146 = arith.addf %scan3A_1138, %gather3A : vector<16xf32>
        %add3A_1147 = arith.constant 2 : i32
        %add3A_1148 = arith.addi %add3A_1143, %add3A_1147 : i32
        %add3A_1149 = vector.broadcast %add3A_1148 : i32 to vector<16xi32>
        %add3A_1150 = arith.addi %select_n3A, %add3A_1149 : vector<16xi32>
        %gather3A_1151 = tpu.vector_load_idx %arg8[%add3A_1150, %and3A_9] : memref<3200x8xf32, #tpu.memory_space<vmem>>[vector<16xi32>, vector<16xi32>], vector<16xf32>,
        %add3A_1152 = arith.addf %scan3A_1139, %gather3A_1151 : vector<16xf32>
        %add3A_1153 = arith.constant 4 : i32
        %add3A_1154 = arith.addi %add3A_1143, %add3A_1153 : i32
        %add3A_1155 = vector.broadcast %add3A_1154 : i32 to vector<16xi32>
        %add3A_1156 = arith.addi %select_n3A, %add3A_1155 : vector<16xi32>
        %gather3A_1157 = tpu.vector_load_idx %arg8[%add3A_1156, %and3A_9] : memref<3200x8xf32, #tpu.memory_space<vmem>>[vector<16xi32>, vector<16xi32>], vector<16xf32>,
        %add3A_1158 = arith.addf %add3A_1146, %gather3A_1157 : vector<16xf32>
        %add3A_1159 = arith.constant 6 : i32
        %add3A_1160 = arith.addi %add3A_1143, %add3A_1159 : i32
        %add3A_1161 = vector.broadcast %add3A_1160 : i32 to vector<16xi32>
        %add3A_1162 = arith.addi %select_n3A, %add3A_1161 : vector<16xi32>
        %gather3A_1163 = tpu.vector_load_idx %arg8[%add3A_1162, %and3A_9] : memref<3200x8xf32, #tpu.memory_space<vmem>>[vector<16xi32>, vector<16xi32>], vector<16xf32>,
        %add3A_1164 = arith.addf %add3A_1152, %gather3A_1163 : vector<16xf32>
        scf.yield %add3A_1158, %add3A_1164 : vector<16xf32>, vector<16xf32>
      }
      %scan3A_106 = arith.constant 25 : i32
      %add3A_107 = arith.addf %scan3A_105#0, %scan3A_105#1 : vector<16xf32>
      %swap3A = arith.constant 0 : index
      %swap3A_108 = tpu.vector_load %arg11[%swap3A] {strides = array<i32>} : memref<24xf32, #tpu.memory_space<vmem>>, vector<16xf32>,
      tpu.vector_store %arg11[%swap3A], %add3A_107 {strides = array<i32>} : memref<24xf32, #tpu.memory_space<vmem>>, vector<16xf32>,
      %get3A_109 = arith.constant 0 : index
      %get3A_110 = tpu.vector_load %arg11[%get3A_109] {strides = array<i32>} : memref<24xf32, #tpu.memory_space<vmem>>, vector<16xf32>,
      %get3A_111 = arith.constant 8 : index
      %get3A_112 = tpu.vector_load %arg11[%get3A_111] {strides = array<i32>} : memref<24xf32, #tpu.memory_space<vmem>>, vector<16xf32>,
      %add3A_113 = arith.addf %get3A_110, %get3A_112 : vector<16xf32>
      %mul3A_114 = arith.constant 5.000000e-03 : f32
      %mul3A_115 = vector.broadcast %mul3A_114 : f32 to vector<16xf32>
      %mul3A_116 = arith.mulf %add3A_113, %mul3A_115 : vector<16xf32>
      %add3A_117 = arith.addf %mul3A_116, %get3A_1 : vector<16xf32>
      %neg3A = arith.constant 0.000000e+00 : f32
      %neg3A_118 = vector.broadcast %neg3A : f32 to vector<16xf32>
      %neg3A_119 = arith.subf %neg3A_118, %add3A_117 : vector<16xf32>
      %exp3A = math.exp %neg3A_119 : vector<16xf32>
      %add3A_120 = arith.constant 1.000000e+00 : f32
      %add3A_121 = vector.broadcast %add3A_120 : f32 to vector<16xf32>
      %add3A_122 = arith.addf %add3A_121, %exp3A : vector<16xf32>
      %div3A = arith.constant 1.000000e+00 : f32
      %div3A_123 = vector.broadcast %div3A : f32 to vector<16xf32>
      %div3A_124 = arith.divf %div3A_123, %add3A_122 : vector<16xf32>
      %swap3A_125 = arith.constant 0 : index
      %swap3A_126 = tpu.vector_load %arg10[%swap3A_125] {strides = array<i32>} : memref<136xf32, #tpu.memory_space<vmem>>, vector<16xf32>,
      tpu.vector_store %arg10[%swap3A_125], %div3A_124 {strides = array<i32>} : memref<136xf32, #tpu.memory_space<vmem>>, vector<16xf32>,
      %broadcast_in_dim3A_127 = arith.constant 0.000000e+00 : f32
      %broadcast_in_dim3A_128 = vector.broadcast %broadcast_in_dim3A_127 : f32 to vector<16xf32>
      %scan3A_129 = arith.constant 0 : i32
      %scan3A_130 = arith.constant 25 : i32
      %scan3A_131 = arith.addi %scan3A_129, %scan3A_130 : i32
      %scan3A_132 = arith.constant 1 : i32
      %scan3A_133:2 = scf.for %scan3A_1137 = %scan3A_129 to %scan3A_131 step %scan3A_132 iter_args(%scan3A_1138 = %broadcast_in_dim3A_128, %scan3A_1139 = %broadcast_in_dim3A_128) -> (vector<16xf32>, vector<16xf32>)  : i32 {
        %mul3A_1140 = arith.constant 8 : i32
        %mul3A_1141 = arith.muli %scan3A_1137, %mul3A_1140 : i32
        %add3A_1142 = arith.constant 200 : i32
        %add3A_1143 = arith.addi %add3A_1142, %mul3A_1141 : i32
        %add3A_1144 = vector.broadcast %add3A_1143 : i32 to vector<16xi32>
        %add3A_1145 = arith.addi %select_n3A, %add3A_1144 : vector<16xi32>
        %gather3A = tpu.vector_load_idx %arg8[%add3A_1145, %and3A_9] : memref<3200x8xf32, #tpu.memory_space<vmem>>[vector<16xi32>, vector<16xi32>], vector<16xf32>,
        %add3A_1146 = arith.addf %scan3A_1138, %gather3A : vector<16xf32>
        %add3A_1147 = arith.constant 2 : i32
        %add3A_1148 = arith.addi %add3A_1143, %add3A_1147 : i32
        %add3A_1149 = vector.broadcast %add3A_1148 : i32 to vector<16xi32>
        %add3A_1150 = arith.addi %select_n3A, %add3A_1149 : vector<16xi32>
        %gather3A_1151 = tpu.vector_load_idx %arg8[%add3A_1150, %and3A_9] : memref<3200x8xf32, #tpu.memory_space<vmem>>[vector<16xi32>, vector<16xi32>], vector<16xf32>,
        %add3A_1152 = arith.addf %scan3A_1139, %gather3A_1151 : vector<16xf32>
        %add3A_1153 = arith.constant 4 : i32
        %add3A_1154 = arith.addi %add3A_1143, %add3A_1153 : i32
        %add3A_1155 = vector.broadcast %add3A_1154 : i32 to vector<16xi32>
        %add3A_1156 = arith.addi %select_n3A, %add3A_1155 : vector<16xi32>
        %gather3A_1157 = tpu.vector_load_idx %arg8[%add3A_1156, %and3A_9] : memref<3200x8xf32, #tpu.memory_space<vmem>>[vector<16xi32>, vector<16xi32>], vector<16xf32>,
        %add3A_1158 = arith.addf %add3A_1146, %gather3A_1157 : vector<16xf32>
        %add3A_1159 = arith.constant 6 : i32
        %add3A_1160 = arith.addi %add3A_1143, %add3A_1159 : i32
        %add3A_1161 = vector.broadcast %add3A_1160 : i32 to vector<16xi32>
        %add3A_1162 = arith.addi %select_n3A, %add3A_1161 : vector<16xi32>
        %gather3A_1163 = tpu.vector_load_idx %arg8[%add3A_1162, %and3A_9] : memref<3200x8xf32, #tpu.memory_space<vmem>>[vector<16xi32>, vector<16xi32>], vector<16xf32>,
        %add3A_1164 = arith.addf %add3A_1152, %gather3A_1163 : vector<16xf32>
        scf.yield %add3A_1158, %add3A_1164 : vector<16xf32>, vector<16xf32>
      }
      %scan3A_134 = arith.constant 25 : i32
      %add3A_135 = arith.addf %scan3A_133#0, %scan3A_133#1 : vector<16xf32>
      %swap3A_136 = arith.constant 0 : index
      %swap3A_137 = tpu.vector_load %arg11[%swap3A_136] {strides = array<i32>} : memref<24xf32, #tpu.memory_space<vmem>>, vector<16xf32>,
      tpu.vector_store %arg11[%swap3A_136], %add3A_135 {strides = array<i32>} : memref<24xf32, #tpu.memory_space<vmem>>, vector<16xf32>,
      %get3A_138 = arith.constant 0 : index
      %get3A_139 = tpu.vector_load %arg11[%get3A_138] {strides = array<i32>} : memref<24xf32, #tpu.memory_space<vmem>>, vector<16xf32>,
      %get3A_140 = arith.constant 8 : index
      %get3A_141 = tpu.vector_load %arg11[%get3A_140] {strides = array<i32>} : memref<24xf32, #tpu.memory_space<vmem>>, vector<16xf32>,
      %add3A_142 = arith.addf %get3A_139, %get3A_141 : vector<16xf32>
      %mul3A_143 = arith.constant 5.000000e-03 : f32
      %mul3A_144 = vector.broadcast %mul3A_143 : f32 to vector<16xf32>
      %mul3A_145 = arith.mulf %add3A_142, %mul3A_144 : vector<16xf32>
      %add3A_146 = arith.addf %mul3A_145, %get3A_1 : vector<16xf32>
      %neg3A_147 = arith.constant 0.000000e+00 : f32
      %neg3A_148 = vector.broadcast %neg3A_147 : f32 to vector<16xf32>
      %neg3A_149 = arith.subf %neg3A_148, %add3A_146 : vector<16xf32>
      %exp3A_150 = math.exp %neg3A_149 : vector<16xf32>
      %add3A_151 = arith.constant 1.000000e+00 : f32
      %add3A_152 = vector.broadcast %add3A_151 : f32 to vector<16xf32>
      %add3A_153 = arith.addf %add3A_152, %exp3A_150 : vector<16xf32>
      %div3A_154 = arith.constant 1.000000e+00 : f32
      %div3A_155 = vector.broadcast %div3A_154 : f32 to vector<16xf32>
      %div3A_156 = arith.divf %div3A_155, %add3A_153 : vector<16xf32>
      %swap3A_157 = arith.constant 8 : index
      %swap3A_158 = tpu.vector_load %arg10[%swap3A_157] {strides = array<i32>} : memref<136xf32, #tpu.memory_space<vmem>>, vector<16xf32>,
      tpu.vector_store %arg10[%swap3A_157], %div3A_156 {strides = array<i32>} : memref<136xf32, #tpu.memory_space<vmem>>, vector<16xf32>,
      %broadcast_in_dim3A_159 = arith.constant 0.000000e+00 : f32
      %broadcast_in_dim3A_160 = vector.broadcast %broadcast_in_dim3A_159 : f32 to vector<16xf32>
      %scan3A_161 = arith.constant 0 : i32
      %scan3A_162 = arith.constant 25 : i32
      %scan3A_163 = arith.addi %scan3A_161, %scan3A_162 : i32
      %scan3A_164 = arith.constant 1 : i32
      %scan3A_165:2 = scf.for %scan3A_1137 = %scan3A_161 to %scan3A_163 step %scan3A_164 iter_args(%scan3A_1138 = %broadcast_in_dim3A_160, %scan3A_1139 = %broadcast_in_dim3A_160) -> (vector<16xf32>, vector<16xf32>)  : i32 {
        %mul3A_1140 = arith.constant 8 : i32
        %mul3A_1141 = arith.muli %scan3A_1137, %mul3A_1140 : i32
        %add3A_1142 = arith.constant 400 : i32
        %add3A_1143 = arith.addi %add3A_1142, %mul3A_1141 : i32
        %add3A_1144 = vector.broadcast %add3A_1143 : i32 to vector<16xi32>
        %add3A_1145 = arith.addi %select_n3A, %add3A_1144 : vector<16xi32>
        %gather3A = tpu.vector_load_idx %arg8[%add3A_1145, %and3A_9] : memref<3200x8xf32, #tpu.memory_space<vmem>>[vector<16xi32>, vector<16xi32>], vector<16xf32>,
        %add3A_1146 = arith.addf %scan3A_1138, %gather3A : vector<16xf32>
        %add3A_1147 = arith.constant 2 : i32
        %add3A_1148 = arith.addi %add3A_1143, %add3A_1147 : i32
        %add3A_1149 = vector.broadcast %add3A_1148 : i32 to vector<16xi32>
        %add3A_1150 = arith.addi %select_n3A, %add3A_1149 : vector<16xi32>
        %gather3A_1151 = tpu.vector_load_idx %arg8[%add3A_1150, %and3A_9] : memref<3200x8xf32, #tpu.memory_space<vmem>>[vector<16xi32>, vector<16xi32>], vector<16xf32>,
        %add3A_1152 = arith.addf %scan3A_1139, %gather3A_1151 : vector<16xf32>
        %add3A_1153 = arith.constant 4 : i32
        %add3A_1154 = arith.addi %add3A_1143, %add3A_1153 : i32
        %add3A_1155 = vector.broadcast %add3A_1154 : i32 to vector<16xi32>
        %add3A_1156 = arith.addi %select_n3A, %add3A_1155 : vector<16xi32>
        %gather3A_1157 = tpu.vector_load_idx %arg8[%add3A_1156, %and3A_9] : memref<3200x8xf32, #tpu.memory_space<vmem>>[vector<16xi32>, vector<16xi32>], vector<16xf32>,
        %add3A_1158 = arith.addf %add3A_1146, %gather3A_1157 : vector<16xf32>
        %add3A_1159 = arith.constant 6 : i32
        %add3A_1160 = arith.addi %add3A_1143, %add3A_1159 : i32
        %add3A_1161 = vector.broadcast %add3A_1160 : i32 to vector<16xi32>
        %add3A_1162 = arith.addi %select_n3A, %add3A_1161 : vector<16xi32>
        %gather3A_1163 = tpu.vector_load_idx %arg8[%add3A_1162, %and3A_9] : memref<3200x8xf32, #tpu.memory_space<vmem>>[vector<16xi32>, vector<16xi32>], vector<16xf32>,
        %add3A_1164 = arith.addf %add3A_1152, %gather3A_1163 : vector<16xf32>
        scf.yield %add3A_1158, %add3A_1164 : vector<16xf32>, vector<16xf32>
      }
      %scan3A_166 = arith.constant 25 : i32
      %add3A_167 = arith.addf %scan3A_165#0, %scan3A_165#1 : vector<16xf32>
      %swap3A_168 = arith.constant 0 : index
      %swap3A_169 = tpu.vector_load %arg11[%swap3A_168] {strides = array<i32>} : memref<24xf32, #tpu.memory_space<vmem>>, vector<16xf32>,
      tpu.vector_store %arg11[%swap3A_168], %add3A_167 {strides = array<i32>} : memref<24xf32, #tpu.memory_space<vmem>>, vector<16xf32>,
      %get3A_170 = arith.constant 0 : index
      %get3A_171 = tpu.vector_load %arg11[%get3A_170] {strides = array<i32>} : memref<24xf32, #tpu.memory_space<vmem>>, vector<16xf32>,
      %get3A_172 = arith.constant 8 : index
      %get3A_173 = tpu.vector_load %arg11[%get3A_172] {strides = array<i32>} : memref<24xf32, #tpu.memory_space<vmem>>, vector<16xf32>,
      %add3A_174 = arith.addf %get3A_171, %get3A_173 : vector<16xf32>
      %mul3A_175 = arith.constant 5.000000e-03 : f32
      %mul3A_176 = vector.broadcast %mul3A_175 : f32 to vector<16xf32>
      %mul3A_177 = arith.mulf %add3A_174, %mul3A_176 : vector<16xf32>
      %add3A_178 = arith.addf %mul3A_177, %get3A_1 : vector<16xf32>
      %neg3A_179 = arith.constant 0.000000e+00 : f32
      %neg3A_180 = vector.broadcast %neg3A_179 : f32 to vector<16xf32>
      %neg3A_181 = arith.subf %neg3A_180, %add3A_178 : vector<16xf32>
      %exp3A_182 = math.exp %neg3A_181 : vector<16xf32>
      %add3A_183 = arith.constant 1.000000e+00 : f32
      %add3A_184 = vector.broadcast %add3A_183 : f32 to vector<16xf32>
      %add3A_185 = arith.addf %add3A_184, %exp3A_182 : vector<16xf32>
      %div3A_186 = arith.constant 1.000000e+00 : f32
      %div3A_187 = vector.broadcast %div3A_186 : f32 to vector<16xf32>
      %div3A_188 = arith.divf %div3A_187, %add3A_185 : vector<16xf32>
      %swap3A_189 = arith.constant 16 : index
      %swap3A_190 = tpu.vector_load %arg10[%swap3A_189] {strides = array<i32>} : memref<136xf32, #tpu.memory_space<vmem>>, vector<16xf32>,
      tpu.vector_store %arg10[%swap3A_189], %div3A_188 {strides = array<i32>} : memref<136xf32, #tpu.memory_space<vmem>>, vector<16xf32>,
      %broadcast_in_dim3A_191 = arith.constant 0.000000e+00 : f32
      %broadcast_in_dim3A_192 = vector.broadcast %broadcast_in_dim3A_191 : f32 to vector<16xf32>
      %scan3A_193 = arith.constant 0 : i32
      %scan3A_194 = arith.constant 25 : i32
      %scan3A_195 = arith.addi %scan3A_193, %scan3A_194 : i32
      %scan3A_196 = arith.constant 1 : i32
      %scan3A_197:2 = scf.for %scan3A_1137 = %scan3A_193 to %scan3A_195 step %scan3A_196 iter_args(%scan3A_1138 = %broadcast_in_dim3A_192, %scan3A_1139 = %broadcast_in_dim3A_192) -> (vector<16xf32>, vector<16xf32>)  : i32 {
        %mul3A_1140 = arith.constant 8 : i32
        %mul3A_1141 = arith.muli %scan3A_1137, %mul3A_1140 : i32
        %add3A_1142 = arith.constant 600 : i32
        %add3A_1143 = arith.addi %add3A_1142, %mul3A_1141 : i32
        %add3A_1144 = vector.broadcast %add3A_1143 : i32 to vector<16xi32>
        %add3A_1145 = arith.addi %select_n3A, %add3A_1144 : vector<16xi32>
        %gather3A = tpu.vector_load_idx %arg8[%add3A_1145, %and3A_9] : memref<3200x8xf32, #tpu.memory_space<vmem>>[vector<16xi32>, vector<16xi32>], vector<16xf32>,
        %add3A_1146 = arith.addf %scan3A_1138, %gather3A : vector<16xf32>
        %add3A_1147 = arith.constant 2 : i32
        %add3A_1148 = arith.addi %add3A_1143, %add3A_1147 : i32
        %add3A_1149 = vector.broadcast %add3A_1148 : i32 to vector<16xi32>
        %add3A_1150 = arith.addi %select_n3A, %add3A_1149 : vector<16xi32>
        %gather3A_1151 = tpu.vector_load_idx %arg8[%add3A_1150, %and3A_9] : memref<3200x8xf32, #tpu.memory_space<vmem>>[vector<16xi32>, vector<16xi32>], vector<16xf32>,
        %add3A_1152 = arith.addf %scan3A_1139, %gather3A_1151 : vector<16xf32>
        %add3A_1153 = arith.constant 4 : i32
        %add3A_1154 = arith.addi %add3A_1143, %add3A_1153 : i32
        %add3A_1155 = vector.broadcast %add3A_1154 : i32 to vector<16xi32>
        %add3A_1156 = arith.addi %select_n3A, %add3A_1155 : vector<16xi32>
        %gather3A_1157 = tpu.vector_load_idx %arg8[%add3A_1156, %and3A_9] : memref<3200x8xf32, #tpu.memory_space<vmem>>[vector<16xi32>, vector<16xi32>], vector<16xf32>,
        %add3A_1158 = arith.addf %add3A_1146, %gather3A_1157 : vector<16xf32>
        %add3A_1159 = arith.constant 6 : i32
        %add3A_1160 = arith.addi %add3A_1143, %add3A_1159 : i32
        %add3A_1161 = vector.broadcast %add3A_1160 : i32 to vector<16xi32>
        %add3A_1162 = arith.addi %select_n3A, %add3A_1161 : vector<16xi32>
        %gather3A_1163 = tpu.vector_load_idx %arg8[%add3A_1162, %and3A_9] : memref<3200x8xf32, #tpu.memory_space<vmem>>[vector<16xi32>, vector<16xi32>], vector<16xf32>,
        %add3A_1164 = arith.addf %add3A_1152, %gather3A_1163 : vector<16xf32>
        scf.yield %add3A_1158, %add3A_1164 : vector<16xf32>, vector<16xf32>
      }
      %scan3A_198 = arith.constant 25 : i32
      %add3A_199 = arith.addf %scan3A_197#0, %scan3A_197#1 : vector<16xf32>
      %swap3A_200 = arith.constant 0 : index
      %swap3A_201 = tpu.vector_load %arg11[%swap3A_200] {strides = array<i32>} : memref<24xf32, #tpu.memory_space<vmem>>, vector<16xf32>,
      tpu.vector_store %arg11[%swap3A_200], %add3A_199 {strides = array<i32>} : memref<24xf32, #tpu.memory_space<vmem>>, vector<16xf32>,
      %get3A_202 = arith.constant 0 : index
      %get3A_203 = tpu.vector_load %arg11[%get3A_202] {strides = array<i32>} : memref<24xf32, #tpu.memory_space<vmem>>, vector<16xf32>,
      %get3A_204 = arith.constant 8 : index
      %get3A_205 = tpu.vector_load %arg11[%get3A_204] {strides = array<i32>} : memref<24xf32, #tpu.memory_space<vmem>>, vector<16xf32>,
      %add3A_206 = arith.addf %get3A_203, %get3A_205 : vector<16xf32>
      %mul3A_207 = arith.constant 5.000000e-03 : f32
      %mul3A_208 = vector.broadcast %mul3A_207 : f32 to vector<16xf32>
      %mul3A_209 = arith.mulf %add3A_206, %mul3A_208 : vector<16xf32>
      %add3A_210 = arith.addf %mul3A_209, %get3A_1 : vector<16xf32>
      %neg3A_211 = arith.constant 0.000000e+00 : f32
      %neg3A_212 = vector.broadcast %neg3A_211 : f32 to vector<16xf32>
      %neg3A_213 = arith.subf %neg3A_212, %add3A_210 : vector<16xf32>
      %exp3A_214 = math.exp %neg3A_213 : vector<16xf32>
      %add3A_215 = arith.constant 1.000000e+00 : f32
      %add3A_216 = vector.broadcast %add3A_215 : f32 to vector<16xf32>
      %add3A_217 = arith.addf %add3A_216, %exp3A_214 : vector<16xf32>
      %div3A_218 = arith.constant 1.000000e+00 : f32
      %div3A_219 = vector.broadcast %div3A_218 : f32 to vector<16xf32>
      %div3A_220 = arith.divf %div3A_219, %add3A_217 : vector<16xf32>
      %swap3A_221 = arith.constant 24 : index
      %swap3A_222 = tpu.vector_load %arg10[%swap3A_221] {strides = array<i32>} : memref<136xf32, #tpu.memory_space<vmem>>, vector<16xf32>,
      tpu.vector_store %arg10[%swap3A_221], %div3A_220 {strides = array<i32>} : memref<136xf32, #tpu.memory_space<vmem>>, vector<16xf32>,
      %broadcast_in_dim3A_223 = arith.constant 0.000000e+00 : f32
      %broadcast_in_dim3A_224 = vector.broadcast %broadcast_in_dim3A_223 : f32 to vector<16xf32>
      %scan3A_225 = arith.constant 0 : i32
      %scan3A_226 = arith.constant 25 : i32
      %scan3A_227 = arith.addi %scan3A_225, %scan3A_226 : i32
      %scan3A_228 = arith.constant 1 : i32
      %scan3A_229:2 = scf.for %scan3A_1137 = %scan3A_225 to %scan3A_227 step %scan3A_228 iter_args(%scan3A_1138 = %broadcast_in_dim3A_224, %scan3A_1139 = %broadcast_in_dim3A_224) -> (vector<16xf32>, vector<16xf32>)  : i32 {
        %mul3A_1140 = arith.constant 8 : i32
        %mul3A_1141 = arith.muli %scan3A_1137, %mul3A_1140 : i32
        %add3A_1142 = arith.constant 800 : i32
        %add3A_1143 = arith.addi %add3A_1142, %mul3A_1141 : i32
        %add3A_1144 = vector.broadcast %add3A_1143 : i32 to vector<16xi32>
        %add3A_1145 = arith.addi %select_n3A, %add3A_1144 : vector<16xi32>
        %gather3A = tpu.vector_load_idx %arg8[%add3A_1145, %and3A_9] : memref<3200x8xf32, #tpu.memory_space<vmem>>[vector<16xi32>, vector<16xi32>], vector<16xf32>,
        %add3A_1146 = arith.addf %scan3A_1138, %gather3A : vector<16xf32>
        %add3A_1147 = arith.constant 2 : i32
        %add3A_1148 = arith.addi %add3A_1143, %add3A_1147 : i32
        %add3A_1149 = vector.broadcast %add3A_1148 : i32 to vector<16xi32>
        %add3A_1150 = arith.addi %select_n3A, %add3A_1149 : vector<16xi32>
        %gather3A_1151 = tpu.vector_load_idx %arg8[%add3A_1150, %and3A_9] : memref<3200x8xf32, #tpu.memory_space<vmem>>[vector<16xi32>, vector<16xi32>], vector<16xf32>,
        %add3A_1152 = arith.addf %scan3A_1139, %gather3A_1151 : vector<16xf32>
        %add3A_1153 = arith.constant 4 : i32
        %add3A_1154 = arith.addi %add3A_1143, %add3A_1153 : i32
        %add3A_1155 = vector.broadcast %add3A_1154 : i32 to vector<16xi32>
        %add3A_1156 = arith.addi %select_n3A, %add3A_1155 : vector<16xi32>
        %gather3A_1157 = tpu.vector_load_idx %arg8[%add3A_1156, %and3A_9] : memref<3200x8xf32, #tpu.memory_space<vmem>>[vector<16xi32>, vector<16xi32>], vector<16xf32>,
        %add3A_1158 = arith.addf %add3A_1146, %gather3A_1157 : vector<16xf32>
        %add3A_1159 = arith.constant 6 : i32
        %add3A_1160 = arith.addi %add3A_1143, %add3A_1159 : i32
        %add3A_1161 = vector.broadcast %add3A_1160 : i32 to vector<16xi32>
        %add3A_1162 = arith.addi %select_n3A, %add3A_1161 : vector<16xi32>
        %gather3A_1163 = tpu.vector_load_idx %arg8[%add3A_1162, %and3A_9] : memref<3200x8xf32, #tpu.memory_space<vmem>>[vector<16xi32>, vector<16xi32>], vector<16xf32>,
        %add3A_1164 = arith.addf %add3A_1152, %gather3A_1163 : vector<16xf32>
        scf.yield %add3A_1158, %add3A_1164 : vector<16xf32>, vector<16xf32>
      }
      %scan3A_230 = arith.constant 25 : i32
      %add3A_231 = arith.addf %scan3A_229#0, %scan3A_229#1 : vector<16xf32>
      %swap3A_232 = arith.constant 0 : index
      %swap3A_233 = tpu.vector_load %arg11[%swap3A_232] {strides = array<i32>} : memref<24xf32, #tpu.memory_space<vmem>>, vector<16xf32>,
      tpu.vector_store %arg11[%swap3A_232], %add3A_231 {strides = array<i32>} : memref<24xf32, #tpu.memory_space<vmem>>, vector<16xf32>,
      %get3A_234 = arith.constant 0 : index
      %get3A_235 = tpu.vector_load %arg11[%get3A_234] {strides = array<i32>} : memref<24xf32, #tpu.memory_space<vmem>>, vector<16xf32>,
      %get3A_236 = arith.constant 8 : index
      %get3A_237 = tpu.vector_load %arg11[%get3A_236] {strides = array<i32>} : memref<24xf32, #tpu.memory_space<vmem>>, vector<16xf32>,
      %add3A_238 = arith.addf %get3A_235, %get3A_237 : vector<16xf32>
      %mul3A_239 = arith.constant 5.000000e-03 : f32
      %mul3A_240 = vector.broadcast %mul3A_239 : f32 to vector<16xf32>
      %mul3A_241 = arith.mulf %add3A_238, %mul3A_240 : vector<16xf32>
      %add3A_242 = arith.addf %mul3A_241, %get3A_1 : vector<16xf32>
      %neg3A_243 = arith.constant 0.000000e+00 : f32
      %neg3A_244 = vector.broadcast %neg3A_243 : f32 to vector<16xf32>
      %neg3A_245 = arith.subf %neg3A_244, %add3A_242 : vector<16xf32>
      %exp3A_246 = math.exp %neg3A_245 : vector<16xf32>
      %add3A_247 = arith.constant 1.000000e+00 : f32
      %add3A_248 = vector.broadcast %add3A_247 : f32 to vector<16xf32>
      %add3A_249 = arith.addf %add3A_248, %exp3A_246 : vector<16xf32>
      %div3A_250 = arith.constant 1.000000e+00 : f32
      %div3A_251 = vector.broadcast %div3A_250 : f32 to vector<16xf32>
      %div3A_252 = arith.divf %div3A_251, %add3A_249 : vector<16xf32>
      %swap3A_253 = arith.constant 32 : index
      %swap3A_254 = tpu.vector_load %arg10[%swap3A_253] {strides = array<i32>} : memref<136xf32, #tpu.memory_space<vmem>>, vector<16xf32>,
      tpu.vector_store %arg10[%swap3A_253], %div3A_252 {strides = array<i32>} : memref<136xf32, #tpu.memory_space<vmem>>, vector<16xf32>,
      %broadcast_in_dim3A_255 = arith.constant 0.000000e+00 : f32
      %broadcast_in_dim3A_256 = vector.broadcast %broadcast_in_dim3A_255 : f32 to vector<16xf32>
      %scan3A_257 = arith.constant 0 : i32
      %scan3A_258 = arith.constant 25 : i32
      %scan3A_259 = arith.addi %scan3A_257, %scan3A_258 : i32
      %scan3A_260 = arith.constant 1 : i32
      %scan3A_261:2 = scf.for %scan3A_1137 = %scan3A_257 to %scan3A_259 step %scan3A_260 iter_args(%scan3A_1138 = %broadcast_in_dim3A_256, %scan3A_1139 = %broadcast_in_dim3A_256) -> (vector<16xf32>, vector<16xf32>)  : i32 {
        %mul3A_1140 = arith.constant 8 : i32
        %mul3A_1141 = arith.muli %scan3A_1137, %mul3A_1140 : i32
        %add3A_1142 = arith.constant 1000 : i32
        %add3A_1143 = arith.addi %add3A_1142, %mul3A_1141 : i32
        %add3A_1144 = vector.broadcast %add3A_1143 : i32 to vector<16xi32>
        %add3A_1145 = arith.addi %select_n3A, %add3A_1144 : vector<16xi32>
        %gather3A = tpu.vector_load_idx %arg8[%add3A_1145, %and3A_9] : memref<3200x8xf32, #tpu.memory_space<vmem>>[vector<16xi32>, vector<16xi32>], vector<16xf32>,
        %add3A_1146 = arith.addf %scan3A_1138, %gather3A : vector<16xf32>
        %add3A_1147 = arith.constant 2 : i32
        %add3A_1148 = arith.addi %add3A_1143, %add3A_1147 : i32
        %add3A_1149 = vector.broadcast %add3A_1148 : i32 to vector<16xi32>
        %add3A_1150 = arith.addi %select_n3A, %add3A_1149 : vector<16xi32>
        %gather3A_1151 = tpu.vector_load_idx %arg8[%add3A_1150, %and3A_9] : memref<3200x8xf32, #tpu.memory_space<vmem>>[vector<16xi32>, vector<16xi32>], vector<16xf32>,
        %add3A_1152 = arith.addf %scan3A_1139, %gather3A_1151 : vector<16xf32>
        %add3A_1153 = arith.constant 4 : i32
        %add3A_1154 = arith.addi %add3A_1143, %add3A_1153 : i32
        %add3A_1155 = vector.broadcast %add3A_1154 : i32 to vector<16xi32>
        %add3A_1156 = arith.addi %select_n3A, %add3A_1155 : vector<16xi32>
        %gather3A_1157 = tpu.vector_load_idx %arg8[%add3A_1156, %and3A_9] : memref<3200x8xf32, #tpu.memory_space<vmem>>[vector<16xi32>, vector<16xi32>], vector<16xf32>,
        %add3A_1158 = arith.addf %add3A_1146, %gather3A_1157 : vector<16xf32>
        %add3A_1159 = arith.constant 6 : i32
        %add3A_1160 = arith.addi %add3A_1143, %add3A_1159 : i32
        %add3A_1161 = vector.broadcast %add3A_1160 : i32 to vector<16xi32>
        %add3A_1162 = arith.addi %select_n3A, %add3A_1161 : vector<16xi32>
        %gather3A_1163 = tpu.vector_load_idx %arg8[%add3A_1162, %and3A_9] : memref<3200x8xf32, #tpu.memory_space<vmem>>[vector<16xi32>, vector<16xi32>], vector<16xf32>,
        %add3A_1164 = arith.addf %add3A_1152, %gather3A_1163 : vector<16xf32>
        scf.yield %add3A_1158, %add3A_1164 : vector<16xf32>, vector<16xf32>
      }
      %scan3A_262 = arith.constant 25 : i32
      %add3A_263 = arith.addf %scan3A_261#0, %scan3A_261#1 : vector<16xf32>
      %swap3A_264 = arith.constant 0 : index
      %swap3A_265 = tpu.vector_load %arg11[%swap3A_264] {strides = array<i32>} : memref<24xf32, #tpu.memory_space<vmem>>, vector<16xf32>,
      tpu.vector_store %arg11[%swap3A_264], %add3A_263 {strides = array<i32>} : memref<24xf32, #tpu.memory_space<vmem>>, vector<16xf32>,
      %get3A_266 = arith.constant 0 : index
      %get3A_267 = tpu.vector_load %arg11[%get3A_266] {strides = array<i32>} : memref<24xf32, #tpu.memory_space<vmem>>, vector<16xf32>,
      %get3A_268 = arith.constant 8 : index
      %get3A_269 = tpu.vector_load %arg11[%get3A_268] {strides = array<i32>} : memref<24xf32, #tpu.memory_space<vmem>>, vector<16xf32>,
      %add3A_270 = arith.addf %get3A_267, %get3A_269 : vector<16xf32>
      %mul3A_271 = arith.constant 5.000000e-03 : f32
      %mul3A_272 = vector.broadcast %mul3A_271 : f32 to vector<16xf32>
      %mul3A_273 = arith.mulf %add3A_270, %mul3A_272 : vector<16xf32>
      %add3A_274 = arith.addf %mul3A_273, %get3A_1 : vector<16xf32>
      %neg3A_275 = arith.constant 0.000000e+00 : f32
      %neg3A_276 = vector.broadcast %neg3A_275 : f32 to vector<16xf32>
      %neg3A_277 = arith.subf %neg3A_276, %add3A_274 : vector<16xf32>
      %exp3A_278 = math.exp %neg3A_277 : vector<16xf32>
      %add3A_279 = arith.constant 1.000000e+00 : f32
      %add3A_280 = vector.broadcast %add3A_279 : f32 to vector<16xf32>
      %add3A_281 = arith.addf %add3A_280, %exp3A_278 : vector<16xf32>
      %div3A_282 = arith.constant 1.000000e+00 : f32
      %div3A_283 = vector.broadcast %div3A_282 : f32 to vector<16xf32>
      %div3A_284 = arith.divf %div3A_283, %add3A_281 : vector<16xf32>
      %swap3A_285 = arith.constant 40 : index
      %swap3A_286 = tpu.vector_load %arg10[%swap3A_285] {strides = array<i32>} : memref<136xf32, #tpu.memory_space<vmem>>, vector<16xf32>,
      tpu.vector_store %arg10[%swap3A_285], %div3A_284 {strides = array<i32>} : memref<136xf32, #tpu.memory_space<vmem>>, vector<16xf32>,
      %broadcast_in_dim3A_287 = arith.constant 0.000000e+00 : f32
      %broadcast_in_dim3A_288 = vector.broadcast %broadcast_in_dim3A_287 : f32 to vector<16xf32>
      %scan3A_289 = arith.constant 0 : i32
      %scan3A_290 = arith.constant 25 : i32
      %scan3A_291 = arith.addi %scan3A_289, %scan3A_290 : i32
      %scan3A_292 = arith.constant 1 : i32
      %scan3A_293:2 = scf.for %scan3A_1137 = %scan3A_289 to %scan3A_291 step %scan3A_292 iter_args(%scan3A_1138 = %broadcast_in_dim3A_288, %scan3A_1139 = %broadcast_in_dim3A_288) -> (vector<16xf32>, vector<16xf32>)  : i32 {
        %mul3A_1140 = arith.constant 8 : i32
        %mul3A_1141 = arith.muli %scan3A_1137, %mul3A_1140 : i32
        %add3A_1142 = arith.constant 1200 : i32
        %add3A_1143 = arith.addi %add3A_1142, %mul3A_1141 : i32
        %add3A_1144 = vector.broadcast %add3A_1143 : i32 to vector<16xi32>
        %add3A_1145 = arith.addi %select_n3A, %add3A_1144 : vector<16xi32>
        %gather3A = tpu.vector_load_idx %arg8[%add3A_1145, %and3A_9] : memref<3200x8xf32, #tpu.memory_space<vmem>>[vector<16xi32>, vector<16xi32>], vector<16xf32>,
        %add3A_1146 = arith.addf %scan3A_1138, %gather3A : vector<16xf32>
        %add3A_1147 = arith.constant 2 : i32
        %add3A_1148 = arith.addi %add3A_1143, %add3A_1147 : i32
        %add3A_1149 = vector.broadcast %add3A_1148 : i32 to vector<16xi32>
        %add3A_1150 = arith.addi %select_n3A, %add3A_1149 : vector<16xi32>
        %gather3A_1151 = tpu.vector_load_idx %arg8[%add3A_1150, %and3A_9] : memref<3200x8xf32, #tpu.memory_space<vmem>>[vector<16xi32>, vector<16xi32>], vector<16xf32>,
        %add3A_1152 = arith.addf %scan3A_1139, %gather3A_1151 : vector<16xf32>
        %add3A_1153 = arith.constant 4 : i32
        %add3A_1154 = arith.addi %add3A_1143, %add3A_1153 : i32
        %add3A_1155 = vector.broadcast %add3A_1154 : i32 to vector<16xi32>
        %add3A_1156 = arith.addi %select_n3A, %add3A_1155 : vector<16xi32>
        %gather3A_1157 = tpu.vector_load_idx %arg8[%add3A_1156, %and3A_9] : memref<3200x8xf32, #tpu.memory_space<vmem>>[vector<16xi32>, vector<16xi32>], vector<16xf32>,
        %add3A_1158 = arith.addf %add3A_1146, %gather3A_1157 : vector<16xf32>
        %add3A_1159 = arith.constant 6 : i32
        %add3A_1160 = arith.addi %add3A_1143, %add3A_1159 : i32
        %add3A_1161 = vector.broadcast %add3A_1160 : i32 to vector<16xi32>
        %add3A_1162 = arith.addi %select_n3A, %add3A_1161 : vector<16xi32>
        %gather3A_1163 = tpu.vector_load_idx %arg8[%add3A_1162, %and3A_9] : memref<3200x8xf32, #tpu.memory_space<vmem>>[vector<16xi32>, vector<16xi32>], vector<16xf32>,
        %add3A_1164 = arith.addf %add3A_1152, %gather3A_1163 : vector<16xf32>
        scf.yield %add3A_1158, %add3A_1164 : vector<16xf32>, vector<16xf32>
      }
      %scan3A_294 = arith.constant 25 : i32
      %add3A_295 = arith.addf %scan3A_293#0, %scan3A_293#1 : vector<16xf32>
      %swap3A_296 = arith.constant 0 : index
      %swap3A_297 = tpu.vector_load %arg11[%swap3A_296] {strides = array<i32>} : memref<24xf32, #tpu.memory_space<vmem>>, vector<16xf32>,
      tpu.vector_store %arg11[%swap3A_296], %add3A_295 {strides = array<i32>} : memref<24xf32, #tpu.memory_space<vmem>>, vector<16xf32>,
      %get3A_298 = arith.constant 0 : index
      %get3A_299 = tpu.vector_load %arg11[%get3A_298] {strides = array<i32>} : memref<24xf32, #tpu.memory_space<vmem>>, vector<16xf32>,
      %get3A_300 = arith.constant 8 : index
      %get3A_301 = tpu.vector_load %arg11[%get3A_300] {strides = array<i32>} : memref<24xf32, #tpu.memory_space<vmem>>, vector<16xf32>,
      %add3A_302 = arith.addf %get3A_299, %get3A_301 : vector<16xf32>
      %mul3A_303 = arith.constant 5.000000e-03 : f32
      %mul3A_304 = vector.broadcast %mul3A_303 : f32 to vector<16xf32>
      %mul3A_305 = arith.mulf %add3A_302, %mul3A_304 : vector<16xf32>
      %add3A_306 = arith.addf %mul3A_305, %get3A_1 : vector<16xf32>
      %neg3A_307 = arith.constant 0.000000e+00 : f32
      %neg3A_308 = vector.broadcast %neg3A_307 : f32 to vector<16xf32>
      %neg3A_309 = arith.subf %neg3A_308, %add3A_306 : vector<16xf32>
      %exp3A_310 = math.exp %neg3A_309 : vector<16xf32>
      %add3A_311 = arith.constant 1.000000e+00 : f32
      %add3A_312 = vector.broadcast %add3A_311 : f32 to vector<16xf32>
      %add3A_313 = arith.addf %add3A_312, %exp3A_310 : vector<16xf32>
      %div3A_314 = arith.constant 1.000000e+00 : f32
      %div3A_315 = vector.broadcast %div3A_314 : f32 to vector<16xf32>
      %div3A_316 = arith.divf %div3A_315, %add3A_313 : vector<16xf32>
      %swap3A_317 = arith.constant 48 : index
      %swap3A_318 = tpu.vector_load %arg10[%swap3A_317] {strides = array<i32>} : memref<136xf32, #tpu.memory_space<vmem>>, vector<16xf32>,
      tpu.vector_store %arg10[%swap3A_317], %div3A_316 {strides = array<i32>} : memref<136xf32, #tpu.memory_space<vmem>>, vector<16xf32>,
      %broadcast_in_dim3A_319 = arith.constant 0.000000e+00 : f32
      %broadcast_in_dim3A_320 = vector.broadcast %broadcast_in_dim3A_319 : f32 to vector<16xf32>
      %scan3A_321 = arith.constant 0 : i32
      %scan3A_322 = arith.constant 25 : i32
      %scan3A_323 = arith.addi %scan3A_321, %scan3A_322 : i32
      %scan3A_324 = arith.constant 1 : i32
      %scan3A_325:2 = scf.for %scan3A_1137 = %scan3A_321 to %scan3A_323 step %scan3A_324 iter_args(%scan3A_1138 = %broadcast_in_dim3A_320, %scan3A_1139 = %broadcast_in_dim3A_320) -> (vector<16xf32>, vector<16xf32>)  : i32 {
        %mul3A_1140 = arith.constant 8 : i32
        %mul3A_1141 = arith.muli %scan3A_1137, %mul3A_1140 : i32
        %add3A_1142 = arith.constant 1400 : i32
        %add3A_1143 = arith.addi %add3A_1142, %mul3A_1141 : i32
        %add3A_1144 = vector.broadcast %add3A_1143 : i32 to vector<16xi32>
        %add3A_1145 = arith.addi %select_n3A, %add3A_1144 : vector<16xi32>
        %gather3A = tpu.vector_load_idx %arg8[%add3A_1145, %and3A_9] : memref<3200x8xf32, #tpu.memory_space<vmem>>[vector<16xi32>, vector<16xi32>], vector<16xf32>,
        %add3A_1146 = arith.addf %scan3A_1138, %gather3A : vector<16xf32>
        %add3A_1147 = arith.constant 2 : i32
        %add3A_1148 = arith.addi %add3A_1143, %add3A_1147 : i32
        %add3A_1149 = vector.broadcast %add3A_1148 : i32 to vector<16xi32>
        %add3A_1150 = arith.addi %select_n3A, %add3A_1149 : vector<16xi32>
        %gather3A_1151 = tpu.vector_load_idx %arg8[%add3A_1150, %and3A_9] : memref<3200x8xf32, #tpu.memory_space<vmem>>[vector<16xi32>, vector<16xi32>], vector<16xf32>,
        %add3A_1152 = arith.addf %scan3A_1139, %gather3A_1151 : vector<16xf32>
        %add3A_1153 = arith.constant 4 : i32
        %add3A_1154 = arith.addi %add3A_1143, %add3A_1153 : i32
        %add3A_1155 = vector.broadcast %add3A_1154 : i32 to vector<16xi32>
        %add3A_1156 = arith.addi %select_n3A, %add3A_1155 : vector<16xi32>
        %gather3A_1157 = tpu.vector_load_idx %arg8[%add3A_1156, %and3A_9] : memref<3200x8xf32, #tpu.memory_space<vmem>>[vector<16xi32>, vector<16xi32>], vector<16xf32>,
        %add3A_1158 = arith.addf %add3A_1146, %gather3A_1157 : vector<16xf32>
        %add3A_1159 = arith.constant 6 : i32
        %add3A_1160 = arith.addi %add3A_1143, %add3A_1159 : i32
        %add3A_1161 = vector.broadcast %add3A_1160 : i32 to vector<16xi32>
        %add3A_1162 = arith.addi %select_n3A, %add3A_1161 : vector<16xi32>
        %gather3A_1163 = tpu.vector_load_idx %arg8[%add3A_1162, %and3A_9] : memref<3200x8xf32, #tpu.memory_space<vmem>>[vector<16xi32>, vector<16xi32>], vector<16xf32>,
        %add3A_1164 = arith.addf %add3A_1152, %gather3A_1163 : vector<16xf32>
        scf.yield %add3A_1158, %add3A_1164 : vector<16xf32>, vector<16xf32>
      }
      %scan3A_326 = arith.constant 25 : i32
      %add3A_327 = arith.addf %scan3A_325#0, %scan3A_325#1 : vector<16xf32>
      %swap3A_328 = arith.constant 0 : index
      %swap3A_329 = tpu.vector_load %arg11[%swap3A_328] {strides = array<i32>} : memref<24xf32, #tpu.memory_space<vmem>>, vector<16xf32>,
      tpu.vector_store %arg11[%swap3A_328], %add3A_327 {strides = array<i32>} : memref<24xf32, #tpu.memory_space<vmem>>, vector<16xf32>,
      %get3A_330 = arith.constant 0 : index
      %get3A_331 = tpu.vector_load %arg11[%get3A_330] {strides = array<i32>} : memref<24xf32, #tpu.memory_space<vmem>>, vector<16xf32>,
      %get3A_332 = arith.constant 8 : index
      %get3A_333 = tpu.vector_load %arg11[%get3A_332] {strides = array<i32>} : memref<24xf32, #tpu.memory_space<vmem>>, vector<16xf32>,
      %add3A_334 = arith.addf %get3A_331, %get3A_333 : vector<16xf32>
      %mul3A_335 = arith.constant 5.000000e-03 : f32
      %mul3A_336 = vector.broadcast %mul3A_335 : f32 to vector<16xf32>
      %mul3A_337 = arith.mulf %add3A_334, %mul3A_336 : vector<16xf32>
      %add3A_338 = arith.addf %mul3A_337, %get3A_1 : vector<16xf32>
      %neg3A_339 = arith.constant 0.000000e+00 : f32
      %neg3A_340 = vector.broadcast %neg3A_339 : f32 to vector<16xf32>
      %neg3A_341 = arith.subf %neg3A_340, %add3A_338 : vector<16xf32>
      %exp3A_342 = math.exp %neg3A_341 : vector<16xf32>
      %add3A_343 = arith.constant 1.000000e+00 : f32
      %add3A_344 = vector.broadcast %add3A_343 : f32 to vector<16xf32>
      %add3A_345 = arith.addf %add3A_344, %exp3A_342 : vector<16xf32>
      %div3A_346 = arith.constant 1.000000e+00 : f32
      %div3A_347 = vector.broadcast %div3A_346 : f32 to vector<16xf32>
      %div3A_348 = arith.divf %div3A_347, %add3A_345 : vector<16xf32>
      %swap3A_349 = arith.constant 56 : index
      %swap3A_350 = tpu.vector_load %arg10[%swap3A_349] {strides = array<i32>} : memref<136xf32, #tpu.memory_space<vmem>>, vector<16xf32>,
      tpu.vector_store %arg10[%swap3A_349], %div3A_348 {strides = array<i32>} : memref<136xf32, #tpu.memory_space<vmem>>, vector<16xf32>,
      %broadcast_in_dim3A_351 = arith.constant 0.000000e+00 : f32
      %broadcast_in_dim3A_352 = vector.broadcast %broadcast_in_dim3A_351 : f32 to vector<16xf32>
      %scan3A_353 = arith.constant 0 : i32
      %scan3A_354 = arith.constant 25 : i32
      %scan3A_355 = arith.addi %scan3A_353, %scan3A_354 : i32
      %scan3A_356 = arith.constant 1 : i32
      %scan3A_357:2 = scf.for %scan3A_1137 = %scan3A_353 to %scan3A_355 step %scan3A_356 iter_args(%scan3A_1138 = %broadcast_in_dim3A_352, %scan3A_1139 = %broadcast_in_dim3A_352) -> (vector<16xf32>, vector<16xf32>)  : i32 {
        %mul3A_1140 = arith.constant 8 : i32
        %mul3A_1141 = arith.muli %scan3A_1137, %mul3A_1140 : i32
        %add3A_1142 = arith.constant 1600 : i32
        %add3A_1143 = arith.addi %add3A_1142, %mul3A_1141 : i32
        %add3A_1144 = vector.broadcast %add3A_1143 : i32 to vector<16xi32>
        %add3A_1145 = arith.addi %select_n3A, %add3A_1144 : vector<16xi32>
        %gather3A = tpu.vector_load_idx %arg8[%add3A_1145, %and3A_9] : memref<3200x8xf32, #tpu.memory_space<vmem>>[vector<16xi32>, vector<16xi32>], vector<16xf32>,
        %add3A_1146 = arith.addf %scan3A_1138, %gather3A : vector<16xf32>
        %add3A_1147 = arith.constant 2 : i32
        %add3A_1148 = arith.addi %add3A_1143, %add3A_1147 : i32
        %add3A_1149 = vector.broadcast %add3A_1148 : i32 to vector<16xi32>
        %add3A_1150 = arith.addi %select_n3A, %add3A_1149 : vector<16xi32>
        %gather3A_1151 = tpu.vector_load_idx %arg8[%add3A_1150, %and3A_9] : memref<3200x8xf32, #tpu.memory_space<vmem>>[vector<16xi32>, vector<16xi32>], vector<16xf32>,
        %add3A_1152 = arith.addf %scan3A_1139, %gather3A_1151 : vector<16xf32>
        %add3A_1153 = arith.constant 4 : i32
        %add3A_1154 = arith.addi %add3A_1143, %add3A_1153 : i32
        %add3A_1155 = vector.broadcast %add3A_1154 : i32 to vector<16xi32>
        %add3A_1156 = arith.addi %select_n3A, %add3A_1155 : vector<16xi32>
        %gather3A_1157 = tpu.vector_load_idx %arg8[%add3A_1156, %and3A_9] : memref<3200x8xf32, #tpu.memory_space<vmem>>[vector<16xi32>, vector<16xi32>], vector<16xf32>,
        %add3A_1158 = arith.addf %add3A_1146, %gather3A_1157 : vector<16xf32>
        %add3A_1159 = arith.constant 6 : i32
        %add3A_1160 = arith.addi %add3A_1143, %add3A_1159 : i32
        %add3A_1161 = vector.broadcast %add3A_1160 : i32 to vector<16xi32>
        %add3A_1162 = arith.addi %select_n3A, %add3A_1161 : vector<16xi32>
        %gather3A_1163 = tpu.vector_load_idx %arg8[%add3A_1162, %and3A_9] : memref<3200x8xf32, #tpu.memory_space<vmem>>[vector<16xi32>, vector<16xi32>], vector<16xf32>,
        %add3A_1164 = arith.addf %add3A_1152, %gather3A_1163 : vector<16xf32>
        scf.yield %add3A_1158, %add3A_1164 : vector<16xf32>, vector<16xf32>
      }
      %scan3A_358 = arith.constant 25 : i32
      %add3A_359 = arith.addf %scan3A_357#0, %scan3A_357#1 : vector<16xf32>
      %swap3A_360 = arith.constant 0 : index
      %swap3A_361 = tpu.vector_load %arg11[%swap3A_360] {strides = array<i32>} : memref<24xf32, #tpu.memory_space<vmem>>, vector<16xf32>,
      tpu.vector_store %arg11[%swap3A_360], %add3A_359 {strides = array<i32>} : memref<24xf32, #tpu.memory_space<vmem>>, vector<16xf32>,
      %get3A_362 = arith.constant 0 : index
      %get3A_363 = tpu.vector_load %arg11[%get3A_362] {strides = array<i32>} : memref<24xf32, #tpu.memory_space<vmem>>, vector<16xf32>,
      %get3A_364 = arith.constant 8 : index
      %get3A_365 = tpu.vector_load %arg11[%get3A_364] {strides = array<i32>} : memref<24xf32, #tpu.memory_space<vmem>>, vector<16xf32>,
      %add3A_366 = arith.addf %get3A_363, %get3A_365 : vector<16xf32>
      %mul3A_367 = arith.constant 5.000000e-03 : f32
      %mul3A_368 = vector.broadcast %mul3A_367 : f32 to vector<16xf32>
      %mul3A_369 = arith.mulf %add3A_366, %mul3A_368 : vector<16xf32>
      %add3A_370 = arith.addf %mul3A_369, %get3A_1 : vector<16xf32>
      %neg3A_371 = arith.constant 0.000000e+00 : f32
      %neg3A_372 = vector.broadcast %neg3A_371 : f32 to vector<16xf32>
      %neg3A_373 = arith.subf %neg3A_372, %add3A_370 : vector<16xf32>
      %exp3A_374 = math.exp %neg3A_373 : vector<16xf32>
      %add3A_375 = arith.constant 1.000000e+00 : f32
      %add3A_376 = vector.broadcast %add3A_375 : f32 to vector<16xf32>
      %add3A_377 = arith.addf %add3A_376, %exp3A_374 : vector<16xf32>
      %div3A_378 = arith.constant 1.000000e+00 : f32
      %div3A_379 = vector.broadcast %div3A_378 : f32 to vector<16xf32>
      %div3A_380 = arith.divf %div3A_379, %add3A_377 : vector<16xf32>
      %swap3A_381 = arith.constant 64 : index
      %swap3A_382 = tpu.vector_load %arg10[%swap3A_381] {strides = array<i32>} : memref<136xf32, #tpu.memory_space<vmem>>, vector<16xf32>,
      tpu.vector_store %arg10[%swap3A_381], %div3A_380 {strides = array<i32>} : memref<136xf32, #tpu.memory_space<vmem>>, vector<16xf32>,
      %broadcast_in_dim3A_383 = arith.constant 0.000000e+00 : f32
      %broadcast_in_dim3A_384 = vector.broadcast %broadcast_in_dim3A_383 : f32 to vector<16xf32>
      %scan3A_385 = arith.constant 0 : i32
      %scan3A_386 = arith.constant 25 : i32
      %scan3A_387 = arith.addi %scan3A_385, %scan3A_386 : i32
      %scan3A_388 = arith.constant 1 : i32
      %scan3A_389:2 = scf.for %scan3A_1137 = %scan3A_385 to %scan3A_387 step %scan3A_388 iter_args(%scan3A_1138 = %broadcast_in_dim3A_384, %scan3A_1139 = %broadcast_in_dim3A_384) -> (vector<16xf32>, vector<16xf32>)  : i32 {
        %mul3A_1140 = arith.constant 8 : i32
        %mul3A_1141 = arith.muli %scan3A_1137, %mul3A_1140 : i32
        %add3A_1142 = arith.constant 1800 : i32
        %add3A_1143 = arith.addi %add3A_1142, %mul3A_1141 : i32
        %add3A_1144 = vector.broadcast %add3A_1143 : i32 to vector<16xi32>
        %add3A_1145 = arith.addi %select_n3A, %add3A_1144 : vector<16xi32>
        %gather3A = tpu.vector_load_idx %arg8[%add3A_1145, %and3A_9] : memref<3200x8xf32, #tpu.memory_space<vmem>>[vector<16xi32>, vector<16xi32>], vector<16xf32>,
        %add3A_1146 = arith.addf %scan3A_1138, %gather3A : vector<16xf32>
        %add3A_1147 = arith.constant 2 : i32
        %add3A_1148 = arith.addi %add3A_1143, %add3A_1147 : i32
        %add3A_1149 = vector.broadcast %add3A_1148 : i32 to vector<16xi32>
        %add3A_1150 = arith.addi %select_n3A, %add3A_1149 : vector<16xi32>
        %gather3A_1151 = tpu.vector_load_idx %arg8[%add3A_1150, %and3A_9] : memref<3200x8xf32, #tpu.memory_space<vmem>>[vector<16xi32>, vector<16xi32>], vector<16xf32>,
        %add3A_1152 = arith.addf %scan3A_1139, %gather3A_1151 : vector<16xf32>
        %add3A_1153 = arith.constant 4 : i32
        %add3A_1154 = arith.addi %add3A_1143, %add3A_1153 : i32
        %add3A_1155 = vector.broadcast %add3A_1154 : i32 to vector<16xi32>
        %add3A_1156 = arith.addi %select_n3A, %add3A_1155 : vector<16xi32>
        %gather3A_1157 = tpu.vector_load_idx %arg8[%add3A_1156, %and3A_9] : memref<3200x8xf32, #tpu.memory_space<vmem>>[vector<16xi32>, vector<16xi32>], vector<16xf32>,
        %add3A_1158 = arith.addf %add3A_1146, %gather3A_1157 : vector<16xf32>
        %add3A_1159 = arith.constant 6 : i32
        %add3A_1160 = arith.addi %add3A_1143, %add3A_1159 : i32
        %add3A_1161 = vector.broadcast %add3A_1160 : i32 to vector<16xi32>
        %add3A_1162 = arith.addi %select_n3A, %add3A_1161 : vector<16xi32>
        %gather3A_1163 = tpu.vector_load_idx %arg8[%add3A_1162, %and3A_9] : memref<3200x8xf32, #tpu.memory_space<vmem>>[vector<16xi32>, vector<16xi32>], vector<16xf32>,
        %add3A_1164 = arith.addf %add3A_1152, %gather3A_1163 : vector<16xf32>
        scf.yield %add3A_1158, %add3A_1164 : vector<16xf32>, vector<16xf32>
      }
      %scan3A_390 = arith.constant 25 : i32
      %add3A_391 = arith.addf %scan3A_389#0, %scan3A_389#1 : vector<16xf32>
      %swap3A_392 = arith.constant 0 : index
      %swap3A_393 = tpu.vector_load %arg11[%swap3A_392] {strides = array<i32>} : memref<24xf32, #tpu.memory_space<vmem>>, vector<16xf32>,
      tpu.vector_store %arg11[%swap3A_392], %add3A_391 {strides = array<i32>} : memref<24xf32, #tpu.memory_space<vmem>>, vector<16xf32>,
      %get3A_394 = arith.constant 0 : index
      %get3A_395 = tpu.vector_load %arg11[%get3A_394] {strides = array<i32>} : memref<24xf32, #tpu.memory_space<vmem>>, vector<16xf32>,
      %get3A_396 = arith.constant 8 : index
      %get3A_397 = tpu.vector_load %arg11[%get3A_396] {strides = array<i32>} : memref<24xf32, #tpu.memory_space<vmem>>, vector<16xf32>,
      %add3A_398 = arith.addf %get3A_395, %get3A_397 : vector<16xf32>
      %mul3A_399 = arith.constant 5.000000e-03 : f32
      %mul3A_400 = vector.broadcast %mul3A_399 : f32 to vector<16xf32>
      %mul3A_401 = arith.mulf %add3A_398, %mul3A_400 : vector<16xf32>
      %add3A_402 = arith.addf %mul3A_401, %get3A_1 : vector<16xf32>
      %neg3A_403 = arith.constant 0.000000e+00 : f32
      %neg3A_404 = vector.broadcast %neg3A_403 : f32 to vector<16xf32>
      %neg3A_405 = arith.subf %neg3A_404, %add3A_402 : vector<16xf32>
      %exp3A_406 = math.exp %neg3A_405 : vector<16xf32>
      %add3A_407 = arith.constant 1.000000e+00 : f32
      %add3A_408 = vector.broadcast %add3A_407 : f32 to vector<16xf32>
      %add3A_409 = arith.addf %add3A_408, %exp3A_406 : vector<16xf32>
      %div3A_410 = arith.constant 1.000000e+00 : f32
      %div3A_411 = vector.broadcast %div3A_410 : f32 to vector<16xf32>
      %div3A_412 = arith.divf %div3A_411, %add3A_409 : vector<16xf32>
      %swap3A_413 = arith.constant 72 : index
      %swap3A_414 = tpu.vector_load %arg10[%swap3A_413] {strides = array<i32>} : memref<136xf32, #tpu.memory_space<vmem>>, vector<16xf32>,
      tpu.vector_store %arg10[%swap3A_413], %div3A_412 {strides = array<i32>} : memref<136xf32, #tpu.memory_space<vmem>>, vector<16xf32>,
      %broadcast_in_dim3A_415 = arith.constant 0.000000e+00 : f32
      %broadcast_in_dim3A_416 = vector.broadcast %broadcast_in_dim3A_415 : f32 to vector<16xf32>
      %scan3A_417 = arith.constant 0 : i32
      %scan3A_418 = arith.constant 25 : i32
      %scan3A_419 = arith.addi %scan3A_417, %scan3A_418 : i32
      %scan3A_420 = arith.constant 1 : i32
      %scan3A_421:2 = scf.for %scan3A_1137 = %scan3A_417 to %scan3A_419 step %scan3A_420 iter_args(%scan3A_1138 = %broadcast_in_dim3A_416, %scan3A_1139 = %broadcast_in_dim3A_416) -> (vector<16xf32>, vector<16xf32>)  : i32 {
        %mul3A_1140 = arith.constant 8 : i32
        %mul3A_1141 = arith.muli %scan3A_1137, %mul3A_1140 : i32
        %add3A_1142 = arith.constant 2000 : i32
        %add3A_1143 = arith.addi %add3A_1142, %mul3A_1141 : i32
        %add3A_1144 = vector.broadcast %add3A_1143 : i32 to vector<16xi32>
        %add3A_1145 = arith.addi %select_n3A, %add3A_1144 : vector<16xi32>
        %gather3A = tpu.vector_load_idx %arg8[%add3A_1145, %and3A_9] : memref<3200x8xf32, #tpu.memory_space<vmem>>[vector<16xi32>, vector<16xi32>], vector<16xf32>,
        %add3A_1146 = arith.addf %scan3A_1138, %gather3A : vector<16xf32>
        %add3A_1147 = arith.constant 2 : i32
        %add3A_1148 = arith.addi %add3A_1143, %add3A_1147 : i32
        %add3A_1149 = vector.broadcast %add3A_1148 : i32 to vector<16xi32>
        %add3A_1150 = arith.addi %select_n3A, %add3A_1149 : vector<16xi32>
        %gather3A_1151 = tpu.vector_load_idx %arg8[%add3A_1150, %and3A_9] : memref<3200x8xf32, #tpu.memory_space<vmem>>[vector<16xi32>, vector<16xi32>], vector<16xf32>,
        %add3A_1152 = arith.addf %scan3A_1139, %gather3A_1151 : vector<16xf32>
        %add3A_1153 = arith.constant 4 : i32
        %add3A_1154 = arith.addi %add3A_1143, %add3A_1153 : i32
        %add3A_1155 = vector.broadcast %add3A_1154 : i32 to vector<16xi32>
        %add3A_1156 = arith.addi %select_n3A, %add3A_1155 : vector<16xi32>
        %gather3A_1157 = tpu.vector_load_idx %arg8[%add3A_1156, %and3A_9] : memref<3200x8xf32, #tpu.memory_space<vmem>>[vector<16xi32>, vector<16xi32>], vector<16xf32>,
        %add3A_1158 = arith.addf %add3A_1146, %gather3A_1157 : vector<16xf32>
        %add3A_1159 = arith.constant 6 : i32
        %add3A_1160 = arith.addi %add3A_1143, %add3A_1159 : i32
        %add3A_1161 = vector.broadcast %add3A_1160 : i32 to vector<16xi32>
        %add3A_1162 = arith.addi %select_n3A, %add3A_1161 : vector<16xi32>
        %gather3A_1163 = tpu.vector_load_idx %arg8[%add3A_1162, %and3A_9] : memref<3200x8xf32, #tpu.memory_space<vmem>>[vector<16xi32>, vector<16xi32>], vector<16xf32>,
        %add3A_1164 = arith.addf %add3A_1152, %gather3A_1163 : vector<16xf32>
        scf.yield %add3A_1158, %add3A_1164 : vector<16xf32>, vector<16xf32>
      }
      %scan3A_422 = arith.constant 25 : i32
      %add3A_423 = arith.addf %scan3A_421#0, %scan3A_421#1 : vector<16xf32>
      %swap3A_424 = arith.constant 0 : index
      %swap3A_425 = tpu.vector_load %arg11[%swap3A_424] {strides = array<i32>} : memref<24xf32, #tpu.memory_space<vmem>>, vector<16xf32>,
      tpu.vector_store %arg11[%swap3A_424], %add3A_423 {strides = array<i32>} : memref<24xf32, #tpu.memory_space<vmem>>, vector<16xf32>,
      %get3A_426 = arith.constant 0 : index
      %get3A_427 = tpu.vector_load %arg11[%get3A_426] {strides = array<i32>} : memref<24xf32, #tpu.memory_space<vmem>>, vector<16xf32>,
      %get3A_428 = arith.constant 8 : index
      %get3A_429 = tpu.vector_load %arg11[%get3A_428] {strides = array<i32>} : memref<24xf32, #tpu.memory_space<vmem>>, vector<16xf32>,
      %add3A_430 = arith.addf %get3A_427, %get3A_429 : vector<16xf32>
      %mul3A_431 = arith.constant 5.000000e-03 : f32
      %mul3A_432 = vector.broadcast %mul3A_431 : f32 to vector<16xf32>
      %mul3A_433 = arith.mulf %add3A_430, %mul3A_432 : vector<16xf32>
      %add3A_434 = arith.addf %mul3A_433, %get3A_1 : vector<16xf32>
      %neg3A_435 = arith.constant 0.000000e+00 : f32
      %neg3A_436 = vector.broadcast %neg3A_435 : f32 to vector<16xf32>
      %neg3A_437 = arith.subf %neg3A_436, %add3A_434 : vector<16xf32>
      %exp3A_438 = math.exp %neg3A_437 : vector<16xf32>
      %add3A_439 = arith.constant 1.000000e+00 : f32
      %add3A_440 = vector.broadcast %add3A_439 : f32 to vector<16xf32>
      %add3A_441 = arith.addf %add3A_440, %exp3A_438 : vector<16xf32>
      %div3A_442 = arith.constant 1.000000e+00 : f32
      %div3A_443 = vector.broadcast %div3A_442 : f32 to vector<16xf32>
      %div3A_444 = arith.divf %div3A_443, %add3A_441 : vector<16xf32>
      %swap3A_445 = arith.constant 80 : index
      %swap3A_446 = tpu.vector_load %arg10[%swap3A_445] {strides = array<i32>} : memref<136xf32, #tpu.memory_space<vmem>>, vector<16xf32>,
      tpu.vector_store %arg10[%swap3A_445], %div3A_444 {strides = array<i32>} : memref<136xf32, #tpu.memory_space<vmem>>, vector<16xf32>,
      %broadcast_in_dim3A_447 = arith.constant 0.000000e+00 : f32
      %broadcast_in_dim3A_448 = vector.broadcast %broadcast_in_dim3A_447 : f32 to vector<16xf32>
      %scan3A_449 = arith.constant 0 : i32
      %scan3A_450 = arith.constant 25 : i32
      %scan3A_451 = arith.addi %scan3A_449, %scan3A_450 : i32
      %scan3A_452 = arith.constant 1 : i32
      %scan3A_453:2 = scf.for %scan3A_1137 = %scan3A_449 to %scan3A_451 step %scan3A_452 iter_args(%scan3A_1138 = %broadcast_in_dim3A_448, %scan3A_1139 = %broadcast_in_dim3A_448) -> (vector<16xf32>, vector<16xf32>)  : i32 {
        %mul3A_1140 = arith.constant 8 : i32
        %mul3A_1141 = arith.muli %scan3A_1137, %mul3A_1140 : i32
        %add3A_1142 = arith.constant 2200 : i32
        %add3A_1143 = arith.addi %add3A_1142, %mul3A_1141 : i32
        %add3A_1144 = vector.broadcast %add3A_1143 : i32 to vector<16xi32>
        %add3A_1145 = arith.addi %select_n3A, %add3A_1144 : vector<16xi32>
        %gather3A = tpu.vector_load_idx %arg8[%add3A_1145, %and3A_9] : memref<3200x8xf32, #tpu.memory_space<vmem>>[vector<16xi32>, vector<16xi32>], vector<16xf32>,
        %add3A_1146 = arith.addf %scan3A_1138, %gather3A : vector<16xf32>
        %add3A_1147 = arith.constant 2 : i32
        %add3A_1148 = arith.addi %add3A_1143, %add3A_1147 : i32
        %add3A_1149 = vector.broadcast %add3A_1148 : i32 to vector<16xi32>
        %add3A_1150 = arith.addi %select_n3A, %add3A_1149 : vector<16xi32>
        %gather3A_1151 = tpu.vector_load_idx %arg8[%add3A_1150, %and3A_9] : memref<3200x8xf32, #tpu.memory_space<vmem>>[vector<16xi32>, vector<16xi32>], vector<16xf32>,
        %add3A_1152 = arith.addf %scan3A_1139, %gather3A_1151 : vector<16xf32>
        %add3A_1153 = arith.constant 4 : i32
        %add3A_1154 = arith.addi %add3A_1143, %add3A_1153 : i32
        %add3A_1155 = vector.broadcast %add3A_1154 : i32 to vector<16xi32>
        %add3A_1156 = arith.addi %select_n3A, %add3A_1155 : vector<16xi32>
        %gather3A_1157 = tpu.vector_load_idx %arg8[%add3A_1156, %and3A_9] : memref<3200x8xf32, #tpu.memory_space<vmem>>[vector<16xi32>, vector<16xi32>], vector<16xf32>,
        %add3A_1158 = arith.addf %add3A_1146, %gather3A_1157 : vector<16xf32>
        %add3A_1159 = arith.constant 6 : i32
        %add3A_1160 = arith.addi %add3A_1143, %add3A_1159 : i32
        %add3A_1161 = vector.broadcast %add3A_1160 : i32 to vector<16xi32>
        %add3A_1162 = arith.addi %select_n3A, %add3A_1161 : vector<16xi32>
        %gather3A_1163 = tpu.vector_load_idx %arg8[%add3A_1162, %and3A_9] : memref<3200x8xf32, #tpu.memory_space<vmem>>[vector<16xi32>, vector<16xi32>], vector<16xf32>,
        %add3A_1164 = arith.addf %add3A_1152, %gather3A_1163 : vector<16xf32>
        scf.yield %add3A_1158, %add3A_1164 : vector<16xf32>, vector<16xf32>
      }
      %scan3A_454 = arith.constant 25 : i32
      %add3A_455 = arith.addf %scan3A_453#0, %scan3A_453#1 : vector<16xf32>
      %swap3A_456 = arith.constant 0 : index
      %swap3A_457 = tpu.vector_load %arg11[%swap3A_456] {strides = array<i32>} : memref<24xf32, #tpu.memory_space<vmem>>, vector<16xf32>,
      tpu.vector_store %arg11[%swap3A_456], %add3A_455 {strides = array<i32>} : memref<24xf32, #tpu.memory_space<vmem>>, vector<16xf32>,
      %get3A_458 = arith.constant 0 : index
      %get3A_459 = tpu.vector_load %arg11[%get3A_458] {strides = array<i32>} : memref<24xf32, #tpu.memory_space<vmem>>, vector<16xf32>,
      %get3A_460 = arith.constant 8 : index
      %get3A_461 = tpu.vector_load %arg11[%get3A_460] {strides = array<i32>} : memref<24xf32, #tpu.memory_space<vmem>>, vector<16xf32>,
      %add3A_462 = arith.addf %get3A_459, %get3A_461 : vector<16xf32>
      %mul3A_463 = arith.constant 5.000000e-03 : f32
      %mul3A_464 = vector.broadcast %mul3A_463 : f32 to vector<16xf32>
      %mul3A_465 = arith.mulf %add3A_462, %mul3A_464 : vector<16xf32>
      %add3A_466 = arith.addf %mul3A_465, %get3A_1 : vector<16xf32>
      %neg3A_467 = arith.constant 0.000000e+00 : f32
      %neg3A_468 = vector.broadcast %neg3A_467 : f32 to vector<16xf32>
      %neg3A_469 = arith.subf %neg3A_468, %add3A_466 : vector<16xf32>
      %exp3A_470 = math.exp %neg3A_469 : vector<16xf32>
      %add3A_471 = arith.constant 1.000000e+00 : f32
      %add3A_472 = vector.broadcast %add3A_471 : f32 to vector<16xf32>
      %add3A_473 = arith.addf %add3A_472, %exp3A_470 : vector<16xf32>
      %div3A_474 = arith.constant 1.000000e+00 : f32
      %div3A_475 = vector.broadcast %div3A_474 : f32 to vector<16xf32>
      %div3A_476 = arith.divf %div3A_475, %add3A_473 : vector<16xf32>
      %swap3A_477 = arith.constant 88 : index
      %swap3A_478 = tpu.vector_load %arg10[%swap3A_477] {strides = array<i32>} : memref<136xf32, #tpu.memory_space<vmem>>, vector<16xf32>,
      tpu.vector_store %arg10[%swap3A_477], %div3A_476 {strides = array<i32>} : memref<136xf32, #tpu.memory_space<vmem>>, vector<16xf32>,
      %broadcast_in_dim3A_479 = arith.constant 0.000000e+00 : f32
      %broadcast_in_dim3A_480 = vector.broadcast %broadcast_in_dim3A_479 : f32 to vector<16xf32>
      %scan3A_481 = arith.constant 0 : i32
      %scan3A_482 = arith.constant 25 : i32
      %scan3A_483 = arith.addi %scan3A_481, %scan3A_482 : i32
      %scan3A_484 = arith.constant 1 : i32
      %scan3A_485:2 = scf.for %scan3A_1137 = %scan3A_481 to %scan3A_483 step %scan3A_484 iter_args(%scan3A_1138 = %broadcast_in_dim3A_480, %scan3A_1139 = %broadcast_in_dim3A_480) -> (vector<16xf32>, vector<16xf32>)  : i32 {
        %mul3A_1140 = arith.constant 8 : i32
        %mul3A_1141 = arith.muli %scan3A_1137, %mul3A_1140 : i32
        %add3A_1142 = arith.constant 2400 : i32
        %add3A_1143 = arith.addi %add3A_1142, %mul3A_1141 : i32
        %add3A_1144 = vector.broadcast %add3A_1143 : i32 to vector<16xi32>
        %add3A_1145 = arith.addi %select_n3A, %add3A_1144 : vector<16xi32>
        %gather3A = tpu.vector_load_idx %arg8[%add3A_1145, %and3A_9] : memref<3200x8xf32, #tpu.memory_space<vmem>>[vector<16xi32>, vector<16xi32>], vector<16xf32>,
        %add3A_1146 = arith.addf %scan3A_1138, %gather3A : vector<16xf32>
        %add3A_1147 = arith.constant 2 : i32
        %add3A_1148 = arith.addi %add3A_1143, %add3A_1147 : i32
        %add3A_1149 = vector.broadcast %add3A_1148 : i32 to vector<16xi32>
        %add3A_1150 = arith.addi %select_n3A, %add3A_1149 : vector<16xi32>
        %gather3A_1151 = tpu.vector_load_idx %arg8[%add3A_1150, %and3A_9] : memref<3200x8xf32, #tpu.memory_space<vmem>>[vector<16xi32>, vector<16xi32>], vector<16xf32>,
        %add3A_1152 = arith.addf %scan3A_1139, %gather3A_1151 : vector<16xf32>
        %add3A_1153 = arith.constant 4 : i32
        %add3A_1154 = arith.addi %add3A_1143, %add3A_1153 : i32
        %add3A_1155 = vector.broadcast %add3A_1154 : i32 to vector<16xi32>
        %add3A_1156 = arith.addi %select_n3A, %add3A_1155 : vector<16xi32>
        %gather3A_1157 = tpu.vector_load_idx %arg8[%add3A_1156, %and3A_9] : memref<3200x8xf32, #tpu.memory_space<vmem>>[vector<16xi32>, vector<16xi32>], vector<16xf32>,
        %add3A_1158 = arith.addf %add3A_1146, %gather3A_1157 : vector<16xf32>
        %add3A_1159 = arith.constant 6 : i32
        %add3A_1160 = arith.addi %add3A_1143, %add3A_1159 : i32
        %add3A_1161 = vector.broadcast %add3A_1160 : i32 to vector<16xi32>
        %add3A_1162 = arith.addi %select_n3A, %add3A_1161 : vector<16xi32>
        %gather3A_1163 = tpu.vector_load_idx %arg8[%add3A_1162, %and3A_9] : memref<3200x8xf32, #tpu.memory_space<vmem>>[vector<16xi32>, vector<16xi32>], vector<16xf32>,
        %add3A_1164 = arith.addf %add3A_1152, %gather3A_1163 : vector<16xf32>
        scf.yield %add3A_1158, %add3A_1164 : vector<16xf32>, vector<16xf32>
      }
      %scan3A_486 = arith.constant 25 : i32
      %add3A_487 = arith.addf %scan3A_485#0, %scan3A_485#1 : vector<16xf32>
      %swap3A_488 = arith.constant 0 : index
      %swap3A_489 = tpu.vector_load %arg11[%swap3A_488] {strides = array<i32>} : memref<24xf32, #tpu.memory_space<vmem>>, vector<16xf32>,
      tpu.vector_store %arg11[%swap3A_488], %add3A_487 {strides = array<i32>} : memref<24xf32, #tpu.memory_space<vmem>>, vector<16xf32>,
      %get3A_490 = arith.constant 0 : index
      %get3A_491 = tpu.vector_load %arg11[%get3A_490] {strides = array<i32>} : memref<24xf32, #tpu.memory_space<vmem>>, vector<16xf32>,
      %get3A_492 = arith.constant 8 : index
      %get3A_493 = tpu.vector_load %arg11[%get3A_492] {strides = array<i32>} : memref<24xf32, #tpu.memory_space<vmem>>, vector<16xf32>,
      %add3A_494 = arith.addf %get3A_491, %get3A_493 : vector<16xf32>
      %mul3A_495 = arith.constant 5.000000e-03 : f32
      %mul3A_496 = vector.broadcast %mul3A_495 : f32 to vector<16xf32>
      %mul3A_497 = arith.mulf %add3A_494, %mul3A_496 : vector<16xf32>
      %add3A_498 = arith.addf %mul3A_497, %get3A_1 : vector<16xf32>
      %neg3A_499 = arith.constant 0.000000e+00 : f32
      %neg3A_500 = vector.broadcast %neg3A_499 : f32 to vector<16xf32>
      %neg3A_501 = arith.subf %neg3A_500, %add3A_498 : vector<16xf32>
      %exp3A_502 = math.exp %neg3A_501 : vector<16xf32>
      %add3A_503 = arith.constant 1.000000e+00 : f32
      %add3A_504 = vector.broadcast %add3A_503 : f32 to vector<16xf32>
      %add3A_505 = arith.addf %add3A_504, %exp3A_502 : vector<16xf32>
      %div3A_506 = arith.constant 1.000000e+00 : f32
      %div3A_507 = vector.broadcast %div3A_506 : f32 to vector<16xf32>
      %div3A_508 = arith.divf %div3A_507, %add3A_505 : vector<16xf32>
      %swap3A_509 = arith.constant 96 : index
      %swap3A_510 = tpu.vector_load %arg10[%swap3A_509] {strides = array<i32>} : memref<136xf32, #tpu.memory_space<vmem>>, vector<16xf32>,
      tpu.vector_store %arg10[%swap3A_509], %div3A_508 {strides = array<i32>} : memref<136xf32, #tpu.memory_space<vmem>>, vector<16xf32>,
      %broadcast_in_dim3A_511 = arith.constant 0.000000e+00 : f32
      %broadcast_in_dim3A_512 = vector.broadcast %broadcast_in_dim3A_511 : f32 to vector<16xf32>
      %scan3A_513 = arith.constant 0 : i32
      %scan3A_514 = arith.constant 25 : i32
      %scan3A_515 = arith.addi %scan3A_513, %scan3A_514 : i32
      %scan3A_516 = arith.constant 1 : i32
      %scan3A_517:2 = scf.for %scan3A_1137 = %scan3A_513 to %scan3A_515 step %scan3A_516 iter_args(%scan3A_1138 = %broadcast_in_dim3A_512, %scan3A_1139 = %broadcast_in_dim3A_512) -> (vector<16xf32>, vector<16xf32>)  : i32 {
        %mul3A_1140 = arith.constant 8 : i32
        %mul3A_1141 = arith.muli %scan3A_1137, %mul3A_1140 : i32
        %add3A_1142 = arith.constant 2600 : i32
        %add3A_1143 = arith.addi %add3A_1142, %mul3A_1141 : i32
        %add3A_1144 = vector.broadcast %add3A_1143 : i32 to vector<16xi32>
        %add3A_1145 = arith.addi %select_n3A, %add3A_1144 : vector<16xi32>
        %gather3A = tpu.vector_load_idx %arg8[%add3A_1145, %and3A_9] : memref<3200x8xf32, #tpu.memory_space<vmem>>[vector<16xi32>, vector<16xi32>], vector<16xf32>,
        %add3A_1146 = arith.addf %scan3A_1138, %gather3A : vector<16xf32>
        %add3A_1147 = arith.constant 2 : i32
        %add3A_1148 = arith.addi %add3A_1143, %add3A_1147 : i32
        %add3A_1149 = vector.broadcast %add3A_1148 : i32 to vector<16xi32>
        %add3A_1150 = arith.addi %select_n3A, %add3A_1149 : vector<16xi32>
        %gather3A_1151 = tpu.vector_load_idx %arg8[%add3A_1150, %and3A_9] : memref<3200x8xf32, #tpu.memory_space<vmem>>[vector<16xi32>, vector<16xi32>], vector<16xf32>,
        %add3A_1152 = arith.addf %scan3A_1139, %gather3A_1151 : vector<16xf32>
        %add3A_1153 = arith.constant 4 : i32
        %add3A_1154 = arith.addi %add3A_1143, %add3A_1153 : i32
        %add3A_1155 = vector.broadcast %add3A_1154 : i32 to vector<16xi32>
        %add3A_1156 = arith.addi %select_n3A, %add3A_1155 : vector<16xi32>
        %gather3A_1157 = tpu.vector_load_idx %arg8[%add3A_1156, %and3A_9] : memref<3200x8xf32, #tpu.memory_space<vmem>>[vector<16xi32>, vector<16xi32>], vector<16xf32>,
        %add3A_1158 = arith.addf %add3A_1146, %gather3A_1157 : vector<16xf32>
        %add3A_1159 = arith.constant 6 : i32
        %add3A_1160 = arith.addi %add3A_1143, %add3A_1159 : i32
        %add3A_1161 = vector.broadcast %add3A_1160 : i32 to vector<16xi32>
        %add3A_1162 = arith.addi %select_n3A, %add3A_1161 : vector<16xi32>
        %gather3A_1163 = tpu.vector_load_idx %arg8[%add3A_1162, %and3A_9] : memref<3200x8xf32, #tpu.memory_space<vmem>>[vector<16xi32>, vector<16xi32>], vector<16xf32>,
        %add3A_1164 = arith.addf %add3A_1152, %gather3A_1163 : vector<16xf32>
        scf.yield %add3A_1158, %add3A_1164 : vector<16xf32>, vector<16xf32>
      }
      %scan3A_518 = arith.constant 25 : i32
      %add3A_519 = arith.addf %scan3A_517#0, %scan3A_517#1 : vector<16xf32>
      %swap3A_520 = arith.constant 0 : index
      %swap3A_521 = tpu.vector_load %arg11[%swap3A_520] {strides = array<i32>} : memref<24xf32, #tpu.memory_space<vmem>>, vector<16xf32>,
      tpu.vector_store %arg11[%swap3A_520], %add3A_519 {strides = array<i32>} : memref<24xf32, #tpu.memory_space<vmem>>, vector<16xf32>,
      %get3A_522 = arith.constant 0 : index
      %get3A_523 = tpu.vector_load %arg11[%get3A_522] {strides = array<i32>} : memref<24xf32, #tpu.memory_space<vmem>>, vector<16xf32>,
      %get3A_524 = arith.constant 8 : index
      %get3A_525 = tpu.vector_load %arg11[%get3A_524] {strides = array<i32>} : memref<24xf32, #tpu.memory_space<vmem>>, vector<16xf32>,
      %add3A_526 = arith.addf %get3A_523, %get3A_525 : vector<16xf32>
      %mul3A_527 = arith.constant 5.000000e-03 : f32
      %mul3A_528 = vector.broadcast %mul3A_527 : f32 to vector<16xf32>
      %mul3A_529 = arith.mulf %add3A_526, %mul3A_528 : vector<16xf32>
      %add3A_530 = arith.addf %mul3A_529, %get3A_1 : vector<16xf32>
      %neg3A_531 = arith.constant 0.000000e+00 : f32
      %neg3A_532 = vector.broadcast %neg3A_531 : f32 to vector<16xf32>
      %neg3A_533 = arith.subf %neg3A_532, %add3A_530 : vector<16xf32>
      %exp3A_534 = math.exp %neg3A_533 : vector<16xf32>
      %add3A_535 = arith.constant 1.000000e+00 : f32
      %add3A_536 = vector.broadcast %add3A_535 : f32 to vector<16xf32>
      %add3A_537 = arith.addf %add3A_536, %exp3A_534 : vector<16xf32>
      %div3A_538 = arith.constant 1.000000e+00 : f32
      %div3A_539 = vector.broadcast %div3A_538 : f32 to vector<16xf32>
      %div3A_540 = arith.divf %div3A_539, %add3A_537 : vector<16xf32>
      %swap3A_541 = arith.constant 104 : index
      %swap3A_542 = tpu.vector_load %arg10[%swap3A_541] {strides = array<i32>} : memref<136xf32, #tpu.memory_space<vmem>>, vector<16xf32>,
      tpu.vector_store %arg10[%swap3A_541], %div3A_540 {strides = array<i32>} : memref<136xf32, #tpu.memory_space<vmem>>, vector<16xf32>,
      %broadcast_in_dim3A_543 = arith.constant 0.000000e+00 : f32
      %broadcast_in_dim3A_544 = vector.broadcast %broadcast_in_dim3A_543 : f32 to vector<16xf32>
      %scan3A_545 = arith.constant 0 : i32
      %scan3A_546 = arith.constant 25 : i32
      %scan3A_547 = arith.addi %scan3A_545, %scan3A_546 : i32
      %scan3A_548 = arith.constant 1 : i32
      %scan3A_549:2 = scf.for %scan3A_1137 = %scan3A_545 to %scan3A_547 step %scan3A_548 iter_args(%scan3A_1138 = %broadcast_in_dim3A_544, %scan3A_1139 = %broadcast_in_dim3A_544) -> (vector<16xf32>, vector<16xf32>)  : i32 {
        %mul3A_1140 = arith.constant 8 : i32
        %mul3A_1141 = arith.muli %scan3A_1137, %mul3A_1140 : i32
        %add3A_1142 = arith.constant 2800 : i32
        %add3A_1143 = arith.addi %add3A_1142, %mul3A_1141 : i32
        %add3A_1144 = vector.broadcast %add3A_1143 : i32 to vector<16xi32>
        %add3A_1145 = arith.addi %select_n3A, %add3A_1144 : vector<16xi32>
        %gather3A = tpu.vector_load_idx %arg8[%add3A_1145, %and3A_9] : memref<3200x8xf32, #tpu.memory_space<vmem>>[vector<16xi32>, vector<16xi32>], vector<16xf32>,
        %add3A_1146 = arith.addf %scan3A_1138, %gather3A : vector<16xf32>
        %add3A_1147 = arith.constant 2 : i32
        %add3A_1148 = arith.addi %add3A_1143, %add3A_1147 : i32
        %add3A_1149 = vector.broadcast %add3A_1148 : i32 to vector<16xi32>
        %add3A_1150 = arith.addi %select_n3A, %add3A_1149 : vector<16xi32>
        %gather3A_1151 = tpu.vector_load_idx %arg8[%add3A_1150, %and3A_9] : memref<3200x8xf32, #tpu.memory_space<vmem>>[vector<16xi32>, vector<16xi32>], vector<16xf32>,
        %add3A_1152 = arith.addf %scan3A_1139, %gather3A_1151 : vector<16xf32>
        %add3A_1153 = arith.constant 4 : i32
        %add3A_1154 = arith.addi %add3A_1143, %add3A_1153 : i32
        %add3A_1155 = vector.broadcast %add3A_1154 : i32 to vector<16xi32>
        %add3A_1156 = arith.addi %select_n3A, %add3A_1155 : vector<16xi32>
        %gather3A_1157 = tpu.vector_load_idx %arg8[%add3A_1156, %and3A_9] : memref<3200x8xf32, #tpu.memory_space<vmem>>[vector<16xi32>, vector<16xi32>], vector<16xf32>,
        %add3A_1158 = arith.addf %add3A_1146, %gather3A_1157 : vector<16xf32>
        %add3A_1159 = arith.constant 6 : i32
        %add3A_1160 = arith.addi %add3A_1143, %add3A_1159 : i32
        %add3A_1161 = vector.broadcast %add3A_1160 : i32 to vector<16xi32>
        %add3A_1162 = arith.addi %select_n3A, %add3A_1161 : vector<16xi32>
        %gather3A_1163 = tpu.vector_load_idx %arg8[%add3A_1162, %and3A_9] : memref<3200x8xf32, #tpu.memory_space<vmem>>[vector<16xi32>, vector<16xi32>], vector<16xf32>,
        %add3A_1164 = arith.addf %add3A_1152, %gather3A_1163 : vector<16xf32>
        scf.yield %add3A_1158, %add3A_1164 : vector<16xf32>, vector<16xf32>
      }
      %scan3A_550 = arith.constant 25 : i32
      %add3A_551 = arith.addf %scan3A_549#0, %scan3A_549#1 : vector<16xf32>
      %swap3A_552 = arith.constant 0 : index
      %swap3A_553 = tpu.vector_load %arg11[%swap3A_552] {strides = array<i32>} : memref<24xf32, #tpu.memory_space<vmem>>, vector<16xf32>,
      tpu.vector_store %arg11[%swap3A_552], %add3A_551 {strides = array<i32>} : memref<24xf32, #tpu.memory_space<vmem>>, vector<16xf32>,
      %get3A_554 = arith.constant 0 : index
      %get3A_555 = tpu.vector_load %arg11[%get3A_554] {strides = array<i32>} : memref<24xf32, #tpu.memory_space<vmem>>, vector<16xf32>,
      %get3A_556 = arith.constant 8 : index
      %get3A_557 = tpu.vector_load %arg11[%get3A_556] {strides = array<i32>} : memref<24xf32, #tpu.memory_space<vmem>>, vector<16xf32>,
      %add3A_558 = arith.addf %get3A_555, %get3A_557 : vector<16xf32>
      %mul3A_559 = arith.constant 5.000000e-03 : f32
      %mul3A_560 = vector.broadcast %mul3A_559 : f32 to vector<16xf32>
      %mul3A_561 = arith.mulf %add3A_558, %mul3A_560 : vector<16xf32>
      %add3A_562 = arith.addf %mul3A_561, %get3A_1 : vector<16xf32>
      %neg3A_563 = arith.constant 0.000000e+00 : f32
      %neg3A_564 = vector.broadcast %neg3A_563 : f32 to vector<16xf32>
      %neg3A_565 = arith.subf %neg3A_564, %add3A_562 : vector<16xf32>
      %exp3A_566 = math.exp %neg3A_565 : vector<16xf32>
      %add3A_567 = arith.constant 1.000000e+00 : f32
      %add3A_568 = vector.broadcast %add3A_567 : f32 to vector<16xf32>
      %add3A_569 = arith.addf %add3A_568, %exp3A_566 : vector<16xf32>
      %div3A_570 = arith.constant 1.000000e+00 : f32
      %div3A_571 = vector.broadcast %div3A_570 : f32 to vector<16xf32>
      %div3A_572 = arith.divf %div3A_571, %add3A_569 : vector<16xf32>
      %swap3A_573 = arith.constant 112 : index
      %swap3A_574 = tpu.vector_load %arg10[%swap3A_573] {strides = array<i32>} : memref<136xf32, #tpu.memory_space<vmem>>, vector<16xf32>,
      tpu.vector_store %arg10[%swap3A_573], %div3A_572 {strides = array<i32>} : memref<136xf32, #tpu.memory_space<vmem>>, vector<16xf32>,
      %broadcast_in_dim3A_575 = arith.constant 0.000000e+00 : f32
      %broadcast_in_dim3A_576 = vector.broadcast %broadcast_in_dim3A_575 : f32 to vector<16xf32>
      %scan3A_577 = arith.constant 0 : i32
      %scan3A_578 = arith.constant 25 : i32
      %scan3A_579 = arith.addi %scan3A_577, %scan3A_578 : i32
      %scan3A_580 = arith.constant 1 : i32
      %scan3A_581:2 = scf.for %scan3A_1137 = %scan3A_577 to %scan3A_579 step %scan3A_580 iter_args(%scan3A_1138 = %broadcast_in_dim3A_576, %scan3A_1139 = %broadcast_in_dim3A_576) -> (vector<16xf32>, vector<16xf32>)  : i32 {
        %mul3A_1140 = arith.constant 8 : i32
        %mul3A_1141 = arith.muli %scan3A_1137, %mul3A_1140 : i32
        %add3A_1142 = arith.constant 3000 : i32
        %add3A_1143 = arith.addi %add3A_1142, %mul3A_1141 : i32
        %add3A_1144 = vector.broadcast %add3A_1143 : i32 to vector<16xi32>
        %add3A_1145 = arith.addi %select_n3A, %add3A_1144 : vector<16xi32>
        %gather3A = tpu.vector_load_idx %arg8[%add3A_1145, %and3A_9] : memref<3200x8xf32, #tpu.memory_space<vmem>>[vector<16xi32>, vector<16xi32>], vector<16xf32>,
        %add3A_1146 = arith.addf %scan3A_1138, %gather3A : vector<16xf32>
        %add3A_1147 = arith.constant 2 : i32
        %add3A_1148 = arith.addi %add3A_1143, %add3A_1147 : i32
        %add3A_1149 = vector.broadcast %add3A_1148 : i32 to vector<16xi32>
        %add3A_1150 = arith.addi %select_n3A, %add3A_1149 : vector<16xi32>
        %gather3A_1151 = tpu.vector_load_idx %arg8[%add3A_1150, %and3A_9] : memref<3200x8xf32, #tpu.memory_space<vmem>>[vector<16xi32>, vector<16xi32>], vector<16xf32>,
        %add3A_1152 = arith.addf %scan3A_1139, %gather3A_1151 : vector<16xf32>
        %add3A_1153 = arith.constant 4 : i32
        %add3A_1154 = arith.addi %add3A_1143, %add3A_1153 : i32
        %add3A_1155 = vector.broadcast %add3A_1154 : i32 to vector<16xi32>
        %add3A_1156 = arith.addi %select_n3A, %add3A_1155 : vector<16xi32>
        %gather3A_1157 = tpu.vector_load_idx %arg8[%add3A_1156, %and3A_9] : memref<3200x8xf32, #tpu.memory_space<vmem>>[vector<16xi32>, vector<16xi32>], vector<16xf32>,
        %add3A_1158 = arith.addf %add3A_1146, %gather3A_1157 : vector<16xf32>
        %add3A_1159 = arith.constant 6 : i32
        %add3A_1160 = arith.addi %add3A_1143, %add3A_1159 : i32
        %add3A_1161 = vector.broadcast %add3A_1160 : i32 to vector<16xi32>
        %add3A_1162 = arith.addi %select_n3A, %add3A_1161 : vector<16xi32>
        %gather3A_1163 = tpu.vector_load_idx %arg8[%add3A_1162, %and3A_9] : memref<3200x8xf32, #tpu.memory_space<vmem>>[vector<16xi32>, vector<16xi32>], vector<16xf32>,
        %add3A_1164 = arith.addf %add3A_1152, %gather3A_1163 : vector<16xf32>
        scf.yield %add3A_1158, %add3A_1164 : vector<16xf32>, vector<16xf32>
      }
      %scan3A_582 = arith.constant 25 : i32
      %add3A_583 = arith.addf %scan3A_581#0, %scan3A_581#1 : vector<16xf32>
      %swap3A_584 = arith.constant 0 : index
      %swap3A_585 = tpu.vector_load %arg11[%swap3A_584] {strides = array<i32>} : memref<24xf32, #tpu.memory_space<vmem>>, vector<16xf32>,
      tpu.vector_store %arg11[%swap3A_584], %add3A_583 {strides = array<i32>} : memref<24xf32, #tpu.memory_space<vmem>>, vector<16xf32>,
      %get3A_586 = arith.constant 0 : index
      %get3A_587 = tpu.vector_load %arg11[%get3A_586] {strides = array<i32>} : memref<24xf32, #tpu.memory_space<vmem>>, vector<16xf32>,
      %get3A_588 = arith.constant 8 : index
      %get3A_589 = tpu.vector_load %arg11[%get3A_588] {strides = array<i32>} : memref<24xf32, #tpu.memory_space<vmem>>, vector<16xf32>,
      %add3A_590 = arith.addf %get3A_587, %get3A_589 : vector<16xf32>
      %mul3A_591 = arith.constant 5.000000e-03 : f32
      %mul3A_592 = vector.broadcast %mul3A_591 : f32 to vector<16xf32>
      %mul3A_593 = arith.mulf %add3A_590, %mul3A_592 : vector<16xf32>
      %add3A_594 = arith.addf %mul3A_593, %get3A_1 : vector<16xf32>
      %neg3A_595 = arith.constant 0.000000e+00 : f32
      %neg3A_596 = vector.broadcast %neg3A_595 : f32 to vector<16xf32>
      %neg3A_597 = arith.subf %neg3A_596, %add3A_594 : vector<16xf32>
      %exp3A_598 = math.exp %neg3A_597 : vector<16xf32>
      %add3A_599 = arith.constant 1.000000e+00 : f32
      %add3A_600 = vector.broadcast %add3A_599 : f32 to vector<16xf32>
      %add3A_601 = arith.addf %add3A_600, %exp3A_598 : vector<16xf32>
      %div3A_602 = arith.constant 1.000000e+00 : f32
      %div3A_603 = vector.broadcast %div3A_602 : f32 to vector<16xf32>
      %div3A_604 = arith.divf %div3A_603, %add3A_601 : vector<16xf32>
      %swap3A_605 = arith.constant 120 : index
      %swap3A_606 = tpu.vector_load %arg10[%swap3A_605] {strides = array<i32>} : memref<136xf32, #tpu.memory_space<vmem>>, vector<16xf32>,
      tpu.vector_store %arg10[%swap3A_605], %div3A_604 {strides = array<i32>} : memref<136xf32, #tpu.memory_space<vmem>>, vector<16xf32>,
      %mul3A_607 = arith.constant 8 : i32
      %mul3A_608 = arith.muli %add3A_98, %mul3A_607 : i32
      "tpu.region"() ({
        %run_scoped3A = tpu.sem_alloc : memref<!tpu.dma_semaphore, #tpu.memory_space<semaphore_mem>>
        %dma_start3A_1137 = arith.constant 0 : i32
        %dma_start3A_1138 = tpu.memref_slice %arg10[%dma_start3A_1137] : memref<136xf32, #tpu.memory_space<vmem>> -> memref<128xf32, #tpu.memory_space<vmem>>
        %dma_start3A_1139 = tpu.memref_slice %arg5[%mul3A_608] : memref<131072xf32, #tpu.memory_space<hbm>> -> memref<128xf32, #tpu.memory_space<hbm>>
        %dma_start3A_1140 = tpu.memref_slice %arg5[%mul3A_608] : memref<131072xf32, #tpu.memory_space<hbm>> -> memref<128xf32, #tpu.memory_space<hbm>>
        %dma_start3A_1141 = arith.constant 0 : i32
        %dma_start3A_1142 = tpu.memref_slice %arg10[%dma_start3A_1141] : memref<136xf32, #tpu.memory_space<vmem>> -> memref<128xf32, #tpu.memory_space<vmem>>
        tpu.enqueue_dma source(%dma_start3A_1142 : memref<128xf32, #tpu.memory_space<vmem>>) target(%dma_start3A_1140 : memref<128xf32, #tpu.memory_space<hbm>>) target_semaphore(%run_scoped3A : memref<!tpu.dma_semaphore, #tpu.memory_space<semaphore_mem>>)
        %dma_wait3A_1143 = arith.constant 0 : i32
        %dma_wait3A_1144 = tpu.memref_slice %arg10[%dma_wait3A_1143] : memref<136xf32, #tpu.memory_space<vmem>> -> memref<128xf32, #tpu.memory_space<vmem>>
        %dma_wait3A_1145 = tpu.memref_slice %arg5[%mul3A_608] : memref<131072xf32, #tpu.memory_space<hbm>> -> memref<128xf32, #tpu.memory_space<hbm>>
        %dma_wait3A_1146 = tpu.memref_slice %arg5[%mul3A_608] : memref<131072xf32, #tpu.memory_space<hbm>> -> memref<128xf32, #tpu.memory_space<hbm>>
        %dma_wait3A_1147 = arith.constant 0 : i32
        %dma_wait3A_1148 = tpu.memref_slice %arg10[%dma_wait3A_1147] : memref<136xf32, #tpu.memory_space<vmem>> -> memref<128xf32, #tpu.memory_space<vmem>>
        tpu.wait_dma2 semaphore(%run_scoped3A : memref<!tpu.dma_semaphore, #tpu.memory_space<semaphore_mem>>) src(%dma_wait3A_1148 : memref<128xf32, #tpu.memory_space<vmem>>) dst(%dma_wait3A_1146 : memref<128xf32, #tpu.memory_space<hbm>>)
        tpu.yield
      }) : () -> ()
      %add3A_609 = arith.constant 2 : i32
      %add3A_610 = arith.addi %mul3A_54, %add3A_609 : i32
      %lt3A_611 = arith.constant 32 : i32
      %lt3A_612 = arith.cmpi slt, %add3A_610, %lt3A_611 : i32
      %convert_element_type3A = arith.extui %lt3A_612 : i1 to i32
      %cond3A = arith.constant 0 : i32
      %cond3A_613 = arith.cmpi ne, %convert_element_type3A, %cond3A : i32
      scf.if %cond3A_613 {
        %add3A_1137 = arith.constant 2 : i32
        %add3A_1138 = arith.addi %mul3A_54, %add3A_1137 : i32
        %mul3A_1139 = arith.constant 16 : i32
        %mul3A_1140 = arith.muli %add3A_1138, %mul3A_1139 : i32
        %add3A_1141 = arith.addi %mul3A_3, %mul3A_1140 : i32
        %mul3A_1142 = arith.constant 200 : i32
        %mul3A_1143 = arith.muli %add3A_1141, %mul3A_1142 : i32
        "tpu.region"() ({
          %run_scoped3A = tpu.sem_alloc : memref<!tpu.dma_semaphore, #tpu.memory_space<semaphore_mem>>
          %dma_start3A_1176 = tpu.memref_slice %arg3[%mul3A_1143] : memref<3276800xi32, #tpu.memory_space<hbm>> -> memref<3200xi32, #tpu.memory_space<hbm>>
          %dma_start3A_1177 = tpu.memref_slice %arg3[%mul3A_1143] : memref<3276800xi32, #tpu.memory_space<hbm>> -> memref<3200xi32, #tpu.memory_space<hbm>>
          tpu.enqueue_dma source(%dma_start3A_1177 : memref<3200xi32, #tpu.memory_space<hbm>>) target(%arg6 : memref<3200xi32, #tpu.memory_space<vmem>>) target_semaphore(%run_scoped3A : memref<!tpu.dma_semaphore, #tpu.memory_space<semaphore_mem>>)
          %dma_wait3A_1178 = tpu.memref_slice %arg3[%mul3A_1143] : memref<3276800xi32, #tpu.memory_space<hbm>> -> memref<3200xi32, #tpu.memory_space<hbm>>
          %dma_wait3A_1179 = tpu.memref_slice %arg3[%mul3A_1143] : memref<3276800xi32, #tpu.memory_space<hbm>> -> memref<3200xi32, #tpu.memory_space<hbm>>
          tpu.wait_dma2 semaphore(%run_scoped3A : memref<!tpu.dma_semaphore, #tpu.memory_space<semaphore_mem>>) src(%dma_wait3A_1179 : memref<3200xi32, #tpu.memory_space<hbm>>) dst(%arg6 : memref<3200xi32, #tpu.memory_space<vmem>>)
          tpu.yield
        }) : () -> ()
        %dma_start3A_1144 = arith.constant 0 : i32
        %dma_start3A_1145 = arith.constant 0 : i32
        %dma_start3A_1146 = tpu.memref_slice %arg8[%dma_start3A_1144, %dma_start3A_1145] : memref<3200x8xf32, #tpu.memory_space<vmem>> -> memref<800x8xf32, #tpu.memory_space<vmem>>
        %dma_start3A_1147 = arith.constant 0 : i32
        %dma_start3A_1148 = tpu.memref_slice %arg6[%dma_start3A_1147] : memref<3200xi32, #tpu.memory_space<vmem>> -> memref<800xi32, #tpu.memory_space<vmem>>
        %dma_start3A_1149 = arith.constant 0 : i32
        %dma_start3A_1150 = arith.constant 0 : i32
        %dma_start3A_1151 = tpu.memref_slice %arg2[%dma_start3A_1149, %dma_start3A_1150] : memref<1048576x8xf32, #tpu.memory_space<hbm>> -> memref<1048576x8xf32, #tpu.memory_space<hbm>>
        tpu.enqueue_indirect_dma source(%dma_start3A_1151 : memref<1048576x8xf32, #tpu.memory_space<hbm>>) target(%dma_start3A_1146 : memref<800x8xf32, #tpu.memory_space<vmem>>) offsets(%dma_start3A_1148 : memref<800xi32, #tpu.memory_space<vmem>>) semaphore(%arg13 : memref<!tpu.dma_semaphore, #tpu.memory_space<semaphore_mem>>)
        %dma_start3A_1152 = arith.constant 800 : i32
        %dma_start3A_1153 = arith.constant 0 : i32
        %dma_start3A_1154 = tpu.memref_slice %arg8[%dma_start3A_1152, %dma_start3A_1153] : memref<3200x8xf32, #tpu.memory_space<vmem>> -> memref<800x8xf32, #tpu.memory_space<vmem>>
        %dma_start3A_1155 = arith.constant 800 : i32
        %dma_start3A_1156 = tpu.memref_slice %arg6[%dma_start3A_1155] : memref<3200xi32, #tpu.memory_space<vmem>> -> memref<800xi32, #tpu.memory_space<vmem>>
        %dma_start3A_1157 = arith.constant 0 : i32
        %dma_start3A_1158 = arith.constant 0 : i32
        %dma_start3A_1159 = tpu.memref_slice %arg2[%dma_start3A_1157, %dma_start3A_1158] : memref<1048576x8xf32, #tpu.memory_space<hbm>> -> memref<1048576x8xf32, #tpu.memory_space<hbm>>
        tpu.enqueue_indirect_dma source(%dma_start3A_1159 : memref<1048576x8xf32, #tpu.memory_space<hbm>>) target(%dma_start3A_1154 : memref<800x8xf32, #tpu.memory_space<vmem>>) offsets(%dma_start3A_1156 : memref<800xi32, #tpu.memory_space<vmem>>) semaphore(%arg13 : memref<!tpu.dma_semaphore, #tpu.memory_space<semaphore_mem>>)
        %dma_start3A_1160 = arith.constant 1600 : i32
        %dma_start3A_1161 = arith.constant 0 : i32
        %dma_start3A_1162 = tpu.memref_slice %arg8[%dma_start3A_1160, %dma_start3A_1161] : memref<3200x8xf32, #tpu.memory_space<vmem>> -> memref<800x8xf32, #tpu.memory_space<vmem>>
        %dma_start3A_1163 = arith.constant 1600 : i32
        %dma_start3A_1164 = tpu.memref_slice %arg6[%dma_start3A_1163] : memref<3200xi32, #tpu.memory_space<vmem>> -> memref<800xi32, #tpu.memory_space<vmem>>
        %dma_start3A_1165 = arith.constant 0 : i32
        %dma_start3A_1166 = arith.constant 0 : i32
        %dma_start3A_1167 = tpu.memref_slice %arg2[%dma_start3A_1165, %dma_start3A_1166] : memref<1048576x8xf32, #tpu.memory_space<hbm>> -> memref<1048576x8xf32, #tpu.memory_space<hbm>>
        tpu.enqueue_indirect_dma source(%dma_start3A_1167 : memref<1048576x8xf32, #tpu.memory_space<hbm>>) target(%dma_start3A_1162 : memref<800x8xf32, #tpu.memory_space<vmem>>) offsets(%dma_start3A_1164 : memref<800xi32, #tpu.memory_space<vmem>>) semaphore(%arg13 : memref<!tpu.dma_semaphore, #tpu.memory_space<semaphore_mem>>)
        %dma_start3A_1168 = arith.constant 2400 : i32
        %dma_start3A_1169 = arith.constant 0 : i32
        %dma_start3A_1170 = tpu.memref_slice %arg8[%dma_start3A_1168, %dma_start3A_1169] : memref<3200x8xf32, #tpu.memory_space<vmem>> -> memref<800x8xf32, #tpu.memory_space<vmem>>
        %dma_start3A_1171 = arith.constant 2400 : i32
        %dma_start3A_1172 = tpu.memref_slice %arg6[%dma_start3A_1171] : memref<3200xi32, #tpu.memory_space<vmem>> -> memref<800xi32, #tpu.memory_space<vmem>>
        %dma_start3A_1173 = arith.constant 0 : i32
        %dma_start3A_1174 = arith.constant 0 : i32
        %dma_start3A_1175 = tpu.memref_slice %arg2[%dma_start3A_1173, %dma_start3A_1174] : memref<1048576x8xf32, #tpu.memory_space<hbm>> -> memref<1048576x8xf32, #tpu.memory_space<hbm>>
        tpu.enqueue_indirect_dma source(%dma_start3A_1175 : memref<1048576x8xf32, #tpu.memory_space<hbm>>) target(%dma_start3A_1170 : memref<800x8xf32, #tpu.memory_space<vmem>>) offsets(%dma_start3A_1172 : memref<800xi32, #tpu.memory_space<vmem>>) semaphore(%arg13 : memref<!tpu.dma_semaphore, #tpu.memory_space<semaphore_mem>>)
      } else {
      }
      %dma_wait3A_614 = arith.constant 0 : i32
      %dma_wait3A_615 = arith.constant 0 : i32
      %dma_wait3A_616 = tpu.memref_slice %arg2[%dma_wait3A_614, %dma_wait3A_615] : memref<1048576x8xf32, #tpu.memory_space<hbm>> -> memref<1048576x8xf32, #tpu.memory_space<hbm>>
      tpu.wait_indirect_dma semaphore(%arg14 : memref<!tpu.dma_semaphore, #tpu.memory_space<semaphore_mem>>) src(%dma_wait3A_616 : memref<1048576x8xf32, #tpu.memory_space<hbm>>) dst(%arg9 : memref<3200x8xf32, #tpu.memory_space<vmem>>)
      %add3A_617 = arith.constant 1 : i32
      %add3A_618 = arith.addi %mul3A_54, %add3A_617 : i32
      %mul3A_619 = arith.constant 16 : i32
      %mul3A_620 = arith.muli %add3A_618, %mul3A_619 : i32
      %add3A_621 = arith.addi %mul3A_3, %mul3A_620 : i32
      %broadcast_in_dim3A_622 = arith.constant 0.000000e+00 : f32
      %broadcast_in_dim3A_623 = vector.broadcast %broadcast_in_dim3A_622 : f32 to vector<16xf32>
      %scan3A_624 = arith.constant 0 : i32
      %scan3A_625 = arith.constant 25 : i32
      %scan3A_626 = arith.addi %scan3A_624, %scan3A_625 : i32
      %scan3A_627 = arith.constant 1 : i32
      %scan3A_628:2 = scf.for %scan3A_1137 = %scan3A_624 to %scan3A_626 step %scan3A_627 iter_args(%scan3A_1138 = %broadcast_in_dim3A_623, %scan3A_1139 = %broadcast_in_dim3A_623) -> (vector<16xf32>, vector<16xf32>)  : i32 {
        %mul3A_1140 = arith.constant 8 : i32
        %mul3A_1141 = arith.muli %scan3A_1137, %mul3A_1140 : i32
        %add3A_1142 = arith.constant 0 : i32
        %add3A_1143 = arith.addi %add3A_1142, %mul3A_1141 : i32
        %add3A_1144 = vector.broadcast %add3A_1143 : i32 to vector<16xi32>
        %add3A_1145 = arith.addi %select_n3A, %add3A_1144 : vector<16xi32>
        %gather3A = tpu.vector_load_idx %arg9[%add3A_1145, %and3A_9] : memref<3200x8xf32, #tpu.memory_space<vmem>>[vector<16xi32>, vector<16xi32>], vector<16xf32>,
        %add3A_1146 = arith.addf %scan3A_1138, %gather3A : vector<16xf32>
        %add3A_1147 = arith.constant 2 : i32
        %add3A_1148 = arith.addi %add3A_1143, %add3A_1147 : i32
        %add3A_1149 = vector.broadcast %add3A_1148 : i32 to vector<16xi32>
        %add3A_1150 = arith.addi %select_n3A, %add3A_1149 : vector<16xi32>
        %gather3A_1151 = tpu.vector_load_idx %arg9[%add3A_1150, %and3A_9] : memref<3200x8xf32, #tpu.memory_space<vmem>>[vector<16xi32>, vector<16xi32>], vector<16xf32>,
        %add3A_1152 = arith.addf %scan3A_1139, %gather3A_1151 : vector<16xf32>
        %add3A_1153 = arith.constant 4 : i32
        %add3A_1154 = arith.addi %add3A_1143, %add3A_1153 : i32
        %add3A_1155 = vector.broadcast %add3A_1154 : i32 to vector<16xi32>
        %add3A_1156 = arith.addi %select_n3A, %add3A_1155 : vector<16xi32>
        %gather3A_1157 = tpu.vector_load_idx %arg9[%add3A_1156, %and3A_9] : memref<3200x8xf32, #tpu.memory_space<vmem>>[vector<16xi32>, vector<16xi32>], vector<16xf32>,
        %add3A_1158 = arith.addf %add3A_1146, %gather3A_1157 : vector<16xf32>
        %add3A_1159 = arith.constant 6 : i32
        %add3A_1160 = arith.addi %add3A_1143, %add3A_1159 : i32
        %add3A_1161 = vector.broadcast %add3A_1160 : i32 to vector<16xi32>
        %add3A_1162 = arith.addi %select_n3A, %add3A_1161 : vector<16xi32>
        %gather3A_1163 = tpu.vector_load_idx %arg9[%add3A_1162, %and3A_9] : memref<3200x8xf32, #tpu.memory_space<vmem>>[vector<16xi32>, vector<16xi32>], vector<16xf32>,
        %add3A_1164 = arith.addf %add3A_1152, %gather3A_1163 : vector<16xf32>
        scf.yield %add3A_1158, %add3A_1164 : vector<16xf32>, vector<16xf32>
      }
      %scan3A_629 = arith.constant 25 : i32
      %add3A_630 = arith.addf %scan3A_628#0, %scan3A_628#1 : vector<16xf32>
      %swap3A_631 = arith.constant 0 : index
      %swap3A_632 = tpu.vector_load %arg11[%swap3A_631] {strides = array<i32>} : memref<24xf32, #tpu.memory_space<vmem>>, vector<16xf32>,
      tpu.vector_store %arg11[%swap3A_631], %add3A_630 {strides = array<i32>} : memref<24xf32, #tpu.memory_space<vmem>>, vector<16xf32>,
      %get3A_633 = arith.constant 0 : index
      %get3A_634 = tpu.vector_load %arg11[%get3A_633] {strides = array<i32>} : memref<24xf32, #tpu.memory_space<vmem>>, vector<16xf32>,
      %get3A_635 = arith.constant 8 : index
      %get3A_636 = tpu.vector_load %arg11[%get3A_635] {strides = array<i32>} : memref<24xf32, #tpu.memory_space<vmem>>, vector<16xf32>,
      %add3A_637 = arith.addf %get3A_634, %get3A_636 : vector<16xf32>
      %mul3A_638 = arith.constant 5.000000e-03 : f32
      %mul3A_639 = vector.broadcast %mul3A_638 : f32 to vector<16xf32>
      %mul3A_640 = arith.mulf %add3A_637, %mul3A_639 : vector<16xf32>
      %add3A_641 = arith.addf %mul3A_640, %get3A_1 : vector<16xf32>
      %neg3A_642 = arith.constant 0.000000e+00 : f32
      %neg3A_643 = vector.broadcast %neg3A_642 : f32 to vector<16xf32>
      %neg3A_644 = arith.subf %neg3A_643, %add3A_641 : vector<16xf32>
      %exp3A_645 = math.exp %neg3A_644 : vector<16xf32>
      %add3A_646 = arith.constant 1.000000e+00 : f32
      %add3A_647 = vector.broadcast %add3A_646 : f32 to vector<16xf32>
      %add3A_648 = arith.addf %add3A_647, %exp3A_645 : vector<16xf32>
      %div3A_649 = arith.constant 1.000000e+00 : f32
      %div3A_650 = vector.broadcast %div3A_649 : f32 to vector<16xf32>
      %div3A_651 = arith.divf %div3A_650, %add3A_648 : vector<16xf32>
      %swap3A_652 = arith.constant 0 : index
      %swap3A_653 = tpu.vector_load %arg10[%swap3A_652] {strides = array<i32>} : memref<136xf32, #tpu.memory_space<vmem>>, vector<16xf32>,
      tpu.vector_store %arg10[%swap3A_652], %div3A_651 {strides = array<i32>} : memref<136xf32, #tpu.memory_space<vmem>>, vector<16xf32>,
      %broadcast_in_dim3A_654 = arith.constant 0.000000e+00 : f32
      %broadcast_in_dim3A_655 = vector.broadcast %broadcast_in_dim3A_654 : f32 to vector<16xf32>
      %scan3A_656 = arith.constant 0 : i32
      %scan3A_657 = arith.constant 25 : i32
      %scan3A_658 = arith.addi %scan3A_656, %scan3A_657 : i32
      %scan3A_659 = arith.constant 1 : i32
      %scan3A_660:2 = scf.for %scan3A_1137 = %scan3A_656 to %scan3A_658 step %scan3A_659 iter_args(%scan3A_1138 = %broadcast_in_dim3A_655, %scan3A_1139 = %broadcast_in_dim3A_655) -> (vector<16xf32>, vector<16xf32>)  : i32 {
        %mul3A_1140 = arith.constant 8 : i32
        %mul3A_1141 = arith.muli %scan3A_1137, %mul3A_1140 : i32
        %add3A_1142 = arith.constant 200 : i32
        %add3A_1143 = arith.addi %add3A_1142, %mul3A_1141 : i32
        %add3A_1144 = vector.broadcast %add3A_1143 : i32 to vector<16xi32>
        %add3A_1145 = arith.addi %select_n3A, %add3A_1144 : vector<16xi32>
        %gather3A = tpu.vector_load_idx %arg9[%add3A_1145, %and3A_9] : memref<3200x8xf32, #tpu.memory_space<vmem>>[vector<16xi32>, vector<16xi32>], vector<16xf32>,
        %add3A_1146 = arith.addf %scan3A_1138, %gather3A : vector<16xf32>
        %add3A_1147 = arith.constant 2 : i32
        %add3A_1148 = arith.addi %add3A_1143, %add3A_1147 : i32
        %add3A_1149 = vector.broadcast %add3A_1148 : i32 to vector<16xi32>
        %add3A_1150 = arith.addi %select_n3A, %add3A_1149 : vector<16xi32>
        %gather3A_1151 = tpu.vector_load_idx %arg9[%add3A_1150, %and3A_9] : memref<3200x8xf32, #tpu.memory_space<vmem>>[vector<16xi32>, vector<16xi32>], vector<16xf32>,
        %add3A_1152 = arith.addf %scan3A_1139, %gather3A_1151 : vector<16xf32>
        %add3A_1153 = arith.constant 4 : i32
        %add3A_1154 = arith.addi %add3A_1143, %add3A_1153 : i32
        %add3A_1155 = vector.broadcast %add3A_1154 : i32 to vector<16xi32>
        %add3A_1156 = arith.addi %select_n3A, %add3A_1155 : vector<16xi32>
        %gather3A_1157 = tpu.vector_load_idx %arg9[%add3A_1156, %and3A_9] : memref<3200x8xf32, #tpu.memory_space<vmem>>[vector<16xi32>, vector<16xi32>], vector<16xf32>,
        %add3A_1158 = arith.addf %add3A_1146, %gather3A_1157 : vector<16xf32>
        %add3A_1159 = arith.constant 6 : i32
        %add3A_1160 = arith.addi %add3A_1143, %add3A_1159 : i32
        %add3A_1161 = vector.broadcast %add3A_1160 : i32 to vector<16xi32>
        %add3A_1162 = arith.addi %select_n3A, %add3A_1161 : vector<16xi32>
        %gather3A_1163 = tpu.vector_load_idx %arg9[%add3A_1162, %and3A_9] : memref<3200x8xf32, #tpu.memory_space<vmem>>[vector<16xi32>, vector<16xi32>], vector<16xf32>,
        %add3A_1164 = arith.addf %add3A_1152, %gather3A_1163 : vector<16xf32>
        scf.yield %add3A_1158, %add3A_1164 : vector<16xf32>, vector<16xf32>
      }
      %scan3A_661 = arith.constant 25 : i32
      %add3A_662 = arith.addf %scan3A_660#0, %scan3A_660#1 : vector<16xf32>
      %swap3A_663 = arith.constant 0 : index
      %swap3A_664 = tpu.vector_load %arg11[%swap3A_663] {strides = array<i32>} : memref<24xf32, #tpu.memory_space<vmem>>, vector<16xf32>,
      tpu.vector_store %arg11[%swap3A_663], %add3A_662 {strides = array<i32>} : memref<24xf32, #tpu.memory_space<vmem>>, vector<16xf32>,
      %get3A_665 = arith.constant 0 : index
      %get3A_666 = tpu.vector_load %arg11[%get3A_665] {strides = array<i32>} : memref<24xf32, #tpu.memory_space<vmem>>, vector<16xf32>,
      %get3A_667 = arith.constant 8 : index
      %get3A_668 = tpu.vector_load %arg11[%get3A_667] {strides = array<i32>} : memref<24xf32, #tpu.memory_space<vmem>>, vector<16xf32>,
      %add3A_669 = arith.addf %get3A_666, %get3A_668 : vector<16xf32>
      %mul3A_670 = arith.constant 5.000000e-03 : f32
      %mul3A_671 = vector.broadcast %mul3A_670 : f32 to vector<16xf32>
      %mul3A_672 = arith.mulf %add3A_669, %mul3A_671 : vector<16xf32>
      %add3A_673 = arith.addf %mul3A_672, %get3A_1 : vector<16xf32>
      %neg3A_674 = arith.constant 0.000000e+00 : f32
      %neg3A_675 = vector.broadcast %neg3A_674 : f32 to vector<16xf32>
      %neg3A_676 = arith.subf %neg3A_675, %add3A_673 : vector<16xf32>
      %exp3A_677 = math.exp %neg3A_676 : vector<16xf32>
      %add3A_678 = arith.constant 1.000000e+00 : f32
      %add3A_679 = vector.broadcast %add3A_678 : f32 to vector<16xf32>
      %add3A_680 = arith.addf %add3A_679, %exp3A_677 : vector<16xf32>
      %div3A_681 = arith.constant 1.000000e+00 : f32
      %div3A_682 = vector.broadcast %div3A_681 : f32 to vector<16xf32>
      %div3A_683 = arith.divf %div3A_682, %add3A_680 : vector<16xf32>
      %swap3A_684 = arith.constant 8 : index
      %swap3A_685 = tpu.vector_load %arg10[%swap3A_684] {strides = array<i32>} : memref<136xf32, #tpu.memory_space<vmem>>, vector<16xf32>,
      tpu.vector_store %arg10[%swap3A_684], %div3A_683 {strides = array<i32>} : memref<136xf32, #tpu.memory_space<vmem>>, vector<16xf32>,
      %broadcast_in_dim3A_686 = arith.constant 0.000000e+00 : f32
      %broadcast_in_dim3A_687 = vector.broadcast %broadcast_in_dim3A_686 : f32 to vector<16xf32>
      %scan3A_688 = arith.constant 0 : i32
      %scan3A_689 = arith.constant 25 : i32
      %scan3A_690 = arith.addi %scan3A_688, %scan3A_689 : i32
      %scan3A_691 = arith.constant 1 : i32
      %scan3A_692:2 = scf.for %scan3A_1137 = %scan3A_688 to %scan3A_690 step %scan3A_691 iter_args(%scan3A_1138 = %broadcast_in_dim3A_687, %scan3A_1139 = %broadcast_in_dim3A_687) -> (vector<16xf32>, vector<16xf32>)  : i32 {
        %mul3A_1140 = arith.constant 8 : i32
        %mul3A_1141 = arith.muli %scan3A_1137, %mul3A_1140 : i32
        %add3A_1142 = arith.constant 400 : i32
        %add3A_1143 = arith.addi %add3A_1142, %mul3A_1141 : i32
        %add3A_1144 = vector.broadcast %add3A_1143 : i32 to vector<16xi32>
        %add3A_1145 = arith.addi %select_n3A, %add3A_1144 : vector<16xi32>
        %gather3A = tpu.vector_load_idx %arg9[%add3A_1145, %and3A_9] : memref<3200x8xf32, #tpu.memory_space<vmem>>[vector<16xi32>, vector<16xi32>], vector<16xf32>,
        %add3A_1146 = arith.addf %scan3A_1138, %gather3A : vector<16xf32>
        %add3A_1147 = arith.constant 2 : i32
        %add3A_1148 = arith.addi %add3A_1143, %add3A_1147 : i32
        %add3A_1149 = vector.broadcast %add3A_1148 : i32 to vector<16xi32>
        %add3A_1150 = arith.addi %select_n3A, %add3A_1149 : vector<16xi32>
        %gather3A_1151 = tpu.vector_load_idx %arg9[%add3A_1150, %and3A_9] : memref<3200x8xf32, #tpu.memory_space<vmem>>[vector<16xi32>, vector<16xi32>], vector<16xf32>,
        %add3A_1152 = arith.addf %scan3A_1139, %gather3A_1151 : vector<16xf32>
        %add3A_1153 = arith.constant 4 : i32
        %add3A_1154 = arith.addi %add3A_1143, %add3A_1153 : i32
        %add3A_1155 = vector.broadcast %add3A_1154 : i32 to vector<16xi32>
        %add3A_1156 = arith.addi %select_n3A, %add3A_1155 : vector<16xi32>
        %gather3A_1157 = tpu.vector_load_idx %arg9[%add3A_1156, %and3A_9] : memref<3200x8xf32, #tpu.memory_space<vmem>>[vector<16xi32>, vector<16xi32>], vector<16xf32>,
        %add3A_1158 = arith.addf %add3A_1146, %gather3A_1157 : vector<16xf32>
        %add3A_1159 = arith.constant 6 : i32
        %add3A_1160 = arith.addi %add3A_1143, %add3A_1159 : i32
        %add3A_1161 = vector.broadcast %add3A_1160 : i32 to vector<16xi32>
        %add3A_1162 = arith.addi %select_n3A, %add3A_1161 : vector<16xi32>
        %gather3A_1163 = tpu.vector_load_idx %arg9[%add3A_1162, %and3A_9] : memref<3200x8xf32, #tpu.memory_space<vmem>>[vector<16xi32>, vector<16xi32>], vector<16xf32>,
        %add3A_1164 = arith.addf %add3A_1152, %gather3A_1163 : vector<16xf32>
        scf.yield %add3A_1158, %add3A_1164 : vector<16xf32>, vector<16xf32>
      }
      %scan3A_693 = arith.constant 25 : i32
      %add3A_694 = arith.addf %scan3A_692#0, %scan3A_692#1 : vector<16xf32>
      %swap3A_695 = arith.constant 0 : index
      %swap3A_696 = tpu.vector_load %arg11[%swap3A_695] {strides = array<i32>} : memref<24xf32, #tpu.memory_space<vmem>>, vector<16xf32>,
      tpu.vector_store %arg11[%swap3A_695], %add3A_694 {strides = array<i32>} : memref<24xf32, #tpu.memory_space<vmem>>, vector<16xf32>,
      %get3A_697 = arith.constant 0 : index
      %get3A_698 = tpu.vector_load %arg11[%get3A_697] {strides = array<i32>} : memref<24xf32, #tpu.memory_space<vmem>>, vector<16xf32>,
      %get3A_699 = arith.constant 8 : index
      %get3A_700 = tpu.vector_load %arg11[%get3A_699] {strides = array<i32>} : memref<24xf32, #tpu.memory_space<vmem>>, vector<16xf32>,
      %add3A_701 = arith.addf %get3A_698, %get3A_700 : vector<16xf32>
      %mul3A_702 = arith.constant 5.000000e-03 : f32
      %mul3A_703 = vector.broadcast %mul3A_702 : f32 to vector<16xf32>
      %mul3A_704 = arith.mulf %add3A_701, %mul3A_703 : vector<16xf32>
      %add3A_705 = arith.addf %mul3A_704, %get3A_1 : vector<16xf32>
      %neg3A_706 = arith.constant 0.000000e+00 : f32
      %neg3A_707 = vector.broadcast %neg3A_706 : f32 to vector<16xf32>
      %neg3A_708 = arith.subf %neg3A_707, %add3A_705 : vector<16xf32>
      %exp3A_709 = math.exp %neg3A_708 : vector<16xf32>
      %add3A_710 = arith.constant 1.000000e+00 : f32
      %add3A_711 = vector.broadcast %add3A_710 : f32 to vector<16xf32>
      %add3A_712 = arith.addf %add3A_711, %exp3A_709 : vector<16xf32>
      %div3A_713 = arith.constant 1.000000e+00 : f32
      %div3A_714 = vector.broadcast %div3A_713 : f32 to vector<16xf32>
      %div3A_715 = arith.divf %div3A_714, %add3A_712 : vector<16xf32>
      %swap3A_716 = arith.constant 16 : index
      %swap3A_717 = tpu.vector_load %arg10[%swap3A_716] {strides = array<i32>} : memref<136xf32, #tpu.memory_space<vmem>>, vector<16xf32>,
      tpu.vector_store %arg10[%swap3A_716], %div3A_715 {strides = array<i32>} : memref<136xf32, #tpu.memory_space<vmem>>, vector<16xf32>,
      %broadcast_in_dim3A_718 = arith.constant 0.000000e+00 : f32
      %broadcast_in_dim3A_719 = vector.broadcast %broadcast_in_dim3A_718 : f32 to vector<16xf32>
      %scan3A_720 = arith.constant 0 : i32
      %scan3A_721 = arith.constant 25 : i32
      %scan3A_722 = arith.addi %scan3A_720, %scan3A_721 : i32
      %scan3A_723 = arith.constant 1 : i32
      %scan3A_724:2 = scf.for %scan3A_1137 = %scan3A_720 to %scan3A_722 step %scan3A_723 iter_args(%scan3A_1138 = %broadcast_in_dim3A_719, %scan3A_1139 = %broadcast_in_dim3A_719) -> (vector<16xf32>, vector<16xf32>)  : i32 {
        %mul3A_1140 = arith.constant 8 : i32
        %mul3A_1141 = arith.muli %scan3A_1137, %mul3A_1140 : i32
        %add3A_1142 = arith.constant 600 : i32
        %add3A_1143 = arith.addi %add3A_1142, %mul3A_1141 : i32
        %add3A_1144 = vector.broadcast %add3A_1143 : i32 to vector<16xi32>
        %add3A_1145 = arith.addi %select_n3A, %add3A_1144 : vector<16xi32>
        %gather3A = tpu.vector_load_idx %arg9[%add3A_1145, %and3A_9] : memref<3200x8xf32, #tpu.memory_space<vmem>>[vector<16xi32>, vector<16xi32>], vector<16xf32>,
        %add3A_1146 = arith.addf %scan3A_1138, %gather3A : vector<16xf32>
        %add3A_1147 = arith.constant 2 : i32
        %add3A_1148 = arith.addi %add3A_1143, %add3A_1147 : i32
        %add3A_1149 = vector.broadcast %add3A_1148 : i32 to vector<16xi32>
        %add3A_1150 = arith.addi %select_n3A, %add3A_1149 : vector<16xi32>
        %gather3A_1151 = tpu.vector_load_idx %arg9[%add3A_1150, %and3A_9] : memref<3200x8xf32, #tpu.memory_space<vmem>>[vector<16xi32>, vector<16xi32>], vector<16xf32>,
        %add3A_1152 = arith.addf %scan3A_1139, %gather3A_1151 : vector<16xf32>
        %add3A_1153 = arith.constant 4 : i32
        %add3A_1154 = arith.addi %add3A_1143, %add3A_1153 : i32
        %add3A_1155 = vector.broadcast %add3A_1154 : i32 to vector<16xi32>
        %add3A_1156 = arith.addi %select_n3A, %add3A_1155 : vector<16xi32>
        %gather3A_1157 = tpu.vector_load_idx %arg9[%add3A_1156, %and3A_9] : memref<3200x8xf32, #tpu.memory_space<vmem>>[vector<16xi32>, vector<16xi32>], vector<16xf32>,
        %add3A_1158 = arith.addf %add3A_1146, %gather3A_1157 : vector<16xf32>
        %add3A_1159 = arith.constant 6 : i32
        %add3A_1160 = arith.addi %add3A_1143, %add3A_1159 : i32
        %add3A_1161 = vector.broadcast %add3A_1160 : i32 to vector<16xi32>
        %add3A_1162 = arith.addi %select_n3A, %add3A_1161 : vector<16xi32>
        %gather3A_1163 = tpu.vector_load_idx %arg9[%add3A_1162, %and3A_9] : memref<3200x8xf32, #tpu.memory_space<vmem>>[vector<16xi32>, vector<16xi32>], vector<16xf32>,
        %add3A_1164 = arith.addf %add3A_1152, %gather3A_1163 : vector<16xf32>
        scf.yield %add3A_1158, %add3A_1164 : vector<16xf32>, vector<16xf32>
      }
      %scan3A_725 = arith.constant 25 : i32
      %add3A_726 = arith.addf %scan3A_724#0, %scan3A_724#1 : vector<16xf32>
      %swap3A_727 = arith.constant 0 : index
      %swap3A_728 = tpu.vector_load %arg11[%swap3A_727] {strides = array<i32>} : memref<24xf32, #tpu.memory_space<vmem>>, vector<16xf32>,
      tpu.vector_store %arg11[%swap3A_727], %add3A_726 {strides = array<i32>} : memref<24xf32, #tpu.memory_space<vmem>>, vector<16xf32>,
      %get3A_729 = arith.constant 0 : index
      %get3A_730 = tpu.vector_load %arg11[%get3A_729] {strides = array<i32>} : memref<24xf32, #tpu.memory_space<vmem>>, vector<16xf32>,
      %get3A_731 = arith.constant 8 : index
      %get3A_732 = tpu.vector_load %arg11[%get3A_731] {strides = array<i32>} : memref<24xf32, #tpu.memory_space<vmem>>, vector<16xf32>,
      %add3A_733 = arith.addf %get3A_730, %get3A_732 : vector<16xf32>
      %mul3A_734 = arith.constant 5.000000e-03 : f32
      %mul3A_735 = vector.broadcast %mul3A_734 : f32 to vector<16xf32>
      %mul3A_736 = arith.mulf %add3A_733, %mul3A_735 : vector<16xf32>
      %add3A_737 = arith.addf %mul3A_736, %get3A_1 : vector<16xf32>
      %neg3A_738 = arith.constant 0.000000e+00 : f32
      %neg3A_739 = vector.broadcast %neg3A_738 : f32 to vector<16xf32>
      %neg3A_740 = arith.subf %neg3A_739, %add3A_737 : vector<16xf32>
      %exp3A_741 = math.exp %neg3A_740 : vector<16xf32>
      %add3A_742 = arith.constant 1.000000e+00 : f32
      %add3A_743 = vector.broadcast %add3A_742 : f32 to vector<16xf32>
      %add3A_744 = arith.addf %add3A_743, %exp3A_741 : vector<16xf32>
      %div3A_745 = arith.constant 1.000000e+00 : f32
      %div3A_746 = vector.broadcast %div3A_745 : f32 to vector<16xf32>
      %div3A_747 = arith.divf %div3A_746, %add3A_744 : vector<16xf32>
      %swap3A_748 = arith.constant 24 : index
      %swap3A_749 = tpu.vector_load %arg10[%swap3A_748] {strides = array<i32>} : memref<136xf32, #tpu.memory_space<vmem>>, vector<16xf32>,
      tpu.vector_store %arg10[%swap3A_748], %div3A_747 {strides = array<i32>} : memref<136xf32, #tpu.memory_space<vmem>>, vector<16xf32>,
      %broadcast_in_dim3A_750 = arith.constant 0.000000e+00 : f32
      %broadcast_in_dim3A_751 = vector.broadcast %broadcast_in_dim3A_750 : f32 to vector<16xf32>
      %scan3A_752 = arith.constant 0 : i32
      %scan3A_753 = arith.constant 25 : i32
      %scan3A_754 = arith.addi %scan3A_752, %scan3A_753 : i32
      %scan3A_755 = arith.constant 1 : i32
      %scan3A_756:2 = scf.for %scan3A_1137 = %scan3A_752 to %scan3A_754 step %scan3A_755 iter_args(%scan3A_1138 = %broadcast_in_dim3A_751, %scan3A_1139 = %broadcast_in_dim3A_751) -> (vector<16xf32>, vector<16xf32>)  : i32 {
        %mul3A_1140 = arith.constant 8 : i32
        %mul3A_1141 = arith.muli %scan3A_1137, %mul3A_1140 : i32
        %add3A_1142 = arith.constant 800 : i32
        %add3A_1143 = arith.addi %add3A_1142, %mul3A_1141 : i32
        %add3A_1144 = vector.broadcast %add3A_1143 : i32 to vector<16xi32>
        %add3A_1145 = arith.addi %select_n3A, %add3A_1144 : vector<16xi32>
        %gather3A = tpu.vector_load_idx %arg9[%add3A_1145, %and3A_9] : memref<3200x8xf32, #tpu.memory_space<vmem>>[vector<16xi32>, vector<16xi32>], vector<16xf32>,
        %add3A_1146 = arith.addf %scan3A_1138, %gather3A : vector<16xf32>
        %add3A_1147 = arith.constant 2 : i32
        %add3A_1148 = arith.addi %add3A_1143, %add3A_1147 : i32
        %add3A_1149 = vector.broadcast %add3A_1148 : i32 to vector<16xi32>
        %add3A_1150 = arith.addi %select_n3A, %add3A_1149 : vector<16xi32>
        %gather3A_1151 = tpu.vector_load_idx %arg9[%add3A_1150, %and3A_9] : memref<3200x8xf32, #tpu.memory_space<vmem>>[vector<16xi32>, vector<16xi32>], vector<16xf32>,
        %add3A_1152 = arith.addf %scan3A_1139, %gather3A_1151 : vector<16xf32>
        %add3A_1153 = arith.constant 4 : i32
        %add3A_1154 = arith.addi %add3A_1143, %add3A_1153 : i32
        %add3A_1155 = vector.broadcast %add3A_1154 : i32 to vector<16xi32>
        %add3A_1156 = arith.addi %select_n3A, %add3A_1155 : vector<16xi32>
        %gather3A_1157 = tpu.vector_load_idx %arg9[%add3A_1156, %and3A_9] : memref<3200x8xf32, #tpu.memory_space<vmem>>[vector<16xi32>, vector<16xi32>], vector<16xf32>,
        %add3A_1158 = arith.addf %add3A_1146, %gather3A_1157 : vector<16xf32>
        %add3A_1159 = arith.constant 6 : i32
        %add3A_1160 = arith.addi %add3A_1143, %add3A_1159 : i32
        %add3A_1161 = vector.broadcast %add3A_1160 : i32 to vector<16xi32>
        %add3A_1162 = arith.addi %select_n3A, %add3A_1161 : vector<16xi32>
        %gather3A_1163 = tpu.vector_load_idx %arg9[%add3A_1162, %and3A_9] : memref<3200x8xf32, #tpu.memory_space<vmem>>[vector<16xi32>, vector<16xi32>], vector<16xf32>,
        %add3A_1164 = arith.addf %add3A_1152, %gather3A_1163 : vector<16xf32>
        scf.yield %add3A_1158, %add3A_1164 : vector<16xf32>, vector<16xf32>
      }
      %scan3A_757 = arith.constant 25 : i32
      %add3A_758 = arith.addf %scan3A_756#0, %scan3A_756#1 : vector<16xf32>
      %swap3A_759 = arith.constant 0 : index
      %swap3A_760 = tpu.vector_load %arg11[%swap3A_759] {strides = array<i32>} : memref<24xf32, #tpu.memory_space<vmem>>, vector<16xf32>,
      tpu.vector_store %arg11[%swap3A_759], %add3A_758 {strides = array<i32>} : memref<24xf32, #tpu.memory_space<vmem>>, vector<16xf32>,
      %get3A_761 = arith.constant 0 : index
      %get3A_762 = tpu.vector_load %arg11[%get3A_761] {strides = array<i32>} : memref<24xf32, #tpu.memory_space<vmem>>, vector<16xf32>,
      %get3A_763 = arith.constant 8 : index
      %get3A_764 = tpu.vector_load %arg11[%get3A_763] {strides = array<i32>} : memref<24xf32, #tpu.memory_space<vmem>>, vector<16xf32>,
      %add3A_765 = arith.addf %get3A_762, %get3A_764 : vector<16xf32>
      %mul3A_766 = arith.constant 5.000000e-03 : f32
      %mul3A_767 = vector.broadcast %mul3A_766 : f32 to vector<16xf32>
      %mul3A_768 = arith.mulf %add3A_765, %mul3A_767 : vector<16xf32>
      %add3A_769 = arith.addf %mul3A_768, %get3A_1 : vector<16xf32>
      %neg3A_770 = arith.constant 0.000000e+00 : f32
      %neg3A_771 = vector.broadcast %neg3A_770 : f32 to vector<16xf32>
      %neg3A_772 = arith.subf %neg3A_771, %add3A_769 : vector<16xf32>
      %exp3A_773 = math.exp %neg3A_772 : vector<16xf32>
      %add3A_774 = arith.constant 1.000000e+00 : f32
      %add3A_775 = vector.broadcast %add3A_774 : f32 to vector<16xf32>
      %add3A_776 = arith.addf %add3A_775, %exp3A_773 : vector<16xf32>
      %div3A_777 = arith.constant 1.000000e+00 : f32
      %div3A_778 = vector.broadcast %div3A_777 : f32 to vector<16xf32>
      %div3A_779 = arith.divf %div3A_778, %add3A_776 : vector<16xf32>
      %swap3A_780 = arith.constant 32 : index
      %swap3A_781 = tpu.vector_load %arg10[%swap3A_780] {strides = array<i32>} : memref<136xf32, #tpu.memory_space<vmem>>, vector<16xf32>,
      tpu.vector_store %arg10[%swap3A_780], %div3A_779 {strides = array<i32>} : memref<136xf32, #tpu.memory_space<vmem>>, vector<16xf32>,
      %broadcast_in_dim3A_782 = arith.constant 0.000000e+00 : f32
      %broadcast_in_dim3A_783 = vector.broadcast %broadcast_in_dim3A_782 : f32 to vector<16xf32>
      %scan3A_784 = arith.constant 0 : i32
      %scan3A_785 = arith.constant 25 : i32
      %scan3A_786 = arith.addi %scan3A_784, %scan3A_785 : i32
      %scan3A_787 = arith.constant 1 : i32
      %scan3A_788:2 = scf.for %scan3A_1137 = %scan3A_784 to %scan3A_786 step %scan3A_787 iter_args(%scan3A_1138 = %broadcast_in_dim3A_783, %scan3A_1139 = %broadcast_in_dim3A_783) -> (vector<16xf32>, vector<16xf32>)  : i32 {
        %mul3A_1140 = arith.constant 8 : i32
        %mul3A_1141 = arith.muli %scan3A_1137, %mul3A_1140 : i32
        %add3A_1142 = arith.constant 1000 : i32
        %add3A_1143 = arith.addi %add3A_1142, %mul3A_1141 : i32
        %add3A_1144 = vector.broadcast %add3A_1143 : i32 to vector<16xi32>
        %add3A_1145 = arith.addi %select_n3A, %add3A_1144 : vector<16xi32>
        %gather3A = tpu.vector_load_idx %arg9[%add3A_1145, %and3A_9] : memref<3200x8xf32, #tpu.memory_space<vmem>>[vector<16xi32>, vector<16xi32>], vector<16xf32>,
        %add3A_1146 = arith.addf %scan3A_1138, %gather3A : vector<16xf32>
        %add3A_1147 = arith.constant 2 : i32
        %add3A_1148 = arith.addi %add3A_1143, %add3A_1147 : i32
        %add3A_1149 = vector.broadcast %add3A_1148 : i32 to vector<16xi32>
        %add3A_1150 = arith.addi %select_n3A, %add3A_1149 : vector<16xi32>
        %gather3A_1151 = tpu.vector_load_idx %arg9[%add3A_1150, %and3A_9] : memref<3200x8xf32, #tpu.memory_space<vmem>>[vector<16xi32>, vector<16xi32>], vector<16xf32>,
        %add3A_1152 = arith.addf %scan3A_1139, %gather3A_1151 : vector<16xf32>
        %add3A_1153 = arith.constant 4 : i32
        %add3A_1154 = arith.addi %add3A_1143, %add3A_1153 : i32
        %add3A_1155 = vector.broadcast %add3A_1154 : i32 to vector<16xi32>
        %add3A_1156 = arith.addi %select_n3A, %add3A_1155 : vector<16xi32>
        %gather3A_1157 = tpu.vector_load_idx %arg9[%add3A_1156, %and3A_9] : memref<3200x8xf32, #tpu.memory_space<vmem>>[vector<16xi32>, vector<16xi32>], vector<16xf32>,
        %add3A_1158 = arith.addf %add3A_1146, %gather3A_1157 : vector<16xf32>
        %add3A_1159 = arith.constant 6 : i32
        %add3A_1160 = arith.addi %add3A_1143, %add3A_1159 : i32
        %add3A_1161 = vector.broadcast %add3A_1160 : i32 to vector<16xi32>
        %add3A_1162 = arith.addi %select_n3A, %add3A_1161 : vector<16xi32>
        %gather3A_1163 = tpu.vector_load_idx %arg9[%add3A_1162, %and3A_9] : memref<3200x8xf32, #tpu.memory_space<vmem>>[vector<16xi32>, vector<16xi32>], vector<16xf32>,
        %add3A_1164 = arith.addf %add3A_1152, %gather3A_1163 : vector<16xf32>
        scf.yield %add3A_1158, %add3A_1164 : vector<16xf32>, vector<16xf32>
      }
      %scan3A_789 = arith.constant 25 : i32
      %add3A_790 = arith.addf %scan3A_788#0, %scan3A_788#1 : vector<16xf32>
      %swap3A_791 = arith.constant 0 : index
      %swap3A_792 = tpu.vector_load %arg11[%swap3A_791] {strides = array<i32>} : memref<24xf32, #tpu.memory_space<vmem>>, vector<16xf32>,
      tpu.vector_store %arg11[%swap3A_791], %add3A_790 {strides = array<i32>} : memref<24xf32, #tpu.memory_space<vmem>>, vector<16xf32>,
      %get3A_793 = arith.constant 0 : index
      %get3A_794 = tpu.vector_load %arg11[%get3A_793] {strides = array<i32>} : memref<24xf32, #tpu.memory_space<vmem>>, vector<16xf32>,
      %get3A_795 = arith.constant 8 : index
      %get3A_796 = tpu.vector_load %arg11[%get3A_795] {strides = array<i32>} : memref<24xf32, #tpu.memory_space<vmem>>, vector<16xf32>,
      %add3A_797 = arith.addf %get3A_794, %get3A_796 : vector<16xf32>
      %mul3A_798 = arith.constant 5.000000e-03 : f32
      %mul3A_799 = vector.broadcast %mul3A_798 : f32 to vector<16xf32>
      %mul3A_800 = arith.mulf %add3A_797, %mul3A_799 : vector<16xf32>
      %add3A_801 = arith.addf %mul3A_800, %get3A_1 : vector<16xf32>
      %neg3A_802 = arith.constant 0.000000e+00 : f32
      %neg3A_803 = vector.broadcast %neg3A_802 : f32 to vector<16xf32>
      %neg3A_804 = arith.subf %neg3A_803, %add3A_801 : vector<16xf32>
      %exp3A_805 = math.exp %neg3A_804 : vector<16xf32>
      %add3A_806 = arith.constant 1.000000e+00 : f32
      %add3A_807 = vector.broadcast %add3A_806 : f32 to vector<16xf32>
      %add3A_808 = arith.addf %add3A_807, %exp3A_805 : vector<16xf32>
      %div3A_809 = arith.constant 1.000000e+00 : f32
      %div3A_810 = vector.broadcast %div3A_809 : f32 to vector<16xf32>
      %div3A_811 = arith.divf %div3A_810, %add3A_808 : vector<16xf32>
      %swap3A_812 = arith.constant 40 : index
      %swap3A_813 = tpu.vector_load %arg10[%swap3A_812] {strides = array<i32>} : memref<136xf32, #tpu.memory_space<vmem>>, vector<16xf32>,
      tpu.vector_store %arg10[%swap3A_812], %div3A_811 {strides = array<i32>} : memref<136xf32, #tpu.memory_space<vmem>>, vector<16xf32>,
      %broadcast_in_dim3A_814 = arith.constant 0.000000e+00 : f32
      %broadcast_in_dim3A_815 = vector.broadcast %broadcast_in_dim3A_814 : f32 to vector<16xf32>
      %scan3A_816 = arith.constant 0 : i32
      %scan3A_817 = arith.constant 25 : i32
      %scan3A_818 = arith.addi %scan3A_816, %scan3A_817 : i32
      %scan3A_819 = arith.constant 1 : i32
      %scan3A_820:2 = scf.for %scan3A_1137 = %scan3A_816 to %scan3A_818 step %scan3A_819 iter_args(%scan3A_1138 = %broadcast_in_dim3A_815, %scan3A_1139 = %broadcast_in_dim3A_815) -> (vector<16xf32>, vector<16xf32>)  : i32 {
        %mul3A_1140 = arith.constant 8 : i32
        %mul3A_1141 = arith.muli %scan3A_1137, %mul3A_1140 : i32
        %add3A_1142 = arith.constant 1200 : i32
        %add3A_1143 = arith.addi %add3A_1142, %mul3A_1141 : i32
        %add3A_1144 = vector.broadcast %add3A_1143 : i32 to vector<16xi32>
        %add3A_1145 = arith.addi %select_n3A, %add3A_1144 : vector<16xi32>
        %gather3A = tpu.vector_load_idx %arg9[%add3A_1145, %and3A_9] : memref<3200x8xf32, #tpu.memory_space<vmem>>[vector<16xi32>, vector<16xi32>], vector<16xf32>,
        %add3A_1146 = arith.addf %scan3A_1138, %gather3A : vector<16xf32>
        %add3A_1147 = arith.constant 2 : i32
        %add3A_1148 = arith.addi %add3A_1143, %add3A_1147 : i32
        %add3A_1149 = vector.broadcast %add3A_1148 : i32 to vector<16xi32>
        %add3A_1150 = arith.addi %select_n3A, %add3A_1149 : vector<16xi32>
        %gather3A_1151 = tpu.vector_load_idx %arg9[%add3A_1150, %and3A_9] : memref<3200x8xf32, #tpu.memory_space<vmem>>[vector<16xi32>, vector<16xi32>], vector<16xf32>,
        %add3A_1152 = arith.addf %scan3A_1139, %gather3A_1151 : vector<16xf32>
        %add3A_1153 = arith.constant 4 : i32
        %add3A_1154 = arith.addi %add3A_1143, %add3A_1153 : i32
        %add3A_1155 = vector.broadcast %add3A_1154 : i32 to vector<16xi32>
        %add3A_1156 = arith.addi %select_n3A, %add3A_1155 : vector<16xi32>
        %gather3A_1157 = tpu.vector_load_idx %arg9[%add3A_1156, %and3A_9] : memref<3200x8xf32, #tpu.memory_space<vmem>>[vector<16xi32>, vector<16xi32>], vector<16xf32>,
        %add3A_1158 = arith.addf %add3A_1146, %gather3A_1157 : vector<16xf32>
        %add3A_1159 = arith.constant 6 : i32
        %add3A_1160 = arith.addi %add3A_1143, %add3A_1159 : i32
        %add3A_1161 = vector.broadcast %add3A_1160 : i32 to vector<16xi32>
        %add3A_1162 = arith.addi %select_n3A, %add3A_1161 : vector<16xi32>
        %gather3A_1163 = tpu.vector_load_idx %arg9[%add3A_1162, %and3A_9] : memref<3200x8xf32, #tpu.memory_space<vmem>>[vector<16xi32>, vector<16xi32>], vector<16xf32>,
        %add3A_1164 = arith.addf %add3A_1152, %gather3A_1163 : vector<16xf32>
        scf.yield %add3A_1158, %add3A_1164 : vector<16xf32>, vector<16xf32>
      }
      %scan3A_821 = arith.constant 25 : i32
      %add3A_822 = arith.addf %scan3A_820#0, %scan3A_820#1 : vector<16xf32>
      %swap3A_823 = arith.constant 0 : index
      %swap3A_824 = tpu.vector_load %arg11[%swap3A_823] {strides = array<i32>} : memref<24xf32, #tpu.memory_space<vmem>>, vector<16xf32>,
      tpu.vector_store %arg11[%swap3A_823], %add3A_822 {strides = array<i32>} : memref<24xf32, #tpu.memory_space<vmem>>, vector<16xf32>,
      %get3A_825 = arith.constant 0 : index
      %get3A_826 = tpu.vector_load %arg11[%get3A_825] {strides = array<i32>} : memref<24xf32, #tpu.memory_space<vmem>>, vector<16xf32>,
      %get3A_827 = arith.constant 8 : index
      %get3A_828 = tpu.vector_load %arg11[%get3A_827] {strides = array<i32>} : memref<24xf32, #tpu.memory_space<vmem>>, vector<16xf32>,
      %add3A_829 = arith.addf %get3A_826, %get3A_828 : vector<16xf32>
      %mul3A_830 = arith.constant 5.000000e-03 : f32
      %mul3A_831 = vector.broadcast %mul3A_830 : f32 to vector<16xf32>
      %mul3A_832 = arith.mulf %add3A_829, %mul3A_831 : vector<16xf32>
      %add3A_833 = arith.addf %mul3A_832, %get3A_1 : vector<16xf32>
      %neg3A_834 = arith.constant 0.000000e+00 : f32
      %neg3A_835 = vector.broadcast %neg3A_834 : f32 to vector<16xf32>
      %neg3A_836 = arith.subf %neg3A_835, %add3A_833 : vector<16xf32>
      %exp3A_837 = math.exp %neg3A_836 : vector<16xf32>
      %add3A_838 = arith.constant 1.000000e+00 : f32
      %add3A_839 = vector.broadcast %add3A_838 : f32 to vector<16xf32>
      %add3A_840 = arith.addf %add3A_839, %exp3A_837 : vector<16xf32>
      %div3A_841 = arith.constant 1.000000e+00 : f32
      %div3A_842 = vector.broadcast %div3A_841 : f32 to vector<16xf32>
      %div3A_843 = arith.divf %div3A_842, %add3A_840 : vector<16xf32>
      %swap3A_844 = arith.constant 48 : index
      %swap3A_845 = tpu.vector_load %arg10[%swap3A_844] {strides = array<i32>} : memref<136xf32, #tpu.memory_space<vmem>>, vector<16xf32>,
      tpu.vector_store %arg10[%swap3A_844], %div3A_843 {strides = array<i32>} : memref<136xf32, #tpu.memory_space<vmem>>, vector<16xf32>,
      %broadcast_in_dim3A_846 = arith.constant 0.000000e+00 : f32
      %broadcast_in_dim3A_847 = vector.broadcast %broadcast_in_dim3A_846 : f32 to vector<16xf32>
      %scan3A_848 = arith.constant 0 : i32
      %scan3A_849 = arith.constant 25 : i32
      %scan3A_850 = arith.addi %scan3A_848, %scan3A_849 : i32
      %scan3A_851 = arith.constant 1 : i32
      %scan3A_852:2 = scf.for %scan3A_1137 = %scan3A_848 to %scan3A_850 step %scan3A_851 iter_args(%scan3A_1138 = %broadcast_in_dim3A_847, %scan3A_1139 = %broadcast_in_dim3A_847) -> (vector<16xf32>, vector<16xf32>)  : i32 {
        %mul3A_1140 = arith.constant 8 : i32
        %mul3A_1141 = arith.muli %scan3A_1137, %mul3A_1140 : i32
        %add3A_1142 = arith.constant 1400 : i32
        %add3A_1143 = arith.addi %add3A_1142, %mul3A_1141 : i32
        %add3A_1144 = vector.broadcast %add3A_1143 : i32 to vector<16xi32>
        %add3A_1145 = arith.addi %select_n3A, %add3A_1144 : vector<16xi32>
        %gather3A = tpu.vector_load_idx %arg9[%add3A_1145, %and3A_9] : memref<3200x8xf32, #tpu.memory_space<vmem>>[vector<16xi32>, vector<16xi32>], vector<16xf32>,
        %add3A_1146 = arith.addf %scan3A_1138, %gather3A : vector<16xf32>
        %add3A_1147 = arith.constant 2 : i32
        %add3A_1148 = arith.addi %add3A_1143, %add3A_1147 : i32
        %add3A_1149 = vector.broadcast %add3A_1148 : i32 to vector<16xi32>
        %add3A_1150 = arith.addi %select_n3A, %add3A_1149 : vector<16xi32>
        %gather3A_1151 = tpu.vector_load_idx %arg9[%add3A_1150, %and3A_9] : memref<3200x8xf32, #tpu.memory_space<vmem>>[vector<16xi32>, vector<16xi32>], vector<16xf32>,
        %add3A_1152 = arith.addf %scan3A_1139, %gather3A_1151 : vector<16xf32>
        %add3A_1153 = arith.constant 4 : i32
        %add3A_1154 = arith.addi %add3A_1143, %add3A_1153 : i32
        %add3A_1155 = vector.broadcast %add3A_1154 : i32 to vector<16xi32>
        %add3A_1156 = arith.addi %select_n3A, %add3A_1155 : vector<16xi32>
        %gather3A_1157 = tpu.vector_load_idx %arg9[%add3A_1156, %and3A_9] : memref<3200x8xf32, #tpu.memory_space<vmem>>[vector<16xi32>, vector<16xi32>], vector<16xf32>,
        %add3A_1158 = arith.addf %add3A_1146, %gather3A_1157 : vector<16xf32>
        %add3A_1159 = arith.constant 6 : i32
        %add3A_1160 = arith.addi %add3A_1143, %add3A_1159 : i32
        %add3A_1161 = vector.broadcast %add3A_1160 : i32 to vector<16xi32>
        %add3A_1162 = arith.addi %select_n3A, %add3A_1161 : vector<16xi32>
        %gather3A_1163 = tpu.vector_load_idx %arg9[%add3A_1162, %and3A_9] : memref<3200x8xf32, #tpu.memory_space<vmem>>[vector<16xi32>, vector<16xi32>], vector<16xf32>,
        %add3A_1164 = arith.addf %add3A_1152, %gather3A_1163 : vector<16xf32>
        scf.yield %add3A_1158, %add3A_1164 : vector<16xf32>, vector<16xf32>
      }
      %scan3A_853 = arith.constant 25 : i32
      %add3A_854 = arith.addf %scan3A_852#0, %scan3A_852#1 : vector<16xf32>
      %swap3A_855 = arith.constant 0 : index
      %swap3A_856 = tpu.vector_load %arg11[%swap3A_855] {strides = array<i32>} : memref<24xf32, #tpu.memory_space<vmem>>, vector<16xf32>,
      tpu.vector_store %arg11[%swap3A_855], %add3A_854 {strides = array<i32>} : memref<24xf32, #tpu.memory_space<vmem>>, vector<16xf32>,
      %get3A_857 = arith.constant 0 : index
      %get3A_858 = tpu.vector_load %arg11[%get3A_857] {strides = array<i32>} : memref<24xf32, #tpu.memory_space<vmem>>, vector<16xf32>,
      %get3A_859 = arith.constant 8 : index
      %get3A_860 = tpu.vector_load %arg11[%get3A_859] {strides = array<i32>} : memref<24xf32, #tpu.memory_space<vmem>>, vector<16xf32>,
      %add3A_861 = arith.addf %get3A_858, %get3A_860 : vector<16xf32>
      %mul3A_862 = arith.constant 5.000000e-03 : f32
      %mul3A_863 = vector.broadcast %mul3A_862 : f32 to vector<16xf32>
      %mul3A_864 = arith.mulf %add3A_861, %mul3A_863 : vector<16xf32>
      %add3A_865 = arith.addf %mul3A_864, %get3A_1 : vector<16xf32>
      %neg3A_866 = arith.constant 0.000000e+00 : f32
      %neg3A_867 = vector.broadcast %neg3A_866 : f32 to vector<16xf32>
      %neg3A_868 = arith.subf %neg3A_867, %add3A_865 : vector<16xf32>
      %exp3A_869 = math.exp %neg3A_868 : vector<16xf32>
      %add3A_870 = arith.constant 1.000000e+00 : f32
      %add3A_871 = vector.broadcast %add3A_870 : f32 to vector<16xf32>
      %add3A_872 = arith.addf %add3A_871, %exp3A_869 : vector<16xf32>
      %div3A_873 = arith.constant 1.000000e+00 : f32
      %div3A_874 = vector.broadcast %div3A_873 : f32 to vector<16xf32>
      %div3A_875 = arith.divf %div3A_874, %add3A_872 : vector<16xf32>
      %swap3A_876 = arith.constant 56 : index
      %swap3A_877 = tpu.vector_load %arg10[%swap3A_876] {strides = array<i32>} : memref<136xf32, #tpu.memory_space<vmem>>, vector<16xf32>,
      tpu.vector_store %arg10[%swap3A_876], %div3A_875 {strides = array<i32>} : memref<136xf32, #tpu.memory_space<vmem>>, vector<16xf32>,
      %broadcast_in_dim3A_878 = arith.constant 0.000000e+00 : f32
      %broadcast_in_dim3A_879 = vector.broadcast %broadcast_in_dim3A_878 : f32 to vector<16xf32>
      %scan3A_880 = arith.constant 0 : i32
      %scan3A_881 = arith.constant 25 : i32
      %scan3A_882 = arith.addi %scan3A_880, %scan3A_881 : i32
      %scan3A_883 = arith.constant 1 : i32
      %scan3A_884:2 = scf.for %scan3A_1137 = %scan3A_880 to %scan3A_882 step %scan3A_883 iter_args(%scan3A_1138 = %broadcast_in_dim3A_879, %scan3A_1139 = %broadcast_in_dim3A_879) -> (vector<16xf32>, vector<16xf32>)  : i32 {
        %mul3A_1140 = arith.constant 8 : i32
        %mul3A_1141 = arith.muli %scan3A_1137, %mul3A_1140 : i32
        %add3A_1142 = arith.constant 1600 : i32
        %add3A_1143 = arith.addi %add3A_1142, %mul3A_1141 : i32
        %add3A_1144 = vector.broadcast %add3A_1143 : i32 to vector<16xi32>
        %add3A_1145 = arith.addi %select_n3A, %add3A_1144 : vector<16xi32>
        %gather3A = tpu.vector_load_idx %arg9[%add3A_1145, %and3A_9] : memref<3200x8xf32, #tpu.memory_space<vmem>>[vector<16xi32>, vector<16xi32>], vector<16xf32>,
        %add3A_1146 = arith.addf %scan3A_1138, %gather3A : vector<16xf32>
        %add3A_1147 = arith.constant 2 : i32
        %add3A_1148 = arith.addi %add3A_1143, %add3A_1147 : i32
        %add3A_1149 = vector.broadcast %add3A_1148 : i32 to vector<16xi32>
        %add3A_1150 = arith.addi %select_n3A, %add3A_1149 : vector<16xi32>
        %gather3A_1151 = tpu.vector_load_idx %arg9[%add3A_1150, %and3A_9] : memref<3200x8xf32, #tpu.memory_space<vmem>>[vector<16xi32>, vector<16xi32>], vector<16xf32>,
        %add3A_1152 = arith.addf %scan3A_1139, %gather3A_1151 : vector<16xf32>
        %add3A_1153 = arith.constant 4 : i32
        %add3A_1154 = arith.addi %add3A_1143, %add3A_1153 : i32
        %add3A_1155 = vector.broadcast %add3A_1154 : i32 to vector<16xi32>
        %add3A_1156 = arith.addi %select_n3A, %add3A_1155 : vector<16xi32>
        %gather3A_1157 = tpu.vector_load_idx %arg9[%add3A_1156, %and3A_9] : memref<3200x8xf32, #tpu.memory_space<vmem>>[vector<16xi32>, vector<16xi32>], vector<16xf32>,
        %add3A_1158 = arith.addf %add3A_1146, %gather3A_1157 : vector<16xf32>
        %add3A_1159 = arith.constant 6 : i32
        %add3A_1160 = arith.addi %add3A_1143, %add3A_1159 : i32
        %add3A_1161 = vector.broadcast %add3A_1160 : i32 to vector<16xi32>
        %add3A_1162 = arith.addi %select_n3A, %add3A_1161 : vector<16xi32>
        %gather3A_1163 = tpu.vector_load_idx %arg9[%add3A_1162, %and3A_9] : memref<3200x8xf32, #tpu.memory_space<vmem>>[vector<16xi32>, vector<16xi32>], vector<16xf32>,
        %add3A_1164 = arith.addf %add3A_1152, %gather3A_1163 : vector<16xf32>
        scf.yield %add3A_1158, %add3A_1164 : vector<16xf32>, vector<16xf32>
      }
      %scan3A_885 = arith.constant 25 : i32
      %add3A_886 = arith.addf %scan3A_884#0, %scan3A_884#1 : vector<16xf32>
      %swap3A_887 = arith.constant 0 : index
      %swap3A_888 = tpu.vector_load %arg11[%swap3A_887] {strides = array<i32>} : memref<24xf32, #tpu.memory_space<vmem>>, vector<16xf32>,
      tpu.vector_store %arg11[%swap3A_887], %add3A_886 {strides = array<i32>} : memref<24xf32, #tpu.memory_space<vmem>>, vector<16xf32>,
      %get3A_889 = arith.constant 0 : index
      %get3A_890 = tpu.vector_load %arg11[%get3A_889] {strides = array<i32>} : memref<24xf32, #tpu.memory_space<vmem>>, vector<16xf32>,
      %get3A_891 = arith.constant 8 : index
      %get3A_892 = tpu.vector_load %arg11[%get3A_891] {strides = array<i32>} : memref<24xf32, #tpu.memory_space<vmem>>, vector<16xf32>,
      %add3A_893 = arith.addf %get3A_890, %get3A_892 : vector<16xf32>
      %mul3A_894 = arith.constant 5.000000e-03 : f32
      %mul3A_895 = vector.broadcast %mul3A_894 : f32 to vector<16xf32>
      %mul3A_896 = arith.mulf %add3A_893, %mul3A_895 : vector<16xf32>
      %add3A_897 = arith.addf %mul3A_896, %get3A_1 : vector<16xf32>
      %neg3A_898 = arith.constant 0.000000e+00 : f32
      %neg3A_899 = vector.broadcast %neg3A_898 : f32 to vector<16xf32>
      %neg3A_900 = arith.subf %neg3A_899, %add3A_897 : vector<16xf32>
      %exp3A_901 = math.exp %neg3A_900 : vector<16xf32>
      %add3A_902 = arith.constant 1.000000e+00 : f32
      %add3A_903 = vector.broadcast %add3A_902 : f32 to vector<16xf32>
      %add3A_904 = arith.addf %add3A_903, %exp3A_901 : vector<16xf32>
      %div3A_905 = arith.constant 1.000000e+00 : f32
      %div3A_906 = vector.broadcast %div3A_905 : f32 to vector<16xf32>
      %div3A_907 = arith.divf %div3A_906, %add3A_904 : vector<16xf32>
      %swap3A_908 = arith.constant 64 : index
      %swap3A_909 = tpu.vector_load %arg10[%swap3A_908] {strides = array<i32>} : memref<136xf32, #tpu.memory_space<vmem>>, vector<16xf32>,
      tpu.vector_store %arg10[%swap3A_908], %div3A_907 {strides = array<i32>} : memref<136xf32, #tpu.memory_space<vmem>>, vector<16xf32>,
      %broadcast_in_dim3A_910 = arith.constant 0.000000e+00 : f32
      %broadcast_in_dim3A_911 = vector.broadcast %broadcast_in_dim3A_910 : f32 to vector<16xf32>
      %scan3A_912 = arith.constant 0 : i32
      %scan3A_913 = arith.constant 25 : i32
      %scan3A_914 = arith.addi %scan3A_912, %scan3A_913 : i32
      %scan3A_915 = arith.constant 1 : i32
      %scan3A_916:2 = scf.for %scan3A_1137 = %scan3A_912 to %scan3A_914 step %scan3A_915 iter_args(%scan3A_1138 = %broadcast_in_dim3A_911, %scan3A_1139 = %broadcast_in_dim3A_911) -> (vector<16xf32>, vector<16xf32>)  : i32 {
        %mul3A_1140 = arith.constant 8 : i32
        %mul3A_1141 = arith.muli %scan3A_1137, %mul3A_1140 : i32
        %add3A_1142 = arith.constant 1800 : i32
        %add3A_1143 = arith.addi %add3A_1142, %mul3A_1141 : i32
        %add3A_1144 = vector.broadcast %add3A_1143 : i32 to vector<16xi32>
        %add3A_1145 = arith.addi %select_n3A, %add3A_1144 : vector<16xi32>
        %gather3A = tpu.vector_load_idx %arg9[%add3A_1145, %and3A_9] : memref<3200x8xf32, #tpu.memory_space<vmem>>[vector<16xi32>, vector<16xi32>], vector<16xf32>,
        %add3A_1146 = arith.addf %scan3A_1138, %gather3A : vector<16xf32>
        %add3A_1147 = arith.constant 2 : i32
        %add3A_1148 = arith.addi %add3A_1143, %add3A_1147 : i32
        %add3A_1149 = vector.broadcast %add3A_1148 : i32 to vector<16xi32>
        %add3A_1150 = arith.addi %select_n3A, %add3A_1149 : vector<16xi32>
        %gather3A_1151 = tpu.vector_load_idx %arg9[%add3A_1150, %and3A_9] : memref<3200x8xf32, #tpu.memory_space<vmem>>[vector<16xi32>, vector<16xi32>], vector<16xf32>,
        %add3A_1152 = arith.addf %scan3A_1139, %gather3A_1151 : vector<16xf32>
        %add3A_1153 = arith.constant 4 : i32
        %add3A_1154 = arith.addi %add3A_1143, %add3A_1153 : i32
        %add3A_1155 = vector.broadcast %add3A_1154 : i32 to vector<16xi32>
        %add3A_1156 = arith.addi %select_n3A, %add3A_1155 : vector<16xi32>
        %gather3A_1157 = tpu.vector_load_idx %arg9[%add3A_1156, %and3A_9] : memref<3200x8xf32, #tpu.memory_space<vmem>>[vector<16xi32>, vector<16xi32>], vector<16xf32>,
        %add3A_1158 = arith.addf %add3A_1146, %gather3A_1157 : vector<16xf32>
        %add3A_1159 = arith.constant 6 : i32
        %add3A_1160 = arith.addi %add3A_1143, %add3A_1159 : i32
        %add3A_1161 = vector.broadcast %add3A_1160 : i32 to vector<16xi32>
        %add3A_1162 = arith.addi %select_n3A, %add3A_1161 : vector<16xi32>
        %gather3A_1163 = tpu.vector_load_idx %arg9[%add3A_1162, %and3A_9] : memref<3200x8xf32, #tpu.memory_space<vmem>>[vector<16xi32>, vector<16xi32>], vector<16xf32>,
        %add3A_1164 = arith.addf %add3A_1152, %gather3A_1163 : vector<16xf32>
        scf.yield %add3A_1158, %add3A_1164 : vector<16xf32>, vector<16xf32>
      }
      %scan3A_917 = arith.constant 25 : i32
      %add3A_918 = arith.addf %scan3A_916#0, %scan3A_916#1 : vector<16xf32>
      %swap3A_919 = arith.constant 0 : index
      %swap3A_920 = tpu.vector_load %arg11[%swap3A_919] {strides = array<i32>} : memref<24xf32, #tpu.memory_space<vmem>>, vector<16xf32>,
      tpu.vector_store %arg11[%swap3A_919], %add3A_918 {strides = array<i32>} : memref<24xf32, #tpu.memory_space<vmem>>, vector<16xf32>,
      %get3A_921 = arith.constant 0 : index
      %get3A_922 = tpu.vector_load %arg11[%get3A_921] {strides = array<i32>} : memref<24xf32, #tpu.memory_space<vmem>>, vector<16xf32>,
      %get3A_923 = arith.constant 8 : index
      %get3A_924 = tpu.vector_load %arg11[%get3A_923] {strides = array<i32>} : memref<24xf32, #tpu.memory_space<vmem>>, vector<16xf32>,
      %add3A_925 = arith.addf %get3A_922, %get3A_924 : vector<16xf32>
      %mul3A_926 = arith.constant 5.000000e-03 : f32
      %mul3A_927 = vector.broadcast %mul3A_926 : f32 to vector<16xf32>
      %mul3A_928 = arith.mulf %add3A_925, %mul3A_927 : vector<16xf32>
      %add3A_929 = arith.addf %mul3A_928, %get3A_1 : vector<16xf32>
      %neg3A_930 = arith.constant 0.000000e+00 : f32
      %neg3A_931 = vector.broadcast %neg3A_930 : f32 to vector<16xf32>
      %neg3A_932 = arith.subf %neg3A_931, %add3A_929 : vector<16xf32>
      %exp3A_933 = math.exp %neg3A_932 : vector<16xf32>
      %add3A_934 = arith.constant 1.000000e+00 : f32
      %add3A_935 = vector.broadcast %add3A_934 : f32 to vector<16xf32>
      %add3A_936 = arith.addf %add3A_935, %exp3A_933 : vector<16xf32>
      %div3A_937 = arith.constant 1.000000e+00 : f32
      %div3A_938 = vector.broadcast %div3A_937 : f32 to vector<16xf32>
      %div3A_939 = arith.divf %div3A_938, %add3A_936 : vector<16xf32>
      %swap3A_940 = arith.constant 72 : index
      %swap3A_941 = tpu.vector_load %arg10[%swap3A_940] {strides = array<i32>} : memref<136xf32, #tpu.memory_space<vmem>>, vector<16xf32>,
      tpu.vector_store %arg10[%swap3A_940], %div3A_939 {strides = array<i32>} : memref<136xf32, #tpu.memory_space<vmem>>, vector<16xf32>,
      %broadcast_in_dim3A_942 = arith.constant 0.000000e+00 : f32
      %broadcast_in_dim3A_943 = vector.broadcast %broadcast_in_dim3A_942 : f32 to vector<16xf32>
      %scan3A_944 = arith.constant 0 : i32
      %scan3A_945 = arith.constant 25 : i32
      %scan3A_946 = arith.addi %scan3A_944, %scan3A_945 : i32
      %scan3A_947 = arith.constant 1 : i32
      %scan3A_948:2 = scf.for %scan3A_1137 = %scan3A_944 to %scan3A_946 step %scan3A_947 iter_args(%scan3A_1138 = %broadcast_in_dim3A_943, %scan3A_1139 = %broadcast_in_dim3A_943) -> (vector<16xf32>, vector<16xf32>)  : i32 {
        %mul3A_1140 = arith.constant 8 : i32
        %mul3A_1141 = arith.muli %scan3A_1137, %mul3A_1140 : i32
        %add3A_1142 = arith.constant 2000 : i32
        %add3A_1143 = arith.addi %add3A_1142, %mul3A_1141 : i32
        %add3A_1144 = vector.broadcast %add3A_1143 : i32 to vector<16xi32>
        %add3A_1145 = arith.addi %select_n3A, %add3A_1144 : vector<16xi32>
        %gather3A = tpu.vector_load_idx %arg9[%add3A_1145, %and3A_9] : memref<3200x8xf32, #tpu.memory_space<vmem>>[vector<16xi32>, vector<16xi32>], vector<16xf32>,
        %add3A_1146 = arith.addf %scan3A_1138, %gather3A : vector<16xf32>
        %add3A_1147 = arith.constant 2 : i32
        %add3A_1148 = arith.addi %add3A_1143, %add3A_1147 : i32
        %add3A_1149 = vector.broadcast %add3A_1148 : i32 to vector<16xi32>
        %add3A_1150 = arith.addi %select_n3A, %add3A_1149 : vector<16xi32>
        %gather3A_1151 = tpu.vector_load_idx %arg9[%add3A_1150, %and3A_9] : memref<3200x8xf32, #tpu.memory_space<vmem>>[vector<16xi32>, vector<16xi32>], vector<16xf32>,
        %add3A_1152 = arith.addf %scan3A_1139, %gather3A_1151 : vector<16xf32>
        %add3A_1153 = arith.constant 4 : i32
        %add3A_1154 = arith.addi %add3A_1143, %add3A_1153 : i32
        %add3A_1155 = vector.broadcast %add3A_1154 : i32 to vector<16xi32>
        %add3A_1156 = arith.addi %select_n3A, %add3A_1155 : vector<16xi32>
        %gather3A_1157 = tpu.vector_load_idx %arg9[%add3A_1156, %and3A_9] : memref<3200x8xf32, #tpu.memory_space<vmem>>[vector<16xi32>, vector<16xi32>], vector<16xf32>,
        %add3A_1158 = arith.addf %add3A_1146, %gather3A_1157 : vector<16xf32>
        %add3A_1159 = arith.constant 6 : i32
        %add3A_1160 = arith.addi %add3A_1143, %add3A_1159 : i32
        %add3A_1161 = vector.broadcast %add3A_1160 : i32 to vector<16xi32>
        %add3A_1162 = arith.addi %select_n3A, %add3A_1161 : vector<16xi32>
        %gather3A_1163 = tpu.vector_load_idx %arg9[%add3A_1162, %and3A_9] : memref<3200x8xf32, #tpu.memory_space<vmem>>[vector<16xi32>, vector<16xi32>], vector<16xf32>,
        %add3A_1164 = arith.addf %add3A_1152, %gather3A_1163 : vector<16xf32>
        scf.yield %add3A_1158, %add3A_1164 : vector<16xf32>, vector<16xf32>
      }
      %scan3A_949 = arith.constant 25 : i32
      %add3A_950 = arith.addf %scan3A_948#0, %scan3A_948#1 : vector<16xf32>
      %swap3A_951 = arith.constant 0 : index
      %swap3A_952 = tpu.vector_load %arg11[%swap3A_951] {strides = array<i32>} : memref<24xf32, #tpu.memory_space<vmem>>, vector<16xf32>,
      tpu.vector_store %arg11[%swap3A_951], %add3A_950 {strides = array<i32>} : memref<24xf32, #tpu.memory_space<vmem>>, vector<16xf32>,
      %get3A_953 = arith.constant 0 : index
      %get3A_954 = tpu.vector_load %arg11[%get3A_953] {strides = array<i32>} : memref<24xf32, #tpu.memory_space<vmem>>, vector<16xf32>,
      %get3A_955 = arith.constant 8 : index
      %get3A_956 = tpu.vector_load %arg11[%get3A_955] {strides = array<i32>} : memref<24xf32, #tpu.memory_space<vmem>>, vector<16xf32>,
      %add3A_957 = arith.addf %get3A_954, %get3A_956 : vector<16xf32>
      %mul3A_958 = arith.constant 5.000000e-03 : f32
      %mul3A_959 = vector.broadcast %mul3A_958 : f32 to vector<16xf32>
      %mul3A_960 = arith.mulf %add3A_957, %mul3A_959 : vector<16xf32>
      %add3A_961 = arith.addf %mul3A_960, %get3A_1 : vector<16xf32>
      %neg3A_962 = arith.constant 0.000000e+00 : f32
      %neg3A_963 = vector.broadcast %neg3A_962 : f32 to vector<16xf32>
      %neg3A_964 = arith.subf %neg3A_963, %add3A_961 : vector<16xf32>
      %exp3A_965 = math.exp %neg3A_964 : vector<16xf32>
      %add3A_966 = arith.constant 1.000000e+00 : f32
      %add3A_967 = vector.broadcast %add3A_966 : f32 to vector<16xf32>
      %add3A_968 = arith.addf %add3A_967, %exp3A_965 : vector<16xf32>
      %div3A_969 = arith.constant 1.000000e+00 : f32
      %div3A_970 = vector.broadcast %div3A_969 : f32 to vector<16xf32>
      %div3A_971 = arith.divf %div3A_970, %add3A_968 : vector<16xf32>
      %swap3A_972 = arith.constant 80 : index
      %swap3A_973 = tpu.vector_load %arg10[%swap3A_972] {strides = array<i32>} : memref<136xf32, #tpu.memory_space<vmem>>, vector<16xf32>,
      tpu.vector_store %arg10[%swap3A_972], %div3A_971 {strides = array<i32>} : memref<136xf32, #tpu.memory_space<vmem>>, vector<16xf32>,
      %broadcast_in_dim3A_974 = arith.constant 0.000000e+00 : f32
      %broadcast_in_dim3A_975 = vector.broadcast %broadcast_in_dim3A_974 : f32 to vector<16xf32>
      %scan3A_976 = arith.constant 0 : i32
      %scan3A_977 = arith.constant 25 : i32
      %scan3A_978 = arith.addi %scan3A_976, %scan3A_977 : i32
      %scan3A_979 = arith.constant 1 : i32
      %scan3A_980:2 = scf.for %scan3A_1137 = %scan3A_976 to %scan3A_978 step %scan3A_979 iter_args(%scan3A_1138 = %broadcast_in_dim3A_975, %scan3A_1139 = %broadcast_in_dim3A_975) -> (vector<16xf32>, vector<16xf32>)  : i32 {
        %mul3A_1140 = arith.constant 8 : i32
        %mul3A_1141 = arith.muli %scan3A_1137, %mul3A_1140 : i32
        %add3A_1142 = arith.constant 2200 : i32
        %add3A_1143 = arith.addi %add3A_1142, %mul3A_1141 : i32
        %add3A_1144 = vector.broadcast %add3A_1143 : i32 to vector<16xi32>
        %add3A_1145 = arith.addi %select_n3A, %add3A_1144 : vector<16xi32>
        %gather3A = tpu.vector_load_idx %arg9[%add3A_1145, %and3A_9] : memref<3200x8xf32, #tpu.memory_space<vmem>>[vector<16xi32>, vector<16xi32>], vector<16xf32>,
        %add3A_1146 = arith.addf %scan3A_1138, %gather3A : vector<16xf32>
        %add3A_1147 = arith.constant 2 : i32
        %add3A_1148 = arith.addi %add3A_1143, %add3A_1147 : i32
        %add3A_1149 = vector.broadcast %add3A_1148 : i32 to vector<16xi32>
        %add3A_1150 = arith.addi %select_n3A, %add3A_1149 : vector<16xi32>
        %gather3A_1151 = tpu.vector_load_idx %arg9[%add3A_1150, %and3A_9] : memref<3200x8xf32, #tpu.memory_space<vmem>>[vector<16xi32>, vector<16xi32>], vector<16xf32>,
        %add3A_1152 = arith.addf %scan3A_1139, %gather3A_1151 : vector<16xf32>
        %add3A_1153 = arith.constant 4 : i32
        %add3A_1154 = arith.addi %add3A_1143, %add3A_1153 : i32
        %add3A_1155 = vector.broadcast %add3A_1154 : i32 to vector<16xi32>
        %add3A_1156 = arith.addi %select_n3A, %add3A_1155 : vector<16xi32>
        %gather3A_1157 = tpu.vector_load_idx %arg9[%add3A_1156, %and3A_9] : memref<3200x8xf32, #tpu.memory_space<vmem>>[vector<16xi32>, vector<16xi32>], vector<16xf32>,
        %add3A_1158 = arith.addf %add3A_1146, %gather3A_1157 : vector<16xf32>
        %add3A_1159 = arith.constant 6 : i32
        %add3A_1160 = arith.addi %add3A_1143, %add3A_1159 : i32
        %add3A_1161 = vector.broadcast %add3A_1160 : i32 to vector<16xi32>
        %add3A_1162 = arith.addi %select_n3A, %add3A_1161 : vector<16xi32>
        %gather3A_1163 = tpu.vector_load_idx %arg9[%add3A_1162, %and3A_9] : memref<3200x8xf32, #tpu.memory_space<vmem>>[vector<16xi32>, vector<16xi32>], vector<16xf32>,
        %add3A_1164 = arith.addf %add3A_1152, %gather3A_1163 : vector<16xf32>
        scf.yield %add3A_1158, %add3A_1164 : vector<16xf32>, vector<16xf32>
      }
      %scan3A_981 = arith.constant 25 : i32
      %add3A_982 = arith.addf %scan3A_980#0, %scan3A_980#1 : vector<16xf32>
      %swap3A_983 = arith.constant 0 : index
      %swap3A_984 = tpu.vector_load %arg11[%swap3A_983] {strides = array<i32>} : memref<24xf32, #tpu.memory_space<vmem>>, vector<16xf32>,
      tpu.vector_store %arg11[%swap3A_983], %add3A_982 {strides = array<i32>} : memref<24xf32, #tpu.memory_space<vmem>>, vector<16xf32>,
      %get3A_985 = arith.constant 0 : index
      %get3A_986 = tpu.vector_load %arg11[%get3A_985] {strides = array<i32>} : memref<24xf32, #tpu.memory_space<vmem>>, vector<16xf32>,
      %get3A_987 = arith.constant 8 : index
      %get3A_988 = tpu.vector_load %arg11[%get3A_987] {strides = array<i32>} : memref<24xf32, #tpu.memory_space<vmem>>, vector<16xf32>,
      %add3A_989 = arith.addf %get3A_986, %get3A_988 : vector<16xf32>
      %mul3A_990 = arith.constant 5.000000e-03 : f32
      %mul3A_991 = vector.broadcast %mul3A_990 : f32 to vector<16xf32>
      %mul3A_992 = arith.mulf %add3A_989, %mul3A_991 : vector<16xf32>
      %add3A_993 = arith.addf %mul3A_992, %get3A_1 : vector<16xf32>
      %neg3A_994 = arith.constant 0.000000e+00 : f32
      %neg3A_995 = vector.broadcast %neg3A_994 : f32 to vector<16xf32>
      %neg3A_996 = arith.subf %neg3A_995, %add3A_993 : vector<16xf32>
      %exp3A_997 = math.exp %neg3A_996 : vector<16xf32>
      %add3A_998 = arith.constant 1.000000e+00 : f32
      %add3A_999 = vector.broadcast %add3A_998 : f32 to vector<16xf32>
      %add3A_1000 = arith.addf %add3A_999, %exp3A_997 : vector<16xf32>
      %div3A_1001 = arith.constant 1.000000e+00 : f32
      %div3A_1002 = vector.broadcast %div3A_1001 : f32 to vector<16xf32>
      %div3A_1003 = arith.divf %div3A_1002, %add3A_1000 : vector<16xf32>
      %swap3A_1004 = arith.constant 88 : index
      %swap3A_1005 = tpu.vector_load %arg10[%swap3A_1004] {strides = array<i32>} : memref<136xf32, #tpu.memory_space<vmem>>, vector<16xf32>,
      tpu.vector_store %arg10[%swap3A_1004], %div3A_1003 {strides = array<i32>} : memref<136xf32, #tpu.memory_space<vmem>>, vector<16xf32>,
      %broadcast_in_dim3A_1006 = arith.constant 0.000000e+00 : f32
      %broadcast_in_dim3A_1007 = vector.broadcast %broadcast_in_dim3A_1006 : f32 to vector<16xf32>
      %scan3A_1008 = arith.constant 0 : i32
      %scan3A_1009 = arith.constant 25 : i32
      %scan3A_1010 = arith.addi %scan3A_1008, %scan3A_1009 : i32
      %scan3A_1011 = arith.constant 1 : i32
      %scan3A_1012:2 = scf.for %scan3A_1137 = %scan3A_1008 to %scan3A_1010 step %scan3A_1011 iter_args(%scan3A_1138 = %broadcast_in_dim3A_1007, %scan3A_1139 = %broadcast_in_dim3A_1007) -> (vector<16xf32>, vector<16xf32>)  : i32 {
        %mul3A_1140 = arith.constant 8 : i32
        %mul3A_1141 = arith.muli %scan3A_1137, %mul3A_1140 : i32
        %add3A_1142 = arith.constant 2400 : i32
        %add3A_1143 = arith.addi %add3A_1142, %mul3A_1141 : i32
        %add3A_1144 = vector.broadcast %add3A_1143 : i32 to vector<16xi32>
        %add3A_1145 = arith.addi %select_n3A, %add3A_1144 : vector<16xi32>
        %gather3A = tpu.vector_load_idx %arg9[%add3A_1145, %and3A_9] : memref<3200x8xf32, #tpu.memory_space<vmem>>[vector<16xi32>, vector<16xi32>], vector<16xf32>,
        %add3A_1146 = arith.addf %scan3A_1138, %gather3A : vector<16xf32>
        %add3A_1147 = arith.constant 2 : i32
        %add3A_1148 = arith.addi %add3A_1143, %add3A_1147 : i32
        %add3A_1149 = vector.broadcast %add3A_1148 : i32 to vector<16xi32>
        %add3A_1150 = arith.addi %select_n3A, %add3A_1149 : vector<16xi32>
        %gather3A_1151 = tpu.vector_load_idx %arg9[%add3A_1150, %and3A_9] : memref<3200x8xf32, #tpu.memory_space<vmem>>[vector<16xi32>, vector<16xi32>], vector<16xf32>,
        %add3A_1152 = arith.addf %scan3A_1139, %gather3A_1151 : vector<16xf32>
        %add3A_1153 = arith.constant 4 : i32
        %add3A_1154 = arith.addi %add3A_1143, %add3A_1153 : i32
        %add3A_1155 = vector.broadcast %add3A_1154 : i32 to vector<16xi32>
        %add3A_1156 = arith.addi %select_n3A, %add3A_1155 : vector<16xi32>
        %gather3A_1157 = tpu.vector_load_idx %arg9[%add3A_1156, %and3A_9] : memref<3200x8xf32, #tpu.memory_space<vmem>>[vector<16xi32>, vector<16xi32>], vector<16xf32>,
        %add3A_1158 = arith.addf %add3A_1146, %gather3A_1157 : vector<16xf32>
        %add3A_1159 = arith.constant 6 : i32
        %add3A_1160 = arith.addi %add3A_1143, %add3A_1159 : i32
        %add3A_1161 = vector.broadcast %add3A_1160 : i32 to vector<16xi32>
        %add3A_1162 = arith.addi %select_n3A, %add3A_1161 : vector<16xi32>
        %gather3A_1163 = tpu.vector_load_idx %arg9[%add3A_1162, %and3A_9] : memref<3200x8xf32, #tpu.memory_space<vmem>>[vector<16xi32>, vector<16xi32>], vector<16xf32>,
        %add3A_1164 = arith.addf %add3A_1152, %gather3A_1163 : vector<16xf32>
        scf.yield %add3A_1158, %add3A_1164 : vector<16xf32>, vector<16xf32>
      }
      %scan3A_1013 = arith.constant 25 : i32
      %add3A_1014 = arith.addf %scan3A_1012#0, %scan3A_1012#1 : vector<16xf32>
      %swap3A_1015 = arith.constant 0 : index
      %swap3A_1016 = tpu.vector_load %arg11[%swap3A_1015] {strides = array<i32>} : memref<24xf32, #tpu.memory_space<vmem>>, vector<16xf32>,
      tpu.vector_store %arg11[%swap3A_1015], %add3A_1014 {strides = array<i32>} : memref<24xf32, #tpu.memory_space<vmem>>, vector<16xf32>,
      %get3A_1017 = arith.constant 0 : index
      %get3A_1018 = tpu.vector_load %arg11[%get3A_1017] {strides = array<i32>} : memref<24xf32, #tpu.memory_space<vmem>>, vector<16xf32>,
      %get3A_1019 = arith.constant 8 : index
      %get3A_1020 = tpu.vector_load %arg11[%get3A_1019] {strides = array<i32>} : memref<24xf32, #tpu.memory_space<vmem>>, vector<16xf32>,
      %add3A_1021 = arith.addf %get3A_1018, %get3A_1020 : vector<16xf32>
      %mul3A_1022 = arith.constant 5.000000e-03 : f32
      %mul3A_1023 = vector.broadcast %mul3A_1022 : f32 to vector<16xf32>
      %mul3A_1024 = arith.mulf %add3A_1021, %mul3A_1023 : vector<16xf32>
      %add3A_1025 = arith.addf %mul3A_1024, %get3A_1 : vector<16xf32>
      %neg3A_1026 = arith.constant 0.000000e+00 : f32
      %neg3A_1027 = vector.broadcast %neg3A_1026 : f32 to vector<16xf32>
      %neg3A_1028 = arith.subf %neg3A_1027, %add3A_1025 : vector<16xf32>
      %exp3A_1029 = math.exp %neg3A_1028 : vector<16xf32>
      %add3A_1030 = arith.constant 1.000000e+00 : f32
      %add3A_1031 = vector.broadcast %add3A_1030 : f32 to vector<16xf32>
      %add3A_1032 = arith.addf %add3A_1031, %exp3A_1029 : vector<16xf32>
      %div3A_1033 = arith.constant 1.000000e+00 : f32
      %div3A_1034 = vector.broadcast %div3A_1033 : f32 to vector<16xf32>
      %div3A_1035 = arith.divf %div3A_1034, %add3A_1032 : vector<16xf32>
      %swap3A_1036 = arith.constant 96 : index
      %swap3A_1037 = tpu.vector_load %arg10[%swap3A_1036] {strides = array<i32>} : memref<136xf32, #tpu.memory_space<vmem>>, vector<16xf32>,
      tpu.vector_store %arg10[%swap3A_1036], %div3A_1035 {strides = array<i32>} : memref<136xf32, #tpu.memory_space<vmem>>, vector<16xf32>,
      %broadcast_in_dim3A_1038 = arith.constant 0.000000e+00 : f32
      %broadcast_in_dim3A_1039 = vector.broadcast %broadcast_in_dim3A_1038 : f32 to vector<16xf32>
      %scan3A_1040 = arith.constant 0 : i32
      %scan3A_1041 = arith.constant 25 : i32
      %scan3A_1042 = arith.addi %scan3A_1040, %scan3A_1041 : i32
      %scan3A_1043 = arith.constant 1 : i32
      %scan3A_1044:2 = scf.for %scan3A_1137 = %scan3A_1040 to %scan3A_1042 step %scan3A_1043 iter_args(%scan3A_1138 = %broadcast_in_dim3A_1039, %scan3A_1139 = %broadcast_in_dim3A_1039) -> (vector<16xf32>, vector<16xf32>)  : i32 {
        %mul3A_1140 = arith.constant 8 : i32
        %mul3A_1141 = arith.muli %scan3A_1137, %mul3A_1140 : i32
        %add3A_1142 = arith.constant 2600 : i32
        %add3A_1143 = arith.addi %add3A_1142, %mul3A_1141 : i32
        %add3A_1144 = vector.broadcast %add3A_1143 : i32 to vector<16xi32>
        %add3A_1145 = arith.addi %select_n3A, %add3A_1144 : vector<16xi32>
        %gather3A = tpu.vector_load_idx %arg9[%add3A_1145, %and3A_9] : memref<3200x8xf32, #tpu.memory_space<vmem>>[vector<16xi32>, vector<16xi32>], vector<16xf32>,
        %add3A_1146 = arith.addf %scan3A_1138, %gather3A : vector<16xf32>
        %add3A_1147 = arith.constant 2 : i32
        %add3A_1148 = arith.addi %add3A_1143, %add3A_1147 : i32
        %add3A_1149 = vector.broadcast %add3A_1148 : i32 to vector<16xi32>
        %add3A_1150 = arith.addi %select_n3A, %add3A_1149 : vector<16xi32>
        %gather3A_1151 = tpu.vector_load_idx %arg9[%add3A_1150, %and3A_9] : memref<3200x8xf32, #tpu.memory_space<vmem>>[vector<16xi32>, vector<16xi32>], vector<16xf32>,
        %add3A_1152 = arith.addf %scan3A_1139, %gather3A_1151 : vector<16xf32>
        %add3A_1153 = arith.constant 4 : i32
        %add3A_1154 = arith.addi %add3A_1143, %add3A_1153 : i32
        %add3A_1155 = vector.broadcast %add3A_1154 : i32 to vector<16xi32>
        %add3A_1156 = arith.addi %select_n3A, %add3A_1155 : vector<16xi32>
        %gather3A_1157 = tpu.vector_load_idx %arg9[%add3A_1156, %and3A_9] : memref<3200x8xf32, #tpu.memory_space<vmem>>[vector<16xi32>, vector<16xi32>], vector<16xf32>,
        %add3A_1158 = arith.addf %add3A_1146, %gather3A_1157 : vector<16xf32>
        %add3A_1159 = arith.constant 6 : i32
        %add3A_1160 = arith.addi %add3A_1143, %add3A_1159 : i32
        %add3A_1161 = vector.broadcast %add3A_1160 : i32 to vector<16xi32>
        %add3A_1162 = arith.addi %select_n3A, %add3A_1161 : vector<16xi32>
        %gather3A_1163 = tpu.vector_load_idx %arg9[%add3A_1162, %and3A_9] : memref<3200x8xf32, #tpu.memory_space<vmem>>[vector<16xi32>, vector<16xi32>], vector<16xf32>,
        %add3A_1164 = arith.addf %add3A_1152, %gather3A_1163 : vector<16xf32>
        scf.yield %add3A_1158, %add3A_1164 : vector<16xf32>, vector<16xf32>
      }
      %scan3A_1045 = arith.constant 25 : i32
      %add3A_1046 = arith.addf %scan3A_1044#0, %scan3A_1044#1 : vector<16xf32>
      %swap3A_1047 = arith.constant 0 : index
      %swap3A_1048 = tpu.vector_load %arg11[%swap3A_1047] {strides = array<i32>} : memref<24xf32, #tpu.memory_space<vmem>>, vector<16xf32>,
      tpu.vector_store %arg11[%swap3A_1047], %add3A_1046 {strides = array<i32>} : memref<24xf32, #tpu.memory_space<vmem>>, vector<16xf32>,
      %get3A_1049 = arith.constant 0 : index
      %get3A_1050 = tpu.vector_load %arg11[%get3A_1049] {strides = array<i32>} : memref<24xf32, #tpu.memory_space<vmem>>, vector<16xf32>,
      %get3A_1051 = arith.constant 8 : index
      %get3A_1052 = tpu.vector_load %arg11[%get3A_1051] {strides = array<i32>} : memref<24xf32, #tpu.memory_space<vmem>>, vector<16xf32>,
      %add3A_1053 = arith.addf %get3A_1050, %get3A_1052 : vector<16xf32>
      %mul3A_1054 = arith.constant 5.000000e-03 : f32
      %mul3A_1055 = vector.broadcast %mul3A_1054 : f32 to vector<16xf32>
      %mul3A_1056 = arith.mulf %add3A_1053, %mul3A_1055 : vector<16xf32>
      %add3A_1057 = arith.addf %mul3A_1056, %get3A_1 : vector<16xf32>
      %neg3A_1058 = arith.constant 0.000000e+00 : f32
      %neg3A_1059 = vector.broadcast %neg3A_1058 : f32 to vector<16xf32>
      %neg3A_1060 = arith.subf %neg3A_1059, %add3A_1057 : vector<16xf32>
      %exp3A_1061 = math.exp %neg3A_1060 : vector<16xf32>
      %add3A_1062 = arith.constant 1.000000e+00 : f32
      %add3A_1063 = vector.broadcast %add3A_1062 : f32 to vector<16xf32>
      %add3A_1064 = arith.addf %add3A_1063, %exp3A_1061 : vector<16xf32>
      %div3A_1065 = arith.constant 1.000000e+00 : f32
      %div3A_1066 = vector.broadcast %div3A_1065 : f32 to vector<16xf32>
      %div3A_1067 = arith.divf %div3A_1066, %add3A_1064 : vector<16xf32>
      %swap3A_1068 = arith.constant 104 : index
      %swap3A_1069 = tpu.vector_load %arg10[%swap3A_1068] {strides = array<i32>} : memref<136xf32, #tpu.memory_space<vmem>>, vector<16xf32>,
      tpu.vector_store %arg10[%swap3A_1068], %div3A_1067 {strides = array<i32>} : memref<136xf32, #tpu.memory_space<vmem>>, vector<16xf32>,
      %broadcast_in_dim3A_1070 = arith.constant 0.000000e+00 : f32
      %broadcast_in_dim3A_1071 = vector.broadcast %broadcast_in_dim3A_1070 : f32 to vector<16xf32>
      %scan3A_1072 = arith.constant 0 : i32
      %scan3A_1073 = arith.constant 25 : i32
      %scan3A_1074 = arith.addi %scan3A_1072, %scan3A_1073 : i32
      %scan3A_1075 = arith.constant 1 : i32
      %scan3A_1076:2 = scf.for %scan3A_1137 = %scan3A_1072 to %scan3A_1074 step %scan3A_1075 iter_args(%scan3A_1138 = %broadcast_in_dim3A_1071, %scan3A_1139 = %broadcast_in_dim3A_1071) -> (vector<16xf32>, vector<16xf32>)  : i32 {
        %mul3A_1140 = arith.constant 8 : i32
        %mul3A_1141 = arith.muli %scan3A_1137, %mul3A_1140 : i32
        %add3A_1142 = arith.constant 2800 : i32
        %add3A_1143 = arith.addi %add3A_1142, %mul3A_1141 : i32
        %add3A_1144 = vector.broadcast %add3A_1143 : i32 to vector<16xi32>
        %add3A_1145 = arith.addi %select_n3A, %add3A_1144 : vector<16xi32>
        %gather3A = tpu.vector_load_idx %arg9[%add3A_1145, %and3A_9] : memref<3200x8xf32, #tpu.memory_space<vmem>>[vector<16xi32>, vector<16xi32>], vector<16xf32>,
        %add3A_1146 = arith.addf %scan3A_1138, %gather3A : vector<16xf32>
        %add3A_1147 = arith.constant 2 : i32
        %add3A_1148 = arith.addi %add3A_1143, %add3A_1147 : i32
        %add3A_1149 = vector.broadcast %add3A_1148 : i32 to vector<16xi32>
        %add3A_1150 = arith.addi %select_n3A, %add3A_1149 : vector<16xi32>
        %gather3A_1151 = tpu.vector_load_idx %arg9[%add3A_1150, %and3A_9] : memref<3200x8xf32, #tpu.memory_space<vmem>>[vector<16xi32>, vector<16xi32>], vector<16xf32>,
        %add3A_1152 = arith.addf %scan3A_1139, %gather3A_1151 : vector<16xf32>
        %add3A_1153 = arith.constant 4 : i32
        %add3A_1154 = arith.addi %add3A_1143, %add3A_1153 : i32
        %add3A_1155 = vector.broadcast %add3A_1154 : i32 to vector<16xi32>
        %add3A_1156 = arith.addi %select_n3A, %add3A_1155 : vector<16xi32>
        %gather3A_1157 = tpu.vector_load_idx %arg9[%add3A_1156, %and3A_9] : memref<3200x8xf32, #tpu.memory_space<vmem>>[vector<16xi32>, vector<16xi32>], vector<16xf32>,
        %add3A_1158 = arith.addf %add3A_1146, %gather3A_1157 : vector<16xf32>
        %add3A_1159 = arith.constant 6 : i32
        %add3A_1160 = arith.addi %add3A_1143, %add3A_1159 : i32
        %add3A_1161 = vector.broadcast %add3A_1160 : i32 to vector<16xi32>
        %add3A_1162 = arith.addi %select_n3A, %add3A_1161 : vector<16xi32>
        %gather3A_1163 = tpu.vector_load_idx %arg9[%add3A_1162, %and3A_9] : memref<3200x8xf32, #tpu.memory_space<vmem>>[vector<16xi32>, vector<16xi32>], vector<16xf32>,
        %add3A_1164 = arith.addf %add3A_1152, %gather3A_1163 : vector<16xf32>
        scf.yield %add3A_1158, %add3A_1164 : vector<16xf32>, vector<16xf32>
      }
      %scan3A_1077 = arith.constant 25 : i32
      %add3A_1078 = arith.addf %scan3A_1076#0, %scan3A_1076#1 : vector<16xf32>
      %swap3A_1079 = arith.constant 0 : index
      %swap3A_1080 = tpu.vector_load %arg11[%swap3A_1079] {strides = array<i32>} : memref<24xf32, #tpu.memory_space<vmem>>, vector<16xf32>,
      tpu.vector_store %arg11[%swap3A_1079], %add3A_1078 {strides = array<i32>} : memref<24xf32, #tpu.memory_space<vmem>>, vector<16xf32>,
      %get3A_1081 = arith.constant 0 : index
      %get3A_1082 = tpu.vector_load %arg11[%get3A_1081] {strides = array<i32>} : memref<24xf32, #tpu.memory_space<vmem>>, vector<16xf32>,
      %get3A_1083 = arith.constant 8 : index
      %get3A_1084 = tpu.vector_load %arg11[%get3A_1083] {strides = array<i32>} : memref<24xf32, #tpu.memory_space<vmem>>, vector<16xf32>,
      %add3A_1085 = arith.addf %get3A_1082, %get3A_1084 : vector<16xf32>
      %mul3A_1086 = arith.constant 5.000000e-03 : f32
      %mul3A_1087 = vector.broadcast %mul3A_1086 : f32 to vector<16xf32>
      %mul3A_1088 = arith.mulf %add3A_1085, %mul3A_1087 : vector<16xf32>
      %add3A_1089 = arith.addf %mul3A_1088, %get3A_1 : vector<16xf32>
      %neg3A_1090 = arith.constant 0.000000e+00 : f32
      %neg3A_1091 = vector.broadcast %neg3A_1090 : f32 to vector<16xf32>
      %neg3A_1092 = arith.subf %neg3A_1091, %add3A_1089 : vector<16xf32>
      %exp3A_1093 = math.exp %neg3A_1092 : vector<16xf32>
      %add3A_1094 = arith.constant 1.000000e+00 : f32
      %add3A_1095 = vector.broadcast %add3A_1094 : f32 to vector<16xf32>
      %add3A_1096 = arith.addf %add3A_1095, %exp3A_1093 : vector<16xf32>
      %div3A_1097 = arith.constant 1.000000e+00 : f32
      %div3A_1098 = vector.broadcast %div3A_1097 : f32 to vector<16xf32>
      %div3A_1099 = arith.divf %div3A_1098, %add3A_1096 : vector<16xf32>
      %swap3A_1100 = arith.constant 112 : index
      %swap3A_1101 = tpu.vector_load %arg10[%swap3A_1100] {strides = array<i32>} : memref<136xf32, #tpu.memory_space<vmem>>, vector<16xf32>,
      tpu.vector_store %arg10[%swap3A_1100], %div3A_1099 {strides = array<i32>} : memref<136xf32, #tpu.memory_space<vmem>>, vector<16xf32>,
      %broadcast_in_dim3A_1102 = arith.constant 0.000000e+00 : f32
      %broadcast_in_dim3A_1103 = vector.broadcast %broadcast_in_dim3A_1102 : f32 to vector<16xf32>
      %scan3A_1104 = arith.constant 0 : i32
      %scan3A_1105 = arith.constant 25 : i32
      %scan3A_1106 = arith.addi %scan3A_1104, %scan3A_1105 : i32
      %scan3A_1107 = arith.constant 1 : i32
      %scan3A_1108:2 = scf.for %scan3A_1137 = %scan3A_1104 to %scan3A_1106 step %scan3A_1107 iter_args(%scan3A_1138 = %broadcast_in_dim3A_1103, %scan3A_1139 = %broadcast_in_dim3A_1103) -> (vector<16xf32>, vector<16xf32>)  : i32 {
        %mul3A_1140 = arith.constant 8 : i32
        %mul3A_1141 = arith.muli %scan3A_1137, %mul3A_1140 : i32
        %add3A_1142 = arith.constant 3000 : i32
        %add3A_1143 = arith.addi %add3A_1142, %mul3A_1141 : i32
        %add3A_1144 = vector.broadcast %add3A_1143 : i32 to vector<16xi32>
        %add3A_1145 = arith.addi %select_n3A, %add3A_1144 : vector<16xi32>
        %gather3A = tpu.vector_load_idx %arg9[%add3A_1145, %and3A_9] : memref<3200x8xf32, #tpu.memory_space<vmem>>[vector<16xi32>, vector<16xi32>], vector<16xf32>,
        %add3A_1146 = arith.addf %scan3A_1138, %gather3A : vector<16xf32>
        %add3A_1147 = arith.constant 2 : i32
        %add3A_1148 = arith.addi %add3A_1143, %add3A_1147 : i32
        %add3A_1149 = vector.broadcast %add3A_1148 : i32 to vector<16xi32>
        %add3A_1150 = arith.addi %select_n3A, %add3A_1149 : vector<16xi32>
        %gather3A_1151 = tpu.vector_load_idx %arg9[%add3A_1150, %and3A_9] : memref<3200x8xf32, #tpu.memory_space<vmem>>[vector<16xi32>, vector<16xi32>], vector<16xf32>,
        %add3A_1152 = arith.addf %scan3A_1139, %gather3A_1151 : vector<16xf32>
        %add3A_1153 = arith.constant 4 : i32
        %add3A_1154 = arith.addi %add3A_1143, %add3A_1153 : i32
        %add3A_1155 = vector.broadcast %add3A_1154 : i32 to vector<16xi32>
        %add3A_1156 = arith.addi %select_n3A, %add3A_1155 : vector<16xi32>
        %gather3A_1157 = tpu.vector_load_idx %arg9[%add3A_1156, %and3A_9] : memref<3200x8xf32, #tpu.memory_space<vmem>>[vector<16xi32>, vector<16xi32>], vector<16xf32>,
        %add3A_1158 = arith.addf %add3A_1146, %gather3A_1157 : vector<16xf32>
        %add3A_1159 = arith.constant 6 : i32
        %add3A_1160 = arith.addi %add3A_1143, %add3A_1159 : i32
        %add3A_1161 = vector.broadcast %add3A_1160 : i32 to vector<16xi32>
        %add3A_1162 = arith.addi %select_n3A, %add3A_1161 : vector<16xi32>
        %gather3A_1163 = tpu.vector_load_idx %arg9[%add3A_1162, %and3A_9] : memref<3200x8xf32, #tpu.memory_space<vmem>>[vector<16xi32>, vector<16xi32>], vector<16xf32>,
        %add3A_1164 = arith.addf %add3A_1152, %gather3A_1163 : vector<16xf32>
        scf.yield %add3A_1158, %add3A_1164 : vector<16xf32>, vector<16xf32>
      }
      %scan3A_1109 = arith.constant 25 : i32
      %add3A_1110 = arith.addf %scan3A_1108#0, %scan3A_1108#1 : vector<16xf32>
      %swap3A_1111 = arith.constant 0 : index
      %swap3A_1112 = tpu.vector_load %arg11[%swap3A_1111] {strides = array<i32>} : memref<24xf32, #tpu.memory_space<vmem>>, vector<16xf32>,
      tpu.vector_store %arg11[%swap3A_1111], %add3A_1110 {strides = array<i32>} : memref<24xf32, #tpu.memory_space<vmem>>, vector<16xf32>,
      %get3A_1113 = arith.constant 0 : index
      %get3A_1114 = tpu.vector_load %arg11[%get3A_1113] {strides = array<i32>} : memref<24xf32, #tpu.memory_space<vmem>>, vector<16xf32>,
      %get3A_1115 = arith.constant 8 : index
      %get3A_1116 = tpu.vector_load %arg11[%get3A_1115] {strides = array<i32>} : memref<24xf32, #tpu.memory_space<vmem>>, vector<16xf32>,
      %add3A_1117 = arith.addf %get3A_1114, %get3A_1116 : vector<16xf32>
      %mul3A_1118 = arith.constant 5.000000e-03 : f32
      %mul3A_1119 = vector.broadcast %mul3A_1118 : f32 to vector<16xf32>
      %mul3A_1120 = arith.mulf %add3A_1117, %mul3A_1119 : vector<16xf32>
      %add3A_1121 = arith.addf %mul3A_1120, %get3A_1 : vector<16xf32>
      %neg3A_1122 = arith.constant 0.000000e+00 : f32
      %neg3A_1123 = vector.broadcast %neg3A_1122 : f32 to vector<16xf32>
      %neg3A_1124 = arith.subf %neg3A_1123, %add3A_1121 : vector<16xf32>
      %exp3A_1125 = math.exp %neg3A_1124 : vector<16xf32>
      %add3A_1126 = arith.constant 1.000000e+00 : f32
      %add3A_1127 = vector.broadcast %add3A_1126 : f32 to vector<16xf32>
      %add3A_1128 = arith.addf %add3A_1127, %exp3A_1125 : vector<16xf32>
      %div3A_1129 = arith.constant 1.000000e+00 : f32
      %div3A_1130 = vector.broadcast %div3A_1129 : f32 to vector<16xf32>
      %div3A_1131 = arith.divf %div3A_1130, %add3A_1128 : vector<16xf32>
      %swap3A_1132 = arith.constant 120 : index
      %swap3A_1133 = tpu.vector_load %arg10[%swap3A_1132] {strides = array<i32>} : memref<136xf32, #tpu.memory_space<vmem>>, vector<16xf32>,
      tpu.vector_store %arg10[%swap3A_1132], %div3A_1131 {strides = array<i32>} : memref<136xf32, #tpu.memory_space<vmem>>, vector<16xf32>,
      %mul3A_1134 = arith.constant 8 : i32
      %mul3A_1135 = arith.muli %add3A_621, %mul3A_1134 : i32
      "tpu.region"() ({
        %run_scoped3A = tpu.sem_alloc : memref<!tpu.dma_semaphore, #tpu.memory_space<semaphore_mem>>
        %dma_start3A_1137 = arith.constant 0 : i32
        %dma_start3A_1138 = tpu.memref_slice %arg10[%dma_start3A_1137] : memref<136xf32, #tpu.memory_space<vmem>> -> memref<128xf32, #tpu.memory_space<vmem>>
        %dma_start3A_1139 = tpu.memref_slice %arg5[%mul3A_1135] : memref<131072xf32, #tpu.memory_space<hbm>> -> memref<128xf32, #tpu.memory_space<hbm>>
        %dma_start3A_1140 = tpu.memref_slice %arg5[%mul3A_1135] : memref<131072xf32, #tpu.memory_space<hbm>> -> memref<128xf32, #tpu.memory_space<hbm>>
        %dma_start3A_1141 = arith.constant 0 : i32
        %dma_start3A_1142 = tpu.memref_slice %arg10[%dma_start3A_1141] : memref<136xf32, #tpu.memory_space<vmem>> -> memref<128xf32, #tpu.memory_space<vmem>>
        tpu.enqueue_dma source(%dma_start3A_1142 : memref<128xf32, #tpu.memory_space<vmem>>) target(%dma_start3A_1140 : memref<128xf32, #tpu.memory_space<hbm>>) target_semaphore(%run_scoped3A : memref<!tpu.dma_semaphore, #tpu.memory_space<semaphore_mem>>)
        %dma_wait3A_1143 = arith.constant 0 : i32
        %dma_wait3A_1144 = tpu.memref_slice %arg10[%dma_wait3A_1143] : memref<136xf32, #tpu.memory_space<vmem>> -> memref<128xf32, #tpu.memory_space<vmem>>
        %dma_wait3A_1145 = tpu.memref_slice %arg5[%mul3A_1135] : memref<131072xf32, #tpu.memory_space<hbm>> -> memref<128xf32, #tpu.memory_space<hbm>>
        %dma_wait3A_1146 = tpu.memref_slice %arg5[%mul3A_1135] : memref<131072xf32, #tpu.memory_space<hbm>> -> memref<128xf32, #tpu.memory_space<hbm>>
        %dma_wait3A_1147 = arith.constant 0 : i32
        %dma_wait3A_1148 = tpu.memref_slice %arg10[%dma_wait3A_1147] : memref<136xf32, #tpu.memory_space<vmem>> -> memref<128xf32, #tpu.memory_space<vmem>>
        tpu.wait_dma2 semaphore(%run_scoped3A : memref<!tpu.dma_semaphore, #tpu.memory_space<semaphore_mem>>) src(%dma_wait3A_1148 : memref<128xf32, #tpu.memory_space<vmem>>) dst(%dma_wait3A_1146 : memref<128xf32, #tpu.memory_space<hbm>>)
        tpu.yield
      }) : () -> ()
      %scan3A_1136 = arith.constant 0 : i32
      scf.yield %scan3A_1136 : i32
    }
    %scan3A_50 = arith.constant 16 : i32
    return
  }
}

module attributes {stable_mosaic.version = 14 : i64} {
  func.func @_project_body(%arg0: i32, %arg1: memref<64x4096xf32, #tpu.memory_space<vmem>>, %arg2: memref<64x4096xf32, #tpu.memory_space<vmem>>, %arg3: memref<64x4096xf32, #tpu.memory_space<vmem>>, %arg4: memref<64x4096xf32, #tpu.memory_space<vmem>>, %arg5: memref<64x4096xf32, #tpu.memory_space<vmem>>, %arg6: memref<64x4096xf32, #tpu.memory_space<vmem>>, %arg7: memref<64x4096xf32, #tpu.memory_space<vmem>>, %arg8: memref<64x4096xf32, #tpu.memory_space<vmem>>, %arg9: memref<64x4096xf32, #tpu.memory_space<vmem>>, %arg10: memref<64x4096xf32, #tpu.memory_space<vmem>>, %arg11: memref<64x4096xf32, #tpu.memory_space<vmem>>, %arg12: memref<64x4096xf32, #tpu.memory_space<vmem>>, %arg13: memref<64x4096xf32, #tpu.memory_space<vmem>>, %arg14: memref<64x4096xf32, #tpu.memory_space<vmem>>, %arg15: memref<64x4096xf32, #tpu.memory_space<vmem>>, %arg16: memref<64x4096xf32, #tpu.memory_space<vmem>>, %arg17: memref<8x64xf32, #tpu.memory_space<vmem>>, %arg18: memref<4096x128xf32, #tpu.memory_space<vmem>>) attributes {dimension_semantics = [#tpu.dimension_semantics<arbitrary>], iteration_bounds = array<i64: 16>, scalar_prefetch = 0 : i64, scratch_operands = 0 : i64, tpu.core_type = #tpu.core_type<tc>, window_params = [{transform_indices = @transform_0, window_bounds = array<i64: 64, 4096>}, {transform_indices = @transform_1, window_bounds = array<i64: 64, 4096>}, {transform_indices = @transform_2, window_bounds = array<i64: 64, 4096>}, {transform_indices = @transform_3, window_bounds = array<i64: 64, 4096>}, {transform_indices = @transform_4, window_bounds = array<i64: 64, 4096>}, {transform_indices = @transform_5, window_bounds = array<i64: 64, 4096>}, {transform_indices = @transform_6, window_bounds = array<i64: 64, 4096>}, {transform_indices = @transform_7, window_bounds = array<i64: 64, 4096>}, {transform_indices = @transform_8, window_bounds = array<i64: 64, 4096>}, {transform_indices = @transform_9, window_bounds = array<i64: 64, 4096>}, {transform_indices = @transform_10, window_bounds = array<i64: 64, 4096>}, {transform_indices = @transform_11, window_bounds = array<i64: 64, 4096>}, {transform_indices = @transform_12, window_bounds = array<i64: 64, 4096>}, {transform_indices = @transform_13, window_bounds = array<i64: 64, 4096>}, {transform_indices = @transform_14, window_bounds = array<i64: 64, 4096>}, {transform_indices = @transform_15, window_bounds = array<i64: 64, 4096>}, {pipeline_mode = #tpu.pipeline_mode<synchronous>, transform_indices = @transform_16, window_bounds = array<i64: 8, 64>}, {transform_indices = @transform_17, window_bounds = array<i64: 4096, 128>}]} {
    %get3A = arith.constant 0 : index
    %get3A_0 = arith.constant 0 : index
    %get3A_1 = vector.load %arg17[%get3A, %get3A_0] : memref<8x64xf32, #tpu.memory_space<vmem>>, vector<8x64xf32>
    %get3A_2 = arith.constant 0 : index
    %get3A_3 = arith.constant 0 : index
    %get3A_4 = vector.load %arg1[%get3A_2, %get3A_3] : memref<64x4096xf32, #tpu.memory_space<vmem>>, vector<64x4096xf32>
    %dot_general3A = arith.constant dense<0.000000e+00> : vector<8x4096xf32>
    %dot_general3A_5 = tpu.matmul %get3A_1, %get3A_4, %dot_general3A {dimension_numbers = #tpu.dot_dimension_numbers<[1], [0], [0], [1], [0, 0, 1, 1], [], []>, transpose_lhs_hint = false} : vector<8x64xf32>, vector<64x4096xf32>, vector<8x4096xf32> -> vector<8x4096xf32>
    %get3A_6 = arith.constant 0 : index
    %get3A_7 = arith.constant 0 : index
    %get3A_8 = vector.load %arg2[%get3A_6, %get3A_7] : memref<64x4096xf32, #tpu.memory_space<vmem>>, vector<64x4096xf32>
    %dot_general3A_9 = arith.constant dense<0.000000e+00> : vector<8x4096xf32>
    %dot_general3A_10 = tpu.matmul %get3A_1, %get3A_8, %dot_general3A_9 {dimension_numbers = #tpu.dot_dimension_numbers<[1], [0], [0], [1], [0, 0, 1, 1], [], []>, transpose_lhs_hint = false} : vector<8x64xf32>, vector<64x4096xf32>, vector<8x4096xf32> -> vector<8x4096xf32>
    %get3A_11 = arith.constant 0 : index
    %get3A_12 = arith.constant 0 : index
    %get3A_13 = vector.load %arg3[%get3A_11, %get3A_12] : memref<64x4096xf32, #tpu.memory_space<vmem>>, vector<64x4096xf32>
    %dot_general3A_14 = arith.constant dense<0.000000e+00> : vector<8x4096xf32>
    %dot_general3A_15 = tpu.matmul %get3A_1, %get3A_13, %dot_general3A_14 {dimension_numbers = #tpu.dot_dimension_numbers<[1], [0], [0], [1], [0, 0, 1, 1], [], []>, transpose_lhs_hint = false} : vector<8x64xf32>, vector<64x4096xf32>, vector<8x4096xf32> -> vector<8x4096xf32>
    %get3A_16 = arith.constant 0 : index
    %get3A_17 = arith.constant 0 : index
    %get3A_18 = vector.load %arg4[%get3A_16, %get3A_17] : memref<64x4096xf32, #tpu.memory_space<vmem>>, vector<64x4096xf32>
    %dot_general3A_19 = arith.constant dense<0.000000e+00> : vector<8x4096xf32>
    %dot_general3A_20 = tpu.matmul %get3A_1, %get3A_18, %dot_general3A_19 {dimension_numbers = #tpu.dot_dimension_numbers<[1], [0], [0], [1], [0, 0, 1, 1], [], []>, transpose_lhs_hint = false} : vector<8x64xf32>, vector<64x4096xf32>, vector<8x4096xf32> -> vector<8x4096xf32>
    %get3A_21 = arith.constant 0 : index
    %get3A_22 = arith.constant 0 : index
    %get3A_23 = vector.load %arg5[%get3A_21, %get3A_22] : memref<64x4096xf32, #tpu.memory_space<vmem>>, vector<64x4096xf32>
    %dot_general3A_24 = arith.constant dense<0.000000e+00> : vector<8x4096xf32>
    %dot_general3A_25 = tpu.matmul %get3A_1, %get3A_23, %dot_general3A_24 {dimension_numbers = #tpu.dot_dimension_numbers<[1], [0], [0], [1], [0, 0, 1, 1], [], []>, transpose_lhs_hint = false} : vector<8x64xf32>, vector<64x4096xf32>, vector<8x4096xf32> -> vector<8x4096xf32>
    %get3A_26 = arith.constant 0 : index
    %get3A_27 = arith.constant 0 : index
    %get3A_28 = vector.load %arg6[%get3A_26, %get3A_27] : memref<64x4096xf32, #tpu.memory_space<vmem>>, vector<64x4096xf32>
    %dot_general3A_29 = arith.constant dense<0.000000e+00> : vector<8x4096xf32>
    %dot_general3A_30 = tpu.matmul %get3A_1, %get3A_28, %dot_general3A_29 {dimension_numbers = #tpu.dot_dimension_numbers<[1], [0], [0], [1], [0, 0, 1, 1], [], []>, transpose_lhs_hint = false} : vector<8x64xf32>, vector<64x4096xf32>, vector<8x4096xf32> -> vector<8x4096xf32>
    %get3A_31 = arith.constant 0 : index
    %get3A_32 = arith.constant 0 : index
    %get3A_33 = vector.load %arg7[%get3A_31, %get3A_32] : memref<64x4096xf32, #tpu.memory_space<vmem>>, vector<64x4096xf32>
    %dot_general3A_34 = arith.constant dense<0.000000e+00> : vector<8x4096xf32>
    %dot_general3A_35 = tpu.matmul %get3A_1, %get3A_33, %dot_general3A_34 {dimension_numbers = #tpu.dot_dimension_numbers<[1], [0], [0], [1], [0, 0, 1, 1], [], []>, transpose_lhs_hint = false} : vector<8x64xf32>, vector<64x4096xf32>, vector<8x4096xf32> -> vector<8x4096xf32>
    %get3A_36 = arith.constant 0 : index
    %get3A_37 = arith.constant 0 : index
    %get3A_38 = vector.load %arg8[%get3A_36, %get3A_37] : memref<64x4096xf32, #tpu.memory_space<vmem>>, vector<64x4096xf32>
    %dot_general3A_39 = arith.constant dense<0.000000e+00> : vector<8x4096xf32>
    %dot_general3A_40 = tpu.matmul %get3A_1, %get3A_38, %dot_general3A_39 {dimension_numbers = #tpu.dot_dimension_numbers<[1], [0], [0], [1], [0, 0, 1, 1], [], []>, transpose_lhs_hint = false} : vector<8x64xf32>, vector<64x4096xf32>, vector<8x4096xf32> -> vector<8x4096xf32>
    %get3A_41 = arith.constant 0 : index
    %get3A_42 = arith.constant 0 : index
    %get3A_43 = vector.load %arg9[%get3A_41, %get3A_42] : memref<64x4096xf32, #tpu.memory_space<vmem>>, vector<64x4096xf32>
    %dot_general3A_44 = arith.constant dense<0.000000e+00> : vector<8x4096xf32>
    %dot_general3A_45 = tpu.matmul %get3A_1, %get3A_43, %dot_general3A_44 {dimension_numbers = #tpu.dot_dimension_numbers<[1], [0], [0], [1], [0, 0, 1, 1], [], []>, transpose_lhs_hint = false} : vector<8x64xf32>, vector<64x4096xf32>, vector<8x4096xf32> -> vector<8x4096xf32>
    %get3A_46 = arith.constant 0 : index
    %get3A_47 = arith.constant 0 : index
    %get3A_48 = vector.load %arg10[%get3A_46, %get3A_47] : memref<64x4096xf32, #tpu.memory_space<vmem>>, vector<64x4096xf32>
    %dot_general3A_49 = arith.constant dense<0.000000e+00> : vector<8x4096xf32>
    %dot_general3A_50 = tpu.matmul %get3A_1, %get3A_48, %dot_general3A_49 {dimension_numbers = #tpu.dot_dimension_numbers<[1], [0], [0], [1], [0, 0, 1, 1], [], []>, transpose_lhs_hint = false} : vector<8x64xf32>, vector<64x4096xf32>, vector<8x4096xf32> -> vector<8x4096xf32>
    %get3A_51 = arith.constant 0 : index
    %get3A_52 = arith.constant 0 : index
    %get3A_53 = vector.load %arg11[%get3A_51, %get3A_52] : memref<64x4096xf32, #tpu.memory_space<vmem>>, vector<64x4096xf32>
    %dot_general3A_54 = arith.constant dense<0.000000e+00> : vector<8x4096xf32>
    %dot_general3A_55 = tpu.matmul %get3A_1, %get3A_53, %dot_general3A_54 {dimension_numbers = #tpu.dot_dimension_numbers<[1], [0], [0], [1], [0, 0, 1, 1], [], []>, transpose_lhs_hint = false} : vector<8x64xf32>, vector<64x4096xf32>, vector<8x4096xf32> -> vector<8x4096xf32>
    %get3A_56 = arith.constant 0 : index
    %get3A_57 = arith.constant 0 : index
    %get3A_58 = vector.load %arg12[%get3A_56, %get3A_57] : memref<64x4096xf32, #tpu.memory_space<vmem>>, vector<64x4096xf32>
    %dot_general3A_59 = arith.constant dense<0.000000e+00> : vector<8x4096xf32>
    %dot_general3A_60 = tpu.matmul %get3A_1, %get3A_58, %dot_general3A_59 {dimension_numbers = #tpu.dot_dimension_numbers<[1], [0], [0], [1], [0, 0, 1, 1], [], []>, transpose_lhs_hint = false} : vector<8x64xf32>, vector<64x4096xf32>, vector<8x4096xf32> -> vector<8x4096xf32>
    %get3A_61 = arith.constant 0 : index
    %get3A_62 = arith.constant 0 : index
    %get3A_63 = vector.load %arg13[%get3A_61, %get3A_62] : memref<64x4096xf32, #tpu.memory_space<vmem>>, vector<64x4096xf32>
    %dot_general3A_64 = arith.constant dense<0.000000e+00> : vector<8x4096xf32>
    %dot_general3A_65 = tpu.matmul %get3A_1, %get3A_63, %dot_general3A_64 {dimension_numbers = #tpu.dot_dimension_numbers<[1], [0], [0], [1], [0, 0, 1, 1], [], []>, transpose_lhs_hint = false} : vector<8x64xf32>, vector<64x4096xf32>, vector<8x4096xf32> -> vector<8x4096xf32>
    %get3A_66 = arith.constant 0 : index
    %get3A_67 = arith.constant 0 : index
    %get3A_68 = vector.load %arg14[%get3A_66, %get3A_67] : memref<64x4096xf32, #tpu.memory_space<vmem>>, vector<64x4096xf32>
    %dot_general3A_69 = arith.constant dense<0.000000e+00> : vector<8x4096xf32>
    %dot_general3A_70 = tpu.matmul %get3A_1, %get3A_68, %dot_general3A_69 {dimension_numbers = #tpu.dot_dimension_numbers<[1], [0], [0], [1], [0, 0, 1, 1], [], []>, transpose_lhs_hint = false} : vector<8x64xf32>, vector<64x4096xf32>, vector<8x4096xf32> -> vector<8x4096xf32>
    %get3A_71 = arith.constant 0 : index
    %get3A_72 = arith.constant 0 : index
    %get3A_73 = vector.load %arg15[%get3A_71, %get3A_72] : memref<64x4096xf32, #tpu.memory_space<vmem>>, vector<64x4096xf32>
    %dot_general3A_74 = arith.constant dense<0.000000e+00> : vector<8x4096xf32>
    %dot_general3A_75 = tpu.matmul %get3A_1, %get3A_73, %dot_general3A_74 {dimension_numbers = #tpu.dot_dimension_numbers<[1], [0], [0], [1], [0, 0, 1, 1], [], []>, transpose_lhs_hint = false} : vector<8x64xf32>, vector<64x4096xf32>, vector<8x4096xf32> -> vector<8x4096xf32>
    %get3A_76 = arith.constant 0 : index
    %get3A_77 = arith.constant 0 : index
    %get3A_78 = vector.load %arg16[%get3A_76, %get3A_77] : memref<64x4096xf32, #tpu.memory_space<vmem>>, vector<64x4096xf32>
    %dot_general3A_79 = arith.constant dense<0.000000e+00> : vector<8x4096xf32>
    %dot_general3A_80 = tpu.matmul %get3A_1, %get3A_78, %dot_general3A_79 {dimension_numbers = #tpu.dot_dimension_numbers<[1], [0], [0], [1], [0, 0, 1, 1], [], []>, transpose_lhs_hint = false} : vector<8x64xf32>, vector<64x4096xf32>, vector<8x4096xf32> -> vector<8x4096xf32>
    %concatenate3A = tpu.concatenate %dot_general3A_5, %dot_general3A_10, %dot_general3A_15, %dot_general3A_20, %dot_general3A_25, %dot_general3A_30, %dot_general3A_35, %dot_general3A_40, %dot_general3A_45, %dot_general3A_50, %dot_general3A_55, %dot_general3A_60, %dot_general3A_65, %dot_general3A_70, %dot_general3A_75, %dot_general3A_80 in 0 : vector<8x4096xf32>, vector<8x4096xf32>, vector<8x4096xf32>, vector<8x4096xf32>, vector<8x4096xf32>, vector<8x4096xf32>, vector<8x4096xf32>, vector<8x4096xf32>, vector<8x4096xf32>, vector<8x4096xf32>, vector<8x4096xf32>, vector<8x4096xf32>, vector<8x4096xf32>, vector<8x4096xf32>, vector<8x4096xf32>, vector<8x4096xf32> -> vector<128x4096xf32>
    %transpose3A = tpu.transpose %concatenate3A, [1, 0] : vector<128x4096xf32> -> vector<4096x128xf32>
    %swap3A = arith.constant 0 : index
    %swap3A_81 = arith.constant 0 : index
    %swap3A_82 = vector.load %arg18[%swap3A, %swap3A_81] : memref<4096x128xf32, #tpu.memory_space<vmem>>, vector<4096x128xf32>
    tpu.vector_store %arg18[%swap3A, %swap3A_81], %transpose3A {strides = array<i32>} : memref<4096x128xf32, #tpu.memory_space<vmem>>, vector<4096x128xf32>,
    return
  }
  func.func @transform_0(%arg0: i32) -> (i32, i32) {
    %add3A = arith.constant 0 : i32
    %add3A_0 = arith.addi %add3A, %arg0 : i32
    %c0_i32 = arith.constant 0 : i32
    %c0_i32_1 = arith.constant 0 : i32
    return %c0_i32, %add3A_0 : i32, i32
  }
  func.func @transform_1(%arg0: i32) -> (i32, i32) {
    %add3A = arith.constant 16 : i32
    %add3A_0 = arith.addi %add3A, %arg0 : i32
    %c0_i32 = arith.constant 0 : i32
    %c0_i32_1 = arith.constant 0 : i32
    return %c0_i32, %add3A_0 : i32, i32
  }
  func.func @transform_2(%arg0: i32) -> (i32, i32) {
    %add3A = arith.constant 32 : i32
    %add3A_0 = arith.addi %add3A, %arg0 : i32
    %c0_i32 = arith.constant 0 : i32
    %c0_i32_1 = arith.constant 0 : i32
    return %c0_i32, %add3A_0 : i32, i32
  }
  func.func @transform_3(%arg0: i32) -> (i32, i32) {
    %add3A = arith.constant 48 : i32
    %add3A_0 = arith.addi %add3A, %arg0 : i32
    %c0_i32 = arith.constant 0 : i32
    %c0_i32_1 = arith.constant 0 : i32
    return %c0_i32, %add3A_0 : i32, i32
  }
  func.func @transform_4(%arg0: i32) -> (i32, i32) {
    %add3A = arith.constant 64 : i32
    %add3A_0 = arith.addi %add3A, %arg0 : i32
    %c0_i32 = arith.constant 0 : i32
    %c0_i32_1 = arith.constant 0 : i32
    return %c0_i32, %add3A_0 : i32, i32
  }
  func.func @transform_5(%arg0: i32) -> (i32, i32) {
    %add3A = arith.constant 80 : i32
    %add3A_0 = arith.addi %add3A, %arg0 : i32
    %c0_i32 = arith.constant 0 : i32
    %c0_i32_1 = arith.constant 0 : i32
    return %c0_i32, %add3A_0 : i32, i32
  }
  func.func @transform_6(%arg0: i32) -> (i32, i32) {
    %add3A = arith.constant 96 : i32
    %add3A_0 = arith.addi %add3A, %arg0 : i32
    %c0_i32 = arith.constant 0 : i32
    %c0_i32_1 = arith.constant 0 : i32
    return %c0_i32, %add3A_0 : i32, i32
  }
  func.func @transform_7(%arg0: i32) -> (i32, i32) {
    %add3A = arith.constant 112 : i32
    %add3A_0 = arith.addi %add3A, %arg0 : i32
    %c0_i32 = arith.constant 0 : i32
    %c0_i32_1 = arith.constant 0 : i32
    return %c0_i32, %add3A_0 : i32, i32
  }
  func.func @transform_8(%arg0: i32) -> (i32, i32) {
    %add3A = arith.constant 128 : i32
    %add3A_0 = arith.addi %add3A, %arg0 : i32
    %c0_i32 = arith.constant 0 : i32
    %c0_i32_1 = arith.constant 0 : i32
    return %c0_i32, %add3A_0 : i32, i32
  }
  func.func @transform_9(%arg0: i32) -> (i32, i32) {
    %add3A = arith.constant 144 : i32
    %add3A_0 = arith.addi %add3A, %arg0 : i32
    %c0_i32 = arith.constant 0 : i32
    %c0_i32_1 = arith.constant 0 : i32
    return %c0_i32, %add3A_0 : i32, i32
  }
  func.func @transform_10(%arg0: i32) -> (i32, i32) {
    %add3A = arith.constant 160 : i32
    %add3A_0 = arith.addi %add3A, %arg0 : i32
    %c0_i32 = arith.constant 0 : i32
    %c0_i32_1 = arith.constant 0 : i32
    return %c0_i32, %add3A_0 : i32, i32
  }
  func.func @transform_11(%arg0: i32) -> (i32, i32) {
    %add3A = arith.constant 176 : i32
    %add3A_0 = arith.addi %add3A, %arg0 : i32
    %c0_i32 = arith.constant 0 : i32
    %c0_i32_1 = arith.constant 0 : i32
    return %c0_i32, %add3A_0 : i32, i32
  }
  func.func @transform_12(%arg0: i32) -> (i32, i32) {
    %add3A = arith.constant 192 : i32
    %add3A_0 = arith.addi %add3A, %arg0 : i32
    %c0_i32 = arith.constant 0 : i32
    %c0_i32_1 = arith.constant 0 : i32
    return %c0_i32, %add3A_0 : i32, i32
  }
  func.func @transform_13(%arg0: i32) -> (i32, i32) {
    %add3A = arith.constant 208 : i32
    %add3A_0 = arith.addi %add3A, %arg0 : i32
    %c0_i32 = arith.constant 0 : i32
    %c0_i32_1 = arith.constant 0 : i32
    return %c0_i32, %add3A_0 : i32, i32
  }
  func.func @transform_14(%arg0: i32) -> (i32, i32) {
    %add3A = arith.constant 224 : i32
    %add3A_0 = arith.addi %add3A, %arg0 : i32
    %c0_i32 = arith.constant 0 : i32
    %c0_i32_1 = arith.constant 0 : i32
    return %c0_i32, %add3A_0 : i32, i32
  }
  func.func @transform_15(%arg0: i32) -> (i32, i32) {
    %add3A = arith.constant 229 : i32
    %add3A_0 = arith.addi %add3A, %arg0 : i32
    %c0_i32 = arith.constant 0 : i32
    %c0_i32_1 = arith.constant 0 : i32
    return %c0_i32, %add3A_0 : i32, i32
  }
  func.func @transform_16(%arg0: i32) -> (i32, i32) {
    %c0_i32 = arith.constant 0 : i32
    %c0_i32_0 = arith.constant 0 : i32
    %c0_i32_1 = arith.constant 0 : i32
    return %c0_i32, %c0_i32_0 : i32, i32
  }
  func.func @transform_17(%arg0: i32) -> (i32, i32) {
    %c0_i32 = arith.constant 0 : i32
    %c0_i32_0 = arith.constant 0 : i32
    return %arg0, %c0_i32 : i32, i32
  }
}

</mosaic_0001>

<sc_bundles>
// kernel: kernel.4.cloned.1.call-start
scs
__scs_entry_jumppad:
0x0: {  	(pc) =	sbr.rel $0x88, $3  }
0x1: {  	(tag) =	ssettag $0x0;
	lr =	simm.s32 $0x1  }
0x2: {  	[smem:$0x3F9D] =	sst lr;
	_ =	strace $0xD0000000  }
0x3: {  	_ = 	snop  }
0x4: {  	_ = 	snop  }
0x5: {  	_ = 	snop  }
0x6: {  	_ = 	snop  }
0x7: {  	_ = 	snop  }
__scs_overlays_trampoline_lowered:
0x8: {  	[smem:$0x3FAC] =	sst s0  }
0x9: {  	[smem:$0x3FAD] =	sst s1  }
0xa: {  	[smem:$0x3FAE] =	sst s2  }
0xb: {  	[smem:$0x3FAF] =	sst s3  }
0xc: {  	[smem:$0x3FB0] =	sst s4  }
0xd: {  	[smem:$0x3FB1] =	sst s5  }
0xe: {  	[smem:$0x3FB2] =	sst s6  }
0xf: {  	[smem:$0x3FB3] =	sst s7  }
0x10: {  	[smem:$0x3FB4] =	sst s8  }
0x11: {  	[smem:$0x3FB5] =	sst s9;
	s0 =	simm.s32 @!p0 $0x0  }
0x12: {  	s1 =	sld [smem:$0x3F9B];
	s0 =	simm.s32 @p0 $0x1  }
0x13: {  	[smem:$0x3FB6] =	sst s0;
	s0 =	simm.s32 @!p1 $0x0  }
0x14: {  	s2 =	sld [smem:$0x3F9A];
	s0 =	simm.s32 @p1 $0x1  }
0x15: {  	[smem:$0x3FB7] =	sst s0;
	s0 =	simm.s32 @!p2 $0x0  }
0x16: {  	s3 =	sld [smem:$0x3FDB];
	s0 =	simm.s32 @p2 $0x1  }
0x17: {  	s4 =	simm.s32 $0x1BF5;
	[smem:$0x3FB9] =	sst s0  }
0x18: {  	s0 =	sld [smem:$0x3F9C];
	_ =	swait.ge [sflag:s4], $0x0  }
0x19: {  	s7 =	sld [smem:$0x3F9D]  }
0x1a: {  	s8 =	sadd.s32 $0xFFFFE003, lr  }
0x1b: {  	s9 =	sadd.s32 $0xFFFFFEF7, lr;
	s5 =	simm.s32 $0xFFFFFFFF;
	p2 =	slt.u32 s8, $0xFFFFF086  }
0x1c: {  	p1 =	slt.u32 s9, $0xF7A;
	s5 =	simm.s32 @!p2 $0x0  }
0x1d: {  	s5 =	simm.s32 @p1 $0x1;
	p0 =	seq.s32 s7, s2  }
0x1e: {  	s7 =	smul.u32 @!p0 $0xF7A, s2;
	p2 =	seq.s32 @!p0 s5, $0x0  }
0x1f: {  	s9 =	smul.u32 $0xF7A, s1;
	s8 =	simm.s32 @!p0 $0x1BF5;
	p2 =	por !p2, p0  }
0x20: {  	[sflag:s8] =	ssyncset.s32 @!p0 $0xFFFFF086;
	s6 =	sadd.s32 @!p0 s3, s7;
	s7 =	simm.s32 @!p0 $0x108  }
0x21: {  	s3 =	sadd.s32 s3, s9;
	s6 =	sadd.s32 @!p0 $0x88, s6;
	s7 =	simm.s32 @p2 $0x1082  }
0x22: {  	[simem:s7], [sflag:s8] =	dma.local @!p0 [hbm:s6], $0xF7A  }
0x23: {  	s9 =	sor.u32 $0xD0000000, s2;
	s6 =	simm.s32 $0x108;
	_ =	swait.ge @!p0 [sflag:s8], $0x0  }
0x24: {  	s3 =	sadd.s32 $0x88, s3;
	s6 =	simm.s32 @!p1 $0x1082;
	[sflag:s4] =	ssyncset.s32 $0xFFFFF086  }
0x25: {  	[simem:s6], [sflag:s4] =	dma.local [hbm:s3], $0xF7A  }
0x26: {  	[smem:$0x3F9D] =	sst s1;
	(tag) =	ssettag s2;
	_ =	strace s9  }
0x27: {  	s1 =	sld [smem:$0x3FAD]  }
0x28: {  	s2 =	sld [smem:$0x3FAE]  }
0x29: {  	s4 =	sld [smem:$0x3FB0]  }
0x2a: {  	p0 =	seq.s32 s5, $0x0;
	s5 =	sld [smem:$0x3FB1]  }
0x2b: {  	s6 =	sld [smem:$0x3FB2]  }
0x2c: {  	s7 =	sld [smem:$0x3FB3]  }
0x2d: {  	s3 =	simm.s32 $0x108;
	s8 =	sld [smem:$0x3FB4]  }
0x2e: {  	s3 =	simm.s32 @!p0 $0x1082;
	s9 =	sld [smem:$0x3FB5]  }
0x2f: {  	lr =	sadd.s32 s0, s3;
	s0 =	sld [smem:$0x3FAC]  }
0x30: {  	s3 =	sld [smem:$0x3FAF]  }
0x31: {  	[smem:$0x3FB8] =	sst s10  }
0x32: {  	s10 =	sld [smem:$0x3FB6];
	_ =	sdelay $0x3  }
0x33: {  	p0 =	seq.s32 s10, $0x1;
	s10 =	sld [smem:$0x3FB8];
	_ =	sdelay $0x3  }
0x34: {  	[smem:$0x3FB8] =	sst s10  }
0x35: {  	s10 =	sld [smem:$0x3FB7];
	_ =	sdelay $0x3  }
0x36: {  	p1 =	seq.s32 s10, $0x1;
	s10 =	sld [smem:$0x3FB8];
	_ =	sdelay $0x3  }
0x37: {  	[smem:$0x3FB8] =	sst s10  }
0x38: {  	s10 =	sld [smem:$0x3FB9]  }
0x39: {  	_ = 	snop;
	(pc) =	sbr.ind lr, $3  }
0x3a: {  	_ = 	snop  }
0x3b: {  	_ = 	snop  }
0x3c: {  	p2 =	seq.s32 s10, $0x1;
	s10 =	sld [smem:$0x3FB8]  }
0x3d: {  	_ =	shalt  }
0x3e: {  	_ =	shalt  }
0x3f: {  	_ =	shalt  }
0x40: {  	_ =	shalt  }
0x41: {  	_ =	shalt  }
0x42: {  	_ =	shalt  }
0x43: {  	_ =	shalt  }
0x44: {  	_ =	shalt  }
0x45: {  	_ =	shalt  }
0x46: {  	_ =	shalt  }
0x47: {  	_ =	shalt  }
0x48: {  	_ =	shalt  }
0x49: {  	_ =	shalt  }
0x4a: {  	_ =	shalt  }
0x4b: {  	_ =	shalt  }
0x4c: {  	_ =	shalt  }
0x4d: {  	_ =	shalt  }
0x4e: {  	_ =	shalt  }
0x4f: {  	_ =	shalt  }
0x50: {  	_ =	shalt  }
0x51: {  	_ =	shalt  }
0x52: {  	_ =	shalt  }
0x53: {  	_ =	shalt  }
0x54: {  	_ =	shalt  }
0x55: {  	_ =	shalt  }
0x56: {  	_ =	shalt  }
0x57: {  	_ =	shalt  }
0x58: {  	_ =	shalt  }
0x59: {  	_ =	shalt  }
0x5a: {  	_ =	shalt  }
0x5b: {  	_ =	shalt  }
0x5c: {  	_ =	shalt  }
0x5d: {  	_ =	shalt  }
0x5e: {  	_ =	shalt  }
0x5f: {  	_ =	shalt  }
0x60: {  	_ =	shalt  }
0x61: {  	_ =	shalt  }
0x62: {  	_ =	shalt  }
0x63: {  	_ =	shalt  }
0x64: {  	_ =	shalt  }
0x65: {  	_ =	shalt  }
0x66: {  	_ =	shalt  }
0x67: {  	_ =	shalt  }
0x68: {  	_ =	shalt  }
0x69: {  	_ =	shalt  }
0x6a: {  	_ =	shalt  }
0x6b: {  	_ =	shalt  }
0x6c: {  	_ =	shalt  }
0x6d: {  	_ =	shalt  }
0x6e: {  	_ =	shalt  }
0x6f: {  	_ =	shalt  }
0x70: {  	_ =	shalt  }
0x71: {  	_ =	shalt  }
0x72: {  	_ =	shalt  }
0x73: {  	_ =	shalt  }
0x74: {  	_ =	shalt  }
0x75: {  	_ =	shalt  }
0x76: {  	_ =	shalt  }
0x77: {  	_ =	shalt  }
0x78: {  	_ =	shalt  }
0x79: {  	_ =	shalt  }
0x7a: {  	_ =	shalt  }
0x7b: {  	_ =	shalt  }
0x7c: {  	_ =	shalt  }
0x7d: {  	_ =	shalt  }
0x7e: {  	_ =	shalt  }
0x7f: {  	_ =	shalt  }
0x80: {  	_ =	shalt  }
0x81: {  	_ =	shalt  }
0x82: {  	_ =	shalt  }
0x83: {  	_ =	shalt  }
0x84: {  	_ =	shalt  }
0x85: {  	_ =	shalt  }
0x86: {  	_ =	shalt  }
0x87: {  	_ =	shalt  }
.Lfunc_end0:
.L_simem_size_0:
called_computation_lowered:
.L_overlay_start_0:
0x88: {  	s2 =	sld [smem:$0x3FD9]  }
0x89: {  	s3 =	sld [smem:$0x3FFE];
	_ =	sdelay $0x1  }
0x8a: {  	s1 =	srdreg.scid  }
0x8b: {  	s0 =	sand.u32 $0x1, s1  }
0x8c: {  	s17 =	sshll.u32 s0, $0xA;
	s2 =	sadd.s32 s3, s2  }
0x8d: {  	s2 =	sadd.s32 s2, s17  }
0x8e: {  	[smem:$0x3FC4] =	sst s2  }
0x8f: {  	_ = 	snop  }
0x90: {  	s2 =	sld [smem:$0x3FD0];
	(tm) =	ssettm $0x1  }
0x91: {  	s18 =	sld [smem:$0x3FFB];
	_ =	sdelay $0x3  }
0x92: {  	_ =	strace s18  }
0x93: {  	s3 =	sld [smem:$0x3FFC];
	_ =	sdelay $0x3  }
0x94: {  	_ =	strace s3  }
0x95: {  	s3 =	sld [smem:$0x3FFD];
	_ =	sdelay $0x3  }
0x96: {  	_ =	strace s3  }
0x97: {  	_ =	strace $0x8FFFFFFF  }
0x98: {  	s19 =	sld [smem:$0x3FDB];
	_ =	sdelay $0x1  }
0x99: {  	s4 =	simm.s32 $_scs_section_size  }
0x9a: {  	s5 =	simm.s32 $_size__tile_overlayer_lowered;
	s6 =	simm.s32 $_tile_overlayer_lowered  }
0x9b: {  	s22 =	simm.s32 $0x1BFF;
	s21 =	sshll.u32 s6, $0x1;
	s3 =	sadd.s32 s4, s19  }
0x9c: {  	s7 =	simm.s32 $0x0;
	s20 =	sshll.u32 s5, $0x1;
	s5 =	sadd.s32 s21, s3  }
0x9d: {  	[timem:s7], [sflag:s22] =	dma.local [hbm:s5], s20  }
0x9e: {  	_ =	swait.ge [sflag:s22], s20  }
0x9f: {  	s4 =	ssub.s32 $0x0, s20;
	[sflag:s22] =	ssyncset.done $0x0  }
0xa0: {  	[sflag:s22] =	ssyncadd.s32 s4;
	_ =	sdelay $0x1  }
0xa1: {  	s23 =	simm.s32 $0x1B8B  }
0xa2: {  	_ =	swait.ge [sflag:s23], $0x1  }
0xa3: {  	[sflag:s23] =	ssyncset.done $0x0  }
0xa4: {  	s25 =	simm.s32 $0x1B8E;
	s24 =	sld [smem:$0x3FFE];
	[sflag:s23] =	ssyncadd.s32 $0xFFFFFFFF  }
0xa5: {  	s26 =	simm.s32 $execute0_lowered;
	[smem:$0x3FD2] =	sst s25  }
0xa6: {  	s5 =	sshll.u32 s26, $0x1;
	_ =	strace $0x80000046;
	[dreg:$0x1] =	wrdreg $0xFFFFFFFF  }
0xa7: {  	s28 =	simm.s32 $_size_execute0_lowered;
	s3 =	sadd.s32 s3, s5;
	[dreg:$0x0] =	wrdreg $0x0  }
0xa8: {  	s5 =	sshll.u32 s28, $0x1;
	[dreg:$0x2] =	wrdreg s3  }
0xa9: {  	[dreg:$0x3] =	wrdreg s5  }
0xaa: {  	[dreg:$0x4] =	wrdreg $0xC0  }
0xab: {  	_ =	task [dreg:s7], $0x5FFFF  }
0xac: {  	[dreg:$0x1] =	wrdreg $0xFFFFFFFF  }
0xad: {  	[dreg:$0x0] =	wrdreg $0x60  }
0xae: {  	[dreg:$0x2] =	wrdreg s24  }
0xaf: {  	[dreg:$0x3] =	wrdreg s2  }
0xb0: {  	[dreg:$0x4] =	wrdreg $0x9  }
0xb1: {  	_ =	task.clear_ibuf [dreg:s7], $0x5FFFF;
	_ =	strace $0x90000046  }
0xb2: {  	s29 =	simm.s32 $0x9;
	_ =	strace $0x80000048  }
0xb3: {  	_ =	swait.ge [sflag:s29], $0x1  }
0xb4: {  	[sflag:s29] =	ssyncadd.s32 $0xFFFFFFFF  }
0xb5: {  	_ =	strace $0x90000048  }
0xb6: {  	_ =	sfence  }
0xb7: {  	s30 =	sld [smem:$0x0];
	_ =	sdelay $0x2  }
0xb8: {  	s31 =	sshll.u32 s1, $0xD;
	s1 =	sshrl.u32 s1, $0x2  }
0xb9: {  	s3 =	sand.u32 $0x4000, s31;
	s1 =	sadd.s32 s1, s30  }
0xba: {  	s0 =	sor.u32 s3, s0;
	s1 =	sshll.u32 s1, $0x11  }
0xbb: {  	s0 =	sor.u32 s1, s0  }
0xbc: {  	s0 =	sadd.s32 $0x8F2B, s0  }
0xbd: {  	[sflag:s0] =	ssyncadd.remote.s32 $0x1  }
0xbe: {  	_ =	sfence.sel $0xFFFF  }
0xbf: {  	[dreg:$0x0] =	wrdreg $0xFFFFFFFF;
	(pc) =	sbr.abs _section_cstart, $3  }
0xc0: {  	[dreg:$0x1] =	wrdreg $0xFFFFFFFF  }
0xc1: {  	_ =	task.clear_ibuf [dreg:s7], $0x2FFFF;
	_ =	strace $0x9FFFFFFF  }
0xc2: {  	(tm) =	ssettm $0x7FFFFFFF  }
0xc3: {  	_ =	shalt  }
tec
execute0_lowered:
.L_overlay_start_1:
0x0: {  	(tag) =	ssettag $0x1  }
0x1: {  	s0 =	rddreg [dreg:$0x0]  }
0x2: {  	s2 =	rddreg [dreg:$0x1]  }
0x3: {  	s3 =	simm.s32 $0x0;
	s1 =	srdreg.scid;
	s4 =	stileid.u32  }
0x4: {  	s13 =	simm.s32 $0x3;
	s14 =	simm.s32 $0x320;
	s15 =	simm.s32 $0x1900  }
0x5: {  	s21 =	simm.s32 $0xC80;
	s22 =	simm.s32 $0x7D00;
	s23 =	simm.s32 $0xFA0  }
0x6: {  	s24 =	simm.s32 $0x9600;
	s25 =	simm.s32 $0x12C0;
	s28 =	simm.s32 $0x15E0  }
0x7: {  	s29 =	simm.s32 $0xC800;
	s30 =	simm.s32 $0x1;
	s31 =	simm.s32 $0xE100  }
0x8: {  	[smem:$0x7FF] =	sst s3;
	s1 =	sand.u32 $0x1, s1;
	s5 =	sshll.u32 s4, $0x1  }
0x9: {  	s4 =	sadd.s32 $0x64600, s0;
	s6 =	sadd.s32 $0x400, s0;
	_ =	strace $0x80000047  }
0xa: {  	s7 =	sor.u32 s1, s5;
	s5 =	sadd.s32 $0x600, s0;
	s1 =	ssub.s32 $0x2, s1  }
0xb: {  	s8 =	smul.u32 $0x3200, s7;
	s26 =	sshrl.u32 s1, $0x1;
	s11 =	sshll.u32 s7, $0x9  }
0xc: {  	v1 =	vlaneseq.u32;
	s0 =	ssub.s32 s1, s26;
	s9 =	sor.u32 $0x20, s11;
	s26 =	simm.s32 $0xAF00  }
0xd: {  	v0 =	vshrl.u32 v1, $0x3;
	s1 =	simm.s32 $0x0;
	s7 =	sadd.s32 s5, s8;
	s8 =	sadd.s32 s2, s11  }
0xe: {  	v1 =	vand.u32 $0x7, v1;
	v0 =	vmul.u32 $0x8, v0;
	s10 =	smax.u32 s0, $0x1;
	s11 =	sor.u32 $0x10, s11;
	s0 =	simm.s32 $0x2  }
.LBB2_1:
0xf: {  	s12 =	simm.s32 $0xE1A0  }
0x10: {  	[tilespmem:s12], [sflag:$0x3] =	stream.linear.gather [hbm4b:s6+s3], $0x10, $0x38;
	[tilespmem:$0xE1B0] =	vst v63  }
0x11: {  	_ =	swait.ge [sflag:s13], $0x10  }
0x12: {  	[sflag:s13] =	ssyncset.done $0x0  }
0x13: {  	[sflag:s13] =	ssyncadd.s32 $0xFFFFFFF0  }
0x14: {  	v2 =	vld [tilespmem:$0xE1A0];
	[tilespmem:s3], [sflag:$0x3] =	stream.linear.gather [hbm4b:s7+s3], $0xC80, $0x38  }
0x15: {  	_ =	swait.ge [sflag:s13], $0xC80  }
0x16: {  	[sflag:s13] =	ssyncset.done $0x0  }
0x17: {  	[sflag:s13] =	ssyncadd.s32 $0xFFFFF380  }
0x18: {  	[tilespmem:s15], [sflag:$0x1] =	stream.indirect.gather [hbm4b:s4+s14], $0x8, s3, s14, $0xb8;
	[tilespmem:$0xE1B0] =	vst v63  }
0x19: {  	s17 =	simm.s32 $0x3200  }
0x1a: {  	[tilespmem:s17], [sflag:$0x1] =	stream.indirect.gather [hbm4b:s4+s14], $0x8, s14, s14, $0xb8;
	[tilespmem:$0xE1B0] =	vst v63  }
0x1b: {  	s18 =	simm.s32 $0x640;
	s16 =	simm.s32 $0x4B00  }
0x1c: {  	[tilespmem:s16], [sflag:$0x1] =	stream.indirect.gather [hbm4b:s4+s14], $0x8, s18, s14, $0xb8;
	[tilespmem:$0xE1B0] =	vst v63  }
0x1d: {  	s19 =	simm.s32 $0x960;
	s20 =	simm.s32 $0x6400;
	s12 =	simm.s32 $0x0  }
0x1e: {  	[tilespmem:s20], [sflag:$0x1] =	stream.indirect.gather [hbm4b:s4+s14], $0x8, s19, s14, $0xb8;
	[tilespmem:$0xE1B0] =	vst v63  }
.LBB2_2:
0x1f: {  	s17 =	sshll.u32 s12, $0x5  }
0x20: {  	s16 =	sor.u32 s11, s17  }
0x21: {  	s18 =	smul.u32 $0x19, s16;
	_ =	sdelay $0x1  }
0x22: {  	s18 =	sadd.s32 s5, s18  }
0x23: {  	[tilespmem:s21], [sflag:$0x3] =	stream.linear.gather [hbm4b:s18+s3], $0xC80, $0x38;
	[tilespmem:$0xE1B0] =	vst v63  }
0x24: {  	_ =	swait.ge [sflag:s13], $0xC80  }
0x25: {  	[sflag:s13] =	ssyncset.done $0x0  }
0x26: {  	[sflag:s13] =	ssyncadd.s32 $0xFFFFF380  }
0x27: {  	[tilespmem:s22], [sflag:$0x2] =	stream.indirect.gather [hbm4b:s4+s14], $0x8, s21, s14, $0xb8;
	[tilespmem:$0xE1B0] =	vst v63  }
0x28: {  	s19 =	simm.s32 $0x0;
	s20 =	simm.s32 $0x6;
	s18 =	simm.s32 $0x2  }
0x29: {  	v4 =	vmov s18;
	[tilespmem:s24], [sflag:$0x2] =	stream.indirect.gather [hbm4b:s4+s14], $0x8, s23, s14, $0xb8;
	[tilespmem:$0xE1B0] =	vst v63  }
0x2a: {  	v5 =	vmov s19;
	v6 =	vmov s20;
	s19 =	simm.s32 $0x4;
	v4 =	vshll.u32 v4, $0x3  }
0x2b: {  	v5 =	vshll.u32 v5, $0x3;
	v6 =	vshll.u32 v6, $0x3;
	v4 =	vor.u32 v0, v4;
	[tilespmem:s26], [sflag:$0x2] =	stream.indirect.gather [hbm4b:s4+s14], $0x8, s25, s14, $0xb8;
	[tilespmem:$0xE1B0] =	vst v63  }
0x2c: {  	s20 =	simm.s32 $0xA;
	v7 =	vmov s19;
	v5 =	vor.u32 v0, v5;
	v4 =	vor.u32 v1, v4  }
0x2d: {  	v7 =	vshll.u32 v7, $0x3;
	v6 =	vor.u32 v0, v6;
	v5 =	vor.u32 v1, v5;
	[tilespmem:s29], [sflag:$0x2] =	stream.indirect.gather [hbm4b:s4+s14], $0x8, s28, s14, $0xb8;
	[tilespmem:$0xE1B0] =	vst v63  }
0x2e: {  	v8 =	vmov s20;
	v7 =	vor.u32 v0, v7;
	v10 =	vor.u32 v1, v6;
	_ =	swait.ge [sflag:s30], $0x6400  }
0x2f: {  	s19 =	simm.s32 $0xE;
	s20 =	simm.s32 $0x8;
	v6 =	vshll.u32 v8, $0x3;
	v12 =	vor.u32 v1, v7;
	[sflag:s30] =	ssyncset.done $0x0  }
0x30: {  	v8 =	vmov s19;
	s19 =	simm.s32 $0xC;
	v7 =	vmov s20;
	v6 =	vor.u32 v0, v6;
	[sflag:s30] =	ssyncadd.s32 $0xFFFF9C00  }
0x31: {  	v8 =	vshll.u32 v8, $0x3;
	v9 =	vmov s19;
	v7 =	vshll.u32 v7, $0x3;
	v4 =	vld.idx.msk [tilespmem:v4+s15+$0x0], $0xffff  }
0x32: {  	v6 =	vor.u32 v1, v6;
	v11 =	vor.u32 v0, v8;
	v7 =	vor.u32 v0, v7;
	v8 =	vld.idx.msk [tilespmem:v5+s15+$0x0], $0xffff  }
0x33: {  	v3 =	vimm.f32 $0.0e+00;
	s20 =	simm.s32 $0x12;
	v9 =	vshll.u32 v9, $0x3;
	v7 =	vor.u32 v1, v7;
	v5 =	vld.idx.msk [tilespmem:v10+s15+$0x0], $0xffff  }
0x34: {  	s18 =	simm.s32 $0x16;
	v13 =	vmov s20;
	v14 =	vor.u32 v0, v9;
	v9 =	vor.u32 v1, v11;
	v10 =	vld.idx.msk [tilespmem:v12+s15+$0x0], $0xffff  }
0x35: {  	v13 =	vshll.u32 v13, $0x3;
	v15 =	vmov s18;
	v11 =	vor.u32 v1, v14  }
0x36: {  	s19 =	simm.s32 $0x1E;
	s20 =	simm.s32 $0x10;
	v14 =	vor.u32 v0, v13;
	v13 =	vshll.u32 v15, $0x3;
	v12 =	vimm.f32 $0.0e+00  }
.LBB2_3:
0x37: {  	p0 =	sne.s32 s19, $0xC6;
	v15 =	vmov s20;
	s20 =	sadd.s32 $0xFFFFFFFE, s18;
	v3 =	vadd.f32 v8, v3;
	v12 =	vadd.f32 v4, v12;
	v4 =	vld.idx.msk [tilespmem:v6+s15+$0x0], $0xffff;
	s18 =	smov.u32 s19  }
0x38: {  	v6 =	vor.u32 v1, v14;
	v15 =	vshll.u32 v15, $0x3;
	v14 =	vmov s20;
	v8 =	vld.idx.msk [tilespmem:v7+s15+$0x0], $0xffff  }
.Ltmp0:
0x39: {  	v7 =	vor.u32 v0, v15;
	v3 =	vadd.f32 v10, v3;
	v12 =	vadd.f32 v5, v12;
	v5 =	vld.idx.msk [tilespmem:v9+s15+$0x0], $0xffff;
	(pc) =	sbr.rel @p0 .LBB2_3-.Ltmp0, $4  }
0x3a: {  	v13 =	vor.u32 v0, v13;
	s20 =	sadd.s32 $0xFFFFFFFC, s19;
	v9 =	vshll.u32 v14, $0x3;
	v7 =	vor.u32 v1, v7;
	v10 =	vld.idx.msk [tilespmem:v11+s15+$0x0], $0xffff  }
0x3b: {  	v11 =	vmov s20;
	v14 =	vor.u32 v0, v9;
	v9 =	vor.u32 v1, v13  }
0x3c: {  	v15 =	vmov s19;
	v13 =	vshll.u32 v11, $0x3;
	v11 =	vor.u32 v1, v14  }
0x3d: {  	s19 =	sadd.s32 $0x8, s19;
	s20 =	sadd.s32 $0xFFFFFFFA, s18;
	v14 =	vor.u32 v0, v13;
	v13 =	vshll.u32 v15, $0x3  }
0x3e: {  	_ = 	snop  }
0x3f: {  	v15 =	vmov s20  }
0x40: {  	s18 =	sadd.s32 $0xFFFFFFFE, s18;
	v15 =	vshll.u32 v15, $0x3  }
0x41: {  	v14 =	vor.u32 v1, v14;
	v16 =	vmov s18;
	v15 =	vor.u32 v0, v15  }
0x42: {  	v6 =	vld.idx.msk [tilespmem:v6+s15+$0x0], $0xffff;
	v13 =	vor.u32 v0, v13;
	v16 =	vshll.u32 v16, $0x3;
	v15 =	vor.u32 v1, v15  }
0x43: {  	v7 =	vld.idx.msk [tilespmem:v7+s15+$0x0], $0xffff;
	v13 =	vor.u32 v1, v13;
	v16 =	vor.u32 v0, v16  }
0x44: {  	v3 =	vadd.f32 v8, v3;
	v4 =	vadd.f32 v4, v12;
	v8 =	vld.idx.msk [tilespmem:v9+s15+$0x0], $0xffff;
	v9 =	vor.u32 v1, v16  }
0x45: {  	v11 =	vld.idx.msk [tilespmem:v11+s15+$0x0], $0xffff  }
0x46: {  	v3 =	vadd.f32 v10, v3;
	v4 =	vadd.f32 v5, v4;
	v5 =	vld.idx.msk [tilespmem:v14+s15+$0x0], $0xffff  }
0x47: {  	v10 =	vld.idx.msk [tilespmem:v15+s15+$0x0], $0xffff  }
0x48: {  	v3 =	vadd.f32 v7, v3;
	v4 =	vadd.f32 v6, v4;
	v6 =	vld.idx.msk [tilespmem:v13+s15+$0x0], $0xffff  }
0x49: {  	v7 =	vld.idx.msk [tilespmem:v9+s15+$0x0], $0xffff  }
0x4a: {  	v3 =	vadd.f32 v11, v3;
	v4 =	vadd.f32 v8, v4;
	_ =	sdelay $0x1  }
0x4b: {  	v4 =	vadd.f32 v5, v4;
	v3 =	vadd.f32 v10, v3;
	_ =	sdelay $0x1  }
0x4c: {  	v4 =	vadd.f32 v6, v4;
	v3 =	vadd.f32 v7, v3;
	_ =	sdelay $0x1  }
0x4d: {  	v3 =	vadd.f32 v4, v3;
	_ =	sdelay $0x1  }
0x4e: {  	[tilespmem:$0xE188] =	vst v3  }
0x4f: {  	v4 =	vld [tilespmem:$0xE190];
	_ =	sdelay $0x4  }
0x50: {  	v3 =	vadd.f32 v4, v3;
	_ =	sdelay $0x1  }
0x51: {  	v3 =	vmul.f32 $4.999999890e-03, v3;
	_ =	sdelay $0x1  }
0x52: {  	v3 =	vadd.f32 v3, v2;
	_ =	sdelay $0x1  }
0x53: {  	v3 =	vsub.f32 $0.0e+00, v3;
	_ =	sdelay $0x1  }
0x54: {  	v3 =	vmul.f32 $1.442695020e+00, v3;
	_ =	sdelay $0x1  }
0x55: {  	(erf) = vpow2.f32 v3;
	_ =	sdelay $0x8  }
0x56: {  	v3 =	vpop (erf)  }
0x57: {  	v3 =	vadd.f32 $1.000000000e+00, v3;
	_ =	sdelay $0x1  }
0x58: {  	(erf) = vrcp.f32 v3;
	_ =	sdelay $0x1  }
0x59: {  	s20 =	simm.s32 $0xC8;
	s19 =	simm.s32 $0xCA  }
0x5a: {  	v5 =	vmov s19;
	v4 =	vmov s20  }
0x5b: {  	v5 =	vshll.u32 v5, $0x3;
	s20 =	simm.s32 $0xCC;
	v4 =	vshll.u32 v4, $0x3  }
0x5c: {  	s19 =	simm.s32 $0xCE;
	v5 =	vor.u32 v0, v5;
	v6 =	vmov s20;
	v4 =	vor.u32 v0, v4  }
0x5d: {  	v7 =	vmov s19;
	v6 =	vshll.u32 v6, $0x3;
	v4 =	vor.u32 v1, v4  }
0x5e: {  	v5 =	vor.u32 v1, v5;
	v7 =	vshll.u32 v7, $0x3;
	s20 =	simm.s32 $0xD0;
	v6 =	vor.u32 v0, v6  }
0x5f: {  	s19 =	simm.s32 $0xD4;
	v8 =	vmov s20;
	v9 =	vor.u32 v1, v6;
	v6 =	vor.u32 v0, v7  }
0x60: {  	s20 =	simm.s32 $0xD2;
	v7 =	vshll.u32 v8, $0x3;
	v8 =	vmov s19;
	v12 =	vor.u32 v1, v6;
	v10 =	vpop (erf)  }
0x61: {  	s19 =	simm.s32 $0xD6;
	v6 =	vmov s20;
	v7 =	vor.u32 v0, v7;
	v11 =	vshll.u32 v8, $0x3;
	[tilespmem:$0xE100] =	vst v10  }
0x62: {  	v8 =	vshll.u32 v6, $0x3;
	v6 =	vor.u32 v1, v7;
	v7 =	vmov s19;
	v4 =	vld.idx.msk [tilespmem:v4+s15+$0x0], $0xffff  }
0x63: {  	s18 =	simm.s32 $0xD8;
	v8 =	vor.u32 v0, v8;
	v10 =	vor.u32 v0, v11;
	v11 =	vshll.u32 v7, $0x3;
	v7 =	vld.idx.msk [tilespmem:v5+s15+$0x0], $0xffff  }
0x64: {  	v13 =	vmov s18;
	v8 =	vor.u32 v1, v8;
	v5 =	vld.idx.msk [tilespmem:v9+s15+$0x0], $0xffff  }
0x65: {  	v13 =	vshll.u32 v13, $0x3;
	s20 =	simm.s32 $0xDC;
	v10 =	vor.u32 v1, v10;
	v11 =	vor.u32 v0, v11;
	v9 =	vld.idx.msk [tilespmem:v12+s15+$0x0], $0xffff  }
0x66: {  	v14 =	vor.u32 v0, v13;
	v15 =	vmov s20;
	v11 =	vor.u32 v1, v11  }
0x67: {  	s20 =	simm.s32 $0xDA;
	s19 =	simm.s32 $0xE0;
	v13 =	vshll.u32 v15, $0x3;
	v3 =	vimm.f32 $0.0e+00;
	v12 =	vimm.f32 $0.0e+00  }
.LBB2_5:
0x68: {  	p0 =	sne.s32 s19, $0x188;
	v15 =	vmov s20;
	s20 =	sadd.s32 $0x6, s18;
	v3 =	vadd.f32 v4, v3;
	v4 =	vld.idx.msk [tilespmem:v6+s15+$0x0], $0xffff;
	v12 =	vadd.f32 v7, v12;
	s18 =	smov.u32 s19  }
0x69: {  	v6 =	vor.u32 v1, v14;
	v14 =	vshll.u32 v15, $0x3;
	v15 =	vmov s20;
	v7 =	vld.idx.msk [tilespmem:v8+s15+$0x0], $0xffff  }
.Ltmp1:
0x6a: {  	v8 =	vor.u32 v0, v14;
	v3 =	vadd.f32 v5, v3;
	v5 =	vld.idx.msk [tilespmem:v10+s15+$0x0], $0xffff;
	v12 =	vadd.f32 v9, v12;
	(pc) =	sbr.rel @p0 .LBB2_5-.Ltmp1, $4  }
0x6b: {  	v10 =	vor.u32 v0, v13;
	v13 =	vshll.u32 v15, $0x3;
	v8 =	vor.u32 v1, v8;
	v9 =	vld.idx.msk [tilespmem:v11+s15+$0x0], $0xffff  }
0x6c: {  	s20 =	sadd.s32 $0x4, s19;
	v11 =	vmov s19;
	v10 =	vor.u32 v1, v10;
	v13 =	vor.u32 v0, v13  }
0x6d: {  	v15 =	vmov s20;
	v14 =	vshll.u32 v11, $0x3;
	v11 =	vor.u32 v1, v13  }
0x6e: {  	s20 =	sadd.s32 $0x2, s18;
	s19 =	sadd.s32 $0x8, s19;
	v13 =	vshll.u32 v15, $0x3;
	v14 =	vor.u32 v0, v14  }
0x6f: {  	_ = 	snop  }
0x70: {  	v15 =	vmov s20  }
0x71: {  	s18 =	sadd.s32 $0x6, s18;
	v15 =	vshll.u32 v15, $0x3  }
0x72: {  	v14 =	vor.u32 v1, v14;
	v16 =	vmov s18;
	v15 =	vor.u32 v0, v15  }
0x73: {  	v6 =	vld.idx.msk [tilespmem:v6+s15+$0x0], $0xffff;
	v13 =	vor.u32 v0, v13;
	v16 =	vshll.u32 v16, $0x3;
	v15 =	vor.u32 v1, v15  }
0x74: {  	v8 =	vld.idx.msk [tilespmem:v8+s15+$0x0], $0xffff;
	v13 =	vor.u32 v1, v13;
	v16 =	vor.u32 v0, v16  }
0x75: {  	v3 =	vadd.f32 v4, v3;
	v4 =	vadd.f32 v7, v12;
	v7 =	vld.idx.msk [tilespmem:v10+s15+$0x0], $0xffff;
	v10 =	vor.u32 v1, v16  }
0x76: {  	v11 =	vld.idx.msk [tilespmem:v11+s15+$0x0], $0xffff  }
0x77: {  	v3 =	vadd.f32 v5, v3;
	v4 =	vadd.f32 v9, v4;
	v5 =	vld.idx.msk [tilespmem:v14+s15+$0x0], $0xffff  }
0x78: {  	v9 =	vld.idx.msk [tilespmem:v15+s15+$0x0], $0xffff  }
0x79: {  	v3 =	vadd.f32 v6, v3;
	v4 =	vadd.f32 v8, v4;
	v6 =	vld.idx.msk [tilespmem:v13+s15+$0x0], $0xffff  }
0x7a: {  	v8 =	vld.idx.msk [tilespmem:v10+s15+$0x0], $0xffff  }
0x7b: {  	v3 =	vadd.f32 v7, v3;
	v4 =	vadd.f32 v11, v4;
	_ =	sdelay $0x1  }
0x7c: {  	v3 =	vadd.f32 v5, v3;
	v4 =	vadd.f32 v9, v4;
	_ =	sdelay $0x1  }
0x7d: {  	v3 =	vadd.f32 v6, v3;
	v4 =	vadd.f32 v8, v4;
	_ =	sdelay $0x1  }
0x7e: {  	v3 =	vadd.f32 v4, v3;
	_ =	sdelay $0x1  }
0x7f: {  	[tilespmem:$0xE188] =	vst v3  }
0x80: {  	v4 =	vld [tilespmem:$0xE190];
	_ =	sdelay $0x4  }
0x81: {  	v3 =	vadd.f32 v4, v3;
	_ =	sdelay $0x1  }
0x82: {  	v3 =	vmul.f32 $4.999999890e-03, v3;
	_ =	sdelay $0x1  }
0x83: {  	v3 =	vadd.f32 v3, v2;
	_ =	sdelay $0x1  }
0x84: {  	v3 =	vsub.f32 $0.0e+00, v3;
	_ =	sdelay $0x1  }
0x85: {  	v3 =	vmul.f32 $1.442695020e+00, v3;
	_ =	sdelay $0x1  }
0x86: {  	(erf) = vpow2.f32 v3;
	_ =	sdelay $0x8  }
0x87: {  	v3 =	vpop (erf)  }
0x88: {  	v3 =	vadd.f32 $1.000000000e+00, v3;
	_ =	sdelay $0x1  }
0x89: {  	(erf) = vrcp.f32 v3;
	_ =	sdelay $0x1  }
0x8a: {  	s20 =	simm.s32 $0x190;
	s19 =	simm.s32 $0x192  }
0x8b: {  	v5 =	vmov s19;
	v4 =	vmov s20  }
0x8c: {  	s19 =	simm.s32 $0x196;
	v5 =	vshll.u32 v5, $0x3;
	s20 =	simm.s32 $0x194;
	v4 =	vshll.u32 v4, $0x3  }
0x8d: {  	v7 =	vmov s19;
	v6 =	vmov s20;
	v4 =	vor.u32 v0, v4  }
0x8e: {  	v5 =	vor.u32 v0, v5;
	v6 =	vshll.u32 v6, $0x3;
	v4 =	vor.u32 v1, v4  }
0x8f: {  	v7 =	vshll.u32 v7, $0x3;
	v5 =	vor.u32 v1, v5;
	s20 =	simm.s32 $0x198;
	v6 =	vor.u32 v0, v6  }
0x90: {  	s19 =	simm.s32 $0x19C;
	v8 =	vmov s20;
	v9 =	vor.u32 v1, v6;
	v6 =	vor.u32 v0, v7  }
0x91: {  	s20 =	simm.s32 $0x19A;
	v7 =	vshll.u32 v8, $0x3;
	v8 =	vmov s19;
	v12 =	vor.u32 v1, v6;
	v10 =	vpop (erf)  }
0x92: {  	s19 =	simm.s32 $0x19E;
	v6 =	vmov s20;
	v7 =	vor.u32 v0, v7;
	v11 =	vshll.u32 v8, $0x3;
	[tilespmem:$0xE108] =	vst v10  }
0x93: {  	v8 =	vshll.u32 v6, $0x3;
	v6 =	vor.u32 v1, v7;
	v7 =	vmov s19;
	v4 =	vld.idx.msk [tilespmem:v4+s15+$0x0], $0xffff  }
0x94: {  	s18 =	simm.s32 $0x1A0;
	v8 =	vor.u32 v0, v8;
	v10 =	vor.u32 v0, v11;
	v11 =	vshll.u32 v7, $0x3;
	v7 =	vld.idx.msk [tilespmem:v5+s15+$0x0], $0xffff  }
0x95: {  	v13 =	vmov s18;
	v8 =	vor.u32 v1, v8;
	v5 =	vld.idx.msk [tilespmem:v9+s15+$0x0], $0xffff  }
0x96: {  	v13 =	vshll.u32 v13, $0x3;
	s20 =	simm.s32 $0x1A4;
	v10 =	vor.u32 v1, v10;
	v11 =	vor.u32 v0, v11;
	v9 =	vld.idx.msk [tilespmem:v12+s15+$0x0], $0xffff  }
0x97: {  	v14 =	vor.u32 v0, v13;
	v15 =	vmov s20;
	v11 =	vor.u32 v1, v11  }
0x98: {  	s20 =	simm.s32 $0x1A2;
	s19 =	simm.s32 $0x1A8;
	v13 =	vshll.u32 v15, $0x3;
	v3 =	vimm.f32 $0.0e+00;
	v12 =	vimm.f32 $0.0e+00  }
.LBB2_7:
0x99: {  	p0 =	sne.s32 s19, $0x250;
	v15 =	vmov s20;
	s20 =	sadd.s32 $0x6, s18;
	v3 =	vadd.f32 v4, v3;
	v4 =	vld.idx.msk [tilespmem:v6+s15+$0x0], $0xffff;
	v12 =	vadd.f32 v7, v12;
	s18 =	smov.u32 s19  }
0x9a: {  	v6 =	vor.u32 v1, v14;
	v14 =	vshll.u32 v15, $0x3;
	v15 =	vmov s20;
	v7 =	vld.idx.msk [tilespmem:v8+s15+$0x0], $0xffff  }
.Ltmp2:
0x9b: {  	v8 =	vor.u32 v0, v14;
	v3 =	vadd.f32 v5, v3;
	v5 =	vld.idx.msk [tilespmem:v10+s15+$0x0], $0xffff;
	v12 =	vadd.f32 v9, v12;
	(pc) =	sbr.rel @p0 .LBB2_7-.Ltmp2, $4  }
0x9c: {  	v10 =	vor.u32 v0, v13;
	v13 =	vshll.u32 v15, $0x3;
	v8 =	vor.u32 v1, v8;
	v9 =	vld.idx.msk [tilespmem:v11+s15+$0x0], $0xffff  }
0x9d: {  	s20 =	sadd.s32 $0x4, s19;
	v11 =	vmov s19;
	v10 =	vor.u32 v1, v10;
	v13 =	vor.u32 v0, v13  }
0x9e: {  	v15 =	vmov s20;
	v14 =	vshll.u32 v11, $0x3;
	v11 =	vor.u32 v1, v13  }
0x9f: {  	s20 =	sadd.s32 $0x2, s18;
	s19 =	sadd.s32 $0x8, s19;
	v13 =	vshll.u32 v15, $0x3;
	v14 =	vor.u32 v0, v14  }
0xa0: {  	_ = 	snop  }
0xa1: {  	v15 =	vmov s20  }
0xa2: {  	s18 =	sadd.s32 $0x6, s18;
	v15 =	vshll.u32 v15, $0x3  }
0xa3: {  	v14 =	vor.u32 v1, v14;
	v16 =	vmov s18;
	v15 =	vor.u32 v0, v15  }
0xa4: {  	v6 =	vld.idx.msk [tilespmem:v6+s15+$0x0], $0xffff;
	v13 =	vor.u32 v0, v13;
	v16 =	vshll.u32 v16, $0x3;
	v15 =	vor.u32 v1, v15  }
0xa5: {  	v8 =	vld.idx.msk [tilespmem:v8+s15+$0x0], $0xffff;
	v13 =	vor.u32 v1, v13;
	v16 =	vor.u32 v0, v16  }
0xa6: {  	v3 =	vadd.f32 v4, v3;
	v4 =	vadd.f32 v7, v12;
	v7 =	vld.idx.msk [tilespmem:v10+s15+$0x0], $0xffff;
	v10 =	vor.u32 v1, v16  }
0xa7: {  	v11 =	vld.idx.msk [tilespmem:v11+s15+$0x0], $0xffff  }
0xa8: {  	v3 =	vadd.f32 v5, v3;
	v4 =	vadd.f32 v9, v4;
	v5 =	vld.idx.msk [tilespmem:v14+s15+$0x0], $0xffff  }
0xa9: {  	v9 =	vld.idx.msk [tilespmem:v15+s15+$0x0], $0xffff  }
0xaa: {  	v3 =	vadd.f32 v6, v3;
	v4 =	vadd.f32 v8, v4;
	v6 =	vld.idx.msk [tilespmem:v13+s15+$0x0], $0xffff  }
0xab: {  	v8 =	vld.idx.msk [tilespmem:v10+s15+$0x0], $0xffff  }
0xac: {  	v3 =	vadd.f32 v7, v3;
	v4 =	vadd.f32 v11, v4;
	_ =	sdelay $0x1  }
0xad: {  	v3 =	vadd.f32 v5, v3;
	v4 =	vadd.f32 v9, v4;
	_ =	sdelay $0x1  }
0xae: {  	v3 =	vadd.f32 v6, v3;
	v4 =	vadd.f32 v8, v4;
	_ =	sdelay $0x1  }
0xaf: {  	v3 =	vadd.f32 v4, v3;
	_ =	sdelay $0x1  }
0xb0: {  	[tilespmem:$0xE188] =	vst v3  }
0xb1: {  	v4 =	vld [tilespmem:$0xE190];
	_ =	sdelay $0x4  }
0xb2: {  	v3 =	vadd.f32 v4, v3;
	_ =	sdelay $0x1  }
0xb3: {  	v3 =	vmul.f32 $4.999999890e-03, v3;
	_ =	sdelay $0x1  }
0xb4: {  	v3 =	vadd.f32 v3, v2;
	_ =	sdelay $0x1  }
0xb5: {  	v3 =	vsub.f32 $0.0e+00, v3;
	_ =	sdelay $0x1  }
0xb6: {  	v3 =	vmul.f32 $1.442695020e+00, v3;
	_ =	sdelay $0x1  }
0xb7: {  	(erf) = vpow2.f32 v3;
	_ =	sdelay $0x8  }
0xb8: {  	v3 =	vpop (erf)  }
0xb9: {  	v3 =	vadd.f32 $1.000000000e+00, v3;
	_ =	sdelay $0x1  }
0xba: {  	(erf) = vrcp.f32 v3;
	_ =	sdelay $0x1  }
0xbb: {  	s20 =	simm.s32 $0x258;
	s19 =	simm.s32 $0x25A  }
0xbc: {  	v5 =	vmov s19;
	v4 =	vmov s20  }
0xbd: {  	s19 =	simm.s32 $0x25E;
	v5 =	vshll.u32 v5, $0x3;
	s20 =	simm.s32 $0x25C;
	v4 =	vshll.u32 v4, $0x3  }
0xbe: {  	v7 =	vmov s19;
	v6 =	vmov s20;
	v4 =	vor.u32 v0, v4  }
0xbf: {  	v5 =	vor.u32 v0, v5;
	v6 =	vshll.u32 v6, $0x3;
	v4 =	vor.u32 v1, v4  }
0xc0: {  	v7 =	vshll.u32 v7, $0x3;
	v5 =	vor.u32 v1, v5;
	s20 =	simm.s32 $0x260;
	v6 =	vor.u32 v0, v6  }
0xc1: {  	s19 =	simm.s32 $0x264;
	v8 =	vmov s20;
	v9 =	vor.u32 v1, v6;
	v6 =	vor.u32 v0, v7  }
0xc2: {  	s20 =	simm.s32 $0x262;
	v7 =	vshll.u32 v8, $0x3;
	v8 =	vmov s19;
	v12 =	vor.u32 v1, v6;
	v10 =	vpop (erf)  }
0xc3: {  	s19 =	simm.s32 $0x266;
	v6 =	vmov s20;
	v7 =	vor.u32 v0, v7;
	v11 =	vshll.u32 v8, $0x3;
	[tilespmem:$0xE110] =	vst v10  }
0xc4: {  	v8 =	vshll.u32 v6, $0x3;
	v6 =	vor.u32 v1, v7;
	v7 =	vmov s19;
	v4 =	vld.idx.msk [tilespmem:v4+s15+$0x0], $0xffff  }
0xc5: {  	s18 =	simm.s32 $0x268;
	v8 =	vor.u32 v0, v8;
	v10 =	vor.u32 v0, v11;
	v11 =	vshll.u32 v7, $0x3;
	v7 =	vld.idx.msk [tilespmem:v5+s15+$0x0], $0xffff  }
0xc6: {  	v13 =	vmov s18;
	v8 =	vor.u32 v1, v8;
	v5 =	vld.idx.msk [tilespmem:v9+s15+$0x0], $0xffff  }
0xc7: {  	v13 =	vshll.u32 v13, $0x3;
	s20 =	simm.s32 $0x26C;
	v10 =	vor.u32 v1, v10;
	v11 =	vor.u32 v0, v11;
	v9 =	vld.idx.msk [tilespmem:v12+s15+$0x0], $0xffff  }
0xc8: {  	v14 =	vor.u32 v0, v13;
	v15 =	vmov s20;
	v11 =	vor.u32 v1, v11  }
0xc9: {  	s20 =	simm.s32 $0x26A;
	s19 =	simm.s32 $0x270;
	v13 =	vshll.u32 v15, $0x3;
	v3 =	vimm.f32 $0.0e+00;
	v12 =	vimm.f32 $0.0e+00  }
.LBB2_9:
0xca: {  	p0 =	sne.s32 s19, $0x318;
	v15 =	vmov s20;
	s20 =	sadd.s32 $0x6, s18;
	v3 =	vadd.f32 v4, v3;
	v4 =	vld.idx.msk [tilespmem:v6+s15+$0x0], $0xffff;
	v12 =	vadd.f32 v7, v12;
	s18 =	smov.u32 s19  }
0xcb: {  	v6 =	vor.u32 v1, v14;
	v14 =	vshll.u32 v15, $0x3;
	v15 =	vmov s20;
	v7 =	vld.idx.msk [tilespmem:v8+s15+$0x0], $0xffff  }
.Ltmp3:
0xcc: {  	v8 =	vor.u32 v0, v14;
	v3 =	vadd.f32 v5, v3;
	v5 =	vld.idx.msk [tilespmem:v10+s15+$0x0], $0xffff;
	v12 =	vadd.f32 v9, v12;
	(pc) =	sbr.rel @p0 .LBB2_9-.Ltmp3, $4  }
0xcd: {  	v10 =	vor.u32 v0, v13;
	v13 =	vshll.u32 v15, $0x3;
	v8 =	vor.u32 v1, v8;
	v9 =	vld.idx.msk [tilespmem:v11+s15+$0x0], $0xffff  }
0xce: {  	s20 =	sadd.s32 $0x4, s19;
	v11 =	vmov s19;
	v10 =	vor.u32 v1, v10;
	v13 =	vor.u32 v0, v13  }
0xcf: {  	v15 =	vmov s20;
	v14 =	vshll.u32 v11, $0x3;
	v11 =	vor.u32 v1, v13  }
0xd0: {  	s20 =	sadd.s32 $0x2, s18;
	s19 =	sadd.s32 $0x8, s19;
	v13 =	vshll.u32 v15, $0x3;
	v14 =	vor.u32 v0, v14  }
0xd1: {  	_ = 	snop  }
0xd2: {  	v15 =	vmov s20  }
0xd3: {  	s18 =	sadd.s32 $0x6, s18;
	v15 =	vshll.u32 v15, $0x3  }
0xd4: {  	v14 =	vor.u32 v1, v14;
	v16 =	vmov s18;
	v15 =	vor.u32 v0, v15  }
0xd5: {  	v6 =	vld.idx.msk [tilespmem:v6+s15+$0x0], $0xffff;
	v13 =	vor.u32 v0, v13;
	v16 =	vshll.u32 v16, $0x3;
	v15 =	vor.u32 v1, v15  }
0xd6: {  	v8 =	vld.idx.msk [tilespmem:v8+s15+$0x0], $0xffff;
	v13 =	vor.u32 v1, v13;
	v16 =	vor.u32 v0, v16  }
0xd7: {  	v3 =	vadd.f32 v4, v3;
	v4 =	vadd.f32 v7, v12;
	v7 =	vld.idx.msk [tilespmem:v10+s15+$0x0], $0xffff;
	v10 =	vor.u32 v1, v16  }
0xd8: {  	v11 =	vld.idx.msk [tilespmem:v11+s15+$0x0], $0xffff  }
0xd9: {  	v3 =	vadd.f32 v5, v3;
	v4 =	vadd.f32 v9, v4;
	v5 =	vld.idx.msk [tilespmem:v14+s15+$0x0], $0xffff  }
0xda: {  	v9 =	vld.idx.msk [tilespmem:v15+s15+$0x0], $0xffff  }
0xdb: {  	v3 =	vadd.f32 v6, v3;
	v4 =	vadd.f32 v8, v4;
	v6 =	vld.idx.msk [tilespmem:v13+s15+$0x0], $0xffff  }
0xdc: {  	v8 =	vld.idx.msk [tilespmem:v10+s15+$0x0], $0xffff  }
0xdd: {  	v3 =	vadd.f32 v7, v3;
	v4 =	vadd.f32 v11, v4;
	_ =	sdelay $0x1  }
0xde: {  	v3 =	vadd.f32 v5, v3;
	v4 =	vadd.f32 v9, v4;
	_ =	sdelay $0x1  }
0xdf: {  	v3 =	vadd.f32 v6, v3;
	v4 =	vadd.f32 v8, v4;
	_ =	sdelay $0x1  }
0xe0: {  	v3 =	vadd.f32 v4, v3;
	_ =	sdelay $0x1  }
0xe1: {  	[tilespmem:$0xE188] =	vst v3  }
0xe2: {  	v4 =	vld [tilespmem:$0xE190];
	_ =	sdelay $0x4  }
0xe3: {  	v3 =	vadd.f32 v4, v3;
	_ =	sdelay $0x1  }
0xe4: {  	v3 =	vmul.f32 $4.999999890e-03, v3;
	_ =	sdelay $0x1  }
0xe5: {  	v3 =	vadd.f32 v3, v2;
	_ =	sdelay $0x1  }
0xe6: {  	v3 =	vsub.f32 $0.0e+00, v3;
	_ =	sdelay $0x1  }
0xe7: {  	v3 =	vmul.f32 $1.442695020e+00, v3;
	_ =	sdelay $0x1  }
0xe8: {  	(erf) = vpow2.f32 v3;
	_ =	sdelay $0x8  }
0xe9: {  	v3 =	vpop (erf)  }
0xea: {  	v3 =	vadd.f32 $1.000000000e+00, v3;
	_ =	sdelay $0x1  }
0xeb: {  	(erf) = vrcp.f32 v3;
	_ =	sdelay $0x1  }
0xec: {  	s20 =	simm.s32 $0x320;
	s19 =	simm.s32 $0x322  }
0xed: {  	v5 =	vmov s19;
	v4 =	vmov s20  }
0xee: {  	s19 =	simm.s32 $0x326;
	v5 =	vshll.u32 v5, $0x3;
	s20 =	simm.s32 $0x324;
	v4 =	vshll.u32 v4, $0x3  }
0xef: {  	v7 =	vmov s19;
	v6 =	vmov s20;
	v4 =	vor.u32 v0, v4  }
0xf0: {  	v5 =	vor.u32 v0, v5;
	v6 =	vshll.u32 v6, $0x3;
	v4 =	vor.u32 v1, v4  }
0xf1: {  	v7 =	vshll.u32 v7, $0x3;
	v5 =	vor.u32 v1, v5;
	s20 =	simm.s32 $0x328;
	v6 =	vor.u32 v0, v6  }
0xf2: {  	s19 =	simm.s32 $0x32C;
	v8 =	vmov s20;
	v9 =	vor.u32 v1, v6;
	v6 =	vor.u32 v0, v7  }
0xf3: {  	s20 =	simm.s32 $0x32A;
	v7 =	vshll.u32 v8, $0x3;
	v8 =	vmov s19;
	v12 =	vor.u32 v1, v6;
	v10 =	vpop (erf)  }
0xf4: {  	s19 =	simm.s32 $0x32E;
	v6 =	vmov s20;
	v7 =	vor.u32 v0, v7;
	v11 =	vshll.u32 v8, $0x3;
	[tilespmem:$0xE118] =	vst v10  }
0xf5: {  	v8 =	vshll.u32 v6, $0x3;
	v6 =	vor.u32 v1, v7;
	v7 =	vmov s19;
	v4 =	vld.idx.msk [tilespmem:v4+s15+$0x0], $0xffff  }
0xf6: {  	s18 =	simm.s32 $0x330;
	v8 =	vor.u32 v0, v8;
	v10 =	vor.u32 v0, v11;
	v11 =	vshll.u32 v7, $0x3;
	v7 =	vld.idx.msk [tilespmem:v5+s15+$0x0], $0xffff  }
0xf7: {  	v13 =	vmov s18;
	v8 =	vor.u32 v1, v8;
	v5 =	vld.idx.msk [tilespmem:v9+s15+$0x0], $0xffff  }
0xf8: {  	v13 =	vshll.u32 v13, $0x3;
	s20 =	simm.s32 $0x334;
	v10 =	vor.u32 v1, v10;
	v11 =	vor.u32 v0, v11;
	v9 =	vld.idx.msk [tilespmem:v12+s15+$0x0], $0xffff  }
0xf9: {  	v14 =	vor.u32 v0, v13;
	v15 =	vmov s20;
	v11 =	vor.u32 v1, v11  }
0xfa: {  	s20 =	simm.s32 $0x332;
	s19 =	simm.s32 $0x338;
	v13 =	vshll.u32 v15, $0x3;
	v3 =	vimm.f32 $0.0e+00;
	v12 =	vimm.f32 $0.0e+00  }
.LBB2_11:
0xfb: {  	p0 =	sne.s32 s19, $0x3E0;
	v15 =	vmov s20;
	s20 =	sadd.s32 $0x6, s18;
	v3 =	vadd.f32 v4, v3;
	v4 =	vld.idx.msk [tilespmem:v6+s15+$0x0], $0xffff;
	v12 =	vadd.f32 v7, v12;
	s18 =	smov.u32 s19  }
0xfc: {  	v6 =	vor.u32 v1, v14;
	v14 =	vshll.u32 v15, $0x3;
	v15 =	vmov s20;
	v7 =	vld.idx.msk [tilespmem:v8+s15+$0x0], $0xffff  }
.Ltmp4:
0xfd: {  	v8 =	vor.u32 v0, v14;
	v3 =	vadd.f32 v5, v3;
	v5 =	vld.idx.msk [tilespmem:v10+s15+$0x0], $0xffff;
	v12 =	vadd.f32 v9, v12;
	(pc) =	sbr.rel @p0 .LBB2_11-.Ltmp4, $4  }
0xfe: {  	v10 =	vor.u32 v0, v13;
	v13 =	vshll.u32 v15, $0x3;
	v8 =	vor.u32 v1, v8;
	v9 =	vld.idx.msk [tilespmem:v11+s15+$0x0], $0xffff  }
0xff: {  	s20 =	sadd.s32 $0x4, s19;
	v11 =	vmov s19;
	v10 =	vor.u32 v1, v10;
	v13 =	vor.u32 v0, v13  }
0x100: {  	v15 =	vmov s20;
	v14 =	vshll.u32 v11, $0x3;
	v11 =	vor.u32 v1, v13  }
0x101: {  	s20 =	sadd.s32 $0x2, s18;
	s19 =	sadd.s32 $0x8, s19;
	v13 =	vshll.u32 v15, $0x3;
	v14 =	vor.u32 v0, v14  }
0x102: {  	_ = 	snop  }
0x103: {  	v15 =	vmov s20  }
0x104: {  	s18 =	sadd.s32 $0x6, s18;
	v15 =	vshll.u32 v15, $0x3  }
0x105: {  	v14 =	vor.u32 v1, v14;
	v16 =	vmov s18;
	v15 =	vor.u32 v0, v15  }
0x106: {  	v6 =	vld.idx.msk [tilespmem:v6+s15+$0x0], $0xffff;
	v13 =	vor.u32 v0, v13;
	v16 =	vshll.u32 v16, $0x3;
	v15 =	vor.u32 v1, v15  }
0x107: {  	v8 =	vld.idx.msk [tilespmem:v8+s15+$0x0], $0xffff;
	v13 =	vor.u32 v1, v13;
	v16 =	vor.u32 v0, v16  }
0x108: {  	v3 =	vadd.f32 v4, v3;
	v4 =	vadd.f32 v7, v12;
	v7 =	vld.idx.msk [tilespmem:v10+s15+$0x0], $0xffff;
	v10 =	vor.u32 v1, v16  }
0x109: {  	v11 =	vld.idx.msk [tilespmem:v11+s15+$0x0], $0xffff  }
0x10a: {  	v3 =	vadd.f32 v5, v3;
	v4 =	vadd.f32 v9, v4;
	v5 =	vld.idx.msk [tilespmem:v14+s15+$0x0], $0xffff  }
0x10b: {  	v9 =	vld.idx.msk [tilespmem:v15+s15+$0x0], $0xffff  }
0x10c: {  	v3 =	vadd.f32 v6, v3;
	v4 =	vadd.f32 v8, v4;
	v6 =	vld.idx.msk [tilespmem:v13+s15+$0x0], $0xffff  }
0x10d: {  	v8 =	vld.idx.msk [tilespmem:v10+s15+$0x0], $0xffff  }
0x10e: {  	v3 =	vadd.f32 v7, v3;
	v4 =	vadd.f32 v11, v4;
	_ =	sdelay $0x1  }
0x10f: {  	v3 =	vadd.f32 v5, v3;
	v4 =	vadd.f32 v9, v4;
	_ =	sdelay $0x1  }
0x110: {  	v3 =	vadd.f32 v6, v3;
	v4 =	vadd.f32 v8, v4;
	_ =	sdelay $0x1  }
0x111: {  	v3 =	vadd.f32 v4, v3;
	_ =	sdelay $0x1  }
0x112: {  	[tilespmem:$0xE188] =	vst v3  }
0x113: {  	v4 =	vld [tilespmem:$0xE190];
	_ =	sdelay $0x4  }
0x114: {  	v3 =	vadd.f32 v4, v3;
	_ =	sdelay $0x1  }
0x115: {  	v3 =	vmul.f32 $4.999999890e-03, v3;
	_ =	sdelay $0x1  }
0x116: {  	v3 =	vadd.f32 v3, v2;
	_ =	sdelay $0x1  }
0x117: {  	v3 =	vsub.f32 $0.0e+00, v3;
	_ =	sdelay $0x1  }
0x118: {  	v3 =	vmul.f32 $1.442695020e+00, v3;
	_ =	sdelay $0x1  }
0x119: {  	(erf) = vpow2.f32 v3;
	_ =	sdelay $0x8  }
0x11a: {  	v3 =	vpop (erf)  }
0x11b: {  	v3 =	vadd.f32 $1.000000000e+00, v3;
	_ =	sdelay $0x1  }
0x11c: {  	(erf) = vrcp.f32 v3;
	_ =	sdelay $0x1  }
0x11d: {  	s20 =	simm.s32 $0x3E8;
	s19 =	simm.s32 $0x3EA  }
0x11e: {  	v5 =	vmov s19;
	v4 =	vmov s20  }
0x11f: {  	s19 =	simm.s32 $0x3EE;
	v5 =	vshll.u32 v5, $0x3;
	s20 =	simm.s32 $0x3EC;
	v4 =	vshll.u32 v4, $0x3  }
0x120: {  	v7 =	vmov s19;
	v6 =	vmov s20;
	v4 =	vor.u32 v0, v4  }
0x121: {  	v5 =	vor.u32 v0, v5;
	v6 =	vshll.u32 v6, $0x3;
	v4 =	vor.u32 v1, v4  }
0x122: {  	v7 =	vshll.u32 v7, $0x3;
	v5 =	vor.u32 v1, v5;
	s20 =	simm.s32 $0x3F0;
	v6 =	vor.u32 v0, v6  }
0x123: {  	s19 =	simm.s32 $0x3F4;
	v8 =	vmov s20;
	v9 =	vor.u32 v1, v6;
	v6 =	vor.u32 v0, v7  }
0x124: {  	s20 =	simm.s32 $0x3F2;
	v7 =	vshll.u32 v8, $0x3;
	v8 =	vmov s19;
	v12 =	vor.u32 v1, v6;
	v10 =	vpop (erf)  }
0x125: {  	s19 =	simm.s32 $0x3F6;
	v6 =	vmov s20;
	v7 =	vor.u32 v0, v7;
	v11 =	vshll.u32 v8, $0x3;
	[tilespmem:$0xE120] =	vst v10  }
0x126: {  	v8 =	vshll.u32 v6, $0x3;
	v6 =	vor.u32 v1, v7;
	v7 =	vmov s19;
	v4 =	vld.idx.msk [tilespmem:v4+s15+$0x0], $0xffff  }
0x127: {  	s18 =	simm.s32 $0x3F8;
	v8 =	vor.u32 v0, v8;
	v10 =	vor.u32 v0, v11;
	v11 =	vshll.u32 v7, $0x3;
	v7 =	vld.idx.msk [tilespmem:v5+s15+$0x0], $0xffff  }
0x128: {  	v13 =	vmov s18;
	v8 =	vor.u32 v1, v8;
	v5 =	vld.idx.msk [tilespmem:v9+s15+$0x0], $0xffff  }
0x129: {  	v13 =	vshll.u32 v13, $0x3;
	s20 =	simm.s32 $0x3FC;
	v10 =	vor.u32 v1, v10;
	v11 =	vor.u32 v0, v11;
	v9 =	vld.idx.msk [tilespmem:v12+s15+$0x0], $0xffff  }
0x12a: {  	v14 =	vor.u32 v0, v13;
	v15 =	vmov s20;
	v11 =	vor.u32 v1, v11  }
0x12b: {  	s20 =	simm.s32 $0x3FA;
	s19 =	simm.s32 $0x400;
	v13 =	vshll.u32 v15, $0x3;
	v3 =	vimm.f32 $0.0e+00;
	v12 =	vimm.f32 $0.0e+00  }
.LBB2_13:
0x12c: {  	p0 =	sne.s32 s19, $0x4A8;
	v15 =	vmov s20;
	s20 =	sadd.s32 $0x6, s18;
	v3 =	vadd.f32 v4, v3;
	v4 =	vld.idx.msk [tilespmem:v6+s15+$0x0], $0xffff;
	v12 =	vadd.f32 v7, v12;
	s18 =	smov.u32 s19  }
0x12d: {  	v6 =	vor.u32 v1, v14;
	v14 =	vshll.u32 v15, $0x3;
	v15 =	vmov s20;
	v7 =	vld.idx.msk [tilespmem:v8+s15+$0x0], $0xffff  }
.Ltmp5:
0x12e: {  	v8 =	vor.u32 v0, v14;
	v3 =	vadd.f32 v5, v3;
	v5 =	vld.idx.msk [tilespmem:v10+s15+$0x0], $0xffff;
	v12 =	vadd.f32 v9, v12;
	(pc) =	sbr.rel @p0 .LBB2_13-.Ltmp5, $4  }
0x12f: {  	v10 =	vor.u32 v0, v13;
	v13 =	vshll.u32 v15, $0x3;
	v8 =	vor.u32 v1, v8;
	v9 =	vld.idx.msk [tilespmem:v11+s15+$0x0], $0xffff  }
0x130: {  	s20 =	sadd.s32 $0x4, s19;
	v11 =	vmov s19;
	v10 =	vor.u32 v1, v10;
	v13 =	vor.u32 v0, v13  }
0x131: {  	v15 =	vmov s20;
	v14 =	vshll.u32 v11, $0x3;
	v11 =	vor.u32 v1, v13  }
0x132: {  	s20 =	sadd.s32 $0x2, s18;
	s19 =	sadd.s32 $0x8, s19;
	v13 =	vshll.u32 v15, $0x3;
	v14 =	vor.u32 v0, v14  }
0x133: {  	_ = 	snop  }
0x134: {  	v15 =	vmov s20  }
0x135: {  	s18 =	sadd.s32 $0x6, s18;
	v15 =	vshll.u32 v15, $0x3  }
0x136: {  	v14 =	vor.u32 v1, v14;
	v16 =	vmov s18;
	v15 =	vor.u32 v0, v15  }
0x137: {  	v6 =	vld.idx.msk [tilespmem:v6+s15+$0x0], $0xffff;
	v13 =	vor.u32 v0, v13;
	v16 =	vshll.u32 v16, $0x3;
	v15 =	vor.u32 v1, v15  }
0x138: {  	v8 =	vld.idx.msk [tilespmem:v8+s15+$0x0], $0xffff;
	v13 =	vor.u32 v1, v13;
	v16 =	vor.u32 v0, v16  }
0x139: {  	v3 =	vadd.f32 v4, v3;
	v4 =	vadd.f32 v7, v12;
	v7 =	vld.idx.msk [tilespmem:v10+s15+$0x0], $0xffff;
	v10 =	vor.u32 v1, v16  }
0x13a: {  	v11 =	vld.idx.msk [tilespmem:v11+s15+$0x0], $0xffff  }
0x13b: {  	v3 =	vadd.f32 v5, v3;
	v4 =	vadd.f32 v9, v4;
	v5 =	vld.idx.msk [tilespmem:v14+s15+$0x0], $0xffff  }
0x13c: {  	v9 =	vld.idx.msk [tilespmem:v15+s15+$0x0], $0xffff  }
0x13d: {  	v3 =	vadd.f32 v6, v3;
	v4 =	vadd.f32 v8, v4;
	v6 =	vld.idx.msk [tilespmem:v13+s15+$0x0], $0xffff  }
0x13e: {  	v8 =	vld.idx.msk [tilespmem:v10+s15+$0x0], $0xffff  }
0x13f: {  	v3 =	vadd.f32 v7, v3;
	v4 =	vadd.f32 v11, v4;
	_ =	sdelay $0x1  }
0x140: {  	v3 =	vadd.f32 v5, v3;
	v4 =	vadd.f32 v9, v4;
	_ =	sdelay $0x1  }
0x141: {  	v3 =	vadd.f32 v6, v3;
	v4 =	vadd.f32 v8, v4;
	_ =	sdelay $0x1  }
0x142: {  	v3 =	vadd.f32 v4, v3;
	_ =	sdelay $0x1  }
0x143: {  	[tilespmem:$0xE188] =	vst v3  }
0x144: {  	v4 =	vld [tilespmem:$0xE190];
	_ =	sdelay $0x4  }
0x145: {  	v3 =	vadd.f32 v4, v3;
	_ =	sdelay $0x1  }
0x146: {  	v3 =	vmul.f32 $4.999999890e-03, v3;
	_ =	sdelay $0x1  }
0x147: {  	v3 =	vadd.f32 v3, v2;
	_ =	sdelay $0x1  }
0x148: {  	v3 =	vsub.f32 $0.0e+00, v3;
	_ =	sdelay $0x1  }
0x149: {  	v3 =	vmul.f32 $1.442695020e+00, v3;
	_ =	sdelay $0x1  }
0x14a: {  	(erf) = vpow2.f32 v3;
	_ =	sdelay $0x8  }
0x14b: {  	v3 =	vpop (erf)  }
0x14c: {  	v3 =	vadd.f32 $1.000000000e+00, v3;
	_ =	sdelay $0x1  }
0x14d: {  	(erf) = vrcp.f32 v3;
	_ =	sdelay $0x1  }
0x14e: {  	s20 =	simm.s32 $0x4B0;
	s19 =	simm.s32 $0x4B2  }
0x14f: {  	v5 =	vmov s19;
	v4 =	vmov s20  }
0x150: {  	s19 =	simm.s32 $0x4B6;
	v5 =	vshll.u32 v5, $0x3;
	s20 =	simm.s32 $0x4B4;
	v4 =	vshll.u32 v4, $0x3  }
0x151: {  	v7 =	vmov s19;
	v6 =	vmov s20;
	v4 =	vor.u32 v0, v4  }
0x152: {  	v5 =	vor.u32 v0, v5;
	v6 =	vshll.u32 v6, $0x3;
	v4 =	vor.u32 v1, v4  }
0x153: {  	v7 =	vshll.u32 v7, $0x3;
	v5 =	vor.u32 v1, v5;
	s20 =	simm.s32 $0x4B8;
	v6 =	vor.u32 v0, v6  }
0x154: {  	s19 =	simm.s32 $0x4BC;
	v8 =	vmov s20;
	v9 =	vor.u32 v1, v6;
	v6 =	vor.u32 v0, v7  }
0x155: {  	s20 =	simm.s32 $0x4BA;
	v7 =	vshll.u32 v8, $0x3;
	v8 =	vmov s19;
	v12 =	vor.u32 v1, v6;
	v10 =	vpop (erf)  }
0x156: {  	s19 =	simm.s32 $0x4BE;
	v6 =	vmov s20;
	v7 =	vor.u32 v0, v7;
	v11 =	vshll.u32 v8, $0x3;
	[tilespmem:$0xE128] =	vst v10  }
0x157: {  	v8 =	vshll.u32 v6, $0x3;
	v6 =	vor.u32 v1, v7;
	v7 =	vmov s19;
	v4 =	vld.idx.msk [tilespmem:v4+s15+$0x0], $0xffff  }
0x158: {  	s18 =	simm.s32 $0x4C0;
	v8 =	vor.u32 v0, v8;
	v10 =	vor.u32 v0, v11;
	v11 =	vshll.u32 v7, $0x3;
	v7 =	vld.idx.msk [tilespmem:v5+s15+$0x0], $0xffff  }
0x159: {  	v13 =	vmov s18;
	v8 =	vor.u32 v1, v8;
	v5 =	vld.idx.msk [tilespmem:v9+s15+$0x0], $0xffff  }
0x15a: {  	v13 =	vshll.u32 v13, $0x3;
	s20 =	simm.s32 $0x4C4;
	v10 =	vor.u32 v1, v10;
	v11 =	vor.u32 v0, v11;
	v9 =	vld.idx.msk [tilespmem:v12+s15+$0x0], $0xffff  }
0x15b: {  	v14 =	vor.u32 v0, v13;
	v15 =	vmov s20;
	v11 =	vor.u32 v1, v11  }
0x15c: {  	s20 =	simm.s32 $0x4C2;
	s19 =	simm.s32 $0x4C8;
	v13 =	vshll.u32 v15, $0x3;
	v3 =	vimm.f32 $0.0e+00;
	v12 =	vimm.f32 $0.0e+00  }
.LBB2_15:
0x15d: {  	p0 =	sne.s32 s19, $0x570;
	v15 =	vmov s20;
	s20 =	sadd.s32 $0x6, s18;
	v3 =	vadd.f32 v4, v3;
	v4 =	vld.idx.msk [tilespmem:v6+s15+$0x0], $0xffff;
	v12 =	vadd.f32 v7, v12;
	s18 =	smov.u32 s19  }
0x15e: {  	v6 =	vor.u32 v1, v14;
	v14 =	vshll.u32 v15, $0x3;
	v15 =	vmov s20;
	v7 =	vld.idx.msk [tilespmem:v8+s15+$0x0], $0xffff  }
.Ltmp6:
0x15f: {  	v8 =	vor.u32 v0, v14;
	v3 =	vadd.f32 v5, v3;
	v5 =	vld.idx.msk [tilespmem:v10+s15+$0x0], $0xffff;
	v12 =	vadd.f32 v9, v12;
	(pc) =	sbr.rel @p0 .LBB2_15-.Ltmp6, $4  }
0x160: {  	v10 =	vor.u32 v0, v13;
	v13 =	vshll.u32 v15, $0x3;
	v8 =	vor.u32 v1, v8;
	v9 =	vld.idx.msk [tilespmem:v11+s15+$0x0], $0xffff  }
0x161: {  	s20 =	sadd.s32 $0x4, s19;
	v11 =	vmov s19;
	v10 =	vor.u32 v1, v10;
	v13 =	vor.u32 v0, v13  }
0x162: {  	v15 =	vmov s20;
	v14 =	vshll.u32 v11, $0x3;
	v11 =	vor.u32 v1, v13  }
0x163: {  	s20 =	sadd.s32 $0x2, s18;
	s19 =	sadd.s32 $0x8, s19;
	v13 =	vshll.u32 v15, $0x3;
	v14 =	vor.u32 v0, v14  }
0x164: {  	_ = 	snop  }
0x165: {  	v15 =	vmov s20  }
0x166: {  	s18 =	sadd.s32 $0x6, s18;
	v15 =	vshll.u32 v15, $0x3  }
0x167: {  	v14 =	vor.u32 v1, v14;
	v16 =	vmov s18;
	v15 =	vor.u32 v0, v15  }
0x168: {  	v6 =	vld.idx.msk [tilespmem:v6+s15+$0x0], $0xffff;
	v13 =	vor.u32 v0, v13;
	v16 =	vshll.u32 v16, $0x3;
	v15 =	vor.u32 v1, v15  }
0x169: {  	v8 =	vld.idx.msk [tilespmem:v8+s15+$0x0], $0xffff;
	v13 =	vor.u32 v1, v13;
	v16 =	vor.u32 v0, v16  }
0x16a: {  	v3 =	vadd.f32 v4, v3;
	v4 =	vadd.f32 v7, v12;
	v7 =	vld.idx.msk [tilespmem:v10+s15+$0x0], $0xffff;
	v10 =	vor.u32 v1, v16  }
0x16b: {  	v11 =	vld.idx.msk [tilespmem:v11+s15+$0x0], $0xffff  }
0x16c: {  	v3 =	vadd.f32 v5, v3;
	v4 =	vadd.f32 v9, v4;
	v5 =	vld.idx.msk [tilespmem:v14+s15+$0x0], $0xffff  }
0x16d: {  	v9 =	vld.idx.msk [tilespmem:v15+s15+$0x0], $0xffff  }
0x16e: {  	v3 =	vadd.f32 v6, v3;
	v4 =	vadd.f32 v8, v4;
	v6 =	vld.idx.msk [tilespmem:v13+s15+$0x0], $0xffff  }
0x16f: {  	v8 =	vld.idx.msk [tilespmem:v10+s15+$0x0], $0xffff  }
0x170: {  	v3 =	vadd.f32 v7, v3;
	v4 =	vadd.f32 v11, v4;
	_ =	sdelay $0x1  }
0x171: {  	v3 =	vadd.f32 v5, v3;
	v4 =	vadd.f32 v9, v4;
	_ =	sdelay $0x1  }
0x172: {  	v3 =	vadd.f32 v6, v3;
	v4 =	vadd.f32 v8, v4;
	_ =	sdelay $0x1  }
0x173: {  	v3 =	vadd.f32 v4, v3;
	_ =	sdelay $0x1  }
0x174: {  	[tilespmem:$0xE188] =	vst v3  }
0x175: {  	v4 =	vld [tilespmem:$0xE190];
	_ =	sdelay $0x4  }
0x176: {  	v3 =	vadd.f32 v4, v3;
	_ =	sdelay $0x1  }
0x177: {  	v3 =	vmul.f32 $4.999999890e-03, v3;
	_ =	sdelay $0x1  }
0x178: {  	v3 =	vadd.f32 v3, v2;
	_ =	sdelay $0x1  }
0x179: {  	v3 =	vsub.f32 $0.0e+00, v3;
	_ =	sdelay $0x1  }
0x17a: {  	v3 =	vmul.f32 $1.442695020e+00, v3;
	_ =	sdelay $0x1  }
0x17b: {  	(erf) = vpow2.f32 v3;
	_ =	sdelay $0x8  }
0x17c: {  	v3 =	vpop (erf)  }
0x17d: {  	v3 =	vadd.f32 $1.000000000e+00, v3;
	_ =	sdelay $0x1  }
0x17e: {  	(erf) = vrcp.f32 v3;
	_ =	sdelay $0x1  }
0x17f: {  	s20 =	simm.s32 $0x578;
	s19 =	simm.s32 $0x57A  }
0x180: {  	v5 =	vmov s19;
	v4 =	vmov s20  }
0x181: {  	s19 =	simm.s32 $0x57E;
	v5 =	vshll.u32 v5, $0x3;
	s20 =	simm.s32 $0x57C;
	v4 =	vshll.u32 v4, $0x3  }
0x182: {  	v7 =	vmov s19;
	v6 =	vmov s20;
	v4 =	vor.u32 v0, v4  }
0x183: {  	v5 =	vor.u32 v0, v5;
	v6 =	vshll.u32 v6, $0x3;
	v4 =	vor.u32 v1, v4  }
0x184: {  	v7 =	vshll.u32 v7, $0x3;
	v5 =	vor.u32 v1, v5;
	s20 =	simm.s32 $0x580;
	v6 =	vor.u32 v0, v6  }
0x185: {  	s19 =	simm.s32 $0x584;
	v8 =	vmov s20;
	v9 =	vor.u32 v1, v6;
	v6 =	vor.u32 v0, v7  }
0x186: {  	s20 =	simm.s32 $0x582;
	v7 =	vshll.u32 v8, $0x3;
	v8 =	vmov s19;
	v12 =	vor.u32 v1, v6;
	v10 =	vpop (erf)  }
0x187: {  	s19 =	simm.s32 $0x586;
	v6 =	vmov s20;
	v7 =	vor.u32 v0, v7;
	v11 =	vshll.u32 v8, $0x3;
	[tilespmem:$0xE130] =	vst v10  }
0x188: {  	v8 =	vshll.u32 v6, $0x3;
	v6 =	vor.u32 v1, v7;
	v7 =	vmov s19;
	v4 =	vld.idx.msk [tilespmem:v4+s15+$0x0], $0xffff  }
0x189: {  	s18 =	simm.s32 $0x588;
	v8 =	vor.u32 v0, v8;
	v10 =	vor.u32 v0, v11;
	v11 =	vshll.u32 v7, $0x3;
	v7 =	vld.idx.msk [tilespmem:v5+s15+$0x0], $0xffff  }
0x18a: {  	v13 =	vmov s18;
	v8 =	vor.u32 v1, v8;
	v5 =	vld.idx.msk [tilespmem:v9+s15+$0x0], $0xffff  }
0x18b: {  	v13 =	vshll.u32 v13, $0x3;
	s20 =	simm.s32 $0x58C;
	v10 =	vor.u32 v1, v10;
	v11 =	vor.u32 v0, v11;
	v9 =	vld.idx.msk [tilespmem:v12+s15+$0x0], $0xffff  }
0x18c: {  	v14 =	vor.u32 v0, v13;
	v15 =	vmov s20;
	v11 =	vor.u32 v1, v11  }
0x18d: {  	s20 =	simm.s32 $0x58A;
	s19 =	simm.s32 $0x590;
	v13 =	vshll.u32 v15, $0x3;
	v3 =	vimm.f32 $0.0e+00;
	v12 =	vimm.f32 $0.0e+00  }
.LBB2_17:
0x18e: {  	p0 =	sne.s32 s19, $0x638;
	v15 =	vmov s20;
	s20 =	sadd.s32 $0x6, s18;
	v3 =	vadd.f32 v4, v3;
	v4 =	vld.idx.msk [tilespmem:v6+s15+$0x0], $0xffff;
	v12 =	vadd.f32 v7, v12;
	s18 =	smov.u32 s19  }
0x18f: {  	v6 =	vor.u32 v1, v14;
	v14 =	vshll.u32 v15, $0x3;
	v15 =	vmov s20;
	v7 =	vld.idx.msk [tilespmem:v8+s15+$0x0], $0xffff  }
.Ltmp7:
0x190: {  	v8 =	vor.u32 v0, v14;
	v3 =	vadd.f32 v5, v3;
	v5 =	vld.idx.msk [tilespmem:v10+s15+$0x0], $0xffff;
	v12 =	vadd.f32 v9, v12;
	(pc) =	sbr.rel @p0 .LBB2_17-.Ltmp7, $4  }
0x191: {  	v10 =	vor.u32 v0, v13;
	v13 =	vshll.u32 v15, $0x3;
	v8 =	vor.u32 v1, v8;
	v9 =	vld.idx.msk [tilespmem:v11+s15+$0x0], $0xffff  }
0x192: {  	s20 =	sadd.s32 $0x4, s19;
	v11 =	vmov s19;
	v10 =	vor.u32 v1, v10;
	v13 =	vor.u32 v0, v13  }
0x193: {  	v15 =	vmov s20;
	v14 =	vshll.u32 v11, $0x3;
	v11 =	vor.u32 v1, v13  }
0x194: {  	s20 =	sadd.s32 $0x2, s18;
	s19 =	sadd.s32 $0x8, s19;
	v13 =	vshll.u32 v15, $0x3;
	v14 =	vor.u32 v0, v14  }
0x195: {  	_ = 	snop  }
0x196: {  	v15 =	vmov s20  }
0x197: {  	s18 =	sadd.s32 $0x6, s18;
	v15 =	vshll.u32 v15, $0x3  }
0x198: {  	v14 =	vor.u32 v1, v14;
	v16 =	vmov s18;
	v15 =	vor.u32 v0, v15  }
0x199: {  	v6 =	vld.idx.msk [tilespmem:v6+s15+$0x0], $0xffff;
	v13 =	vor.u32 v0, v13;
	v16 =	vshll.u32 v16, $0x3;
	v15 =	vor.u32 v1, v15  }
0x19a: {  	v8 =	vld.idx.msk [tilespmem:v8+s15+$0x0], $0xffff;
	v13 =	vor.u32 v1, v13;
	v16 =	vor.u32 v0, v16  }
0x19b: {  	v3 =	vadd.f32 v4, v3;
	v4 =	vadd.f32 v7, v12;
	v7 =	vld.idx.msk [tilespmem:v10+s15+$0x0], $0xffff;
	v10 =	vor.u32 v1, v16  }
0x19c: {  	v11 =	vld.idx.msk [tilespmem:v11+s15+$0x0], $0xffff  }
0x19d: {  	v3 =	vadd.f32 v5, v3;
	v4 =	vadd.f32 v9, v4;
	v5 =	vld.idx.msk [tilespmem:v14+s15+$0x0], $0xffff  }
0x19e: {  	v9 =	vld.idx.msk [tilespmem:v15+s15+$0x0], $0xffff  }
0x19f: {  	v3 =	vadd.f32 v6, v3;
	v4 =	vadd.f32 v8, v4;
	v6 =	vld.idx.msk [tilespmem:v13+s15+$0x0], $0xffff  }
0x1a0: {  	v8 =	vld.idx.msk [tilespmem:v10+s15+$0x0], $0xffff  }
0x1a1: {  	v3 =	vadd.f32 v7, v3;
	v4 =	vadd.f32 v11, v4;
	_ =	sdelay $0x1  }
0x1a2: {  	v3 =	vadd.f32 v5, v3;
	v4 =	vadd.f32 v9, v4;
	_ =	sdelay $0x1  }
0x1a3: {  	v3 =	vadd.f32 v6, v3;
	v4 =	vadd.f32 v8, v4;
	_ =	sdelay $0x1  }
0x1a4: {  	v3 =	vadd.f32 v4, v3;
	_ =	sdelay $0x1  }
0x1a5: {  	[tilespmem:$0xE188] =	vst v3  }
0x1a6: {  	v4 =	vld [tilespmem:$0xE190];
	_ =	sdelay $0x4  }
0x1a7: {  	v3 =	vadd.f32 v4, v3;
	_ =	sdelay $0x1  }
0x1a8: {  	v3 =	vmul.f32 $4.999999890e-03, v3;
	_ =	sdelay $0x1  }
0x1a9: {  	v3 =	vadd.f32 v3, v2;
	_ =	sdelay $0x1  }
0x1aa: {  	v3 =	vsub.f32 $0.0e+00, v3;
	_ =	sdelay $0x1  }
0x1ab: {  	v3 =	vmul.f32 $1.442695020e+00, v3;
	_ =	sdelay $0x1  }
0x1ac: {  	(erf) = vpow2.f32 v3;
	_ =	sdelay $0x8  }
0x1ad: {  	v3 =	vpop (erf)  }
0x1ae: {  	v3 =	vadd.f32 $1.000000000e+00, v3;
	_ =	sdelay $0x1  }
0x1af: {  	(erf) = vrcp.f32 v3;
	_ =	sdelay $0x1  }
0x1b0: {  	s20 =	simm.s32 $0x640;
	s19 =	simm.s32 $0x642  }
0x1b1: {  	v5 =	vmov s19;
	v4 =	vmov s20  }
0x1b2: {  	s19 =	simm.s32 $0x646;
	v5 =	vshll.u32 v5, $0x3;
	s20 =	simm.s32 $0x644;
	v4 =	vshll.u32 v4, $0x3  }
0x1b3: {  	v7 =	vmov s19;
	v6 =	vmov s20;
	v4 =	vor.u32 v0, v4  }
0x1b4: {  	v5 =	vor.u32 v0, v5;
	v6 =	vshll.u32 v6, $0x3;
	v4 =	vor.u32 v1, v4  }
0x1b5: {  	v7 =	vshll.u32 v7, $0x3;
	v5 =	vor.u32 v1, v5;
	s20 =	simm.s32 $0x648;
	v6 =	vor.u32 v0, v6  }
0x1b6: {  	s19 =	simm.s32 $0x64C;
	v8 =	vmov s20;
	v9 =	vor.u32 v1, v6;
	v6 =	vor.u32 v0, v7  }
0x1b7: {  	s20 =	simm.s32 $0x64A;
	v7 =	vshll.u32 v8, $0x3;
	v8 =	vmov s19;
	v12 =	vor.u32 v1, v6;
	v10 =	vpop (erf)  }
0x1b8: {  	s19 =	simm.s32 $0x64E;
	v6 =	vmov s20;
	v7 =	vor.u32 v0, v7;
	v11 =	vshll.u32 v8, $0x3;
	[tilespmem:$0xE138] =	vst v10  }
0x1b9: {  	v8 =	vshll.u32 v6, $0x3;
	v6 =	vor.u32 v1, v7;
	v7 =	vmov s19;
	v4 =	vld.idx.msk [tilespmem:v4+s15+$0x0], $0xffff  }
0x1ba: {  	s18 =	simm.s32 $0x650;
	v8 =	vor.u32 v0, v8;
	v10 =	vor.u32 v0, v11;
	v11 =	vshll.u32 v7, $0x3;
	v7 =	vld.idx.msk [tilespmem:v5+s15+$0x0], $0xffff  }
0x1bb: {  	v13 =	vmov s18;
	v8 =	vor.u32 v1, v8;
	v5 =	vld.idx.msk [tilespmem:v9+s15+$0x0], $0xffff  }
0x1bc: {  	v13 =	vshll.u32 v13, $0x3;
	s20 =	simm.s32 $0x654;
	v10 =	vor.u32 v1, v10;
	v11 =	vor.u32 v0, v11;
	v9 =	vld.idx.msk [tilespmem:v12+s15+$0x0], $0xffff  }
0x1bd: {  	v14 =	vor.u32 v0, v13;
	v15 =	vmov s20;
	v11 =	vor.u32 v1, v11  }
0x1be: {  	s20 =	simm.s32 $0x652;
	s19 =	simm.s32 $0x658;
	v13 =	vshll.u32 v15, $0x3;
	v3 =	vimm.f32 $0.0e+00;
	v12 =	vimm.f32 $0.0e+00  }
.LBB2_19:
0x1bf: {  	p0 =	sne.s32 s19, $0x700;
	v15 =	vmov s20;
	s20 =	sadd.s32 $0x6, s18;
	v3 =	vadd.f32 v4, v3;
	v4 =	vld.idx.msk [tilespmem:v6+s15+$0x0], $0xffff;
	v12 =	vadd.f32 v7, v12;
	s18 =	smov.u32 s19  }
0x1c0: {  	v6 =	vor.u32 v1, v14;
	v14 =	vshll.u32 v15, $0x3;
	v15 =	vmov s20;
	v7 =	vld.idx.msk [tilespmem:v8+s15+$0x0], $0xffff  }
.Ltmp8:
0x1c1: {  	v8 =	vor.u32 v0, v14;
	v3 =	vadd.f32 v5, v3;
	v5 =	vld.idx.msk [tilespmem:v10+s15+$0x0], $0xffff;
	v12 =	vadd.f32 v9, v12;
	(pc) =	sbr.rel @p0 .LBB2_19-.Ltmp8, $4  }
0x1c2: {  	v10 =	vor.u32 v0, v13;
	v13 =	vshll.u32 v15, $0x3;
	v8 =	vor.u32 v1, v8;
	v9 =	vld.idx.msk [tilespmem:v11+s15+$0x0], $0xffff  }
0x1c3: {  	s20 =	sadd.s32 $0x4, s19;
	v11 =	vmov s19;
	v10 =	vor.u32 v1, v10;
	v13 =	vor.u32 v0, v13  }
0x1c4: {  	v15 =	vmov s20;
	v14 =	vshll.u32 v11, $0x3;
	v11 =	vor.u32 v1, v13  }
0x1c5: {  	s20 =	sadd.s32 $0x2, s18;
	s19 =	sadd.s32 $0x8, s19;
	v13 =	vshll.u32 v15, $0x3;
	v14 =	vor.u32 v0, v14  }
0x1c6: {  	_ = 	snop  }
0x1c7: {  	v15 =	vmov s20  }
0x1c8: {  	s18 =	sadd.s32 $0x6, s18;
	v15 =	vshll.u32 v15, $0x3  }
0x1c9: {  	v14 =	vor.u32 v1, v14;
	v16 =	vmov s18;
	v15 =	vor.u32 v0, v15  }
0x1ca: {  	v6 =	vld.idx.msk [tilespmem:v6+s15+$0x0], $0xffff;
	v13 =	vor.u32 v0, v13;
	v16 =	vshll.u32 v16, $0x3;
	v15 =	vor.u32 v1, v15  }
0x1cb: {  	v8 =	vld.idx.msk [tilespmem:v8+s15+$0x0], $0xffff;
	v13 =	vor.u32 v1, v13;
	v16 =	vor.u32 v0, v16  }
0x1cc: {  	v3 =	vadd.f32 v4, v3;
	v4 =	vadd.f32 v7, v12;
	v7 =	vld.idx.msk [tilespmem:v10+s15+$0x0], $0xffff;
	v10 =	vor.u32 v1, v16  }
0x1cd: {  	v11 =	vld.idx.msk [tilespmem:v11+s15+$0x0], $0xffff  }
0x1ce: {  	v3 =	vadd.f32 v5, v3;
	v4 =	vadd.f32 v9, v4;
	v5 =	vld.idx.msk [tilespmem:v14+s15+$0x0], $0xffff  }
0x1cf: {  	v9 =	vld.idx.msk [tilespmem:v15+s15+$0x0], $0xffff  }
0x1d0: {  	v3 =	vadd.f32 v6, v3;
	v4 =	vadd.f32 v8, v4;
	v6 =	vld.idx.msk [tilespmem:v13+s15+$0x0], $0xffff  }
0x1d1: {  	v8 =	vld.idx.msk [tilespmem:v10+s15+$0x0], $0xffff  }
0x1d2: {  	v3 =	vadd.f32 v7, v3;
	v4 =	vadd.f32 v11, v4;
	_ =	sdelay $0x1  }
0x1d3: {  	v3 =	vadd.f32 v5, v3;
	v4 =	vadd.f32 v9, v4;
	_ =	sdelay $0x1  }
0x1d4: {  	v3 =	vadd.f32 v6, v3;
	v4 =	vadd.f32 v8, v4;
	_ =	sdelay $0x1  }
0x1d5: {  	v3 =	vadd.f32 v4, v3;
	_ =	sdelay $0x1  }
0x1d6: {  	[tilespmem:$0xE188] =	vst v3  }
0x1d7: {  	v4 =	vld [tilespmem:$0xE190];
	_ =	sdelay $0x4  }
0x1d8: {  	v3 =	vadd.f32 v4, v3;
	_ =	sdelay $0x1  }
0x1d9: {  	v3 =	vmul.f32 $4.999999890e-03, v3;
	_ =	sdelay $0x1  }
0x1da: {  	v3 =	vadd.f32 v3, v2;
	_ =	sdelay $0x1  }
0x1db: {  	v3 =	vsub.f32 $0.0e+00, v3;
	_ =	sdelay $0x1  }
0x1dc: {  	v3 =	vmul.f32 $1.442695020e+00, v3;
	_ =	sdelay $0x1  }
0x1dd: {  	(erf) = vpow2.f32 v3;
	_ =	sdelay $0x8  }
0x1de: {  	v3 =	vpop (erf)  }
0x1df: {  	v3 =	vadd.f32 $1.000000000e+00, v3;
	_ =	sdelay $0x1  }
0x1e0: {  	(erf) = vrcp.f32 v3;
	_ =	sdelay $0x1  }
0x1e1: {  	s20 =	simm.s32 $0x708;
	s19 =	simm.s32 $0x70A  }
0x1e2: {  	v5 =	vmov s19;
	v4 =	vmov s20  }
0x1e3: {  	s19 =	simm.s32 $0x70E;
	v5 =	vshll.u32 v5, $0x3;
	s20 =	simm.s32 $0x70C;
	v4 =	vshll.u32 v4, $0x3  }
0x1e4: {  	v7 =	vmov s19;
	v6 =	vmov s20;
	v4 =	vor.u32 v0, v4  }
0x1e5: {  	v5 =	vor.u32 v0, v5;
	v6 =	vshll.u32 v6, $0x3;
	v4 =	vor.u32 v1, v4  }
0x1e6: {  	v7 =	vshll.u32 v7, $0x3;
	v5 =	vor.u32 v1, v5;
	s20 =	simm.s32 $0x710;
	v6 =	vor.u32 v0, v6  }
0x1e7: {  	s19 =	simm.s32 $0x714;
	v8 =	vmov s20;
	v9 =	vor.u32 v1, v6;
	v6 =	vor.u32 v0, v7  }
0x1e8: {  	s20 =	simm.s32 $0x712;
	v7 =	vshll.u32 v8, $0x3;
	v8 =	vmov s19;
	v12 =	vor.u32 v1, v6;
	v10 =	vpop (erf)  }
0x1e9: {  	s19 =	simm.s32 $0x716;
	v6 =	vmov s20;
	v7 =	vor.u32 v0, v7;
	v11 =	vshll.u32 v8, $0x3;
	[tilespmem:$0xE140] =	vst v10  }
0x1ea: {  	v8 =	vshll.u32 v6, $0x3;
	v6 =	vor.u32 v1, v7;
	v7 =	vmov s19;
	v4 =	vld.idx.msk [tilespmem:v4+s15+$0x0], $0xffff  }
0x1eb: {  	s18 =	simm.s32 $0x718;
	v8 =	vor.u32 v0, v8;
	v10 =	vor.u32 v0, v11;
	v11 =	vshll.u32 v7, $0x3;
	v7 =	vld.idx.msk [tilespmem:v5+s15+$0x0], $0xffff  }
0x1ec: {  	v13 =	vmov s18;
	v8 =	vor.u32 v1, v8;
	v5 =	vld.idx.msk [tilespmem:v9+s15+$0x0], $0xffff  }
0x1ed: {  	v13 =	vshll.u32 v13, $0x3;
	s20 =	simm.s32 $0x71C;
	v10 =	vor.u32 v1, v10;
	v11 =	vor.u32 v0, v11;
	v9 =	vld.idx.msk [tilespmem:v12+s15+$0x0], $0xffff  }
0x1ee: {  	v14 =	vor.u32 v0, v13;
	v15 =	vmov s20;
	v11 =	vor.u32 v1, v11  }
0x1ef: {  	s20 =	simm.s32 $0x71A;
	s19 =	simm.s32 $0x720;
	v13 =	vshll.u32 v15, $0x3;
	v3 =	vimm.f32 $0.0e+00;
	v12 =	vimm.f32 $0.0e+00  }
.LBB2_21:
0x1f0: {  	p0 =	sne.s32 s19, $0x7C8;
	v15 =	vmov s20;
	s20 =	sadd.s32 $0x6, s18;
	v3 =	vadd.f32 v4, v3;
	v4 =	vld.idx.msk [tilespmem:v6+s15+$0x0], $0xffff;
	v12 =	vadd.f32 v7, v12;
	s18 =	smov.u32 s19  }
0x1f1: {  	v6 =	vor.u32 v1, v14;
	v14 =	vshll.u32 v15, $0x3;
	v15 =	vmov s20;
	v7 =	vld.idx.msk [tilespmem:v8+s15+$0x0], $0xffff  }
.Ltmp9:
0x1f2: {  	v8 =	vor.u32 v0, v14;
	v3 =	vadd.f32 v5, v3;
	v5 =	vld.idx.msk [tilespmem:v10+s15+$0x0], $0xffff;
	v12 =	vadd.f32 v9, v12;
	(pc) =	sbr.rel @p0 .LBB2_21-.Ltmp9, $4  }
0x1f3: {  	v10 =	vor.u32 v0, v13;
	v13 =	vshll.u32 v15, $0x3;
	v8 =	vor.u32 v1, v8;
	v9 =	vld.idx.msk [tilespmem:v11+s15+$0x0], $0xffff  }
0x1f4: {  	s20 =	sadd.s32 $0x4, s19;
	v11 =	vmov s19;
	v10 =	vor.u32 v1, v10;
	v13 =	vor.u32 v0, v13  }
0x1f5: {  	v15 =	vmov s20;
	v14 =	vshll.u32 v11, $0x3;
	v11 =	vor.u32 v1, v13  }
0x1f6: {  	s20 =	sadd.s32 $0x2, s18;
	s19 =	sadd.s32 $0x8, s19;
	v13 =	vshll.u32 v15, $0x3;
	v14 =	vor.u32 v0, v14  }
0x1f7: {  	_ = 	snop  }
0x1f8: {  	v15 =	vmov s20  }
0x1f9: {  	s18 =	sadd.s32 $0x6, s18;
	v15 =	vshll.u32 v15, $0x3  }
0x1fa: {  	v14 =	vor.u32 v1, v14;
	v16 =	vmov s18;
	v15 =	vor.u32 v0, v15  }
0x1fb: {  	v6 =	vld.idx.msk [tilespmem:v6+s15+$0x0], $0xffff;
	v13 =	vor.u32 v0, v13;
	v16 =	vshll.u32 v16, $0x3;
	v15 =	vor.u32 v1, v15  }
0x1fc: {  	v8 =	vld.idx.msk [tilespmem:v8+s15+$0x0], $0xffff;
	v13 =	vor.u32 v1, v13;
	v16 =	vor.u32 v0, v16  }
0x1fd: {  	v3 =	vadd.f32 v4, v3;
	v4 =	vadd.f32 v7, v12;
	v7 =	vld.idx.msk [tilespmem:v10+s15+$0x0], $0xffff;
	v10 =	vor.u32 v1, v16  }
0x1fe: {  	v11 =	vld.idx.msk [tilespmem:v11+s15+$0x0], $0xffff  }
0x1ff: {  	v3 =	vadd.f32 v5, v3;
	v4 =	vadd.f32 v9, v4;
	v5 =	vld.idx.msk [tilespmem:v14+s15+$0x0], $0xffff  }
0x200: {  	v9 =	vld.idx.msk [tilespmem:v15+s15+$0x0], $0xffff  }
0x201: {  	v3 =	vadd.f32 v6, v3;
	v4 =	vadd.f32 v8, v4;
	v6 =	vld.idx.msk [tilespmem:v13+s15+$0x0], $0xffff  }
0x202: {  	v8 =	vld.idx.msk [tilespmem:v10+s15+$0x0], $0xffff  }
0x203: {  	v3 =	vadd.f32 v7, v3;
	v4 =	vadd.f32 v11, v4;
	_ =	sdelay $0x1  }
0x204: {  	v3 =	vadd.f32 v5, v3;
	v4 =	vadd.f32 v9, v4;
	_ =	sdelay $0x1  }
0x205: {  	v3 =	vadd.f32 v6, v3;
	v4 =	vadd.f32 v8, v4;
	_ =	sdelay $0x1  }
0x206: {  	v3 =	vadd.f32 v4, v3;
	_ =	sdelay $0x1  }
0x207: {  	[tilespmem:$0xE188] =	vst v3  }
0x208: {  	v4 =	vld [tilespmem:$0xE190];
	_ =	sdelay $0x4  }
0x209: {  	v3 =	vadd.f32 v4, v3;
	_ =	sdelay $0x1  }
0x20a: {  	v3 =	vmul.f32 $4.999999890e-03, v3;
	_ =	sdelay $0x1  }
0x20b: {  	v3 =	vadd.f32 v3, v2;
	_ =	sdelay $0x1  }
0x20c: {  	v3 =	vsub.f32 $0.0e+00, v3;
	_ =	sdelay $0x1  }
0x20d: {  	v3 =	vmul.f32 $1.442695020e+00, v3;
	_ =	sdelay $0x1  }
0x20e: {  	(erf) = vpow2.f32 v3;
	_ =	sdelay $0x8  }
0x20f: {  	v3 =	vpop (erf)  }
0x210: {  	v3 =	vadd.f32 $1.000000000e+00, v3;
	_ =	sdelay $0x1  }
0x211: {  	(erf) = vrcp.f32 v3;
	_ =	sdelay $0x1  }
0x212: {  	s20 =	simm.s32 $0x7D0;
	s19 =	simm.s32 $0x7D2  }
0x213: {  	v5 =	vmov s19;
	v4 =	vmov s20  }
0x214: {  	s19 =	simm.s32 $0x7D6;
	v5 =	vshll.u32 v5, $0x3;
	s20 =	simm.s32 $0x7D4;
	v4 =	vshll.u32 v4, $0x3  }
0x215: {  	v7 =	vmov s19;
	v6 =	vmov s20;
	v4 =	vor.u32 v0, v4  }
0x216: {  	v5 =	vor.u32 v0, v5;
	v6 =	vshll.u32 v6, $0x3;
	v4 =	vor.u32 v1, v4  }
0x217: {  	v7 =	vshll.u32 v7, $0x3;
	v5 =	vor.u32 v1, v5;
	s20 =	simm.s32 $0x7D8;
	v6 =	vor.u32 v0, v6  }
0x218: {  	s19 =	simm.s32 $0x7DC;
	v8 =	vmov s20;
	v9 =	vor.u32 v1, v6;
	v6 =	vor.u32 v0, v7  }
0x219: {  	s20 =	simm.s32 $0x7DA;
	v7 =	vshll.u32 v8, $0x3;
	v8 =	vmov s19;
	v12 =	vor.u32 v1, v6;
	v10 =	vpop (erf)  }
0x21a: {  	s19 =	simm.s32 $0x7DE;
	v6 =	vmov s20;
	v7 =	vor.u32 v0, v7;
	v11 =	vshll.u32 v8, $0x3;
	[tilespmem:$0xE148] =	vst v10  }
0x21b: {  	v8 =	vshll.u32 v6, $0x3;
	v6 =	vor.u32 v1, v7;
	v7 =	vmov s19;
	v4 =	vld.idx.msk [tilespmem:v4+s15+$0x0], $0xffff  }
0x21c: {  	s18 =	simm.s32 $0x7E0;
	v8 =	vor.u32 v0, v8;
	v10 =	vor.u32 v0, v11;
	v11 =	vshll.u32 v7, $0x3;
	v7 =	vld.idx.msk [tilespmem:v5+s15+$0x0], $0xffff  }
0x21d: {  	v13 =	vmov s18;
	v8 =	vor.u32 v1, v8;
	v5 =	vld.idx.msk [tilespmem:v9+s15+$0x0], $0xffff  }
0x21e: {  	v13 =	vshll.u32 v13, $0x3;
	s20 =	simm.s32 $0x7E4;
	v10 =	vor.u32 v1, v10;
	v11 =	vor.u32 v0, v11;
	v9 =	vld.idx.msk [tilespmem:v12+s15+$0x0], $0xffff  }
0x21f: {  	v14 =	vor.u32 v0, v13;
	v15 =	vmov s20;
	v11 =	vor.u32 v1, v11  }
0x220: {  	s20 =	simm.s32 $0x7E2;
	s19 =	simm.s32 $0x7E8;
	v13 =	vshll.u32 v15, $0x3;
	v3 =	vimm.f32 $0.0e+00;
	v12 =	vimm.f32 $0.0e+00  }
.LBB2_23:
0x221: {  	p0 =	sne.s32 s19, $0x890;
	v15 =	vmov s20;
	s20 =	sadd.s32 $0x6, s18;
	v3 =	vadd.f32 v4, v3;
	v4 =	vld.idx.msk [tilespmem:v6+s15+$0x0], $0xffff;
	v12 =	vadd.f32 v7, v12;
	s18 =	smov.u32 s19  }
0x222: {  	v6 =	vor.u32 v1, v14;
	v14 =	vshll.u32 v15, $0x3;
	v15 =	vmov s20;
	v7 =	vld.idx.msk [tilespmem:v8+s15+$0x0], $0xffff  }
.Ltmp10:
0x223: {  	v8 =	vor.u32 v0, v14;
	v3 =	vadd.f32 v5, v3;
	v5 =	vld.idx.msk [tilespmem:v10+s15+$0x0], $0xffff;
	v12 =	vadd.f32 v9, v12;
	(pc) =	sbr.rel @p0 .LBB2_23-.Ltmp10, $4  }
0x224: {  	v10 =	vor.u32 v0, v13;
	v13 =	vshll.u32 v15, $0x3;
	v8 =	vor.u32 v1, v8;
	v9 =	vld.idx.msk [tilespmem:v11+s15+$0x0], $0xffff  }
0x225: {  	s20 =	sadd.s32 $0x4, s19;
	v11 =	vmov s19;
	v10 =	vor.u32 v1, v10;
	v13 =	vor.u32 v0, v13  }
0x226: {  	v15 =	vmov s20;
	v14 =	vshll.u32 v11, $0x3;
	v11 =	vor.u32 v1, v13  }
0x227: {  	s20 =	sadd.s32 $0x2, s18;
	s19 =	sadd.s32 $0x8, s19;
	v13 =	vshll.u32 v15, $0x3;
	v14 =	vor.u32 v0, v14  }
0x228: {  	_ = 	snop  }
0x229: {  	v15 =	vmov s20  }
0x22a: {  	s18 =	sadd.s32 $0x6, s18;
	v15 =	vshll.u32 v15, $0x3  }
0x22b: {  	v14 =	vor.u32 v1, v14;
	v16 =	vmov s18;
	v15 =	vor.u32 v0, v15  }
0x22c: {  	v6 =	vld.idx.msk [tilespmem:v6+s15+$0x0], $0xffff;
	v13 =	vor.u32 v0, v13;
	v16 =	vshll.u32 v16, $0x3;
	v15 =	vor.u32 v1, v15  }
0x22d: {  	v8 =	vld.idx.msk [tilespmem:v8+s15+$0x0], $0xffff;
	v13 =	vor.u32 v1, v13;
	v16 =	vor.u32 v0, v16  }
0x22e: {  	v3 =	vadd.f32 v4, v3;
	v4 =	vadd.f32 v7, v12;
	v7 =	vld.idx.msk [tilespmem:v10+s15+$0x0], $0xffff;
	v10 =	vor.u32 v1, v16  }
0x22f: {  	v11 =	vld.idx.msk [tilespmem:v11+s15+$0x0], $0xffff  }
0x230: {  	v3 =	vadd.f32 v5, v3;
	v4 =	vadd.f32 v9, v4;
	v5 =	vld.idx.msk [tilespmem:v14+s15+$0x0], $0xffff  }
0x231: {  	v9 =	vld.idx.msk [tilespmem:v15+s15+$0x0], $0xffff  }
0x232: {  	v3 =	vadd.f32 v6, v3;
	v4 =	vadd.f32 v8, v4;
	v6 =	vld.idx.msk [tilespmem:v13+s15+$0x0], $0xffff  }
0x233: {  	v8 =	vld.idx.msk [tilespmem:v10+s15+$0x0], $0xffff  }
0x234: {  	v3 =	vadd.f32 v7, v3;
	v4 =	vadd.f32 v11, v4;
	_ =	sdelay $0x1  }
0x235: {  	v3 =	vadd.f32 v5, v3;
	v4 =	vadd.f32 v9, v4;
	_ =	sdelay $0x1  }
0x236: {  	v3 =	vadd.f32 v6, v3;
	v4 =	vadd.f32 v8, v4;
	_ =	sdelay $0x1  }
0x237: {  	v3 =	vadd.f32 v4, v3;
	_ =	sdelay $0x1  }
0x238: {  	[tilespmem:$0xE188] =	vst v3  }
0x239: {  	v4 =	vld [tilespmem:$0xE190];
	_ =	sdelay $0x4  }
0x23a: {  	v3 =	vadd.f32 v4, v3;
	_ =	sdelay $0x1  }
0x23b: {  	v3 =	vmul.f32 $4.999999890e-03, v3;
	_ =	sdelay $0x1  }
0x23c: {  	v3 =	vadd.f32 v3, v2;
	_ =	sdelay $0x1  }
0x23d: {  	v3 =	vsub.f32 $0.0e+00, v3;
	_ =	sdelay $0x1  }
0x23e: {  	v3 =	vmul.f32 $1.442695020e+00, v3;
	_ =	sdelay $0x1  }
0x23f: {  	(erf) = vpow2.f32 v3;
	_ =	sdelay $0x8  }
0x240: {  	v3 =	vpop (erf)  }
0x241: {  	v3 =	vadd.f32 $1.000000000e+00, v3;
	_ =	sdelay $0x1  }
0x242: {  	(erf) = vrcp.f32 v3;
	_ =	sdelay $0x1  }
0x243: {  	s20 =	simm.s32 $0x898;
	s19 =	simm.s32 $0x89A  }
0x244: {  	v5 =	vmov s19;
	v4 =	vmov s20  }
0x245: {  	s19 =	simm.s32 $0x89E;
	v5 =	vshll.u32 v5, $0x3;
	s20 =	simm.s32 $0x89C;
	v4 =	vshll.u32 v4, $0x3  }
0x246: {  	v7 =	vmov s19;
	v6 =	vmov s20;
	v4 =	vor.u32 v0, v4  }
0x247: {  	v5 =	vor.u32 v0, v5;
	v6 =	vshll.u32 v6, $0x3;
	v4 =	vor.u32 v1, v4  }
0x248: {  	v7 =	vshll.u32 v7, $0x3;
	v5 =	vor.u32 v1, v5;
	s20 =	simm.s32 $0x8A0;
	v6 =	vor.u32 v0, v6  }
0x249: {  	s19 =	simm.s32 $0x8A4;
	v8 =	vmov s20;
	v9 =	vor.u32 v1, v6;
	v6 =	vor.u32 v0, v7  }
0x24a: {  	s20 =	simm.s32 $0x8A2;
	v7 =	vshll.u32 v8, $0x3;
	v8 =	vmov s19;
	v12 =	vor.u32 v1, v6;
	v10 =	vpop (erf)  }
0x24b: {  	s19 =	simm.s32 $0x8A6;
	v6 =	vmov s20;
	v7 =	vor.u32 v0, v7;
	v11 =	vshll.u32 v8, $0x3;
	[tilespmem:$0xE150] =	vst v10  }
0x24c: {  	v8 =	vshll.u32 v6, $0x3;
	v6 =	vor.u32 v1, v7;
	v7 =	vmov s19;
	v4 =	vld.idx.msk [tilespmem:v4+s15+$0x0], $0xffff  }
0x24d: {  	s18 =	simm.s32 $0x8A8;
	v8 =	vor.u32 v0, v8;
	v10 =	vor.u32 v0, v11;
	v11 =	vshll.u32 v7, $0x3;
	v7 =	vld.idx.msk [tilespmem:v5+s15+$0x0], $0xffff  }
0x24e: {  	v13 =	vmov s18;
	v8 =	vor.u32 v1, v8;
	v5 =	vld.idx.msk [tilespmem:v9+s15+$0x0], $0xffff  }
0x24f: {  	v13 =	vshll.u32 v13, $0x3;
	s20 =	simm.s32 $0x8AC;
	v10 =	vor.u32 v1, v10;
	v11 =	vor.u32 v0, v11;
	v9 =	vld.idx.msk [tilespmem:v12+s15+$0x0], $0xffff  }
0x250: {  	v14 =	vor.u32 v0, v13;
	v15 =	vmov s20;
	v11 =	vor.u32 v1, v11  }
0x251: {  	s20 =	simm.s32 $0x8AA;
	s19 =	simm.s32 $0x8B0;
	v13 =	vshll.u32 v15, $0x3;
	v3 =	vimm.f32 $0.0e+00;
	v12 =	vimm.f32 $0.0e+00  }
.LBB2_25:
0x252: {  	p0 =	sne.s32 s19, $0x958;
	v15 =	vmov s20;
	s20 =	sadd.s32 $0x6, s18;
	v3 =	vadd.f32 v4, v3;
	v4 =	vld.idx.msk [tilespmem:v6+s15+$0x0], $0xffff;
	v12 =	vadd.f32 v7, v12;
	s18 =	smov.u32 s19  }
0x253: {  	v6 =	vor.u32 v1, v14;
	v14 =	vshll.u32 v15, $0x3;
	v15 =	vmov s20;
	v7 =	vld.idx.msk [tilespmem:v8+s15+$0x0], $0xffff  }
.Ltmp11:
0x254: {  	v8 =	vor.u32 v0, v14;
	v3 =	vadd.f32 v5, v3;
	v5 =	vld.idx.msk [tilespmem:v10+s15+$0x0], $0xffff;
	v12 =	vadd.f32 v9, v12;
	(pc) =	sbr.rel @p0 .LBB2_25-.Ltmp11, $4  }
0x255: {  	v10 =	vor.u32 v0, v13;
	v13 =	vshll.u32 v15, $0x3;
	v8 =	vor.u32 v1, v8;
	v9 =	vld.idx.msk [tilespmem:v11+s15+$0x0], $0xffff  }
0x256: {  	s20 =	sadd.s32 $0x4, s19;
	v11 =	vmov s19;
	v10 =	vor.u32 v1, v10;
	v13 =	vor.u32 v0, v13  }
0x257: {  	v15 =	vmov s20;
	v14 =	vshll.u32 v11, $0x3;
	v11 =	vor.u32 v1, v13  }
0x258: {  	s20 =	sadd.s32 $0x2, s18;
	s19 =	sadd.s32 $0x8, s19;
	v13 =	vshll.u32 v15, $0x3;
	v14 =	vor.u32 v0, v14  }
0x259: {  	_ = 	snop  }
0x25a: {  	v15 =	vmov s20  }
0x25b: {  	s18 =	sadd.s32 $0x6, s18;
	v15 =	vshll.u32 v15, $0x3  }
0x25c: {  	v14 =	vor.u32 v1, v14;
	v16 =	vmov s18;
	v15 =	vor.u32 v0, v15  }
0x25d: {  	v6 =	vld.idx.msk [tilespmem:v6+s15+$0x0], $0xffff;
	v13 =	vor.u32 v0, v13;
	v16 =	vshll.u32 v16, $0x3;
	v15 =	vor.u32 v1, v15  }
0x25e: {  	v8 =	vld.idx.msk [tilespmem:v8+s15+$0x0], $0xffff;
	v13 =	vor.u32 v1, v13;
	v16 =	vor.u32 v0, v16  }
0x25f: {  	v3 =	vadd.f32 v4, v3;
	v4 =	vadd.f32 v7, v12;
	v7 =	vld.idx.msk [tilespmem:v10+s15+$0x0], $0xffff;
	v10 =	vor.u32 v1, v16  }
0x260: {  	v11 =	vld.idx.msk [tilespmem:v11+s15+$0x0], $0xffff  }
0x261: {  	v3 =	vadd.f32 v5, v3;
	v4 =	vadd.f32 v9, v4;
	v5 =	vld.idx.msk [tilespmem:v14+s15+$0x0], $0xffff  }
0x262: {  	v9 =	vld.idx.msk [tilespmem:v15+s15+$0x0], $0xffff  }
0x263: {  	v3 =	vadd.f32 v6, v3;
	v4 =	vadd.f32 v8, v4;
	v6 =	vld.idx.msk [tilespmem:v13+s15+$0x0], $0xffff  }
0x264: {  	v8 =	vld.idx.msk [tilespmem:v10+s15+$0x0], $0xffff  }
0x265: {  	v3 =	vadd.f32 v7, v3;
	v4 =	vadd.f32 v11, v4;
	_ =	sdelay $0x1  }
0x266: {  	v3 =	vadd.f32 v5, v3;
	v4 =	vadd.f32 v9, v4;
	_ =	sdelay $0x1  }
0x267: {  	v3 =	vadd.f32 v6, v3;
	v4 =	vadd.f32 v8, v4;
	_ =	sdelay $0x1  }
0x268: {  	v3 =	vadd.f32 v4, v3;
	_ =	sdelay $0x1  }
0x269: {  	[tilespmem:$0xE188] =	vst v3  }
0x26a: {  	v4 =	vld [tilespmem:$0xE190];
	_ =	sdelay $0x4  }
0x26b: {  	v3 =	vadd.f32 v4, v3;
	_ =	sdelay $0x1  }
0x26c: {  	v3 =	vmul.f32 $4.999999890e-03, v3;
	_ =	sdelay $0x1  }
0x26d: {  	v3 =	vadd.f32 v3, v2;
	_ =	sdelay $0x1  }
0x26e: {  	v3 =	vsub.f32 $0.0e+00, v3;
	_ =	sdelay $0x1  }
0x26f: {  	v3 =	vmul.f32 $1.442695020e+00, v3;
	_ =	sdelay $0x1  }
0x270: {  	(erf) = vpow2.f32 v3;
	_ =	sdelay $0x8  }
0x271: {  	v3 =	vpop (erf)  }
0x272: {  	v3 =	vadd.f32 $1.000000000e+00, v3;
	_ =	sdelay $0x1  }
0x273: {  	(erf) = vrcp.f32 v3;
	_ =	sdelay $0x1  }
0x274: {  	s20 =	simm.s32 $0x960;
	s19 =	simm.s32 $0x962  }
0x275: {  	v5 =	vmov s19;
	v4 =	vmov s20  }
0x276: {  	s19 =	simm.s32 $0x966;
	v5 =	vshll.u32 v5, $0x3;
	s20 =	simm.s32 $0x964;
	v4 =	vshll.u32 v4, $0x3  }
0x277: {  	v7 =	vmov s19;
	v6 =	vmov s20;
	v4 =	vor.u32 v0, v4  }
0x278: {  	v5 =	vor.u32 v0, v5;
	v6 =	vshll.u32 v6, $0x3;
	v4 =	vor.u32 v1, v4  }
0x279: {  	v7 =	vshll.u32 v7, $0x3;
	v5 =	vor.u32 v1, v5;
	s20 =	simm.s32 $0x968;
	v6 =	vor.u32 v0, v6  }
0x27a: {  	s19 =	simm.s32 $0x96C;
	v8 =	vmov s20;
	v9 =	vor.u32 v1, v6;
	v6 =	vor.u32 v0, v7  }
0x27b: {  	s20 =	simm.s32 $0x96A;
	v7 =	vshll.u32 v8, $0x3;
	v8 =	vmov s19;
	v12 =	vor.u32 v1, v6;
	v10 =	vpop (erf)  }
0x27c: {  	s19 =	simm.s32 $0x96E;
	v6 =	vmov s20;
	v7 =	vor.u32 v0, v7;
	v11 =	vshll.u32 v8, $0x3;
	[tilespmem:$0xE158] =	vst v10  }
0x27d: {  	v8 =	vshll.u32 v6, $0x3;
	v6 =	vor.u32 v1, v7;
	v7 =	vmov s19;
	v4 =	vld.idx.msk [tilespmem:v4+s15+$0x0], $0xffff  }
0x27e: {  	s18 =	simm.s32 $0x970;
	v8 =	vor.u32 v0, v8;
	v10 =	vor.u32 v0, v11;
	v11 =	vshll.u32 v7, $0x3;
	v7 =	vld.idx.msk [tilespmem:v5+s15+$0x0], $0xffff  }
0x27f: {  	v13 =	vmov s18;
	v8 =	vor.u32 v1, v8;
	v5 =	vld.idx.msk [tilespmem:v9+s15+$0x0], $0xffff  }
0x280: {  	v13 =	vshll.u32 v13, $0x3;
	s20 =	simm.s32 $0x974;
	v10 =	vor.u32 v1, v10;
	v11 =	vor.u32 v0, v11;
	v9 =	vld.idx.msk [tilespmem:v12+s15+$0x0], $0xffff  }
0x281: {  	v14 =	vor.u32 v0, v13;
	v15 =	vmov s20;
	v11 =	vor.u32 v1, v11  }
0x282: {  	s20 =	simm.s32 $0x972;
	s19 =	simm.s32 $0x978;
	v13 =	vshll.u32 v15, $0x3;
	v3 =	vimm.f32 $0.0e+00;
	v12 =	vimm.f32 $0.0e+00  }
.LBB2_27:
0x283: {  	p0 =	sne.s32 s19, $0xA20;
	v15 =	vmov s20;
	s20 =	sadd.s32 $0x6, s18;
	v3 =	vadd.f32 v4, v3;
	v4 =	vld.idx.msk [tilespmem:v6+s15+$0x0], $0xffff;
	v12 =	vadd.f32 v7, v12;
	s18 =	smov.u32 s19  }
0x284: {  	v6 =	vor.u32 v1, v14;
	v14 =	vshll.u32 v15, $0x3;
	v15 =	vmov s20;
	v7 =	vld.idx.msk [tilespmem:v8+s15+$0x0], $0xffff  }
.Ltmp12:
0x285: {  	v8 =	vor.u32 v0, v14;
	v3 =	vadd.f32 v5, v3;
	v5 =	vld.idx.msk [tilespmem:v10+s15+$0x0], $0xffff;
	v12 =	vadd.f32 v9, v12;
	(pc) =	sbr.rel @p0 .LBB2_27-.Ltmp12, $4  }
0x286: {  	v10 =	vor.u32 v0, v13;
	v13 =	vshll.u32 v15, $0x3;
	v8 =	vor.u32 v1, v8;
	v9 =	vld.idx.msk [tilespmem:v11+s15+$0x0], $0xffff  }
0x287: {  	s20 =	sadd.s32 $0x4, s19;
	v11 =	vmov s19;
	v10 =	vor.u32 v1, v10;
	v13 =	vor.u32 v0, v13  }
0x288: {  	v15 =	vmov s20;
	v14 =	vshll.u32 v11, $0x3;
	v11 =	vor.u32 v1, v13  }
0x289: {  	s20 =	sadd.s32 $0x2, s18;
	s19 =	sadd.s32 $0x8, s19;
	v13 =	vshll.u32 v15, $0x3;
	v14 =	vor.u32 v0, v14  }
0x28a: {  	_ = 	snop  }
0x28b: {  	v15 =	vmov s20  }
0x28c: {  	s18 =	sadd.s32 $0x6, s18;
	v15 =	vshll.u32 v15, $0x3  }
0x28d: {  	v14 =	vor.u32 v1, v14;
	v16 =	vmov s18;
	v15 =	vor.u32 v0, v15  }
0x28e: {  	v6 =	vld.idx.msk [tilespmem:v6+s15+$0x0], $0xffff;
	v13 =	vor.u32 v0, v13;
	v16 =	vshll.u32 v16, $0x3;
	v15 =	vor.u32 v1, v15  }
0x28f: {  	v8 =	vld.idx.msk [tilespmem:v8+s15+$0x0], $0xffff;
	v13 =	vor.u32 v1, v13;
	v16 =	vor.u32 v0, v16  }
0x290: {  	v3 =	vadd.f32 v4, v3;
	v4 =	vadd.f32 v7, v12;
	v7 =	vld.idx.msk [tilespmem:v10+s15+$0x0], $0xffff;
	v10 =	vor.u32 v1, v16  }
0x291: {  	v11 =	vld.idx.msk [tilespmem:v11+s15+$0x0], $0xffff  }
0x292: {  	v3 =	vadd.f32 v5, v3;
	v4 =	vadd.f32 v9, v4;
	v5 =	vld.idx.msk [tilespmem:v14+s15+$0x0], $0xffff  }
0x293: {  	v9 =	vld.idx.msk [tilespmem:v15+s15+$0x0], $0xffff  }
0x294: {  	v3 =	vadd.f32 v6, v3;
	v4 =	vadd.f32 v8, v4;
	v6 =	vld.idx.msk [tilespmem:v13+s15+$0x0], $0xffff  }
0x295: {  	v8 =	vld.idx.msk [tilespmem:v10+s15+$0x0], $0xffff  }
0x296: {  	v3 =	vadd.f32 v7, v3;
	v4 =	vadd.f32 v11, v4;
	_ =	sdelay $0x1  }
0x297: {  	v3 =	vadd.f32 v5, v3;
	v4 =	vadd.f32 v9, v4;
	_ =	sdelay $0x1  }
0x298: {  	v3 =	vadd.f32 v6, v3;
	v4 =	vadd.f32 v8, v4;
	_ =	sdelay $0x1  }
0x299: {  	v3 =	vadd.f32 v4, v3;
	_ =	sdelay $0x1  }
0x29a: {  	[tilespmem:$0xE188] =	vst v3  }
0x29b: {  	v4 =	vld [tilespmem:$0xE190];
	_ =	sdelay $0x4  }
0x29c: {  	v3 =	vadd.f32 v4, v3;
	_ =	sdelay $0x1  }
0x29d: {  	v3 =	vmul.f32 $4.999999890e-03, v3;
	_ =	sdelay $0x1  }
0x29e: {  	v3 =	vadd.f32 v3, v2;
	_ =	sdelay $0x1  }
0x29f: {  	v3 =	vsub.f32 $0.0e+00, v3;
	_ =	sdelay $0x1  }
0x2a0: {  	v3 =	vmul.f32 $1.442695020e+00, v3;
	_ =	sdelay $0x1  }
0x2a1: {  	(erf) = vpow2.f32 v3;
	_ =	sdelay $0x8  }
0x2a2: {  	v3 =	vpop (erf)  }
0x2a3: {  	v3 =	vadd.f32 $1.000000000e+00, v3;
	_ =	sdelay $0x1  }
0x2a4: {  	(erf) = vrcp.f32 v3;
	_ =	sdelay $0x1  }
0x2a5: {  	s20 =	simm.s32 $0xA28;
	s19 =	simm.s32 $0xA2A  }
0x2a6: {  	v5 =	vmov s19;
	v4 =	vmov s20  }
0x2a7: {  	s19 =	simm.s32 $0xA2E;
	v5 =	vshll.u32 v5, $0x3;
	s20 =	simm.s32 $0xA2C;
	v4 =	vshll.u32 v4, $0x3  }
0x2a8: {  	v7 =	vmov s19;
	v6 =	vmov s20;
	v4 =	vor.u32 v0, v4  }
0x2a9: {  	v5 =	vor.u32 v0, v5;
	v6 =	vshll.u32 v6, $0x3;
	v4 =	vor.u32 v1, v4  }
0x2aa: {  	v7 =	vshll.u32 v7, $0x3;
	v5 =	vor.u32 v1, v5;
	s20 =	simm.s32 $0xA30;
	v6 =	vor.u32 v0, v6  }
0x2ab: {  	s19 =	simm.s32 $0xA34;
	v8 =	vmov s20;
	v9 =	vor.u32 v1, v6;
	v6 =	vor.u32 v0, v7  }
0x2ac: {  	s20 =	simm.s32 $0xA32;
	v7 =	vshll.u32 v8, $0x3;
	v8 =	vmov s19;
	v12 =	vor.u32 v1, v6;
	v10 =	vpop (erf)  }
0x2ad: {  	s19 =	simm.s32 $0xA36;
	v6 =	vmov s20;
	v7 =	vor.u32 v0, v7;
	v11 =	vshll.u32 v8, $0x3;
	[tilespmem:$0xE160] =	vst v10  }
0x2ae: {  	v8 =	vshll.u32 v6, $0x3;
	v6 =	vor.u32 v1, v7;
	v7 =	vmov s19;
	v4 =	vld.idx.msk [tilespmem:v4+s15+$0x0], $0xffff  }
0x2af: {  	s18 =	simm.s32 $0xA38;
	v8 =	vor.u32 v0, v8;
	v10 =	vor.u32 v0, v11;
	v11 =	vshll.u32 v7, $0x3;
	v7 =	vld.idx.msk [tilespmem:v5+s15+$0x0], $0xffff  }
0x2b0: {  	v13 =	vmov s18;
	v8 =	vor.u32 v1, v8;
	v5 =	vld.idx.msk [tilespmem:v9+s15+$0x0], $0xffff  }
0x2b1: {  	v13 =	vshll.u32 v13, $0x3;
	s20 =	simm.s32 $0xA3C;
	v10 =	vor.u32 v1, v10;
	v11 =	vor.u32 v0, v11;
	v9 =	vld.idx.msk [tilespmem:v12+s15+$0x0], $0xffff  }
0x2b2: {  	v14 =	vor.u32 v0, v13;
	v15 =	vmov s20;
	v11 =	vor.u32 v1, v11  }
0x2b3: {  	s20 =	simm.s32 $0xA3A;
	s19 =	simm.s32 $0xA40;
	v13 =	vshll.u32 v15, $0x3;
	v3 =	vimm.f32 $0.0e+00;
	v12 =	vimm.f32 $0.0e+00  }
.LBB2_29:
0x2b4: {  	p0 =	sne.s32 s19, $0xAE8;
	v15 =	vmov s20;
	s20 =	sadd.s32 $0x6, s18;
	v3 =	vadd.f32 v4, v3;
	v4 =	vld.idx.msk [tilespmem:v6+s15+$0x0], $0xffff;
	v12 =	vadd.f32 v7, v12;
	s18 =	smov.u32 s19  }
0x2b5: {  	v6 =	vor.u32 v1, v14;
	v14 =	vshll.u32 v15, $0x3;
	v15 =	vmov s20;
	v7 =	vld.idx.msk [tilespmem:v8+s15+$0x0], $0xffff  }
.Ltmp13:
0x2b6: {  	v8 =	vor.u32 v0, v14;
	v3 =	vadd.f32 v5, v3;
	v5 =	vld.idx.msk [tilespmem:v10+s15+$0x0], $0xffff;
	v12 =	vadd.f32 v9, v12;
	(pc) =	sbr.rel @p0 .LBB2_29-.Ltmp13, $4  }
0x2b7: {  	v10 =	vor.u32 v0, v13;
	v13 =	vshll.u32 v15, $0x3;
	v8 =	vor.u32 v1, v8;
	v9 =	vld.idx.msk [tilespmem:v11+s15+$0x0], $0xffff  }
0x2b8: {  	s20 =	sadd.s32 $0x4, s19;
	v11 =	vmov s19;
	v10 =	vor.u32 v1, v10;
	v13 =	vor.u32 v0, v13  }
0x2b9: {  	v15 =	vmov s20;
	v14 =	vshll.u32 v11, $0x3;
	v11 =	vor.u32 v1, v13  }
0x2ba: {  	s20 =	sadd.s32 $0x2, s18;
	s19 =	sadd.s32 $0x8, s19;
	v13 =	vshll.u32 v15, $0x3;
	v14 =	vor.u32 v0, v14  }
0x2bb: {  	_ = 	snop  }
0x2bc: {  	v15 =	vmov s20  }
0x2bd: {  	s18 =	sadd.s32 $0x6, s18;
	v15 =	vshll.u32 v15, $0x3  }
0x2be: {  	v14 =	vor.u32 v1, v14;
	v16 =	vmov s18;
	v15 =	vor.u32 v0, v15  }
0x2bf: {  	v6 =	vld.idx.msk [tilespmem:v6+s15+$0x0], $0xffff;
	v13 =	vor.u32 v0, v13;
	v16 =	vshll.u32 v16, $0x3;
	v15 =	vor.u32 v1, v15  }
0x2c0: {  	v8 =	vld.idx.msk [tilespmem:v8+s15+$0x0], $0xffff;
	v13 =	vor.u32 v1, v13;
	v16 =	vor.u32 v0, v16  }
0x2c1: {  	v3 =	vadd.f32 v4, v3;
	v4 =	vadd.f32 v7, v12;
	v7 =	vld.idx.msk [tilespmem:v10+s15+$0x0], $0xffff;
	v10 =	vor.u32 v1, v16  }
0x2c2: {  	v11 =	vld.idx.msk [tilespmem:v11+s15+$0x0], $0xffff  }
0x2c3: {  	v3 =	vadd.f32 v5, v3;
	v4 =	vadd.f32 v9, v4;
	v5 =	vld.idx.msk [tilespmem:v14+s15+$0x0], $0xffff  }
0x2c4: {  	v9 =	vld.idx.msk [tilespmem:v15+s15+$0x0], $0xffff  }
0x2c5: {  	v3 =	vadd.f32 v6, v3;
	v4 =	vadd.f32 v8, v4;
	v6 =	vld.idx.msk [tilespmem:v13+s15+$0x0], $0xffff  }
0x2c6: {  	v8 =	vld.idx.msk [tilespmem:v10+s15+$0x0], $0xffff  }
0x2c7: {  	v3 =	vadd.f32 v7, v3;
	v4 =	vadd.f32 v11, v4;
	_ =	sdelay $0x1  }
0x2c8: {  	v3 =	vadd.f32 v5, v3;
	v4 =	vadd.f32 v9, v4;
	_ =	sdelay $0x1  }
0x2c9: {  	v3 =	vadd.f32 v6, v3;
	v4 =	vadd.f32 v8, v4;
	_ =	sdelay $0x1  }
0x2ca: {  	v3 =	vadd.f32 v4, v3;
	_ =	sdelay $0x1  }
0x2cb: {  	[tilespmem:$0xE188] =	vst v3  }
0x2cc: {  	v4 =	vld [tilespmem:$0xE190];
	_ =	sdelay $0x4  }
0x2cd: {  	v3 =	vadd.f32 v4, v3;
	_ =	sdelay $0x1  }
0x2ce: {  	v3 =	vmul.f32 $4.999999890e-03, v3;
	_ =	sdelay $0x1  }
0x2cf: {  	v3 =	vadd.f32 v3, v2;
	_ =	sdelay $0x1  }
0x2d0: {  	v3 =	vsub.f32 $0.0e+00, v3;
	_ =	sdelay $0x1  }
0x2d1: {  	v3 =	vmul.f32 $1.442695020e+00, v3;
	_ =	sdelay $0x1  }
0x2d2: {  	(erf) = vpow2.f32 v3;
	_ =	sdelay $0x8  }
0x2d3: {  	v3 =	vpop (erf)  }
0x2d4: {  	v3 =	vadd.f32 $1.000000000e+00, v3;
	_ =	sdelay $0x1  }
0x2d5: {  	(erf) = vrcp.f32 v3;
	_ =	sdelay $0x1  }
0x2d6: {  	s20 =	simm.s32 $0xAF0;
	s19 =	simm.s32 $0xAF2  }
0x2d7: {  	v5 =	vmov s19;
	v4 =	vmov s20  }
0x2d8: {  	s19 =	simm.s32 $0xAF6;
	v5 =	vshll.u32 v5, $0x3;
	s20 =	simm.s32 $0xAF4;
	v4 =	vshll.u32 v4, $0x3  }
0x2d9: {  	v7 =	vmov s19;
	v6 =	vmov s20;
	v4 =	vor.u32 v0, v4  }
0x2da: {  	v5 =	vor.u32 v0, v5;
	v6 =	vshll.u32 v6, $0x3;
	v4 =	vor.u32 v1, v4  }
0x2db: {  	v7 =	vshll.u32 v7, $0x3;
	v5 =	vor.u32 v1, v5;
	s20 =	simm.s32 $0xAF8;
	v6 =	vor.u32 v0, v6  }
0x2dc: {  	s19 =	simm.s32 $0xAFC;
	v8 =	vmov s20;
	v9 =	vor.u32 v1, v6;
	v6 =	vor.u32 v0, v7  }
0x2dd: {  	s20 =	simm.s32 $0xAFA;
	v7 =	vshll.u32 v8, $0x3;
	v8 =	vmov s19;
	v12 =	vor.u32 v1, v6;
	v10 =	vpop (erf)  }
0x2de: {  	s19 =	simm.s32 $0xAFE;
	v6 =	vmov s20;
	v7 =	vor.u32 v0, v7;
	v11 =	vshll.u32 v8, $0x3;
	[tilespmem:$0xE168] =	vst v10  }
0x2df: {  	v8 =	vshll.u32 v6, $0x3;
	v6 =	vor.u32 v1, v7;
	v7 =	vmov s19;
	v4 =	vld.idx.msk [tilespmem:v4+s15+$0x0], $0xffff  }
0x2e0: {  	s18 =	simm.s32 $0xB00;
	v8 =	vor.u32 v0, v8;
	v10 =	vor.u32 v0, v11;
	v11 =	vshll.u32 v7, $0x3;
	v7 =	vld.idx.msk [tilespmem:v5+s15+$0x0], $0xffff  }
0x2e1: {  	v13 =	vmov s18;
	v8 =	vor.u32 v1, v8;
	v5 =	vld.idx.msk [tilespmem:v9+s15+$0x0], $0xffff  }
0x2e2: {  	v13 =	vshll.u32 v13, $0x3;
	s20 =	simm.s32 $0xB04;
	v10 =	vor.u32 v1, v10;
	v11 =	vor.u32 v0, v11;
	v9 =	vld.idx.msk [tilespmem:v12+s15+$0x0], $0xffff  }
0x2e3: {  	v14 =	vor.u32 v0, v13;
	v15 =	vmov s20;
	v11 =	vor.u32 v1, v11  }
0x2e4: {  	s20 =	simm.s32 $0xB02;
	s19 =	simm.s32 $0xB08;
	v13 =	vshll.u32 v15, $0x3;
	v3 =	vimm.f32 $0.0e+00;
	v12 =	vimm.f32 $0.0e+00  }
.LBB2_31:
0x2e5: {  	p0 =	sne.s32 s19, $0xBB0;
	v15 =	vmov s20;
	s20 =	sadd.s32 $0x6, s18;
	v3 =	vadd.f32 v4, v3;
	v4 =	vld.idx.msk [tilespmem:v6+s15+$0x0], $0xffff;
	v12 =	vadd.f32 v7, v12;
	s18 =	smov.u32 s19  }
0x2e6: {  	v6 =	vor.u32 v1, v14;
	v14 =	vshll.u32 v15, $0x3;
	v15 =	vmov s20;
	v7 =	vld.idx.msk [tilespmem:v8+s15+$0x0], $0xffff  }
.Ltmp14:
0x2e7: {  	v8 =	vor.u32 v0, v14;
	v3 =	vadd.f32 v5, v3;
	v5 =	vld.idx.msk [tilespmem:v10+s15+$0x0], $0xffff;
	v12 =	vadd.f32 v9, v12;
	(pc) =	sbr.rel @p0 .LBB2_31-.Ltmp14, $4  }
0x2e8: {  	v10 =	vor.u32 v0, v13;
	v13 =	vshll.u32 v15, $0x3;
	v8 =	vor.u32 v1, v8;
	v9 =	vld.idx.msk [tilespmem:v11+s15+$0x0], $0xffff  }
0x2e9: {  	s20 =	sadd.s32 $0x4, s19;
	v11 =	vmov s19;
	v10 =	vor.u32 v1, v10;
	v13 =	vor.u32 v0, v13  }
0x2ea: {  	v15 =	vmov s20;
	v14 =	vshll.u32 v11, $0x3;
	v11 =	vor.u32 v1, v13  }
0x2eb: {  	s20 =	sadd.s32 $0x2, s18;
	s19 =	sadd.s32 $0x8, s19;
	v13 =	vshll.u32 v15, $0x3;
	v14 =	vor.u32 v0, v14  }
0x2ec: {  	_ = 	snop  }
0x2ed: {  	v15 =	vmov s20  }
0x2ee: {  	s18 =	sadd.s32 $0x6, s18;
	v15 =	vshll.u32 v15, $0x3  }
0x2ef: {  	v14 =	vor.u32 v1, v14;
	v16 =	vmov s18;
	v15 =	vor.u32 v0, v15  }
0x2f0: {  	v6 =	vld.idx.msk [tilespmem:v6+s15+$0x0], $0xffff;
	v13 =	vor.u32 v0, v13;
	v16 =	vshll.u32 v16, $0x3;
	v15 =	vor.u32 v1, v15  }
0x2f1: {  	v8 =	vld.idx.msk [tilespmem:v8+s15+$0x0], $0xffff;
	v13 =	vor.u32 v1, v13;
	v16 =	vor.u32 v0, v16  }
0x2f2: {  	v3 =	vadd.f32 v4, v3;
	v4 =	vadd.f32 v7, v12;
	v7 =	vld.idx.msk [tilespmem:v10+s15+$0x0], $0xffff;
	v10 =	vor.u32 v1, v16  }
0x2f3: {  	v11 =	vld.idx.msk [tilespmem:v11+s15+$0x0], $0xffff  }
0x2f4: {  	v3 =	vadd.f32 v5, v3;
	v4 =	vadd.f32 v9, v4;
	v5 =	vld.idx.msk [tilespmem:v14+s15+$0x0], $0xffff  }
0x2f5: {  	v9 =	vld.idx.msk [tilespmem:v15+s15+$0x0], $0xffff  }
0x2f6: {  	v3 =	vadd.f32 v6, v3;
	v4 =	vadd.f32 v8, v4;
	v6 =	vld.idx.msk [tilespmem:v13+s15+$0x0], $0xffff  }
0x2f7: {  	v8 =	vld.idx.msk [tilespmem:v10+s15+$0x0], $0xffff  }
0x2f8: {  	v3 =	vadd.f32 v7, v3;
	v4 =	vadd.f32 v11, v4;
	_ =	sdelay $0x1  }
0x2f9: {  	v3 =	vadd.f32 v5, v3;
	v4 =	vadd.f32 v9, v4;
	_ =	sdelay $0x1  }
0x2fa: {  	v3 =	vadd.f32 v6, v3;
	v4 =	vadd.f32 v8, v4;
	_ =	sdelay $0x1  }
0x2fb: {  	v3 =	vadd.f32 v4, v3;
	_ =	sdelay $0x1  }
0x2fc: {  	[tilespmem:$0xE188] =	vst v3  }
0x2fd: {  	v4 =	vld [tilespmem:$0xE190];
	_ =	sdelay $0x4  }
0x2fe: {  	v3 =	vadd.f32 v4, v3;
	_ =	sdelay $0x1  }
0x2ff: {  	v3 =	vmul.f32 $4.999999890e-03, v3;
	_ =	sdelay $0x1  }
0x300: {  	v3 =	vadd.f32 v3, v2;
	_ =	sdelay $0x1  }
0x301: {  	v3 =	vsub.f32 $0.0e+00, v3;
	_ =	sdelay $0x1  }
0x302: {  	v3 =	vmul.f32 $1.442695020e+00, v3;
	_ =	sdelay $0x1  }
0x303: {  	(erf) = vpow2.f32 v3;
	_ =	sdelay $0x8  }
0x304: {  	v3 =	vpop (erf)  }
0x305: {  	v3 =	vadd.f32 $1.000000000e+00, v3;
	_ =	sdelay $0x1  }
0x306: {  	(erf) = vrcp.f32 v3;
	_ =	sdelay $0x1  }
0x307: {  	s20 =	simm.s32 $0xBB8;
	s19 =	simm.s32 $0xBBA  }
0x308: {  	v5 =	vmov s19;
	v4 =	vmov s20  }
0x309: {  	s19 =	simm.s32 $0xBBE;
	v5 =	vshll.u32 v5, $0x3;
	s20 =	simm.s32 $0xBBC;
	v4 =	vshll.u32 v4, $0x3  }
0x30a: {  	v7 =	vmov s19;
	v6 =	vmov s20;
	v4 =	vor.u32 v0, v4  }
0x30b: {  	v5 =	vor.u32 v0, v5;
	v6 =	vshll.u32 v6, $0x3;
	v4 =	vor.u32 v1, v4  }
0x30c: {  	v7 =	vshll.u32 v7, $0x3;
	v5 =	vor.u32 v1, v5;
	s20 =	simm.s32 $0xBC0;
	v6 =	vor.u32 v0, v6  }
0x30d: {  	s19 =	simm.s32 $0xBC4;
	v8 =	vmov s20;
	v9 =	vor.u32 v1, v6;
	v6 =	vor.u32 v0, v7  }
0x30e: {  	s20 =	simm.s32 $0xBC2;
	v7 =	vshll.u32 v8, $0x3;
	v8 =	vmov s19;
	v12 =	vor.u32 v1, v6;
	v10 =	vpop (erf)  }
0x30f: {  	s19 =	simm.s32 $0xBC6;
	v6 =	vmov s20;
	v7 =	vor.u32 v0, v7;
	v11 =	vshll.u32 v8, $0x3;
	[tilespmem:$0xE170] =	vst v10  }
0x310: {  	v8 =	vshll.u32 v6, $0x3;
	v6 =	vor.u32 v1, v7;
	v7 =	vmov s19;
	v4 =	vld.idx.msk [tilespmem:v4+s15+$0x0], $0xffff  }
0x311: {  	s18 =	simm.s32 $0xBC8;
	v8 =	vor.u32 v0, v8;
	v10 =	vor.u32 v0, v11;
	v11 =	vshll.u32 v7, $0x3;
	v7 =	vld.idx.msk [tilespmem:v5+s15+$0x0], $0xffff  }
0x312: {  	v13 =	vmov s18;
	v8 =	vor.u32 v1, v8;
	v5 =	vld.idx.msk [tilespmem:v9+s15+$0x0], $0xffff  }
0x313: {  	v13 =	vshll.u32 v13, $0x3;
	s20 =	simm.s32 $0xBCC;
	v10 =	vor.u32 v1, v10;
	v11 =	vor.u32 v0, v11;
	v9 =	vld.idx.msk [tilespmem:v12+s15+$0x0], $0xffff  }
0x314: {  	v14 =	vor.u32 v0, v13;
	v15 =	vmov s20;
	v11 =	vor.u32 v1, v11  }
0x315: {  	s20 =	simm.s32 $0xBCA;
	s19 =	simm.s32 $0xBD0;
	v13 =	vshll.u32 v15, $0x3;
	v3 =	vimm.f32 $0.0e+00;
	v12 =	vimm.f32 $0.0e+00  }
.LBB2_33:
0x316: {  	p0 =	sne.s32 s19, $0xC78;
	v15 =	vmov s20;
	s20 =	sadd.s32 $0x6, s18;
	v3 =	vadd.f32 v4, v3;
	v4 =	vld.idx.msk [tilespmem:v6+s15+$0x0], $0xffff;
	v12 =	vadd.f32 v7, v12;
	s18 =	smov.u32 s19  }
0x317: {  	v6 =	vor.u32 v1, v14;
	v14 =	vshll.u32 v15, $0x3;
	v15 =	vmov s20;
	v7 =	vld.idx.msk [tilespmem:v8+s15+$0x0], $0xffff  }
.Ltmp15:
0x318: {  	v8 =	vor.u32 v0, v14;
	v3 =	vadd.f32 v5, v3;
	v5 =	vld.idx.msk [tilespmem:v10+s15+$0x0], $0xffff;
	v12 =	vadd.f32 v9, v12;
	(pc) =	sbr.rel @p0 .LBB2_33-.Ltmp15, $4  }
0x319: {  	v10 =	vor.u32 v0, v13;
	v13 =	vshll.u32 v15, $0x3;
	v8 =	vor.u32 v1, v8;
	v9 =	vld.idx.msk [tilespmem:v11+s15+$0x0], $0xffff  }
0x31a: {  	s20 =	sadd.s32 $0x4, s19;
	v11 =	vmov s19;
	v10 =	vor.u32 v1, v10;
	v13 =	vor.u32 v0, v13  }
0x31b: {  	v15 =	vmov s20;
	v14 =	vshll.u32 v11, $0x3;
	v11 =	vor.u32 v1, v13  }
0x31c: {  	s20 =	sadd.s32 $0x2, s18;
	s19 =	sadd.s32 $0x8, s19;
	v13 =	vshll.u32 v15, $0x3;
	v14 =	vor.u32 v0, v14  }
0x31d: {  	_ = 	snop  }
0x31e: {  	v15 =	vmov s20  }
0x31f: {  	s18 =	sadd.s32 $0x6, s18;
	v15 =	vshll.u32 v15, $0x3  }
0x320: {  	v14 =	vor.u32 v1, v14;
	v16 =	vmov s18;
	v15 =	vor.u32 v0, v15  }
0x321: {  	v6 =	vld.idx.msk [tilespmem:v6+s15+$0x0], $0xffff;
	v13 =	vor.u32 v0, v13;
	v16 =	vshll.u32 v16, $0x3;
	v15 =	vor.u32 v1, v15  }
0x322: {  	v8 =	vld.idx.msk [tilespmem:v8+s15+$0x0], $0xffff;
	v13 =	vor.u32 v1, v13;
	v16 =	vor.u32 v0, v16  }
0x323: {  	v3 =	vadd.f32 v4, v3;
	v4 =	vadd.f32 v7, v12;
	v7 =	vld.idx.msk [tilespmem:v10+s15+$0x0], $0xffff;
	v10 =	vor.u32 v1, v16  }
0x324: {  	v11 =	vld.idx.msk [tilespmem:v11+s15+$0x0], $0xffff  }
0x325: {  	v3 =	vadd.f32 v5, v3;
	v4 =	vadd.f32 v9, v4;
	v5 =	vld.idx.msk [tilespmem:v14+s15+$0x0], $0xffff  }
0x326: {  	v9 =	vld.idx.msk [tilespmem:v15+s15+$0x0], $0xffff  }
0x327: {  	v3 =	vadd.f32 v6, v3;
	v4 =	vadd.f32 v8, v4;
	v6 =	vld.idx.msk [tilespmem:v13+s15+$0x0], $0xffff  }
0x328: {  	v8 =	vld.idx.msk [tilespmem:v10+s15+$0x0], $0xffff  }
0x329: {  	v3 =	vadd.f32 v7, v3;
	v4 =	vadd.f32 v11, v4;
	_ =	sdelay $0x1  }
0x32a: {  	v3 =	vadd.f32 v5, v3;
	v4 =	vadd.f32 v9, v4;
	_ =	sdelay $0x1  }
0x32b: {  	v3 =	vadd.f32 v6, v3;
	v4 =	vadd.f32 v8, v4;
	_ =	sdelay $0x1  }
0x32c: {  	v3 =	vadd.f32 v4, v3;
	_ =	sdelay $0x1  }
0x32d: {  	[tilespmem:$0xE188] =	vst v3  }
0x32e: {  	v4 =	vld [tilespmem:$0xE190];
	_ =	sdelay $0x4  }
0x32f: {  	v3 =	vadd.f32 v4, v3;
	_ =	sdelay $0x1  }
0x330: {  	v3 =	vmul.f32 $4.999999890e-03, v3;
	_ =	sdelay $0x1  }
0x331: {  	v3 =	vadd.f32 v3, v2;
	_ =	sdelay $0x1  }
0x332: {  	v3 =	vsub.f32 $0.0e+00, v3;
	_ =	sdelay $0x1  }
0x333: {  	v3 =	vmul.f32 $1.442695020e+00, v3;
	_ =	sdelay $0x1  }
0x334: {  	(erf) = vpow2.f32 v3;
	_ =	sdelay $0x8  }
0x335: {  	v3 =	vpop (erf)  }
0x336: {  	v3 =	vadd.f32 $1.000000000e+00, v3;
	_ =	sdelay $0x1  }
0x337: {  	(erf) = vrcp.f32 v3;
	_ =	sdelay $0x8  }
0x338: {  	p0 =	seq.s32 s12, $0xF;
	v3 =	vpop (erf)  }
0x339: {  	s20 =	sadd.s32 s17, s8;
	s17 =	sadd.s32 @!p0 s17, s9;
	[tilespmem:$0xE178] =	vst v3  }
0x33a: {  	[hbm4b:s20+s3] =	stream.linear.scatter [tilespmem:s31], [sflag:$0x3], $0x80, $0x38;
	[tilespmem:$0xE1B0] =	vst v63  }
0x33b: {  	s17 =	smul.u32 @!p0 $0x19, s17;
	_ =	swait.ge [sflag:s13], $0x80  }
0x33c: {  	[sflag:s13] =	ssyncset.done $0x0  }
0x33d: {  	s18 =	simm.s32 @!p0 $0x0;
	s17 =	sadd.s32 @!p0 s5, s17;
	[sflag:s13] =	ssyncadd.s32 $0xFFFFFF80  }
0x33e: {  	[tilespmem:s18], [sflag:$0x3] =	stream.linear.gather @!p0 [hbm4b:s17+s18], $0xC80, $0x38;
	[tilespmem:$0xE1B0] =	vst v63  }
0x33f: {  	s17 =	simm.s32 @!p0 $0x3  }
0x340: {  	_ =	swait.ge @!p0 [sflag:s17], $0xC80  }
0x341: {  	[sflag:s17] =	ssyncset.done @!p0 $0x0  }
0x342: {  	s19 =	simm.s32 @!p0 $0x1900;
	[sflag:s17] =	ssyncadd.s32 @!p0 $0xFFFFF380;
	s17 =	simm.s32 @!p0 $0x320  }
0x343: {  	[tilespmem:s19], [sflag:$0x1] =	stream.indirect.gather @!p0 [hbm4b:s4+s17], $0x8, s18, s17, $0xb8;
	[tilespmem:$0xE1B0] =	vst v63  }
0x344: {  	s18 =	simm.s32 @!p0 $0x3200  }
0x345: {  	[tilespmem:s18], [sflag:$0x1] =	stream.indirect.gather @!p0 [hbm4b:s4+s17], $0x8, s17, s17, $0xb8;
	[tilespmem:$0xE1B0] =	vst v63  }
0x346: {  	s19 =	simm.s32 $0x0;
	s18 =	simm.s32 $0x2  }
0x347: {  	s20 =	simm.s32 @!p0 $0x640;
	v5 =	vmov s19;
	s19 =	simm.s32 $0x6;
	v4 =	vmov s18;
	s18 =	simm.s32 @!p0 $0x4B00  }
0x348: {  	v6 =	vmov s19;
	v5 =	vshll.u32 v5, $0x3;
	[tilespmem:s18], [sflag:$0x1] =	stream.indirect.gather @!p0 [hbm4b:s4+s17], $0x8, s20, s17, $0xb8;
	[tilespmem:$0xE1B0] =	vst v63  }
0x349: {  	v6 =	vshll.u32 v6, $0x3;
	v5 =	vor.u32 v0, v5;
	v4 =	vshll.u32 v4, $0x3;
	s18 =	simm.s32 $0x4  }
0x34a: {  	s19 =	simm.s32 @!p0 $0x960;
	s20 =	simm.s32 @!p0 $0x6400;
	v5 =	vor.u32 v1, v5;
	v4 =	vor.u32 v0, v4;
	v7 =	vmov s18;
	s18 =	simm.s32 $0xA  }
0x34b: {  	v6 =	vor.u32 v0, v6;
	v4 =	vor.u32 v1, v4;
	[tilespmem:s20], [sflag:$0x1] =	stream.indirect.gather @!p0 [hbm4b:s4+s17], $0x8, s19, s17, $0xb8;
	v7 =	vshll.u32 v7, $0x3;
	[tilespmem:$0xE1B0] =	vst v63  }
0x34c: {  	v10 =	vor.u32 v1, v6;
	v8 =	vmov s18;
	s19 =	simm.s32 $0xE;
	v7 =	vor.u32 v0, v7;
	_ =	swait.ge [sflag:s0], $0x6400  }
0x34d: {  	s20 =	simm.s32 $0x8;
	v6 =	vshll.u32 v8, $0x3;
	v8 =	vmov s19;
	v12 =	vor.u32 v1, v7;
	[sflag:s0] =	ssyncset.done $0x0  }
0x34e: {  	v7 =	vmov s20;
	v8 =	vshll.u32 v8, $0x3;
	[sflag:s0] =	ssyncadd.s32 $0xFFFF9C00  }
0x34f: {  	s19 =	simm.s32 $0xC;
	v6 =	vor.u32 v0, v6;
	v7 =	vshll.u32 v7, $0x3;
	v11 =	vor.u32 v0, v8;
	v8 =	vld.idx.msk [tilespmem:v5+s22+$0x0], $0xffff  }
0x350: {  	v9 =	vmov s19;
	v6 =	vor.u32 v1, v6;
	v7 =	vor.u32 v0, v7;
	v4 =	vld.idx.msk [tilespmem:v4+s22+$0x0], $0xffff  }
0x351: {  	v3 =	vimm.f32 $0.0e+00;
	s20 =	simm.s32 $0x12;
	v9 =	vshll.u32 v9, $0x3;
	v5 =	vld.idx.msk [tilespmem:v10+s22+$0x0], $0xffff;
	v7 =	vor.u32 v1, v7  }
0x352: {  	s17 =	simm.s32 $0x16;
	v13 =	vmov s20;
	v14 =	vor.u32 v0, v9;
	v9 =	vor.u32 v1, v11;
	v10 =	vld.idx.msk [tilespmem:v12+s22+$0x0], $0xffff  }
0x353: {  	v15 =	vmov s17;
	v13 =	vshll.u32 v13, $0x3;
	v11 =	vor.u32 v1, v14  }
0x354: {  	s18 =	simm.s32 $0x1E;
	s19 =	simm.s32 $0x10;
	v14 =	vor.u32 v0, v13;
	v13 =	vshll.u32 v15, $0x3;
	v12 =	vimm.f32 $0.0e+00  }
.LBB2_35:
0x355: {  	p0 =	sne.s32 s18, $0xC6;
	v15 =	vmov s19;
	s19 =	sadd.s32 $0xFFFFFFFE, s17;
	v3 =	vadd.f32 v8, v3;
	v12 =	vadd.f32 v4, v12;
	v4 =	vld.idx.msk [tilespmem:v6+s22+$0x0], $0xffff;
	s17 =	smov.u32 s18  }
0x356: {  	v6 =	vor.u32 v1, v14;
	v15 =	vshll.u32 v15, $0x3;
	v14 =	vmov s19;
	v8 =	vld.idx.msk [tilespmem:v7+s22+$0x0], $0xffff  }
.Ltmp16:
0x357: {  	v7 =	vor.u32 v0, v15;
	v3 =	vadd.f32 v10, v3;
	v12 =	vadd.f32 v5, v12;
	v5 =	vld.idx.msk [tilespmem:v9+s22+$0x0], $0xffff;
	(pc) =	sbr.rel @p0 .LBB2_35-.Ltmp16, $4  }
0x358: {  	v13 =	vor.u32 v0, v13;
	s19 =	sadd.s32 $0xFFFFFFFC, s18;
	v9 =	vshll.u32 v14, $0x3;
	v7 =	vor.u32 v1, v7;
	v10 =	vld.idx.msk [tilespmem:v11+s22+$0x0], $0xffff  }
0x359: {  	v11 =	vmov s19;
	v14 =	vor.u32 v0, v9;
	v9 =	vor.u32 v1, v13  }
0x35a: {  	v15 =	vmov s18;
	v13 =	vshll.u32 v11, $0x3;
	v11 =	vor.u32 v1, v14  }
0x35b: {  	s18 =	sadd.s32 $0x8, s18;
	s19 =	sadd.s32 $0xFFFFFFFA, s17;
	v14 =	vor.u32 v0, v13;
	v13 =	vshll.u32 v15, $0x3  }
0x35c: {  	_ = 	snop  }
0x35d: {  	v15 =	vmov s19  }
0x35e: {  	s17 =	sadd.s32 $0xFFFFFFFE, s17;
	v15 =	vshll.u32 v15, $0x3  }
0x35f: {  	v14 =	vor.u32 v1, v14;
	v16 =	vmov s17;
	v15 =	vor.u32 v0, v15  }
0x360: {  	v6 =	vld.idx.msk [tilespmem:v6+s22+$0x0], $0xffff;
	v13 =	vor.u32 v0, v13;
	v16 =	vshll.u32 v16, $0x3;
	v15 =	vor.u32 v1, v15  }
0x361: {  	v7 =	vld.idx.msk [tilespmem:v7+s22+$0x0], $0xffff;
	v13 =	vor.u32 v1, v13;
	v16 =	vor.u32 v0, v16  }
0x362: {  	v3 =	vadd.f32 v8, v3;
	v4 =	vadd.f32 v4, v12;
	v8 =	vld.idx.msk [tilespmem:v9+s22+$0x0], $0xffff;
	v9 =	vor.u32 v1, v16  }
0x363: {  	v11 =	vld.idx.msk [tilespmem:v11+s22+$0x0], $0xffff  }
0x364: {  	v3 =	vadd.f32 v10, v3;
	v4 =	vadd.f32 v5, v4;
	v5 =	vld.idx.msk [tilespmem:v14+s22+$0x0], $0xffff  }
0x365: {  	v10 =	vld.idx.msk [tilespmem:v15+s22+$0x0], $0xffff  }
0x366: {  	v3 =	vadd.f32 v7, v3;
	v4 =	vadd.f32 v6, v4;
	v6 =	vld.idx.msk [tilespmem:v13+s22+$0x0], $0xffff  }
0x367: {  	v7 =	vld.idx.msk [tilespmem:v9+s22+$0x0], $0xffff  }
0x368: {  	v3 =	vadd.f32 v11, v3;
	v4 =	vadd.f32 v8, v4;
	_ =	sdelay $0x1  }
0x369: {  	v4 =	vadd.f32 v5, v4;
	v3 =	vadd.f32 v10, v3;
	_ =	sdelay $0x1  }
0x36a: {  	v4 =	vadd.f32 v6, v4;
	v3 =	vadd.f32 v7, v3;
	_ =	sdelay $0x1  }
0x36b: {  	v3 =	vadd.f32 v4, v3;
	_ =	sdelay $0x1  }
0x36c: {  	[tilespmem:$0xE188] =	vst v3  }
0x36d: {  	v4 =	vld [tilespmem:$0xE190];
	_ =	sdelay $0x4  }
0x36e: {  	v3 =	vadd.f32 v4, v3;
	_ =	sdelay $0x1  }
0x36f: {  	v3 =	vmul.f32 $4.999999890e-03, v3;
	_ =	sdelay $0x1  }
0x370: {  	v3 =	vadd.f32 v3, v2;
	_ =	sdelay $0x1  }
0x371: {  	v3 =	vsub.f32 $0.0e+00, v3;
	_ =	sdelay $0x1  }
0x372: {  	v3 =	vmul.f32 $1.442695020e+00, v3;
	_ =	sdelay $0x1  }
0x373: {  	(erf) = vpow2.f32 v3;
	_ =	sdelay $0x8  }
0x374: {  	v3 =	vpop (erf)  }
0x375: {  	v3 =	vadd.f32 $1.000000000e+00, v3;
	_ =	sdelay $0x1  }
0x376: {  	(erf) = vrcp.f32 v3;
	_ =	sdelay $0x1  }
0x377: {  	s19 =	simm.s32 $0xC8;
	s18 =	simm.s32 $0xCA  }
0x378: {  	v5 =	vmov s18;
	v4 =	vmov s19  }
0x379: {  	s20 =	simm.s32 $0xCC;
	v5 =	vshll.u32 v5, $0x3;
	v4 =	vshll.u32 v4, $0x3  }
0x37a: {  	v6 =	vmov s20;
	v5 =	vor.u32 v0, v5;
	s19 =	simm.s32 $0xCE;
	v4 =	vor.u32 v0, v4  }
0x37b: {  	v6 =	vshll.u32 v6, $0x3;
	v7 =	vmov s19;
	v4 =	vor.u32 v1, v4  }
0x37c: {  	s20 =	simm.s32 $0xD0;
	v5 =	vor.u32 v1, v5;
	v6 =	vor.u32 v0, v6;
	v7 =	vshll.u32 v7, $0x3  }
0x37d: {  	v8 =	vmov s20;
	v9 =	vor.u32 v1, v6;
	s19 =	simm.s32 $0xD4;
	v6 =	vor.u32 v0, v7  }
0x37e: {  	s20 =	simm.s32 $0xD2;
	v7 =	vshll.u32 v8, $0x3;
	v8 =	vmov s19;
	v12 =	vor.u32 v1, v6;
	v10 =	vpop (erf)  }
0x37f: {  	s19 =	simm.s32 $0xD6;
	v6 =	vmov s20;
	v7 =	vor.u32 v0, v7;
	v11 =	vshll.u32 v8, $0x3;
	[tilespmem:$0xE100] =	vst v10  }
0x380: {  	v8 =	vshll.u32 v6, $0x3;
	v6 =	vor.u32 v1, v7;
	v7 =	vmov s19;
	v4 =	vld.idx.msk [tilespmem:v4+s22+$0x0], $0xffff  }
0x381: {  	s17 =	simm.s32 $0xD8;
	v8 =	vor.u32 v0, v8;
	v10 =	vor.u32 v0, v11;
	v11 =	vshll.u32 v7, $0x3;
	v7 =	vld.idx.msk [tilespmem:v5+s22+$0x0], $0xffff  }
0x382: {  	v13 =	vmov s17;
	v8 =	vor.u32 v1, v8;
	v5 =	vld.idx.msk [tilespmem:v9+s22+$0x0], $0xffff  }
0x383: {  	v13 =	vshll.u32 v13, $0x3;
	s20 =	simm.s32 $0xDC;
	v10 =	vor.u32 v1, v10;
	v11 =	vor.u32 v0, v11;
	v9 =	vld.idx.msk [tilespmem:v12+s22+$0x0], $0xffff  }
0x384: {  	v14 =	vor.u32 v0, v13;
	v15 =	vmov s20;
	v11 =	vor.u32 v1, v11  }
0x385: {  	s18 =	simm.s32 $0xE0;
	s19 =	simm.s32 $0xDA;
	v13 =	vshll.u32 v15, $0x3;
	v3 =	vimm.f32 $0.0e+00;
	v12 =	vimm.f32 $0.0e+00  }
.LBB2_37:
0x386: {  	p0 =	sne.s32 s18, $0x188;
	v15 =	vmov s19;
	s19 =	sadd.s32 $0x6, s17;
	v3 =	vadd.f32 v4, v3;
	v4 =	vld.idx.msk [tilespmem:v6+s22+$0x0], $0xffff;
	v12 =	vadd.f32 v7, v12;
	s17 =	smov.u32 s18  }
0x387: {  	v6 =	vor.u32 v1, v14;
	v14 =	vshll.u32 v15, $0x3;
	v15 =	vmov s19;
	v7 =	vld.idx.msk [tilespmem:v8+s22+$0x0], $0xffff  }
.Ltmp17:
0x388: {  	v8 =	vor.u32 v0, v14;
	v3 =	vadd.f32 v5, v3;
	v5 =	vld.idx.msk [tilespmem:v10+s22+$0x0], $0xffff;
	v12 =	vadd.f32 v9, v12;
	(pc) =	sbr.rel @p0 .LBB2_37-.Ltmp17, $4  }
0x389: {  	v10 =	vor.u32 v0, v13;
	v13 =	vshll.u32 v15, $0x3;
	v8 =	vor.u32 v1, v8;
	v9 =	vld.idx.msk [tilespmem:v11+s22+$0x0], $0xffff  }
0x38a: {  	s19 =	sadd.s32 $0x4, s18;
	v11 =	vmov s18;
	v10 =	vor.u32 v1, v10;
	v13 =	vor.u32 v0, v13  }
0x38b: {  	v15 =	vmov s19;
	v14 =	vshll.u32 v11, $0x3;
	v11 =	vor.u32 v1, v13  }
0x38c: {  	s19 =	sadd.s32 $0x2, s17;
	s18 =	sadd.s32 $0x8, s18;
	v13 =	vshll.u32 v15, $0x3;
	v14 =	vor.u32 v0, v14  }
0x38d: {  	_ = 	snop  }
0x38e: {  	v15 =	vmov s19  }
0x38f: {  	s17 =	sadd.s32 $0x6, s17;
	v15 =	vshll.u32 v15, $0x3  }
0x390: {  	v14 =	vor.u32 v1, v14;
	v16 =	vmov s17;
	v15 =	vor.u32 v0, v15  }
0x391: {  	v6 =	vld.idx.msk [tilespmem:v6+s22+$0x0], $0xffff;
	v13 =	vor.u32 v0, v13;
	v16 =	vshll.u32 v16, $0x3;
	v15 =	vor.u32 v1, v15  }
0x392: {  	v8 =	vld.idx.msk [tilespmem:v8+s22+$0x0], $0xffff;
	v13 =	vor.u32 v1, v13;
	v16 =	vor.u32 v0, v16  }
0x393: {  	v3 =	vadd.f32 v4, v3;
	v4 =	vadd.f32 v7, v12;
	v7 =	vld.idx.msk [tilespmem:v10+s22+$0x0], $0xffff;
	v10 =	vor.u32 v1, v16  }
0x394: {  	v11 =	vld.idx.msk [tilespmem:v11+s22+$0x0], $0xffff  }
0x395: {  	v3 =	vadd.f32 v5, v3;
	v4 =	vadd.f32 v9, v4;
	v5 =	vld.idx.msk [tilespmem:v14+s22+$0x0], $0xffff  }
0x396: {  	v9 =	vld.idx.msk [tilespmem:v15+s22+$0x0], $0xffff  }
0x397: {  	v3 =	vadd.f32 v6, v3;
	v4 =	vadd.f32 v8, v4;
	v6 =	vld.idx.msk [tilespmem:v13+s22+$0x0], $0xffff  }
0x398: {  	v8 =	vld.idx.msk [tilespmem:v10+s22+$0x0], $0xffff  }
0x399: {  	v3 =	vadd.f32 v7, v3;
	v4 =	vadd.f32 v11, v4;
	_ =	sdelay $0x1  }
0x39a: {  	v3 =	vadd.f32 v5, v3;
	v4 =	vadd.f32 v9, v4;
	_ =	sdelay $0x1  }
0x39b: {  	v3 =	vadd.f32 v6, v3;
	v4 =	vadd.f32 v8, v4;
	_ =	sdelay $0x1  }
0x39c: {  	v3 =	vadd.f32 v4, v3;
	_ =	sdelay $0x1  }
0x39d: {  	[tilespmem:$0xE188] =	vst v3  }
0x39e: {  	v4 =	vld [tilespmem:$0xE190];
	_ =	sdelay $0x4  }
0x39f: {  	v3 =	vadd.f32 v4, v3;
	_ =	sdelay $0x1  }
0x3a0: {  	v3 =	vmul.f32 $4.999999890e-03, v3;
	_ =	sdelay $0x1  }
0x3a1: {  	v3 =	vadd.f32 v3, v2;
	_ =	sdelay $0x1  }
0x3a2: {  	v3 =	vsub.f32 $0.0e+00, v3;
	_ =	sdelay $0x1  }
0x3a3: {  	v3 =	vmul.f32 $1.442695020e+00, v3;
	_ =	sdelay $0x1  }
0x3a4: {  	(erf) = vpow2.f32 v3;
	_ =	sdelay $0x8  }
0x3a5: {  	v3 =	vpop (erf)  }
0x3a6: {  	v3 =	vadd.f32 $1.000000000e+00, v3;
	_ =	sdelay $0x1  }
0x3a7: {  	(erf) = vrcp.f32 v3;
	_ =	sdelay $0x1  }
0x3a8: {  	s19 =	simm.s32 $0x190;
	s18 =	simm.s32 $0x192  }
0x3a9: {  	v5 =	vmov s18;
	v4 =	vmov s19  }
0x3aa: {  	s20 =	simm.s32 $0x194;
	v5 =	vshll.u32 v5, $0x3;
	v4 =	vshll.u32 v4, $0x3  }
0x3ab: {  	v6 =	vmov s20;
	v5 =	vor.u32 v0, v5;
	s19 =	simm.s32 $0x196;
	v4 =	vor.u32 v0, v4  }
0x3ac: {  	v6 =	vshll.u32 v6, $0x3;
	v7 =	vmov s19;
	v4 =	vor.u32 v1, v4  }
0x3ad: {  	s20 =	simm.s32 $0x198;
	v5 =	vor.u32 v1, v5;
	v6 =	vor.u32 v0, v6;
	v7 =	vshll.u32 v7, $0x3  }
0x3ae: {  	v8 =	vmov s20;
	v9 =	vor.u32 v1, v6;
	s19 =	simm.s32 $0x19C;
	v6 =	vor.u32 v0, v7  }
0x3af: {  	s20 =	simm.s32 $0x19A;
	v7 =	vshll.u32 v8, $0x3;
	v8 =	vmov s19;
	v12 =	vor.u32 v1, v6;
	v10 =	vpop (erf)  }
0x3b0: {  	s19 =	simm.s32 $0x19E;
	v6 =	vmov s20;
	v7 =	vor.u32 v0, v7;
	v11 =	vshll.u32 v8, $0x3;
	[tilespmem:$0xE108] =	vst v10  }
0x3b1: {  	v8 =	vshll.u32 v6, $0x3;
	v6 =	vor.u32 v1, v7;
	v7 =	vmov s19;
	v4 =	vld.idx.msk [tilespmem:v4+s22+$0x0], $0xffff  }
0x3b2: {  	s17 =	simm.s32 $0x1A0;
	v8 =	vor.u32 v0, v8;
	v10 =	vor.u32 v0, v11;
	v11 =	vshll.u32 v7, $0x3;
	v7 =	vld.idx.msk [tilespmem:v5+s22+$0x0], $0xffff  }
0x3b3: {  	v13 =	vmov s17;
	v8 =	vor.u32 v1, v8;
	v5 =	vld.idx.msk [tilespmem:v9+s22+$0x0], $0xffff  }
0x3b4: {  	v13 =	vshll.u32 v13, $0x3;
	s20 =	simm.s32 $0x1A4;
	v10 =	vor.u32 v1, v10;
	v11 =	vor.u32 v0, v11;
	v9 =	vld.idx.msk [tilespmem:v12+s22+$0x0], $0xffff  }
0x3b5: {  	v14 =	vor.u32 v0, v13;
	v15 =	vmov s20;
	v11 =	vor.u32 v1, v11  }
0x3b6: {  	s18 =	simm.s32 $0x1A8;
	s19 =	simm.s32 $0x1A2;
	v13 =	vshll.u32 v15, $0x3;
	v3 =	vimm.f32 $0.0e+00;
	v12 =	vimm.f32 $0.0e+00  }
.LBB2_39:
0x3b7: {  	p0 =	sne.s32 s18, $0x250;
	v15 =	vmov s19;
	s19 =	sadd.s32 $0x6, s17;
	v3 =	vadd.f32 v4, v3;
	v4 =	vld.idx.msk [tilespmem:v6+s22+$0x0], $0xffff;
	v12 =	vadd.f32 v7, v12;
	s17 =	smov.u32 s18  }
0x3b8: {  	v6 =	vor.u32 v1, v14;
	v14 =	vshll.u32 v15, $0x3;
	v15 =	vmov s19;
	v7 =	vld.idx.msk [tilespmem:v8+s22+$0x0], $0xffff  }
.Ltmp18:
0x3b9: {  	v8 =	vor.u32 v0, v14;
	v3 =	vadd.f32 v5, v3;
	v5 =	vld.idx.msk [tilespmem:v10+s22+$0x0], $0xffff;
	v12 =	vadd.f32 v9, v12;
	(pc) =	sbr.rel @p0 .LBB2_39-.Ltmp18, $4  }
0x3ba: {  	v10 =	vor.u32 v0, v13;
	v13 =	vshll.u32 v15, $0x3;
	v8 =	vor.u32 v1, v8;
	v9 =	vld.idx.msk [tilespmem:v11+s22+$0x0], $0xffff  }
0x3bb: {  	s19 =	sadd.s32 $0x4, s18;
	v11 =	vmov s18;
	v10 =	vor.u32 v1, v10;
	v13 =	vor.u32 v0, v13  }
0x3bc: {  	v15 =	vmov s19;
	v14 =	vshll.u32 v11, $0x3;
	v11 =	vor.u32 v1, v13  }
0x3bd: {  	s19 =	sadd.s32 $0x2, s17;
	s18 =	sadd.s32 $0x8, s18;
	v13 =	vshll.u32 v15, $0x3;
	v14 =	vor.u32 v0, v14  }
0x3be: {  	_ = 	snop  }
0x3bf: {  	v15 =	vmov s19  }
0x3c0: {  	s17 =	sadd.s32 $0x6, s17;
	v15 =	vshll.u32 v15, $0x3  }
0x3c1: {  	v14 =	vor.u32 v1, v14;
	v16 =	vmov s17;
	v15 =	vor.u32 v0, v15  }
0x3c2: {  	v6 =	vld.idx.msk [tilespmem:v6+s22+$0x0], $0xffff;
	v13 =	vor.u32 v0, v13;
	v16 =	vshll.u32 v16, $0x3;
	v15 =	vor.u32 v1, v15  }
0x3c3: {  	v8 =	vld.idx.msk [tilespmem:v8+s22+$0x0], $0xffff;
	v13 =	vor.u32 v1, v13;
	v16 =	vor.u32 v0, v16  }
0x3c4: {  	v3 =	vadd.f32 v4, v3;
	v4 =	vadd.f32 v7, v12;
	v7 =	vld.idx.msk [tilespmem:v10+s22+$0x0], $0xffff;
	v10 =	vor.u32 v1, v16  }
0x3c5: {  	v11 =	vld.idx.msk [tilespmem:v11+s22+$0x0], $0xffff  }
0x3c6: {  	v3 =	vadd.f32 v5, v3;
	v4 =	vadd.f32 v9, v4;
	v5 =	vld.idx.msk [tilespmem:v14+s22+$0x0], $0xffff  }
0x3c7: {  	v9 =	vld.idx.msk [tilespmem:v15+s22+$0x0], $0xffff  }
0x3c8: {  	v3 =	vadd.f32 v6, v3;
	v4 =	vadd.f32 v8, v4;
	v6 =	vld.idx.msk [tilespmem:v13+s22+$0x0], $0xffff  }
0x3c9: {  	v8 =	vld.idx.msk [tilespmem:v10+s22+$0x0], $0xffff  }
0x3ca: {  	v3 =	vadd.f32 v7, v3;
	v4 =	vadd.f32 v11, v4;
	_ =	sdelay $0x1  }
0x3cb: {  	v3 =	vadd.f32 v5, v3;
	v4 =	vadd.f32 v9, v4;
	_ =	sdelay $0x1  }
0x3cc: {  	v3 =	vadd.f32 v6, v3;
	v4 =	vadd.f32 v8, v4;
	_ =	sdelay $0x1  }
0x3cd: {  	v3 =	vadd.f32 v4, v3;
	_ =	sdelay $0x1  }
0x3ce: {  	[tilespmem:$0xE188] =	vst v3  }
0x3cf: {  	v4 =	vld [tilespmem:$0xE190];
	_ =	sdelay $0x4  }
0x3d0: {  	v3 =	vadd.f32 v4, v3;
	_ =	sdelay $0x1  }
0x3d1: {  	v3 =	vmul.f32 $4.999999890e-03, v3;
	_ =	sdelay $0x1  }
0x3d2: {  	v3 =	vadd.f32 v3, v2;
	_ =	sdelay $0x1  }
0x3d3: {  	v3 =	vsub.f32 $0.0e+00, v3;
	_ =	sdelay $0x1  }
0x3d4: {  	v3 =	vmul.f32 $1.442695020e+00, v3;
	_ =	sdelay $0x1  }
0x3d5: {  	(erf) = vpow2.f32 v3;
	_ =	sdelay $0x8  }
0x3d6: {  	v3 =	vpop (erf)  }
0x3d7: {  	v3 =	vadd.f32 $1.000000000e+00, v3;
	_ =	sdelay $0x1  }
0x3d8: {  	(erf) = vrcp.f32 v3;
	_ =	sdelay $0x1  }
0x3d9: {  	s19 =	simm.s32 $0x258;
	s18 =	simm.s32 $0x25A  }
0x3da: {  	v5 =	vmov s18;
	v4 =	vmov s19  }
0x3db: {  	s20 =	simm.s32 $0x25C;
	v5 =	vshll.u32 v5, $0x3;
	v4 =	vshll.u32 v4, $0x3  }
0x3dc: {  	v6 =	vmov s20;
	v5 =	vor.u32 v0, v5;
	s19 =	simm.s32 $0x25E;
	v4 =	vor.u32 v0, v4  }
0x3dd: {  	v6 =	vshll.u32 v6, $0x3;
	v7 =	vmov s19;
	v4 =	vor.u32 v1, v4  }
0x3de: {  	s20 =	simm.s32 $0x260;
	v5 =	vor.u32 v1, v5;
	v6 =	vor.u32 v0, v6;
	v7 =	vshll.u32 v7, $0x3  }
0x3df: {  	v8 =	vmov s20;
	v9 =	vor.u32 v1, v6;
	s19 =	simm.s32 $0x264;
	v6 =	vor.u32 v0, v7  }
0x3e0: {  	s20 =	simm.s32 $0x262;
	v7 =	vshll.u32 v8, $0x3;
	v8 =	vmov s19;
	v12 =	vor.u32 v1, v6;
	v10 =	vpop (erf)  }
0x3e1: {  	s19 =	simm.s32 $0x266;
	v6 =	vmov s20;
	v7 =	vor.u32 v0, v7;
	v11 =	vshll.u32 v8, $0x3;
	[tilespmem:$0xE110] =	vst v10  }
0x3e2: {  	v8 =	vshll.u32 v6, $0x3;
	v6 =	vor.u32 v1, v7;
	v7 =	vmov s19;
	v4 =	vld.idx.msk [tilespmem:v4+s22+$0x0], $0xffff  }
0x3e3: {  	s17 =	simm.s32 $0x268;
	v8 =	vor.u32 v0, v8;
	v10 =	vor.u32 v0, v11;
	v11 =	vshll.u32 v7, $0x3;
	v7 =	vld.idx.msk [tilespmem:v5+s22+$0x0], $0xffff  }
0x3e4: {  	v13 =	vmov s17;
	v8 =	vor.u32 v1, v8;
	v5 =	vld.idx.msk [tilespmem:v9+s22+$0x0], $0xffff  }
0x3e5: {  	v13 =	vshll.u32 v13, $0x3;
	s20 =	simm.s32 $0x26C;
	v10 =	vor.u32 v1, v10;
	v11 =	vor.u32 v0, v11;
	v9 =	vld.idx.msk [tilespmem:v12+s22+$0x0], $0xffff  }
0x3e6: {  	v14 =	vor.u32 v0, v13;
	v15 =	vmov s20;
	v11 =	vor.u32 v1, v11  }
0x3e7: {  	s18 =	simm.s32 $0x270;
	s19 =	simm.s32 $0x26A;
	v13 =	vshll.u32 v15, $0x3;
	v3 =	vimm.f32 $0.0e+00;
	v12 =	vimm.f32 $0.0e+00  }
.LBB2_41:
0x3e8: {  	p0 =	sne.s32 s18, $0x318;
	v15 =	vmov s19;
	s19 =	sadd.s32 $0x6, s17;
	v3 =	vadd.f32 v4, v3;
	v4 =	vld.idx.msk [tilespmem:v6+s22+$0x0], $0xffff;
	v12 =	vadd.f32 v7, v12;
	s17 =	smov.u32 s18  }
0x3e9: {  	v6 =	vor.u32 v1, v14;
	v14 =	vshll.u32 v15, $0x3;
	v15 =	vmov s19;
	v7 =	vld.idx.msk [tilespmem:v8+s22+$0x0], $0xffff  }
.Ltmp19:
0x3ea: {  	v8 =	vor.u32 v0, v14;
	v3 =	vadd.f32 v5, v3;
	v5 =	vld.idx.msk [tilespmem:v10+s22+$0x0], $0xffff;
	v12 =	vadd.f32 v9, v12;
	(pc) =	sbr.rel @p0 .LBB2_41-.Ltmp19, $4  }
0x3eb: {  	v10 =	vor.u32 v0, v13;
	v13 =	vshll.u32 v15, $0x3;
	v8 =	vor.u32 v1, v8;
	v9 =	vld.idx.msk [tilespmem:v11+s22+$0x0], $0xffff  }
0x3ec: {  	s19 =	sadd.s32 $0x4, s18;
	v11 =	vmov s18;
	v10 =	vor.u32 v1, v10;
	v13 =	vor.u32 v0, v13  }
0x3ed: {  	v15 =	vmov s19;
	v14 =	vshll.u32 v11, $0x3;
	v11 =	vor.u32 v1, v13  }
0x3ee: {  	s19 =	sadd.s32 $0x2, s17;
	s18 =	sadd.s32 $0x8, s18;
	v13 =	vshll.u32 v15, $0x3;
	v14 =	vor.u32 v0, v14  }
0x3ef: {  	_ = 	snop  }
0x3f0: {  	v15 =	vmov s19  }
0x3f1: {  	s17 =	sadd.s32 $0x6, s17;
	v15 =	vshll.u32 v15, $0x3  }
0x3f2: {  	v14 =	vor.u32 v1, v14;
	v16 =	vmov s17;
	v15 =	vor.u32 v0, v15  }
0x3f3: {  	v6 =	vld.idx.msk [tilespmem:v6+s22+$0x0], $0xffff;
	v13 =	vor.u32 v0, v13;
	v16 =	vshll.u32 v16, $0x3;
	v15 =	vor.u32 v1, v15  }
0x3f4: {  	v8 =	vld.idx.msk [tilespmem:v8+s22+$0x0], $0xffff;
	v13 =	vor.u32 v1, v13;
	v16 =	vor.u32 v0, v16  }
0x3f5: {  	v3 =	vadd.f32 v4, v3;
	v4 =	vadd.f32 v7, v12;
	v7 =	vld.idx.msk [tilespmem:v10+s22+$0x0], $0xffff;
	v10 =	vor.u32 v1, v16  }
0x3f6: {  	v11 =	vld.idx.msk [tilespmem:v11+s22+$0x0], $0xffff  }
0x3f7: {  	v3 =	vadd.f32 v5, v3;
	v4 =	vadd.f32 v9, v4;
	v5 =	vld.idx.msk [tilespmem:v14+s22+$0x0], $0xffff  }
0x3f8: {  	v9 =	vld.idx.msk [tilespmem:v15+s22+$0x0], $0xffff  }
0x3f9: {  	v3 =	vadd.f32 v6, v3;
	v4 =	vadd.f32 v8, v4;
	v6 =	vld.idx.msk [tilespmem:v13+s22+$0x0], $0xffff  }
0x3fa: {  	v8 =	vld.idx.msk [tilespmem:v10+s22+$0x0], $0xffff  }
0x3fb: {  	v3 =	vadd.f32 v7, v3;
	v4 =	vadd.f32 v11, v4;
	_ =	sdelay $0x1  }
0x3fc: {  	v3 =	vadd.f32 v5, v3;
	v4 =	vadd.f32 v9, v4;
	_ =	sdelay $0x1  }
0x3fd: {  	v3 =	vadd.f32 v6, v3;
	v4 =	vadd.f32 v8, v4;
	_ =	sdelay $0x1  }
0x3fe: {  	v3 =	vadd.f32 v4, v3;
	_ =	sdelay $0x1  }
0x3ff: {  	[tilespmem:$0xE188] =	vst v3  }
0x400: {  	v4 =	vld [tilespmem:$0xE190];
	_ =	sdelay $0x4  }
0x401: {  	v3 =	vadd.f32 v4, v3;
	_ =	sdelay $0x1  }
0x402: {  	v3 =	vmul.f32 $4.999999890e-03, v3;
	_ =	sdelay $0x1  }
0x403: {  	v3 =	vadd.f32 v3, v2;
	_ =	sdelay $0x1  }
0x404: {  	v3 =	vsub.f32 $0.0e+00, v3;
	_ =	sdelay $0x1  }
0x405: {  	v3 =	vmul.f32 $1.442695020e+00, v3;
	_ =	sdelay $0x1  }
0x406: {  	(erf) = vpow2.f32 v3;
	_ =	sdelay $0x8  }
0x407: {  	v3 =	vpop (erf)  }
0x408: {  	v3 =	vadd.f32 $1.000000000e+00, v3;
	_ =	sdelay $0x1  }
0x409: {  	(erf) = vrcp.f32 v3;
	_ =	sdelay $0x1  }
0x40a: {  	s19 =	simm.s32 $0x320;
	s18 =	simm.s32 $0x322  }
0x40b: {  	v5 =	vmov s18;
	v4 =	vmov s19  }
0x40c: {  	s20 =	simm.s32 $0x324;
	v5 =	vshll.u32 v5, $0x3;
	v4 =	vshll.u32 v4, $0x3  }
0x40d: {  	v6 =	vmov s20;
	v5 =	vor.u32 v0, v5;
	s19 =	simm.s32 $0x326;
	v4 =	vor.u32 v0, v4  }
0x40e: {  	v6 =	vshll.u32 v6, $0x3;
	v7 =	vmov s19;
	v4 =	vor.u32 v1, v4  }
0x40f: {  	s20 =	simm.s32 $0x328;
	v5 =	vor.u32 v1, v5;
	v6 =	vor.u32 v0, v6;
	v7 =	vshll.u32 v7, $0x3  }
0x410: {  	v8 =	vmov s20;
	v9 =	vor.u32 v1, v6;
	s19 =	simm.s32 $0x32C;
	v6 =	vor.u32 v0, v7  }
0x411: {  	s20 =	simm.s32 $0x32A;
	v7 =	vshll.u32 v8, $0x3;
	v8 =	vmov s19;
	v12 =	vor.u32 v1, v6;
	v10 =	vpop (erf)  }
0x412: {  	s19 =	simm.s32 $0x32E;
	v6 =	vmov s20;
	v7 =	vor.u32 v0, v7;
	v11 =	vshll.u32 v8, $0x3;
	[tilespmem:$0xE118] =	vst v10  }
0x413: {  	v8 =	vshll.u32 v6, $0x3;
	v6 =	vor.u32 v1, v7;
	v7 =	vmov s19;
	v4 =	vld.idx.msk [tilespmem:v4+s22+$0x0], $0xffff  }
0x414: {  	s17 =	simm.s32 $0x330;
	v8 =	vor.u32 v0, v8;
	v10 =	vor.u32 v0, v11;
	v11 =	vshll.u32 v7, $0x3;
	v7 =	vld.idx.msk [tilespmem:v5+s22+$0x0], $0xffff  }
0x415: {  	v13 =	vmov s17;
	v8 =	vor.u32 v1, v8;
	v5 =	vld.idx.msk [tilespmem:v9+s22+$0x0], $0xffff  }
0x416: {  	v13 =	vshll.u32 v13, $0x3;
	s20 =	simm.s32 $0x334;
	v10 =	vor.u32 v1, v10;
	v11 =	vor.u32 v0, v11;
	v9 =	vld.idx.msk [tilespmem:v12+s22+$0x0], $0xffff  }
0x417: {  	v14 =	vor.u32 v0, v13;
	v15 =	vmov s20;
	v11 =	vor.u32 v1, v11  }
0x418: {  	s18 =	simm.s32 $0x338;
	s19 =	simm.s32 $0x332;
	v13 =	vshll.u32 v15, $0x3;
	v3 =	vimm.f32 $0.0e+00;
	v12 =	vimm.f32 $0.0e+00  }
.LBB2_43:
0x419: {  	p0 =	sne.s32 s18, $0x3E0;
	v15 =	vmov s19;
	s19 =	sadd.s32 $0x6, s17;
	v3 =	vadd.f32 v4, v3;
	v4 =	vld.idx.msk [tilespmem:v6+s22+$0x0], $0xffff;
	v12 =	vadd.f32 v7, v12;
	s17 =	smov.u32 s18  }
0x41a: {  	v6 =	vor.u32 v1, v14;
	v14 =	vshll.u32 v15, $0x3;
	v15 =	vmov s19;
	v7 =	vld.idx.msk [tilespmem:v8+s22+$0x0], $0xffff  }
.Ltmp20:
0x41b: {  	v8 =	vor.u32 v0, v14;
	v3 =	vadd.f32 v5, v3;
	v5 =	vld.idx.msk [tilespmem:v10+s22+$0x0], $0xffff;
	v12 =	vadd.f32 v9, v12;
	(pc) =	sbr.rel @p0 .LBB2_43-.Ltmp20, $4  }
0x41c: {  	v10 =	vor.u32 v0, v13;
	v13 =	vshll.u32 v15, $0x3;
	v8 =	vor.u32 v1, v8;
	v9 =	vld.idx.msk [tilespmem:v11+s22+$0x0], $0xffff  }
0x41d: {  	s19 =	sadd.s32 $0x4, s18;
	v11 =	vmov s18;
	v10 =	vor.u32 v1, v10;
	v13 =	vor.u32 v0, v13  }
0x41e: {  	v15 =	vmov s19;
	v14 =	vshll.u32 v11, $0x3;
	v11 =	vor.u32 v1, v13  }
0x41f: {  	s19 =	sadd.s32 $0x2, s17;
	s18 =	sadd.s32 $0x8, s18;
	v13 =	vshll.u32 v15, $0x3;
	v14 =	vor.u32 v0, v14  }
0x420: {  	_ = 	snop  }
0x421: {  	v15 =	vmov s19  }
0x422: {  	s17 =	sadd.s32 $0x6, s17;
	v15 =	vshll.u32 v15, $0x3  }
0x423: {  	v14 =	vor.u32 v1, v14;
	v16 =	vmov s17;
	v15 =	vor.u32 v0, v15  }
0x424: {  	v6 =	vld.idx.msk [tilespmem:v6+s22+$0x0], $0xffff;
	v13 =	vor.u32 v0, v13;
	v16 =	vshll.u32 v16, $0x3;
	v15 =	vor.u32 v1, v15  }
0x425: {  	v8 =	vld.idx.msk [tilespmem:v8+s22+$0x0], $0xffff;
	v13 =	vor.u32 v1, v13;
	v16 =	vor.u32 v0, v16  }
0x426: {  	v3 =	vadd.f32 v4, v3;
	v4 =	vadd.f32 v7, v12;
	v7 =	vld.idx.msk [tilespmem:v10+s22+$0x0], $0xffff;
	v10 =	vor.u32 v1, v16  }
0x427: {  	v11 =	vld.idx.msk [tilespmem:v11+s22+$0x0], $0xffff  }
0x428: {  	v3 =	vadd.f32 v5, v3;
	v4 =	vadd.f32 v9, v4;
	v5 =	vld.idx.msk [tilespmem:v14+s22+$0x0], $0xffff  }
0x429: {  	v9 =	vld.idx.msk [tilespmem:v15+s22+$0x0], $0xffff  }
0x42a: {  	v3 =	vadd.f32 v6, v3;
	v4 =	vadd.f32 v8, v4;
	v6 =	vld.idx.msk [tilespmem:v13+s22+$0x0], $0xffff  }
0x42b: {  	v8 =	vld.idx.msk [tilespmem:v10+s22+$0x0], $0xffff  }
0x42c: {  	v3 =	vadd.f32 v7, v3;
	v4 =	vadd.f32 v11, v4;
	_ =	sdelay $0x1  }
0x42d: {  	v3 =	vadd.f32 v5, v3;
	v4 =	vadd.f32 v9, v4;
	_ =	sdelay $0x1  }
0x42e: {  	v3 =	vadd.f32 v6, v3;
	v4 =	vadd.f32 v8, v4;
	_ =	sdelay $0x1  }
0x42f: {  	v3 =	vadd.f32 v4, v3;
	_ =	sdelay $0x1  }
0x430: {  	[tilespmem:$0xE188] =	vst v3  }
0x431: {  	v4 =	vld [tilespmem:$0xE190];
	_ =	sdelay $0x4  }
0x432: {  	v3 =	vadd.f32 v4, v3;
	_ =	sdelay $0x1  }
0x433: {  	v3 =	vmul.f32 $4.999999890e-03, v3;
	_ =	sdelay $0x1  }
0x434: {  	v3 =	vadd.f32 v3, v2;
	_ =	sdelay $0x1  }
0x435: {  	v3 =	vsub.f32 $0.0e+00, v3;
	_ =	sdelay $0x1  }
0x436: {  	v3 =	vmul.f32 $1.442695020e+00, v3;
	_ =	sdelay $0x1  }
0x437: {  	(erf) = vpow2.f32 v3;
	_ =	sdelay $0x8  }
0x438: {  	v3 =	vpop (erf)  }
0x439: {  	v3 =	vadd.f32 $1.000000000e+00, v3;
	_ =	sdelay $0x1  }
0x43a: {  	(erf) = vrcp.f32 v3;
	_ =	sdelay $0x1  }
0x43b: {  	s19 =	simm.s32 $0x3E8;
	s18 =	simm.s32 $0x3EA  }
0x43c: {  	v5 =	vmov s18;
	v4 =	vmov s19  }
0x43d: {  	s20 =	simm.s32 $0x3EC;
	v5 =	vshll.u32 v5, $0x3;
	v4 =	vshll.u32 v4, $0x3  }
0x43e: {  	v6 =	vmov s20;
	v5 =	vor.u32 v0, v5;
	s19 =	simm.s32 $0x3EE;
	v4 =	vor.u32 v0, v4  }
0x43f: {  	v6 =	vshll.u32 v6, $0x3;
	v7 =	vmov s19;
	v4 =	vor.u32 v1, v4  }
0x440: {  	s20 =	simm.s32 $0x3F0;
	v5 =	vor.u32 v1, v5;
	v6 =	vor.u32 v0, v6;
	v7 =	vshll.u32 v7, $0x3  }
0x441: {  	v8 =	vmov s20;
	v9 =	vor.u32 v1, v6;
	s19 =	simm.s32 $0x3F4;
	v6 =	vor.u32 v0, v7  }
0x442: {  	s20 =	simm.s32 $0x3F2;
	v7 =	vshll.u32 v8, $0x3;
	v8 =	vmov s19;
	v12 =	vor.u32 v1, v6;
	v10 =	vpop (erf)  }
0x443: {  	s19 =	simm.s32 $0x3F6;
	v6 =	vmov s20;
	v7 =	vor.u32 v0, v7;
	v11 =	vshll.u32 v8, $0x3;
	[tilespmem:$0xE120] =	vst v10  }
0x444: {  	v8 =	vshll.u32 v6, $0x3;
	v6 =	vor.u32 v1, v7;
	v7 =	vmov s19;
	v4 =	vld.idx.msk [tilespmem:v4+s22+$0x0], $0xffff  }
0x445: {  	s17 =	simm.s32 $0x3F8;
	v8 =	vor.u32 v0, v8;
	v10 =	vor.u32 v0, v11;
	v11 =	vshll.u32 v7, $0x3;
	v7 =	vld.idx.msk [tilespmem:v5+s22+$0x0], $0xffff  }
0x446: {  	v13 =	vmov s17;
	v8 =	vor.u32 v1, v8;
	v5 =	vld.idx.msk [tilespmem:v9+s22+$0x0], $0xffff  }
0x447: {  	v13 =	vshll.u32 v13, $0x3;
	s20 =	simm.s32 $0x3FC;
	v10 =	vor.u32 v1, v10;
	v11 =	vor.u32 v0, v11;
	v9 =	vld.idx.msk [tilespmem:v12+s22+$0x0], $0xffff  }
0x448: {  	v14 =	vor.u32 v0, v13;
	v15 =	vmov s20;
	v11 =	vor.u32 v1, v11  }
0x449: {  	s18 =	simm.s32 $0x400;
	s19 =	simm.s32 $0x3FA;
	v13 =	vshll.u32 v15, $0x3;
	v3 =	vimm.f32 $0.0e+00;
	v12 =	vimm.f32 $0.0e+00  }
.LBB2_45:
0x44a: {  	p0 =	sne.s32 s18, $0x4A8;
	v15 =	vmov s19;
	s19 =	sadd.s32 $0x6, s17;
	v3 =	vadd.f32 v4, v3;
	v4 =	vld.idx.msk [tilespmem:v6+s22+$0x0], $0xffff;
	v12 =	vadd.f32 v7, v12;
	s17 =	smov.u32 s18  }
0x44b: {  	v6 =	vor.u32 v1, v14;
	v14 =	vshll.u32 v15, $0x3;
	v15 =	vmov s19;
	v7 =	vld.idx.msk [tilespmem:v8+s22+$0x0], $0xffff  }
.Ltmp21:
0x44c: {  	v8 =	vor.u32 v0, v14;
	v3 =	vadd.f32 v5, v3;
	v5 =	vld.idx.msk [tilespmem:v10+s22+$0x0], $0xffff;
	v12 =	vadd.f32 v9, v12;
	(pc) =	sbr.rel @p0 .LBB2_45-.Ltmp21, $4  }
0x44d: {  	v10 =	vor.u32 v0, v13;
	v13 =	vshll.u32 v15, $0x3;
	v8 =	vor.u32 v1, v8;
	v9 =	vld.idx.msk [tilespmem:v11+s22+$0x0], $0xffff  }
0x44e: {  	s19 =	sadd.s32 $0x4, s18;
	v11 =	vmov s18;
	v10 =	vor.u32 v1, v10;
	v13 =	vor.u32 v0, v13  }
0x44f: {  	v15 =	vmov s19;
	v14 =	vshll.u32 v11, $0x3;
	v11 =	vor.u32 v1, v13  }
0x450: {  	s19 =	sadd.s32 $0x2, s17;
	s18 =	sadd.s32 $0x8, s18;
	v13 =	vshll.u32 v15, $0x3;
	v14 =	vor.u32 v0, v14  }
0x451: {  	_ = 	snop  }
0x452: {  	v15 =	vmov s19  }
0x453: {  	s17 =	sadd.s32 $0x6, s17;
	v15 =	vshll.u32 v15, $0x3  }
0x454: {  	v14 =	vor.u32 v1, v14;
	v16 =	vmov s17;
	v15 =	vor.u32 v0, v15  }
0x455: {  	v6 =	vld.idx.msk [tilespmem:v6+s22+$0x0], $0xffff;
	v13 =	vor.u32 v0, v13;
	v16 =	vshll.u32 v16, $0x3;
	v15 =	vor.u32 v1, v15  }
0x456: {  	v8 =	vld.idx.msk [tilespmem:v8+s22+$0x0], $0xffff;
	v13 =	vor.u32 v1, v13;
	v16 =	vor.u32 v0, v16  }
0x457: {  	v3 =	vadd.f32 v4, v3;
	v4 =	vadd.f32 v7, v12;
	v7 =	vld.idx.msk [tilespmem:v10+s22+$0x0], $0xffff;
	v10 =	vor.u32 v1, v16  }
0x458: {  	v11 =	vld.idx.msk [tilespmem:v11+s22+$0x0], $0xffff  }
0x459: {  	v3 =	vadd.f32 v5, v3;
	v4 =	vadd.f32 v9, v4;
	v5 =	vld.idx.msk [tilespmem:v14+s22+$0x0], $0xffff  }
0x45a: {  	v9 =	vld.idx.msk [tilespmem:v15+s22+$0x0], $0xffff  }
0x45b: {  	v3 =	vadd.f32 v6, v3;
	v4 =	vadd.f32 v8, v4;
	v6 =	vld.idx.msk [tilespmem:v13+s22+$0x0], $0xffff  }
0x45c: {  	v8 =	vld.idx.msk [tilespmem:v10+s22+$0x0], $0xffff  }
0x45d: {  	v3 =	vadd.f32 v7, v3;
	v4 =	vadd.f32 v11, v4;
	_ =	sdelay $0x1  }
0x45e: {  	v3 =	vadd.f32 v5, v3;
	v4 =	vadd.f32 v9, v4;
	_ =	sdelay $0x1  }
0x45f: {  	v3 =	vadd.f32 v6, v3;
	v4 =	vadd.f32 v8, v4;
	_ =	sdelay $0x1  }
0x460: {  	v3 =	vadd.f32 v4, v3;
	_ =	sdelay $0x1  }
0x461: {  	[tilespmem:$0xE188] =	vst v3  }
0x462: {  	v4 =	vld [tilespmem:$0xE190];
	_ =	sdelay $0x4  }
0x463: {  	v3 =	vadd.f32 v4, v3;
	_ =	sdelay $0x1  }
0x464: {  	v3 =	vmul.f32 $4.999999890e-03, v3;
	_ =	sdelay $0x1  }
0x465: {  	v3 =	vadd.f32 v3, v2;
	_ =	sdelay $0x1  }
0x466: {  	v3 =	vsub.f32 $0.0e+00, v3;
	_ =	sdelay $0x1  }
0x467: {  	v3 =	vmul.f32 $1.442695020e+00, v3;
	_ =	sdelay $0x1  }
0x468: {  	(erf) = vpow2.f32 v3;
	_ =	sdelay $0x8  }
0x469: {  	v3 =	vpop (erf)  }
0x46a: {  	v3 =	vadd.f32 $1.000000000e+00, v3;
	_ =	sdelay $0x1  }
0x46b: {  	(erf) = vrcp.f32 v3;
	_ =	sdelay $0x1  }
0x46c: {  	s19 =	simm.s32 $0x4B0;
	s18 =	simm.s32 $0x4B2  }
0x46d: {  	v5 =	vmov s18;
	v4 =	vmov s19  }
0x46e: {  	s20 =	simm.s32 $0x4B4;
	v5 =	vshll.u32 v5, $0x3;
	v4 =	vshll.u32 v4, $0x3  }
0x46f: {  	v6 =	vmov s20;
	v5 =	vor.u32 v0, v5;
	s19 =	simm.s32 $0x4B6;
	v4 =	vor.u32 v0, v4  }
0x470: {  	v6 =	vshll.u32 v6, $0x3;
	v7 =	vmov s19;
	v4 =	vor.u32 v1, v4  }
0x471: {  	s20 =	simm.s32 $0x4B8;
	v5 =	vor.u32 v1, v5;
	v6 =	vor.u32 v0, v6;
	v7 =	vshll.u32 v7, $0x3  }
0x472: {  	v8 =	vmov s20;
	v9 =	vor.u32 v1, v6;
	s19 =	simm.s32 $0x4BC;
	v6 =	vor.u32 v0, v7  }
0x473: {  	s20 =	simm.s32 $0x4BA;
	v7 =	vshll.u32 v8, $0x3;
	v8 =	vmov s19;
	v12 =	vor.u32 v1, v6;
	v10 =	vpop (erf)  }
0x474: {  	s19 =	simm.s32 $0x4BE;
	v6 =	vmov s20;
	v7 =	vor.u32 v0, v7;
	v11 =	vshll.u32 v8, $0x3;
	[tilespmem:$0xE128] =	vst v10  }
0x475: {  	v8 =	vshll.u32 v6, $0x3;
	v6 =	vor.u32 v1, v7;
	v7 =	vmov s19;
	v4 =	vld.idx.msk [tilespmem:v4+s22+$0x0], $0xffff  }
0x476: {  	s17 =	simm.s32 $0x4C0;
	v8 =	vor.u32 v0, v8;
	v10 =	vor.u32 v0, v11;
	v11 =	vshll.u32 v7, $0x3;
	v7 =	vld.idx.msk [tilespmem:v5+s22+$0x0], $0xffff  }
0x477: {  	v13 =	vmov s17;
	v8 =	vor.u32 v1, v8;
	v5 =	vld.idx.msk [tilespmem:v9+s22+$0x0], $0xffff  }
0x478: {  	v13 =	vshll.u32 v13, $0x3;
	s20 =	simm.s32 $0x4C4;
	v10 =	vor.u32 v1, v10;
	v11 =	vor.u32 v0, v11;
	v9 =	vld.idx.msk [tilespmem:v12+s22+$0x0], $0xffff  }
0x479: {  	v14 =	vor.u32 v0, v13;
	v15 =	vmov s20;
	v11 =	vor.u32 v1, v11  }
0x47a: {  	s18 =	simm.s32 $0x4C8;
	s19 =	simm.s32 $0x4C2;
	v13 =	vshll.u32 v15, $0x3;
	v3 =	vimm.f32 $0.0e+00;
	v12 =	vimm.f32 $0.0e+00  }
.LBB2_47:
0x47b: {  	p0 =	sne.s32 s18, $0x570;
	v15 =	vmov s19;
	s19 =	sadd.s32 $0x6, s17;
	v3 =	vadd.f32 v4, v3;
	v4 =	vld.idx.msk [tilespmem:v6+s22+$0x0], $0xffff;
	v12 =	vadd.f32 v7, v12;
	s17 =	smov.u32 s18  }
0x47c: {  	v6 =	vor.u32 v1, v14;
	v14 =	vshll.u32 v15, $0x3;
	v15 =	vmov s19;
	v7 =	vld.idx.msk [tilespmem:v8+s22+$0x0], $0xffff  }
.Ltmp22:
0x47d: {  	v8 =	vor.u32 v0, v14;
	v3 =	vadd.f32 v5, v3;
	v5 =	vld.idx.msk [tilespmem:v10+s22+$0x0], $0xffff;
	v12 =	vadd.f32 v9, v12;
	(pc) =	sbr.rel @p0 .LBB2_47-.Ltmp22, $4  }
0x47e: {  	v10 =	vor.u32 v0, v13;
	v13 =	vshll.u32 v15, $0x3;
	v8 =	vor.u32 v1, v8;
	v9 =	vld.idx.msk [tilespmem:v11+s22+$0x0], $0xffff  }
0x47f: {  	s19 =	sadd.s32 $0x4, s18;
	v11 =	vmov s18;
	v10 =	vor.u32 v1, v10;
	v13 =	vor.u32 v0, v13  }
0x480: {  	v15 =	vmov s19;
	v14 =	vshll.u32 v11, $0x3;
	v11 =	vor.u32 v1, v13  }
0x481: {  	s19 =	sadd.s32 $0x2, s17;
	s18 =	sadd.s32 $0x8, s18;
	v13 =	vshll.u32 v15, $0x3;
	v14 =	vor.u32 v0, v14  }
0x482: {  	_ = 	snop  }
0x483: {  	v15 =	vmov s19  }
0x484: {  	s17 =	sadd.s32 $0x6, s17;
	v15 =	vshll.u32 v15, $0x3  }
0x485: {  	v14 =	vor.u32 v1, v14;
	v16 =	vmov s17;
	v15 =	vor.u32 v0, v15  }
0x486: {  	v6 =	vld.idx.msk [tilespmem:v6+s22+$0x0], $0xffff;
	v13 =	vor.u32 v0, v13;
	v16 =	vshll.u32 v16, $0x3;
	v15 =	vor.u32 v1, v15  }
0x487: {  	v8 =	vld.idx.msk [tilespmem:v8+s22+$0x0], $0xffff;
	v13 =	vor.u32 v1, v13;
	v16 =	vor.u32 v0, v16  }
0x488: {  	v3 =	vadd.f32 v4, v3;
	v4 =	vadd.f32 v7, v12;
	v7 =	vld.idx.msk [tilespmem:v10+s22+$0x0], $0xffff;
	v10 =	vor.u32 v1, v16  }
0x489: {  	v11 =	vld.idx.msk [tilespmem:v11+s22+$0x0], $0xffff  }
0x48a: {  	v3 =	vadd.f32 v5, v3;
	v4 =	vadd.f32 v9, v4;
	v5 =	vld.idx.msk [tilespmem:v14+s22+$0x0], $0xffff  }
0x48b: {  	v9 =	vld.idx.msk [tilespmem:v15+s22+$0x0], $0xffff  }
0x48c: {  	v3 =	vadd.f32 v6, v3;
	v4 =	vadd.f32 v8, v4;
	v6 =	vld.idx.msk [tilespmem:v13+s22+$0x0], $0xffff  }
0x48d: {  	v8 =	vld.idx.msk [tilespmem:v10+s22+$0x0], $0xffff  }
0x48e: {  	v3 =	vadd.f32 v7, v3;
	v4 =	vadd.f32 v11, v4;
	_ =	sdelay $0x1  }
0x48f: {  	v3 =	vadd.f32 v5, v3;
	v4 =	vadd.f32 v9, v4;
	_ =	sdelay $0x1  }
0x490: {  	v3 =	vadd.f32 v6, v3;
	v4 =	vadd.f32 v8, v4;
	_ =	sdelay $0x1  }
0x491: {  	v3 =	vadd.f32 v4, v3;
	_ =	sdelay $0x1  }
0x492: {  	[tilespmem:$0xE188] =	vst v3  }
0x493: {  	v4 =	vld [tilespmem:$0xE190];
	_ =	sdelay $0x4  }
0x494: {  	v3 =	vadd.f32 v4, v3;
	_ =	sdelay $0x1  }
0x495: {  	v3 =	vmul.f32 $4.999999890e-03, v3;
	_ =	sdelay $0x1  }
0x496: {  	v3 =	vadd.f32 v3, v2;
	_ =	sdelay $0x1  }
0x497: {  	v3 =	vsub.f32 $0.0e+00, v3;
	_ =	sdelay $0x1  }
0x498: {  	v3 =	vmul.f32 $1.442695020e+00, v3;
	_ =	sdelay $0x1  }
0x499: {  	(erf) = vpow2.f32 v3;
	_ =	sdelay $0x8  }
0x49a: {  	v3 =	vpop (erf)  }
0x49b: {  	v3 =	vadd.f32 $1.000000000e+00, v3;
	_ =	sdelay $0x1  }
0x49c: {  	(erf) = vrcp.f32 v3;
	_ =	sdelay $0x1  }
0x49d: {  	s19 =	simm.s32 $0x578;
	s18 =	simm.s32 $0x57A  }
0x49e: {  	v5 =	vmov s18;
	v4 =	vmov s19  }
0x49f: {  	s20 =	simm.s32 $0x57C;
	v5 =	vshll.u32 v5, $0x3;
	v4 =	vshll.u32 v4, $0x3  }
0x4a0: {  	v6 =	vmov s20;
	v5 =	vor.u32 v0, v5;
	s19 =	simm.s32 $0x57E;
	v4 =	vor.u32 v0, v4  }
0x4a1: {  	v6 =	vshll.u32 v6, $0x3;
	v7 =	vmov s19;
	v4 =	vor.u32 v1, v4  }
0x4a2: {  	s20 =	simm.s32 $0x580;
	v5 =	vor.u32 v1, v5;
	v6 =	vor.u32 v0, v6;
	v7 =	vshll.u32 v7, $0x3  }
0x4a3: {  	v8 =	vmov s20;
	v9 =	vor.u32 v1, v6;
	s19 =	simm.s32 $0x584;
	v6 =	vor.u32 v0, v7  }
0x4a4: {  	s20 =	simm.s32 $0x582;
	v7 =	vshll.u32 v8, $0x3;
	v8 =	vmov s19;
	v12 =	vor.u32 v1, v6;
	v10 =	vpop (erf)  }
0x4a5: {  	s19 =	simm.s32 $0x586;
	v6 =	vmov s20;
	v7 =	vor.u32 v0, v7;
	v11 =	vshll.u32 v8, $0x3;
	[tilespmem:$0xE130] =	vst v10  }
0x4a6: {  	v8 =	vshll.u32 v6, $0x3;
	v6 =	vor.u32 v1, v7;
	v7 =	vmov s19;
	v4 =	vld.idx.msk [tilespmem:v4+s22+$0x0], $0xffff  }
0x4a7: {  	s17 =	simm.s32 $0x588;
	v8 =	vor.u32 v0, v8;
	v10 =	vor.u32 v0, v11;
	v11 =	vshll.u32 v7, $0x3;
	v7 =	vld.idx.msk [tilespmem:v5+s22+$0x0], $0xffff  }
0x4a8: {  	v13 =	vmov s17;
	v8 =	vor.u32 v1, v8;
	v5 =	vld.idx.msk [tilespmem:v9+s22+$0x0], $0xffff  }
0x4a9: {  	v13 =	vshll.u32 v13, $0x3;
	s20 =	simm.s32 $0x58C;
	v10 =	vor.u32 v1, v10;
	v11 =	vor.u32 v0, v11;
	v9 =	vld.idx.msk [tilespmem:v12+s22+$0x0], $0xffff  }
0x4aa: {  	v14 =	vor.u32 v0, v13;
	v15 =	vmov s20;
	v11 =	vor.u32 v1, v11  }
0x4ab: {  	s18 =	simm.s32 $0x590;
	s19 =	simm.s32 $0x58A;
	v13 =	vshll.u32 v15, $0x3;
	v3 =	vimm.f32 $0.0e+00;
	v12 =	vimm.f32 $0.0e+00  }
.LBB2_49:
0x4ac: {  	p0 =	sne.s32 s18, $0x638;
	v15 =	vmov s19;
	s19 =	sadd.s32 $0x6, s17;
	v3 =	vadd.f32 v4, v3;
	v4 =	vld.idx.msk [tilespmem:v6+s22+$0x0], $0xffff;
	v12 =	vadd.f32 v7, v12;
	s17 =	smov.u32 s18  }
0x4ad: {  	v6 =	vor.u32 v1, v14;
	v14 =	vshll.u32 v15, $0x3;
	v15 =	vmov s19;
	v7 =	vld.idx.msk [tilespmem:v8+s22+$0x0], $0xffff  }
.Ltmp23:
0x4ae: {  	v8 =	vor.u32 v0, v14;
	v3 =	vadd.f32 v5, v3;
	v5 =	vld.idx.msk [tilespmem:v10+s22+$0x0], $0xffff;
	v12 =	vadd.f32 v9, v12;
	(pc) =	sbr.rel @p0 .LBB2_49-.Ltmp23, $4  }
0x4af: {  	v10 =	vor.u32 v0, v13;
	v13 =	vshll.u32 v15, $0x3;
	v8 =	vor.u32 v1, v8;
	v9 =	vld.idx.msk [tilespmem:v11+s22+$0x0], $0xffff  }
0x4b0: {  	s19 =	sadd.s32 $0x4, s18;
	v11 =	vmov s18;
	v10 =	vor.u32 v1, v10;
	v13 =	vor.u32 v0, v13  }
0x4b1: {  	v15 =	vmov s19;
	v14 =	vshll.u32 v11, $0x3;
	v11 =	vor.u32 v1, v13  }
0x4b2: {  	s19 =	sadd.s32 $0x2, s17;
	s18 =	sadd.s32 $0x8, s18;
	v13 =	vshll.u32 v15, $0x3;
	v14 =	vor.u32 v0, v14  }
0x4b3: {  	_ = 	snop  }
0x4b4: {  	v15 =	vmov s19  }
0x4b5: {  	s17 =	sadd.s32 $0x6, s17;
	v15 =	vshll.u32 v15, $0x3  }
0x4b6: {  	v14 =	vor.u32 v1, v14;
	v16 =	vmov s17;
	v15 =	vor.u32 v0, v15  }
0x4b7: {  	v6 =	vld.idx.msk [tilespmem:v6+s22+$0x0], $0xffff;
	v13 =	vor.u32 v0, v13;
	v16 =	vshll.u32 v16, $0x3;
	v15 =	vor.u32 v1, v15  }
0x4b8: {  	v8 =	vld.idx.msk [tilespmem:v8+s22+$0x0], $0xffff;
	v13 =	vor.u32 v1, v13;
	v16 =	vor.u32 v0, v16  }
0x4b9: {  	v3 =	vadd.f32 v4, v3;
	v4 =	vadd.f32 v7, v12;
	v7 =	vld.idx.msk [tilespmem:v10+s22+$0x0], $0xffff;
	v10 =	vor.u32 v1, v16  }
0x4ba: {  	v11 =	vld.idx.msk [tilespmem:v11+s22+$0x0], $0xffff  }
0x4bb: {  	v3 =	vadd.f32 v5, v3;
	v4 =	vadd.f32 v9, v4;
	v5 =	vld.idx.msk [tilespmem:v14+s22+$0x0], $0xffff  }
0x4bc: {  	v9 =	vld.idx.msk [tilespmem:v15+s22+$0x0], $0xffff  }
0x4bd: {  	v3 =	vadd.f32 v6, v3;
	v4 =	vadd.f32 v8, v4;
	v6 =	vld.idx.msk [tilespmem:v13+s22+$0x0], $0xffff  }
0x4be: {  	v8 =	vld.idx.msk [tilespmem:v10+s22+$0x0], $0xffff  }
0x4bf: {  	v3 =	vadd.f32 v7, v3;
	v4 =	vadd.f32 v11, v4;
	_ =	sdelay $0x1  }
0x4c0: {  	v3 =	vadd.f32 v5, v3;
	v4 =	vadd.f32 v9, v4;
	_ =	sdelay $0x1  }
0x4c1: {  	v3 =	vadd.f32 v6, v3;
	v4 =	vadd.f32 v8, v4;
	_ =	sdelay $0x1  }
0x4c2: {  	v3 =	vadd.f32 v4, v3;
	_ =	sdelay $0x1  }
0x4c3: {  	[tilespmem:$0xE188] =	vst v3  }
0x4c4: {  	v4 =	vld [tilespmem:$0xE190];
	_ =	sdelay $0x4  }
0x4c5: {  	v3 =	vadd.f32 v4, v3;
	_ =	sdelay $0x1  }
0x4c6: {  	v3 =	vmul.f32 $4.999999890e-03, v3;
	_ =	sdelay $0x1  }
0x4c7: {  	v3 =	vadd.f32 v3, v2;
	_ =	sdelay $0x1  }
0x4c8: {  	v3 =	vsub.f32 $0.0e+00, v3;
	_ =	sdelay $0x1  }
0x4c9: {  	v3 =	vmul.f32 $1.442695020e+00, v3;
	_ =	sdelay $0x1  }
0x4ca: {  	(erf) = vpow2.f32 v3;
	_ =	sdelay $0x8  }
0x4cb: {  	v3 =	vpop (erf)  }
0x4cc: {  	v3 =	vadd.f32 $1.000000000e+00, v3;
	_ =	sdelay $0x1  }
0x4cd: {  	(erf) = vrcp.f32 v3;
	_ =	sdelay $0x1  }
0x4ce: {  	s19 =	simm.s32 $0x640;
	s18 =	simm.s32 $0x642  }
0x4cf: {  	v5 =	vmov s18;
	v4 =	vmov s19  }
0x4d0: {  	s20 =	simm.s32 $0x644;
	v5 =	vshll.u32 v5, $0x3;
	v4 =	vshll.u32 v4, $0x3  }
0x4d1: {  	v6 =	vmov s20;
	v5 =	vor.u32 v0, v5;
	s19 =	simm.s32 $0x646;
	v4 =	vor.u32 v0, v4  }
0x4d2: {  	v6 =	vshll.u32 v6, $0x3;
	v7 =	vmov s19;
	v4 =	vor.u32 v1, v4  }
0x4d3: {  	s20 =	simm.s32 $0x648;
	v5 =	vor.u32 v1, v5;
	v6 =	vor.u32 v0, v6;
	v7 =	vshll.u32 v7, $0x3  }
0x4d4: {  	v8 =	vmov s20;
	v9 =	vor.u32 v1, v6;
	s19 =	simm.s32 $0x64C;
	v6 =	vor.u32 v0, v7  }
0x4d5: {  	s20 =	simm.s32 $0x64A;
	v7 =	vshll.u32 v8, $0x3;
	v8 =	vmov s19;
	v12 =	vor.u32 v1, v6;
	v10 =	vpop (erf)  }
0x4d6: {  	s19 =	simm.s32 $0x64E;
	v6 =	vmov s20;
	v7 =	vor.u32 v0, v7;
	v11 =	vshll.u32 v8, $0x3;
	[tilespmem:$0xE138] =	vst v10  }
0x4d7: {  	v8 =	vshll.u32 v6, $0x3;
	v6 =	vor.u32 v1, v7;
	v7 =	vmov s19;
	v4 =	vld.idx.msk [tilespmem:v4+s22+$0x0], $0xffff  }
0x4d8: {  	s17 =	simm.s32 $0x650;
	v8 =	vor.u32 v0, v8;
	v10 =	vor.u32 v0, v11;
	v11 =	vshll.u32 v7, $0x3;
	v7 =	vld.idx.msk [tilespmem:v5+s22+$0x0], $0xffff  }
0x4d9: {  	v13 =	vmov s17;
	v8 =	vor.u32 v1, v8;
	v5 =	vld.idx.msk [tilespmem:v9+s22+$0x0], $0xffff  }
0x4da: {  	v13 =	vshll.u32 v13, $0x3;
	s20 =	simm.s32 $0x654;
	v10 =	vor.u32 v1, v10;
	v11 =	vor.u32 v0, v11;
	v9 =	vld.idx.msk [tilespmem:v12+s22+$0x0], $0xffff  }
0x4db: {  	v14 =	vor.u32 v0, v13;
	v15 =	vmov s20;
	v11 =	vor.u32 v1, v11  }
0x4dc: {  	s18 =	simm.s32 $0x658;
	s19 =	simm.s32 $0x652;
	v13 =	vshll.u32 v15, $0x3;
	v3 =	vimm.f32 $0.0e+00;
	v12 =	vimm.f32 $0.0e+00  }
.LBB2_51:
0x4dd: {  	p0 =	sne.s32 s18, $0x700;
	v15 =	vmov s19;
	s19 =	sadd.s32 $0x6, s17;
	v3 =	vadd.f32 v4, v3;
	v4 =	vld.idx.msk [tilespmem:v6+s22+$0x0], $0xffff;
	v12 =	vadd.f32 v7, v12;
	s17 =	smov.u32 s18  }
0x4de: {  	v6 =	vor.u32 v1, v14;
	v14 =	vshll.u32 v15, $0x3;
	v15 =	vmov s19;
	v7 =	vld.idx.msk [tilespmem:v8+s22+$0x0], $0xffff  }
.Ltmp24:
0x4df: {  	v8 =	vor.u32 v0, v14;
	v3 =	vadd.f32 v5, v3;
	v5 =	vld.idx.msk [tilespmem:v10+s22+$0x0], $0xffff;
	v12 =	vadd.f32 v9, v12;
	(pc) =	sbr.rel @p0 .LBB2_51-.Ltmp24, $4  }
0x4e0: {  	v10 =	vor.u32 v0, v13;
	v13 =	vshll.u32 v15, $0x3;
	v8 =	vor.u32 v1, v8;
	v9 =	vld.idx.msk [tilespmem:v11+s22+$0x0], $0xffff  }
0x4e1: {  	s19 =	sadd.s32 $0x4, s18;
	v11 =	vmov s18;
	v10 =	vor.u32 v1, v10;
	v13 =	vor.u32 v0, v13  }
0x4e2: {  	v15 =	vmov s19;
	v14 =	vshll.u32 v11, $0x3;
	v11 =	vor.u32 v1, v13  }
0x4e3: {  	s19 =	sadd.s32 $0x2, s17;
	s18 =	sadd.s32 $0x8, s18;
	v13 =	vshll.u32 v15, $0x3;
	v14 =	vor.u32 v0, v14  }
0x4e4: {  	_ = 	snop  }
0x4e5: {  	v15 =	vmov s19  }
0x4e6: {  	s17 =	sadd.s32 $0x6, s17;
	v15 =	vshll.u32 v15, $0x3  }
0x4e7: {  	v14 =	vor.u32 v1, v14;
	v16 =	vmov s17;
	v15 =	vor.u32 v0, v15  }
0x4e8: {  	v6 =	vld.idx.msk [tilespmem:v6+s22+$0x0], $0xffff;
	v13 =	vor.u32 v0, v13;
	v16 =	vshll.u32 v16, $0x3;
	v15 =	vor.u32 v1, v15  }
0x4e9: {  	v8 =	vld.idx.msk [tilespmem:v8+s22+$0x0], $0xffff;
	v13 =	vor.u32 v1, v13;
	v16 =	vor.u32 v0, v16  }
0x4ea: {  	v3 =	vadd.f32 v4, v3;
	v4 =	vadd.f32 v7, v12;
	v7 =	vld.idx.msk [tilespmem:v10+s22+$0x0], $0xffff;
	v10 =	vor.u32 v1, v16  }
0x4eb: {  	v11 =	vld.idx.msk [tilespmem:v11+s22+$0x0], $0xffff  }
0x4ec: {  	v3 =	vadd.f32 v5, v3;
	v4 =	vadd.f32 v9, v4;
	v5 =	vld.idx.msk [tilespmem:v14+s22+$0x0], $0xffff  }
0x4ed: {  	v9 =	vld.idx.msk [tilespmem:v15+s22+$0x0], $0xffff  }
0x4ee: {  	v3 =	vadd.f32 v6, v3;
	v4 =	vadd.f32 v8, v4;
	v6 =	vld.idx.msk [tilespmem:v13+s22+$0x0], $0xffff  }
0x4ef: {  	v8 =	vld.idx.msk [tilespmem:v10+s22+$0x0], $0xffff  }
0x4f0: {  	v3 =	vadd.f32 v7, v3;
	v4 =	vadd.f32 v11, v4;
	_ =	sdelay $0x1  }
0x4f1: {  	v3 =	vadd.f32 v5, v3;
	v4 =	vadd.f32 v9, v4;
	_ =	sdelay $0x1  }
0x4f2: {  	v3 =	vadd.f32 v6, v3;
	v4 =	vadd.f32 v8, v4;
	_ =	sdelay $0x1  }
0x4f3: {  	v3 =	vadd.f32 v4, v3;
	_ =	sdelay $0x1  }
0x4f4: {  	[tilespmem:$0xE188] =	vst v3  }
0x4f5: {  	v4 =	vld [tilespmem:$0xE190];
	_ =	sdelay $0x4  }
0x4f6: {  	v3 =	vadd.f32 v4, v3;
	_ =	sdelay $0x1  }
0x4f7: {  	v3 =	vmul.f32 $4.999999890e-03, v3;
	_ =	sdelay $0x1  }
0x4f8: {  	v3 =	vadd.f32 v3, v2;
	_ =	sdelay $0x1  }
0x4f9: {  	v3 =	vsub.f32 $0.0e+00, v3;
	_ =	sdelay $0x1  }
0x4fa: {  	v3 =	vmul.f32 $1.442695020e+00, v3;
	_ =	sdelay $0x1  }
0x4fb: {  	(erf) = vpow2.f32 v3;
	_ =	sdelay $0x8  }
0x4fc: {  	v3 =	vpop (erf)  }
0x4fd: {  	v3 =	vadd.f32 $1.000000000e+00, v3;
	_ =	sdelay $0x1  }
0x4fe: {  	(erf) = vrcp.f32 v3;
	_ =	sdelay $0x1  }
0x4ff: {  	s19 =	simm.s32 $0x708;
	s18 =	simm.s32 $0x70A  }
0x500: {  	v5 =	vmov s18;
	v4 =	vmov s19  }
0x501: {  	s20 =	simm.s32 $0x70C;
	v5 =	vshll.u32 v5, $0x3;
	v4 =	vshll.u32 v4, $0x3  }
0x502: {  	v6 =	vmov s20;
	v5 =	vor.u32 v0, v5;
	s19 =	simm.s32 $0x70E;
	v4 =	vor.u32 v0, v4  }
0x503: {  	v6 =	vshll.u32 v6, $0x3;
	v7 =	vmov s19;
	v4 =	vor.u32 v1, v4  }
0x504: {  	s20 =	simm.s32 $0x710;
	v5 =	vor.u32 v1, v5;
	v6 =	vor.u32 v0, v6;
	v7 =	vshll.u32 v7, $0x3  }
0x505: {  	v8 =	vmov s20;
	v9 =	vor.u32 v1, v6;
	s19 =	simm.s32 $0x714;
	v6 =	vor.u32 v0, v7  }
0x506: {  	s20 =	simm.s32 $0x712;
	v7 =	vshll.u32 v8, $0x3;
	v8 =	vmov s19;
	v12 =	vor.u32 v1, v6;
	v10 =	vpop (erf)  }
0x507: {  	s19 =	simm.s32 $0x716;
	v6 =	vmov s20;
	v7 =	vor.u32 v0, v7;
	v11 =	vshll.u32 v8, $0x3;
	[tilespmem:$0xE140] =	vst v10  }
0x508: {  	v8 =	vshll.u32 v6, $0x3;
	v6 =	vor.u32 v1, v7;
	v7 =	vmov s19;
	v4 =	vld.idx.msk [tilespmem:v4+s22+$0x0], $0xffff  }
0x509: {  	s17 =	simm.s32 $0x718;
	v8 =	vor.u32 v0, v8;
	v10 =	vor.u32 v0, v11;
	v11 =	vshll.u32 v7, $0x3;
	v7 =	vld.idx.msk [tilespmem:v5+s22+$0x0], $0xffff  }
0x50a: {  	v13 =	vmov s17;
	v8 =	vor.u32 v1, v8;
	v5 =	vld.idx.msk [tilespmem:v9+s22+$0x0], $0xffff  }
0x50b: {  	v13 =	vshll.u32 v13, $0x3;
	s20 =	simm.s32 $0x71C;
	v10 =	vor.u32 v1, v10;
	v11 =	vor.u32 v0, v11;
	v9 =	vld.idx.msk [tilespmem:v12+s22+$0x0], $0xffff  }
0x50c: {  	v14 =	vor.u32 v0, v13;
	v15 =	vmov s20;
	v11 =	vor.u32 v1, v11  }
0x50d: {  	s18 =	simm.s32 $0x720;
	s19 =	simm.s32 $0x71A;
	v13 =	vshll.u32 v15, $0x3;
	v3 =	vimm.f32 $0.0e+00;
	v12 =	vimm.f32 $0.0e+00  }
.LBB2_53:
0x50e: {  	p0 =	sne.s32 s18, $0x7C8;
	v15 =	vmov s19;
	s19 =	sadd.s32 $0x6, s17;
	v3 =	vadd.f32 v4, v3;
	v4 =	vld.idx.msk [tilespmem:v6+s22+$0x0], $0xffff;
	v12 =	vadd.f32 v7, v12;
	s17 =	smov.u32 s18  }
0x50f: {  	v6 =	vor.u32 v1, v14;
	v14 =	vshll.u32 v15, $0x3;
	v15 =	vmov s19;
	v7 =	vld.idx.msk [tilespmem:v8+s22+$0x0], $0xffff  }
.Ltmp25:
0x510: {  	v8 =	vor.u32 v0, v14;
	v3 =	vadd.f32 v5, v3;
	v5 =	vld.idx.msk [tilespmem:v10+s22+$0x0], $0xffff;
	v12 =	vadd.f32 v9, v12;
	(pc) =	sbr.rel @p0 .LBB2_53-.Ltmp25, $4  }
0x511: {  	v10 =	vor.u32 v0, v13;
	v13 =	vshll.u32 v15, $0x3;
	v8 =	vor.u32 v1, v8;
	v9 =	vld.idx.msk [tilespmem:v11+s22+$0x0], $0xffff  }
0x512: {  	s19 =	sadd.s32 $0x4, s18;
	v11 =	vmov s18;
	v10 =	vor.u32 v1, v10;
	v13 =	vor.u32 v0, v13  }
0x513: {  	v15 =	vmov s19;
	v14 =	vshll.u32 v11, $0x3;
	v11 =	vor.u32 v1, v13  }
0x514: {  	s19 =	sadd.s32 $0x2, s17;
	s18 =	sadd.s32 $0x8, s18;
	v13 =	vshll.u32 v15, $0x3;
	v14 =	vor.u32 v0, v14  }
0x515: {  	_ = 	snop  }
0x516: {  	v15 =	vmov s19  }
0x517: {  	s17 =	sadd.s32 $0x6, s17;
	v15 =	vshll.u32 v15, $0x3  }
0x518: {  	v14 =	vor.u32 v1, v14;
	v16 =	vmov s17;
	v15 =	vor.u32 v0, v15  }
0x519: {  	v6 =	vld.idx.msk [tilespmem:v6+s22+$0x0], $0xffff;
	v13 =	vor.u32 v0, v13;
	v16 =	vshll.u32 v16, $0x3;
	v15 =	vor.u32 v1, v15  }
0x51a: {  	v8 =	vld.idx.msk [tilespmem:v8+s22+$0x0], $0xffff;
	v13 =	vor.u32 v1, v13;
	v16 =	vor.u32 v0, v16  }
0x51b: {  	v3 =	vadd.f32 v4, v3;
	v4 =	vadd.f32 v7, v12;
	v7 =	vld.idx.msk [tilespmem:v10+s22+$0x0], $0xffff;
	v10 =	vor.u32 v1, v16  }
0x51c: {  	v11 =	vld.idx.msk [tilespmem:v11+s22+$0x0], $0xffff  }
0x51d: {  	v3 =	vadd.f32 v5, v3;
	v4 =	vadd.f32 v9, v4;
	v5 =	vld.idx.msk [tilespmem:v14+s22+$0x0], $0xffff  }
0x51e: {  	v9 =	vld.idx.msk [tilespmem:v15+s22+$0x0], $0xffff  }
0x51f: {  	v3 =	vadd.f32 v6, v3;
	v4 =	vadd.f32 v8, v4;
	v6 =	vld.idx.msk [tilespmem:v13+s22+$0x0], $0xffff  }
0x520: {  	v8 =	vld.idx.msk [tilespmem:v10+s22+$0x0], $0xffff  }
0x521: {  	v3 =	vadd.f32 v7, v3;
	v4 =	vadd.f32 v11, v4;
	_ =	sdelay $0x1  }
0x522: {  	v3 =	vadd.f32 v5, v3;
	v4 =	vadd.f32 v9, v4;
	_ =	sdelay $0x1  }
0x523: {  	v3 =	vadd.f32 v6, v3;
	v4 =	vadd.f32 v8, v4;
	_ =	sdelay $0x1  }
0x524: {  	v3 =	vadd.f32 v4, v3;
	_ =	sdelay $0x1  }
0x525: {  	[tilespmem:$0xE188] =	vst v3  }
0x526: {  	v4 =	vld [tilespmem:$0xE190];
	_ =	sdelay $0x4  }
0x527: {  	v3 =	vadd.f32 v4, v3;
	_ =	sdelay $0x1  }
0x528: {  	v3 =	vmul.f32 $4.999999890e-03, v3;
	_ =	sdelay $0x1  }
0x529: {  	v3 =	vadd.f32 v3, v2;
	_ =	sdelay $0x1  }
0x52a: {  	v3 =	vsub.f32 $0.0e+00, v3;
	_ =	sdelay $0x1  }
0x52b: {  	v3 =	vmul.f32 $1.442695020e+00, v3;
	_ =	sdelay $0x1  }
0x52c: {  	(erf) = vpow2.f32 v3;
	_ =	sdelay $0x8  }
0x52d: {  	v3 =	vpop (erf)  }
0x52e: {  	v3 =	vadd.f32 $1.000000000e+00, v3;
	_ =	sdelay $0x1  }
0x52f: {  	(erf) = vrcp.f32 v3;
	_ =	sdelay $0x1  }
0x530: {  	s19 =	simm.s32 $0x7D0;
	s18 =	simm.s32 $0x7D2  }
0x531: {  	v5 =	vmov s18;
	v4 =	vmov s19  }
0x532: {  	s20 =	simm.s32 $0x7D4;
	v5 =	vshll.u32 v5, $0x3;
	v4 =	vshll.u32 v4, $0x3  }
0x533: {  	v6 =	vmov s20;
	v5 =	vor.u32 v0, v5;
	s19 =	simm.s32 $0x7D6;
	v4 =	vor.u32 v0, v4  }
0x534: {  	v6 =	vshll.u32 v6, $0x3;
	v7 =	vmov s19;
	v4 =	vor.u32 v1, v4  }
0x535: {  	s20 =	simm.s32 $0x7D8;
	v5 =	vor.u32 v1, v5;
	v6 =	vor.u32 v0, v6;
	v7 =	vshll.u32 v7, $0x3  }
0x536: {  	v8 =	vmov s20;
	v9 =	vor.u32 v1, v6;
	s19 =	simm.s32 $0x7DC;
	v6 =	vor.u32 v0, v7  }
0x537: {  	s20 =	simm.s32 $0x7DA;
	v7 =	vshll.u32 v8, $0x3;
	v8 =	vmov s19;
	v12 =	vor.u32 v1, v6;
	v10 =	vpop (erf)  }
0x538: {  	s19 =	simm.s32 $0x7DE;
	v6 =	vmov s20;
	v7 =	vor.u32 v0, v7;
	v11 =	vshll.u32 v8, $0x3;
	[tilespmem:$0xE148] =	vst v10  }
0x539: {  	v8 =	vshll.u32 v6, $0x3;
	v6 =	vor.u32 v1, v7;
	v7 =	vmov s19;
	v4 =	vld.idx.msk [tilespmem:v4+s22+$0x0], $0xffff  }
0x53a: {  	s17 =	simm.s32 $0x7E0;
	v8 =	vor.u32 v0, v8;
	v10 =	vor.u32 v0, v11;
	v11 =	vshll.u32 v7, $0x3;
	v7 =	vld.idx.msk [tilespmem:v5+s22+$0x0], $0xffff  }
0x53b: {  	v13 =	vmov s17;
	v8 =	vor.u32 v1, v8;
	v5 =	vld.idx.msk [tilespmem:v9+s22+$0x0], $0xffff  }
0x53c: {  	v13 =	vshll.u32 v13, $0x3;
	s20 =	simm.s32 $0x7E4;
	v10 =	vor.u32 v1, v10;
	v11 =	vor.u32 v0, v11;
	v9 =	vld.idx.msk [tilespmem:v12+s22+$0x0], $0xffff  }
0x53d: {  	v14 =	vor.u32 v0, v13;
	v15 =	vmov s20;
	v11 =	vor.u32 v1, v11  }
0x53e: {  	s18 =	simm.s32 $0x7E8;
	s19 =	simm.s32 $0x7E2;
	v13 =	vshll.u32 v15, $0x3;
	v3 =	vimm.f32 $0.0e+00;
	v12 =	vimm.f32 $0.0e+00  }
.LBB2_55:
0x53f: {  	p0 =	sne.s32 s18, $0x890;
	v15 =	vmov s19;
	s19 =	sadd.s32 $0x6, s17;
	v3 =	vadd.f32 v4, v3;
	v4 =	vld.idx.msk [tilespmem:v6+s22+$0x0], $0xffff;
	v12 =	vadd.f32 v7, v12;
	s17 =	smov.u32 s18  }
0x540: {  	v6 =	vor.u32 v1, v14;
	v14 =	vshll.u32 v15, $0x3;
	v15 =	vmov s19;
	v7 =	vld.idx.msk [tilespmem:v8+s22+$0x0], $0xffff  }
.Ltmp26:
0x541: {  	v8 =	vor.u32 v0, v14;
	v3 =	vadd.f32 v5, v3;
	v5 =	vld.idx.msk [tilespmem:v10+s22+$0x0], $0xffff;
	v12 =	vadd.f32 v9, v12;
	(pc) =	sbr.rel @p0 .LBB2_55-.Ltmp26, $4  }
0x542: {  	v10 =	vor.u32 v0, v13;
	v13 =	vshll.u32 v15, $0x3;
	v8 =	vor.u32 v1, v8;
	v9 =	vld.idx.msk [tilespmem:v11+s22+$0x0], $0xffff  }
0x543: {  	s19 =	sadd.s32 $0x4, s18;
	v11 =	vmov s18;
	v10 =	vor.u32 v1, v10;
	v13 =	vor.u32 v0, v13  }
0x544: {  	v15 =	vmov s19;
	v14 =	vshll.u32 v11, $0x3;
	v11 =	vor.u32 v1, v13  }
0x545: {  	s19 =	sadd.s32 $0x2, s17;
	s18 =	sadd.s32 $0x8, s18;
	v13 =	vshll.u32 v15, $0x3;
	v14 =	vor.u32 v0, v14  }
0x546: {  	_ = 	snop  }
0x547: {  	v15 =	vmov s19  }
0x548: {  	s17 =	sadd.s32 $0x6, s17;
	v15 =	vshll.u32 v15, $0x3  }
0x549: {  	v14 =	vor.u32 v1, v14;
	v16 =	vmov s17;
	v15 =	vor.u32 v0, v15  }
0x54a: {  	v6 =	vld.idx.msk [tilespmem:v6+s22+$0x0], $0xffff;
	v13 =	vor.u32 v0, v13;
	v16 =	vshll.u32 v16, $0x3;
	v15 =	vor.u32 v1, v15  }
0x54b: {  	v8 =	vld.idx.msk [tilespmem:v8+s22+$0x0], $0xffff;
	v13 =	vor.u32 v1, v13;
	v16 =	vor.u32 v0, v16  }
0x54c: {  	v3 =	vadd.f32 v4, v3;
	v4 =	vadd.f32 v7, v12;
	v7 =	vld.idx.msk [tilespmem:v10+s22+$0x0], $0xffff;
	v10 =	vor.u32 v1, v16  }
0x54d: {  	v11 =	vld.idx.msk [tilespmem:v11+s22+$0x0], $0xffff  }
0x54e: {  	v3 =	vadd.f32 v5, v3;
	v4 =	vadd.f32 v9, v4;
	v5 =	vld.idx.msk [tilespmem:v14+s22+$0x0], $0xffff  }
0x54f: {  	v9 =	vld.idx.msk [tilespmem:v15+s22+$0x0], $0xffff  }
0x550: {  	v3 =	vadd.f32 v6, v3;
	v4 =	vadd.f32 v8, v4;
	v6 =	vld.idx.msk [tilespmem:v13+s22+$0x0], $0xffff  }
0x551: {  	v8 =	vld.idx.msk [tilespmem:v10+s22+$0x0], $0xffff  }
0x552: {  	v3 =	vadd.f32 v7, v3;
	v4 =	vadd.f32 v11, v4;
	_ =	sdelay $0x1  }
0x553: {  	v3 =	vadd.f32 v5, v3;
	v4 =	vadd.f32 v9, v4;
	_ =	sdelay $0x1  }
0x554: {  	v3 =	vadd.f32 v6, v3;
	v4 =	vadd.f32 v8, v4;
	_ =	sdelay $0x1  }
0x555: {  	v3 =	vadd.f32 v4, v3;
	_ =	sdelay $0x1  }
0x556: {  	[tilespmem:$0xE188] =	vst v3  }
0x557: {  	v4 =	vld [tilespmem:$0xE190];
	_ =	sdelay $0x4  }
0x558: {  	v3 =	vadd.f32 v4, v3;
	_ =	sdelay $0x1  }
0x559: {  	v3 =	vmul.f32 $4.999999890e-03, v3;
	_ =	sdelay $0x1  }
0x55a: {  	v3 =	vadd.f32 v3, v2;
	_ =	sdelay $0x1  }
0x55b: {  	v3 =	vsub.f32 $0.0e+00, v3;
	_ =	sdelay $0x1  }
0x55c: {  	v3 =	vmul.f32 $1.442695020e+00, v3;
	_ =	sdelay $0x1  }
0x55d: {  	(erf) = vpow2.f32 v3;
	_ =	sdelay $0x8  }
0x55e: {  	v3 =	vpop (erf)  }
0x55f: {  	v3 =	vadd.f32 $1.000000000e+00, v3;
	_ =	sdelay $0x1  }
0x560: {  	(erf) = vrcp.f32 v3;
	_ =	sdelay $0x1  }
0x561: {  	s19 =	simm.s32 $0x898;
	s18 =	simm.s32 $0x89A  }
0x562: {  	v5 =	vmov s18;
	v4 =	vmov s19  }
0x563: {  	s20 =	simm.s32 $0x89C;
	v5 =	vshll.u32 v5, $0x3;
	v4 =	vshll.u32 v4, $0x3  }
0x564: {  	v6 =	vmov s20;
	v5 =	vor.u32 v0, v5;
	s19 =	simm.s32 $0x89E;
	v4 =	vor.u32 v0, v4  }
0x565: {  	v6 =	vshll.u32 v6, $0x3;
	v7 =	vmov s19;
	v4 =	vor.u32 v1, v4  }
0x566: {  	s20 =	simm.s32 $0x8A0;
	v5 =	vor.u32 v1, v5;
	v6 =	vor.u32 v0, v6;
	v7 =	vshll.u32 v7, $0x3  }
0x567: {  	v8 =	vmov s20;
	v9 =	vor.u32 v1, v6;
	s19 =	simm.s32 $0x8A4;
	v6 =	vor.u32 v0, v7  }
0x568: {  	s20 =	simm.s32 $0x8A2;
	v7 =	vshll.u32 v8, $0x3;
	v8 =	vmov s19;
	v12 =	vor.u32 v1, v6;
	v10 =	vpop (erf)  }
0x569: {  	s19 =	simm.s32 $0x8A6;
	v6 =	vmov s20;
	v7 =	vor.u32 v0, v7;
	v11 =	vshll.u32 v8, $0x3;
	[tilespmem:$0xE150] =	vst v10  }
0x56a: {  	v8 =	vshll.u32 v6, $0x3;
	v6 =	vor.u32 v1, v7;
	v7 =	vmov s19;
	v4 =	vld.idx.msk [tilespmem:v4+s22+$0x0], $0xffff  }
0x56b: {  	s17 =	simm.s32 $0x8A8;
	v8 =	vor.u32 v0, v8;
	v10 =	vor.u32 v0, v11;
	v11 =	vshll.u32 v7, $0x3;
	v7 =	vld.idx.msk [tilespmem:v5+s22+$0x0], $0xffff  }
0x56c: {  	v13 =	vmov s17;
	v8 =	vor.u32 v1, v8;
	v5 =	vld.idx.msk [tilespmem:v9+s22+$0x0], $0xffff  }
0x56d: {  	v13 =	vshll.u32 v13, $0x3;
	s20 =	simm.s32 $0x8AC;
	v10 =	vor.u32 v1, v10;
	v11 =	vor.u32 v0, v11;
	v9 =	vld.idx.msk [tilespmem:v12+s22+$0x0], $0xffff  }
0x56e: {  	v14 =	vor.u32 v0, v13;
	v15 =	vmov s20;
	v11 =	vor.u32 v1, v11  }
0x56f: {  	s18 =	simm.s32 $0x8B0;
	s19 =	simm.s32 $0x8AA;
	v13 =	vshll.u32 v15, $0x3;
	v3 =	vimm.f32 $0.0e+00;
	v12 =	vimm.f32 $0.0e+00  }
.LBB2_57:
0x570: {  	p0 =	sne.s32 s18, $0x958;
	v15 =	vmov s19;
	s19 =	sadd.s32 $0x6, s17;
	v3 =	vadd.f32 v4, v3;
	v4 =	vld.idx.msk [tilespmem:v6+s22+$0x0], $0xffff;
	v12 =	vadd.f32 v7, v12;
	s17 =	smov.u32 s18  }
0x571: {  	v6 =	vor.u32 v1, v14;
	v14 =	vshll.u32 v15, $0x3;
	v15 =	vmov s19;
	v7 =	vld.idx.msk [tilespmem:v8+s22+$0x0], $0xffff  }
.Ltmp27:
0x572: {  	v8 =	vor.u32 v0, v14;
	v3 =	vadd.f32 v5, v3;
	v5 =	vld.idx.msk [tilespmem:v10+s22+$0x0], $0xffff;
	v12 =	vadd.f32 v9, v12;
	(pc) =	sbr.rel @p0 .LBB2_57-.Ltmp27, $4  }
0x573: {  	v10 =	vor.u32 v0, v13;
	v13 =	vshll.u32 v15, $0x3;
	v8 =	vor.u32 v1, v8;
	v9 =	vld.idx.msk [tilespmem:v11+s22+$0x0], $0xffff  }
0x574: {  	s19 =	sadd.s32 $0x4, s18;
	v11 =	vmov s18;
	v10 =	vor.u32 v1, v10;
	v13 =	vor.u32 v0, v13  }
0x575: {  	v15 =	vmov s19;
	v14 =	vshll.u32 v11, $0x3;
	v11 =	vor.u32 v1, v13  }
0x576: {  	s19 =	sadd.s32 $0x2, s17;
	s18 =	sadd.s32 $0x8, s18;
	v13 =	vshll.u32 v15, $0x3;
	v14 =	vor.u32 v0, v14  }
0x577: {  	_ = 	snop  }
0x578: {  	v15 =	vmov s19  }
0x579: {  	s17 =	sadd.s32 $0x6, s17;
	v15 =	vshll.u32 v15, $0x3  }
0x57a: {  	v14 =	vor.u32 v1, v14;
	v16 =	vmov s17;
	v15 =	vor.u32 v0, v15  }
0x57b: {  	v6 =	vld.idx.msk [tilespmem:v6+s22+$0x0], $0xffff;
	v13 =	vor.u32 v0, v13;
	v16 =	vshll.u32 v16, $0x3;
	v15 =	vor.u32 v1, v15  }
0x57c: {  	v8 =	vld.idx.msk [tilespmem:v8+s22+$0x0], $0xffff;
	v13 =	vor.u32 v1, v13;
	v16 =	vor.u32 v0, v16  }
0x57d: {  	v3 =	vadd.f32 v4, v3;
	v4 =	vadd.f32 v7, v12;
	v7 =	vld.idx.msk [tilespmem:v10+s22+$0x0], $0xffff;
	v10 =	vor.u32 v1, v16  }
0x57e: {  	v11 =	vld.idx.msk [tilespmem:v11+s22+$0x0], $0xffff  }
0x57f: {  	v3 =	vadd.f32 v5, v3;
	v4 =	vadd.f32 v9, v4;
	v5 =	vld.idx.msk [tilespmem:v14+s22+$0x0], $0xffff  }
0x580: {  	v9 =	vld.idx.msk [tilespmem:v15+s22+$0x0], $0xffff  }
0x581: {  	v3 =	vadd.f32 v6, v3;
	v4 =	vadd.f32 v8, v4;
	v6 =	vld.idx.msk [tilespmem:v13+s22+$0x0], $0xffff  }
0x582: {  	v8 =	vld.idx.msk [tilespmem:v10+s22+$0x0], $0xffff  }
0x583: {  	v3 =	vadd.f32 v7, v3;
	v4 =	vadd.f32 v11, v4;
	_ =	sdelay $0x1  }
0x584: {  	v3 =	vadd.f32 v5, v3;
	v4 =	vadd.f32 v9, v4;
	_ =	sdelay $0x1  }
0x585: {  	v3 =	vadd.f32 v6, v3;
	v4 =	vadd.f32 v8, v4;
	_ =	sdelay $0x1  }
0x586: {  	v3 =	vadd.f32 v4, v3;
	_ =	sdelay $0x1  }
0x587: {  	[tilespmem:$0xE188] =	vst v3  }
0x588: {  	v4 =	vld [tilespmem:$0xE190];
	_ =	sdelay $0x4  }
0x589: {  	v3 =	vadd.f32 v4, v3;
	_ =	sdelay $0x1  }
0x58a: {  	v3 =	vmul.f32 $4.999999890e-03, v3;
	_ =	sdelay $0x1  }
0x58b: {  	v3 =	vadd.f32 v3, v2;
	_ =	sdelay $0x1  }
0x58c: {  	v3 =	vsub.f32 $0.0e+00, v3;
	_ =	sdelay $0x1  }
0x58d: {  	v3 =	vmul.f32 $1.442695020e+00, v3;
	_ =	sdelay $0x1  }
0x58e: {  	(erf) = vpow2.f32 v3;
	_ =	sdelay $0x8  }
0x58f: {  	v3 =	vpop (erf)  }
0x590: {  	v3 =	vadd.f32 $1.000000000e+00, v3;
	_ =	sdelay $0x1  }
0x591: {  	(erf) = vrcp.f32 v3;
	_ =	sdelay $0x1  }
0x592: {  	s19 =	simm.s32 $0x960;
	s18 =	simm.s32 $0x962  }
0x593: {  	v5 =	vmov s18;
	v4 =	vmov s19  }
0x594: {  	s20 =	simm.s32 $0x964;
	v5 =	vshll.u32 v5, $0x3;
	v4 =	vshll.u32 v4, $0x3  }
0x595: {  	v6 =	vmov s20;
	v5 =	vor.u32 v0, v5;
	s19 =	simm.s32 $0x966;
	v4 =	vor.u32 v0, v4  }
0x596: {  	v6 =	vshll.u32 v6, $0x3;
	v7 =	vmov s19;
	v4 =	vor.u32 v1, v4  }
0x597: {  	s20 =	simm.s32 $0x968;
	v5 =	vor.u32 v1, v5;
	v6 =	vor.u32 v0, v6;
	v7 =	vshll.u32 v7, $0x3  }
0x598: {  	v8 =	vmov s20;
	v9 =	vor.u32 v1, v6;
	s19 =	simm.s32 $0x96C;
	v6 =	vor.u32 v0, v7  }
0x599: {  	s20 =	simm.s32 $0x96A;
	v7 =	vshll.u32 v8, $0x3;
	v8 =	vmov s19;
	v12 =	vor.u32 v1, v6;
	v10 =	vpop (erf)  }
0x59a: {  	s19 =	simm.s32 $0x96E;
	v6 =	vmov s20;
	v7 =	vor.u32 v0, v7;
	v11 =	vshll.u32 v8, $0x3;
	[tilespmem:$0xE158] =	vst v10  }
0x59b: {  	v8 =	vshll.u32 v6, $0x3;
	v6 =	vor.u32 v1, v7;
	v7 =	vmov s19;
	v4 =	vld.idx.msk [tilespmem:v4+s22+$0x0], $0xffff  }
0x59c: {  	s17 =	simm.s32 $0x970;
	v8 =	vor.u32 v0, v8;
	v10 =	vor.u32 v0, v11;
	v11 =	vshll.u32 v7, $0x3;
	v7 =	vld.idx.msk [tilespmem:v5+s22+$0x0], $0xffff  }
0x59d: {  	v13 =	vmov s17;
	v8 =	vor.u32 v1, v8;
	v5 =	vld.idx.msk [tilespmem:v9+s22+$0x0], $0xffff  }
0x59e: {  	v13 =	vshll.u32 v13, $0x3;
	s20 =	simm.s32 $0x974;
	v10 =	vor.u32 v1, v10;
	v11 =	vor.u32 v0, v11;
	v9 =	vld.idx.msk [tilespmem:v12+s22+$0x0], $0xffff  }
0x59f: {  	v14 =	vor.u32 v0, v13;
	v15 =	vmov s20;
	v11 =	vor.u32 v1, v11  }
0x5a0: {  	s18 =	simm.s32 $0x978;
	s19 =	simm.s32 $0x972;
	v13 =	vshll.u32 v15, $0x3;
	v3 =	vimm.f32 $0.0e+00;
	v12 =	vimm.f32 $0.0e+00  }
.LBB2_59:
0x5a1: {  	p0 =	sne.s32 s18, $0xA20;
	v15 =	vmov s19;
	s19 =	sadd.s32 $0x6, s17;
	v3 =	vadd.f32 v4, v3;
	v4 =	vld.idx.msk [tilespmem:v6+s22+$0x0], $0xffff;
	v12 =	vadd.f32 v7, v12;
	s17 =	smov.u32 s18  }
0x5a2: {  	v6 =	vor.u32 v1, v14;
	v14 =	vshll.u32 v15, $0x3;
	v15 =	vmov s19;
	v7 =	vld.idx.msk [tilespmem:v8+s22+$0x0], $0xffff  }
.Ltmp28:
0x5a3: {  	v8 =	vor.u32 v0, v14;
	v3 =	vadd.f32 v5, v3;
	v5 =	vld.idx.msk [tilespmem:v10+s22+$0x0], $0xffff;
	v12 =	vadd.f32 v9, v12;
	(pc) =	sbr.rel @p0 .LBB2_59-.Ltmp28, $4  }
0x5a4: {  	v10 =	vor.u32 v0, v13;
	v13 =	vshll.u32 v15, $0x3;
	v8 =	vor.u32 v1, v8;
	v9 =	vld.idx.msk [tilespmem:v11+s22+$0x0], $0xffff  }
0x5a5: {  	s19 =	sadd.s32 $0x4, s18;
	v11 =	vmov s18;
	v10 =	vor.u32 v1, v10;
	v13 =	vor.u32 v0, v13  }
0x5a6: {  	v15 =	vmov s19;
	v14 =	vshll.u32 v11, $0x3;
	v11 =	vor.u32 v1, v13  }
0x5a7: {  	s19 =	sadd.s32 $0x2, s17;
	s18 =	sadd.s32 $0x8, s18;
	v13 =	vshll.u32 v15, $0x3;
	v14 =	vor.u32 v0, v14  }
0x5a8: {  	_ = 	snop  }
0x5a9: {  	v15 =	vmov s19  }
0x5aa: {  	s17 =	sadd.s32 $0x6, s17;
	v15 =	vshll.u32 v15, $0x3  }
0x5ab: {  	v14 =	vor.u32 v1, v14;
	v16 =	vmov s17;
	v15 =	vor.u32 v0, v15  }
0x5ac: {  	v6 =	vld.idx.msk [tilespmem:v6+s22+$0x0], $0xffff;
	v13 =	vor.u32 v0, v13;
	v16 =	vshll.u32 v16, $0x3;
	v15 =	vor.u32 v1, v15  }
0x5ad: {  	v8 =	vld.idx.msk [tilespmem:v8+s22+$0x0], $0xffff;
	v13 =	vor.u32 v1, v13;
	v16 =	vor.u32 v0, v16  }
0x5ae: {  	v3 =	vadd.f32 v4, v3;
	v4 =	vadd.f32 v7, v12;
	v7 =	vld.idx.msk [tilespmem:v10+s22+$0x0], $0xffff;
	v10 =	vor.u32 v1, v16  }
0x5af: {  	v11 =	vld.idx.msk [tilespmem:v11+s22+$0x0], $0xffff  }
0x5b0: {  	v3 =	vadd.f32 v5, v3;
	v4 =	vadd.f32 v9, v4;
	v5 =	vld.idx.msk [tilespmem:v14+s22+$0x0], $0xffff  }
0x5b1: {  	v9 =	vld.idx.msk [tilespmem:v15+s22+$0x0], $0xffff  }
0x5b2: {  	v3 =	vadd.f32 v6, v3;
	v4 =	vadd.f32 v8, v4;
	v6 =	vld.idx.msk [tilespmem:v13+s22+$0x0], $0xffff  }
0x5b3: {  	v8 =	vld.idx.msk [tilespmem:v10+s22+$0x0], $0xffff  }
0x5b4: {  	v3 =	vadd.f32 v7, v3;
	v4 =	vadd.f32 v11, v4;
	_ =	sdelay $0x1  }
0x5b5: {  	v3 =	vadd.f32 v5, v3;
	v4 =	vadd.f32 v9, v4;
	_ =	sdelay $0x1  }
0x5b6: {  	v3 =	vadd.f32 v6, v3;
	v4 =	vadd.f32 v8, v4;
	_ =	sdelay $0x1  }
0x5b7: {  	v3 =	vadd.f32 v4, v3;
	_ =	sdelay $0x1  }
0x5b8: {  	[tilespmem:$0xE188] =	vst v3  }
0x5b9: {  	v4 =	vld [tilespmem:$0xE190];
	_ =	sdelay $0x4  }
0x5ba: {  	v3 =	vadd.f32 v4, v3;
	_ =	sdelay $0x1  }
0x5bb: {  	v3 =	vmul.f32 $4.999999890e-03, v3;
	_ =	sdelay $0x1  }
0x5bc: {  	v3 =	vadd.f32 v3, v2;
	_ =	sdelay $0x1  }
0x5bd: {  	v3 =	vsub.f32 $0.0e+00, v3;
	_ =	sdelay $0x1  }
0x5be: {  	v3 =	vmul.f32 $1.442695020e+00, v3;
	_ =	sdelay $0x1  }
0x5bf: {  	(erf) = vpow2.f32 v3;
	_ =	sdelay $0x8  }
0x5c0: {  	v3 =	vpop (erf)  }
0x5c1: {  	v3 =	vadd.f32 $1.000000000e+00, v3;
	_ =	sdelay $0x1  }
0x5c2: {  	(erf) = vrcp.f32 v3;
	_ =	sdelay $0x1  }
0x5c3: {  	s19 =	simm.s32 $0xA28;
	s18 =	simm.s32 $0xA2A  }
0x5c4: {  	v5 =	vmov s18;
	v4 =	vmov s19  }
0x5c5: {  	s20 =	simm.s32 $0xA2C;
	v5 =	vshll.u32 v5, $0x3;
	v4 =	vshll.u32 v4, $0x3  }
0x5c6: {  	v6 =	vmov s20;
	v5 =	vor.u32 v0, v5;
	s19 =	simm.s32 $0xA2E;
	v4 =	vor.u32 v0, v4  }
0x5c7: {  	v6 =	vshll.u32 v6, $0x3;
	v7 =	vmov s19;
	v4 =	vor.u32 v1, v4  }
0x5c8: {  	s20 =	simm.s32 $0xA30;
	v5 =	vor.u32 v1, v5;
	v6 =	vor.u32 v0, v6;
	v7 =	vshll.u32 v7, $0x3  }
0x5c9: {  	v8 =	vmov s20;
	v9 =	vor.u32 v1, v6;
	s19 =	simm.s32 $0xA34;
	v6 =	vor.u32 v0, v7  }
0x5ca: {  	s20 =	simm.s32 $0xA32;
	v7 =	vshll.u32 v8, $0x3;
	v8 =	vmov s19;
	v12 =	vor.u32 v1, v6;
	v10 =	vpop (erf)  }
0x5cb: {  	s19 =	simm.s32 $0xA36;
	v6 =	vmov s20;
	v7 =	vor.u32 v0, v7;
	v11 =	vshll.u32 v8, $0x3;
	[tilespmem:$0xE160] =	vst v10  }
0x5cc: {  	v8 =	vshll.u32 v6, $0x3;
	v6 =	vor.u32 v1, v7;
	v7 =	vmov s19;
	v4 =	vld.idx.msk [tilespmem:v4+s22+$0x0], $0xffff  }
0x5cd: {  	s17 =	simm.s32 $0xA38;
	v8 =	vor.u32 v0, v8;
	v10 =	vor.u32 v0, v11;
	v11 =	vshll.u32 v7, $0x3;
	v7 =	vld.idx.msk [tilespmem:v5+s22+$0x0], $0xffff  }
0x5ce: {  	v13 =	vmov s17;
	v8 =	vor.u32 v1, v8;
	v5 =	vld.idx.msk [tilespmem:v9+s22+$0x0], $0xffff  }
0x5cf: {  	v13 =	vshll.u32 v13, $0x3;
	s20 =	simm.s32 $0xA3C;
	v10 =	vor.u32 v1, v10;
	v11 =	vor.u32 v0, v11;
	v9 =	vld.idx.msk [tilespmem:v12+s22+$0x0], $0xffff  }
0x5d0: {  	v14 =	vor.u32 v0, v13;
	v15 =	vmov s20;
	v11 =	vor.u32 v1, v11  }
0x5d1: {  	s18 =	simm.s32 $0xA40;
	s19 =	simm.s32 $0xA3A;
	v13 =	vshll.u32 v15, $0x3;
	v3 =	vimm.f32 $0.0e+00;
	v12 =	vimm.f32 $0.0e+00  }
.LBB2_61:
0x5d2: {  	p0 =	sne.s32 s18, $0xAE8;
	v15 =	vmov s19;
	s19 =	sadd.s32 $0x6, s17;
	v3 =	vadd.f32 v4, v3;
	v4 =	vld.idx.msk [tilespmem:v6+s22+$0x0], $0xffff;
	v12 =	vadd.f32 v7, v12;
	s17 =	smov.u32 s18  }
0x5d3: {  	v6 =	vor.u32 v1, v14;
	v14 =	vshll.u32 v15, $0x3;
	v15 =	vmov s19;
	v7 =	vld.idx.msk [tilespmem:v8+s22+$0x0], $0xffff  }
.Ltmp29:
0x5d4: {  	v8 =	vor.u32 v0, v14;
	v3 =	vadd.f32 v5, v3;
	v5 =	vld.idx.msk [tilespmem:v10+s22+$0x0], $0xffff;
	v12 =	vadd.f32 v9, v12;
	(pc) =	sbr.rel @p0 .LBB2_61-.Ltmp29, $4  }
0x5d5: {  	v10 =	vor.u32 v0, v13;
	v13 =	vshll.u32 v15, $0x3;
	v8 =	vor.u32 v1, v8;
	v9 =	vld.idx.msk [tilespmem:v11+s22+$0x0], $0xffff  }
0x5d6: {  	s19 =	sadd.s32 $0x4, s18;
	v11 =	vmov s18;
	v10 =	vor.u32 v1, v10;
	v13 =	vor.u32 v0, v13  }
0x5d7: {  	v15 =	vmov s19;
	v14 =	vshll.u32 v11, $0x3;
	v11 =	vor.u32 v1, v13  }
0x5d8: {  	s19 =	sadd.s32 $0x2, s17;
	s18 =	sadd.s32 $0x8, s18;
	v13 =	vshll.u32 v15, $0x3;
	v14 =	vor.u32 v0, v14  }
0x5d9: {  	_ = 	snop  }
0x5da: {  	v15 =	vmov s19  }
0x5db: {  	s17 =	sadd.s32 $0x6, s17;
	v15 =	vshll.u32 v15, $0x3  }
0x5dc: {  	v14 =	vor.u32 v1, v14;
	v16 =	vmov s17;
	v15 =	vor.u32 v0, v15  }
0x5dd: {  	v6 =	vld.idx.msk [tilespmem:v6+s22+$0x0], $0xffff;
	v13 =	vor.u32 v0, v13;
	v16 =	vshll.u32 v16, $0x3;
	v15 =	vor.u32 v1, v15  }
0x5de: {  	v8 =	vld.idx.msk [tilespmem:v8+s22+$0x0], $0xffff;
	v13 =	vor.u32 v1, v13;
	v16 =	vor.u32 v0, v16  }
0x5df: {  	v3 =	vadd.f32 v4, v3;
	v4 =	vadd.f32 v7, v12;
	v7 =	vld.idx.msk [tilespmem:v10+s22+$0x0], $0xffff;
	v10 =	vor.u32 v1, v16  }
0x5e0: {  	v11 =	vld.idx.msk [tilespmem:v11+s22+$0x0], $0xffff  }
0x5e1: {  	v3 =	vadd.f32 v5, v3;
	v4 =	vadd.f32 v9, v4;
	v5 =	vld.idx.msk [tilespmem:v14+s22+$0x0], $0xffff  }
0x5e2: {  	v9 =	vld.idx.msk [tilespmem:v15+s22+$0x0], $0xffff  }
0x5e3: {  	v3 =	vadd.f32 v6, v3;
	v4 =	vadd.f32 v8, v4;
	v6 =	vld.idx.msk [tilespmem:v13+s22+$0x0], $0xffff  }
0x5e4: {  	v8 =	vld.idx.msk [tilespmem:v10+s22+$0x0], $0xffff  }
0x5e5: {  	v3 =	vadd.f32 v7, v3;
	v4 =	vadd.f32 v11, v4;
	_ =	sdelay $0x1  }
0x5e6: {  	v3 =	vadd.f32 v5, v3;
	v4 =	vadd.f32 v9, v4;
	_ =	sdelay $0x1  }
0x5e7: {  	v3 =	vadd.f32 v6, v3;
	v4 =	vadd.f32 v8, v4;
	_ =	sdelay $0x1  }
0x5e8: {  	v3 =	vadd.f32 v4, v3;
	_ =	sdelay $0x1  }
0x5e9: {  	[tilespmem:$0xE188] =	vst v3  }
0x5ea: {  	v4 =	vld [tilespmem:$0xE190];
	_ =	sdelay $0x4  }
0x5eb: {  	v3 =	vadd.f32 v4, v3;
	_ =	sdelay $0x1  }
0x5ec: {  	v3 =	vmul.f32 $4.999999890e-03, v3;
	_ =	sdelay $0x1  }
0x5ed: {  	v3 =	vadd.f32 v3, v2;
	_ =	sdelay $0x1  }
0x5ee: {  	v3 =	vsub.f32 $0.0e+00, v3;
	_ =	sdelay $0x1  }
0x5ef: {  	v3 =	vmul.f32 $1.442695020e+00, v3;
	_ =	sdelay $0x1  }
0x5f0: {  	(erf) = vpow2.f32 v3;
	_ =	sdelay $0x8  }
0x5f1: {  	v3 =	vpop (erf)  }
0x5f2: {  	v3 =	vadd.f32 $1.000000000e+00, v3;
	_ =	sdelay $0x1  }
0x5f3: {  	(erf) = vrcp.f32 v3;
	_ =	sdelay $0x1  }
0x5f4: {  	s19 =	simm.s32 $0xAF0;
	s18 =	simm.s32 $0xAF2  }
0x5f5: {  	v5 =	vmov s18;
	v4 =	vmov s19  }
0x5f6: {  	s20 =	simm.s32 $0xAF4;
	v5 =	vshll.u32 v5, $0x3;
	v4 =	vshll.u32 v4, $0x3  }
0x5f7: {  	v6 =	vmov s20;
	v5 =	vor.u32 v0, v5;
	s19 =	simm.s32 $0xAF6;
	v4 =	vor.u32 v0, v4  }
0x5f8: {  	v6 =	vshll.u32 v6, $0x3;
	v7 =	vmov s19;
	v4 =	vor.u32 v1, v4  }
0x5f9: {  	s20 =	simm.s32 $0xAF8;
	v5 =	vor.u32 v1, v5;
	v6 =	vor.u32 v0, v6;
	v7 =	vshll.u32 v7, $0x3  }
0x5fa: {  	v8 =	vmov s20;
	v9 =	vor.u32 v1, v6;
	s19 =	simm.s32 $0xAFC;
	v6 =	vor.u32 v0, v7  }
0x5fb: {  	s20 =	simm.s32 $0xAFA;
	v7 =	vshll.u32 v8, $0x3;
	v8 =	vmov s19;
	v12 =	vor.u32 v1, v6;
	v10 =	vpop (erf)  }
0x5fc: {  	s19 =	simm.s32 $0xAFE;
	v6 =	vmov s20;
	v7 =	vor.u32 v0, v7;
	v11 =	vshll.u32 v8, $0x3;
	[tilespmem:$0xE168] =	vst v10  }
0x5fd: {  	v8 =	vshll.u32 v6, $0x3;
	v6 =	vor.u32 v1, v7;
	v7 =	vmov s19;
	v4 =	vld.idx.msk [tilespmem:v4+s22+$0x0], $0xffff  }
0x5fe: {  	s17 =	simm.s32 $0xB00;
	v8 =	vor.u32 v0, v8;
	v10 =	vor.u32 v0, v11;
	v11 =	vshll.u32 v7, $0x3;
	v7 =	vld.idx.msk [tilespmem:v5+s22+$0x0], $0xffff  }
0x5ff: {  	v13 =	vmov s17;
	v8 =	vor.u32 v1, v8;
	v5 =	vld.idx.msk [tilespmem:v9+s22+$0x0], $0xffff  }
0x600: {  	v13 =	vshll.u32 v13, $0x3;
	s20 =	simm.s32 $0xB04;
	v10 =	vor.u32 v1, v10;
	v11 =	vor.u32 v0, v11;
	v9 =	vld.idx.msk [tilespmem:v12+s22+$0x0], $0xffff  }
0x601: {  	v14 =	vor.u32 v0, v13;
	v15 =	vmov s20;
	v11 =	vor.u32 v1, v11  }
0x602: {  	s18 =	simm.s32 $0xB08;
	s19 =	simm.s32 $0xB02;
	v13 =	vshll.u32 v15, $0x3;
	v3 =	vimm.f32 $0.0e+00;
	v12 =	vimm.f32 $0.0e+00  }
.LBB2_63:
0x603: {  	p0 =	sne.s32 s18, $0xBB0;
	v15 =	vmov s19;
	s19 =	sadd.s32 $0x6, s17;
	v3 =	vadd.f32 v4, v3;
	v4 =	vld.idx.msk [tilespmem:v6+s22+$0x0], $0xffff;
	v12 =	vadd.f32 v7, v12;
	s17 =	smov.u32 s18  }
0x604: {  	v6 =	vor.u32 v1, v14;
	v14 =	vshll.u32 v15, $0x3;
	v15 =	vmov s19;
	v7 =	vld.idx.msk [tilespmem:v8+s22+$0x0], $0xffff  }
.Ltmp30:
0x605: {  	v8 =	vor.u32 v0, v14;
	v3 =	vadd.f32 v5, v3;
	v5 =	vld.idx.msk [tilespmem:v10+s22+$0x0], $0xffff;
	v12 =	vadd.f32 v9, v12;
	(pc) =	sbr.rel @p0 .LBB2_63-.Ltmp30, $4  }
0x606: {  	v10 =	vor.u32 v0, v13;
	v13 =	vshll.u32 v15, $0x3;
	v8 =	vor.u32 v1, v8;
	v9 =	vld.idx.msk [tilespmem:v11+s22+$0x0], $0xffff  }
0x607: {  	s19 =	sadd.s32 $0x4, s18;
	v11 =	vmov s18;
	v10 =	vor.u32 v1, v10;
	v13 =	vor.u32 v0, v13  }
0x608: {  	v15 =	vmov s19;
	v14 =	vshll.u32 v11, $0x3;
	v11 =	vor.u32 v1, v13  }
0x609: {  	s19 =	sadd.s32 $0x2, s17;
	s18 =	sadd.s32 $0x8, s18;
	v13 =	vshll.u32 v15, $0x3;
	v14 =	vor.u32 v0, v14  }
0x60a: {  	_ = 	snop  }
0x60b: {  	v15 =	vmov s19  }
0x60c: {  	s17 =	sadd.s32 $0x6, s17;
	v15 =	vshll.u32 v15, $0x3  }
0x60d: {  	v14 =	vor.u32 v1, v14;
	v16 =	vmov s17;
	v15 =	vor.u32 v0, v15  }
0x60e: {  	v6 =	vld.idx.msk [tilespmem:v6+s22+$0x0], $0xffff;
	v13 =	vor.u32 v0, v13;
	v16 =	vshll.u32 v16, $0x3;
	v15 =	vor.u32 v1, v15  }
0x60f: {  	v8 =	vld.idx.msk [tilespmem:v8+s22+$0x0], $0xffff;
	v13 =	vor.u32 v1, v13;
	v16 =	vor.u32 v0, v16  }
0x610: {  	v3 =	vadd.f32 v4, v3;
	v4 =	vadd.f32 v7, v12;
	v7 =	vld.idx.msk [tilespmem:v10+s22+$0x0], $0xffff;
	v10 =	vor.u32 v1, v16  }
0x611: {  	v11 =	vld.idx.msk [tilespmem:v11+s22+$0x0], $0xffff  }
0x612: {  	v3 =	vadd.f32 v5, v3;
	v4 =	vadd.f32 v9, v4;
	v5 =	vld.idx.msk [tilespmem:v14+s22+$0x0], $0xffff  }
0x613: {  	v9 =	vld.idx.msk [tilespmem:v15+s22+$0x0], $0xffff  }
0x614: {  	v3 =	vadd.f32 v6, v3;
	v4 =	vadd.f32 v8, v4;
	v6 =	vld.idx.msk [tilespmem:v13+s22+$0x0], $0xffff  }
0x615: {  	v8 =	vld.idx.msk [tilespmem:v10+s22+$0x0], $0xffff  }
0x616: {  	v3 =	vadd.f32 v7, v3;
	v4 =	vadd.f32 v11, v4;
	_ =	sdelay $0x1  }
0x617: {  	v3 =	vadd.f32 v5, v3;
	v4 =	vadd.f32 v9, v4;
	_ =	sdelay $0x1  }
0x618: {  	v3 =	vadd.f32 v6, v3;
	v4 =	vadd.f32 v8, v4;
	_ =	sdelay $0x1  }
0x619: {  	v3 =	vadd.f32 v4, v3;
	_ =	sdelay $0x1  }
0x61a: {  	[tilespmem:$0xE188] =	vst v3  }
0x61b: {  	v4 =	vld [tilespmem:$0xE190];
	_ =	sdelay $0x4  }
0x61c: {  	v3 =	vadd.f32 v4, v3;
	_ =	sdelay $0x1  }
0x61d: {  	v3 =	vmul.f32 $4.999999890e-03, v3;
	_ =	sdelay $0x1  }
0x61e: {  	v3 =	vadd.f32 v3, v2;
	_ =	sdelay $0x1  }
0x61f: {  	v3 =	vsub.f32 $0.0e+00, v3;
	_ =	sdelay $0x1  }
0x620: {  	v3 =	vmul.f32 $1.442695020e+00, v3;
	_ =	sdelay $0x1  }
0x621: {  	(erf) = vpow2.f32 v3;
	_ =	sdelay $0x8  }
0x622: {  	v3 =	vpop (erf)  }
0x623: {  	v3 =	vadd.f32 $1.000000000e+00, v3;
	_ =	sdelay $0x1  }
0x624: {  	(erf) = vrcp.f32 v3;
	_ =	sdelay $0x1  }
0x625: {  	s19 =	simm.s32 $0xBB8;
	s18 =	simm.s32 $0xBBA  }
0x626: {  	v5 =	vmov s18;
	v4 =	vmov s19  }
0x627: {  	s20 =	simm.s32 $0xBBC;
	v5 =	vshll.u32 v5, $0x3;
	v4 =	vshll.u32 v4, $0x3  }
0x628: {  	v6 =	vmov s20;
	v5 =	vor.u32 v0, v5;
	s19 =	simm.s32 $0xBBE;
	v4 =	vor.u32 v0, v4  }
0x629: {  	v6 =	vshll.u32 v6, $0x3;
	v7 =	vmov s19;
	v4 =	vor.u32 v1, v4  }
0x62a: {  	s20 =	simm.s32 $0xBC0;
	v5 =	vor.u32 v1, v5;
	v6 =	vor.u32 v0, v6;
	v7 =	vshll.u32 v7, $0x3  }
0x62b: {  	v8 =	vmov s20;
	v9 =	vor.u32 v1, v6;
	s19 =	simm.s32 $0xBC4;
	v6 =	vor.u32 v0, v7  }
0x62c: {  	s20 =	simm.s32 $0xBC2;
	v7 =	vshll.u32 v8, $0x3;
	v8 =	vmov s19;
	v12 =	vor.u32 v1, v6;
	v10 =	vpop (erf)  }
0x62d: {  	s19 =	simm.s32 $0xBC6;
	v6 =	vmov s20;
	v7 =	vor.u32 v0, v7;
	v11 =	vshll.u32 v8, $0x3;
	[tilespmem:$0xE170] =	vst v10  }
0x62e: {  	v8 =	vshll.u32 v6, $0x3;
	v6 =	vor.u32 v1, v7;
	v7 =	vmov s19;
	v4 =	vld.idx.msk [tilespmem:v4+s22+$0x0], $0xffff  }
0x62f: {  	s17 =	simm.s32 $0xBC8;
	v8 =	vor.u32 v0, v8;
	v10 =	vor.u32 v0, v11;
	v11 =	vshll.u32 v7, $0x3;
	v7 =	vld.idx.msk [tilespmem:v5+s22+$0x0], $0xffff  }
0x630: {  	v13 =	vmov s17;
	v8 =	vor.u32 v1, v8;
	v5 =	vld.idx.msk [tilespmem:v9+s22+$0x0], $0xffff  }
0x631: {  	v13 =	vshll.u32 v13, $0x3;
	s20 =	simm.s32 $0xBCC;
	v10 =	vor.u32 v1, v10;
	v11 =	vor.u32 v0, v11;
	v9 =	vld.idx.msk [tilespmem:v12+s22+$0x0], $0xffff  }
0x632: {  	v14 =	vor.u32 v0, v13;
	v15 =	vmov s20;
	v11 =	vor.u32 v1, v11  }
0x633: {  	s18 =	simm.s32 $0xBD0;
	s19 =	simm.s32 $0xBCA;
	v13 =	vshll.u32 v15, $0x3;
	v3 =	vimm.f32 $0.0e+00;
	v12 =	vimm.f32 $0.0e+00  }
.LBB2_65:
0x634: {  	p0 =	sne.s32 s18, $0xC78;
	v15 =	vmov s19;
	s19 =	sadd.s32 $0x6, s17;
	v3 =	vadd.f32 v4, v3;
	v4 =	vld.idx.msk [tilespmem:v6+s22+$0x0], $0xffff;
	v12 =	vadd.f32 v7, v12;
	s17 =	smov.u32 s18  }
0x635: {  	v6 =	vor.u32 v1, v14;
	v14 =	vshll.u32 v15, $0x3;
	v15 =	vmov s19;
	v7 =	vld.idx.msk [tilespmem:v8+s22+$0x0], $0xffff  }
.Ltmp31:
0x636: {  	v8 =	vor.u32 v0, v14;
	v3 =	vadd.f32 v5, v3;
	v5 =	vld.idx.msk [tilespmem:v10+s22+$0x0], $0xffff;
	v12 =	vadd.f32 v9, v12;
	(pc) =	sbr.rel @p0 .LBB2_65-.Ltmp31, $4  }
0x637: {  	v10 =	vor.u32 v0, v13;
	v13 =	vshll.u32 v15, $0x3;
	v8 =	vor.u32 v1, v8;
	v9 =	vld.idx.msk [tilespmem:v11+s22+$0x0], $0xffff  }
0x638: {  	s19 =	sadd.s32 $0x4, s18;
	v11 =	vmov s18;
	v10 =	vor.u32 v1, v10;
	v13 =	vor.u32 v0, v13  }
0x639: {  	v15 =	vmov s19;
	v14 =	vshll.u32 v11, $0x3;
	v11 =	vor.u32 v1, v13  }
0x63a: {  	s19 =	sadd.s32 $0x2, s17;
	s18 =	sadd.s32 $0x8, s18;
	v13 =	vshll.u32 v15, $0x3;
	v14 =	vor.u32 v0, v14  }
0x63b: {  	_ = 	snop  }
0x63c: {  	v15 =	vmov s19  }
0x63d: {  	s17 =	sadd.s32 $0x6, s17;
	v15 =	vshll.u32 v15, $0x3  }
0x63e: {  	v14 =	vor.u32 v1, v14;
	v16 =	vmov s17;
	v15 =	vor.u32 v0, v15  }
0x63f: {  	v6 =	vld.idx.msk [tilespmem:v6+s22+$0x0], $0xffff;
	v13 =	vor.u32 v0, v13;
	v16 =	vshll.u32 v16, $0x3;
	v15 =	vor.u32 v1, v15  }
0x640: {  	v8 =	vld.idx.msk [tilespmem:v8+s22+$0x0], $0xffff;
	v13 =	vor.u32 v1, v13;
	v16 =	vor.u32 v0, v16  }
0x641: {  	v3 =	vadd.f32 v4, v3;
	v56 =	vadd.f32 v7, v12;
	v57 =	vld.idx.msk [tilespmem:v10+s22+$0x0], $0xffff;
	v58 =	vor.u32 v1, v16  }
0x642: {  	v11 =	vld.idx.msk [tilespmem:v11+s22+$0x0], $0xffff  }
0x643: {  	v3 =	vadd.f32 v5, v3;
	v4 =	vadd.f32 v9, v56;
	v59 =	vld.idx.msk [tilespmem:v14+s22+$0x0], $0xffff  }
0x644: {  	v60 =	vld.idx.msk [tilespmem:v15+s22+$0x0], $0xffff  }
0x645: {  	v3 =	vadd.f32 v6, v3;
	v4 =	vadd.f32 v8, v4;
	v61 =	vld.idx.msk [tilespmem:v13+s22+$0x0], $0xffff  }
0x646: {  	v62 =	vld.idx.msk [tilespmem:v58+s22+$0x0], $0xffff  }
0x647: {  	v3 =	vadd.f32 v57, v3;
	v4 =	vadd.f32 v11, v4;
	_ =	sdelay $0x1  }
0x648: {  	v3 =	vadd.f32 v59, v3;
	v4 =	vadd.f32 v60, v4;
	_ =	sdelay $0x1  }
0x649: {  	v3 =	vadd.f32 v61, v3;
	v4 =	vadd.f32 v62, v4;
	_ =	sdelay $0x1  }
0x64a: {  	v3 =	vadd.f32 v4, v3;
	_ =	sdelay $0x1  }
0x64b: {  	[tilespmem:$0xE188] =	vst v3  }
0x64c: {  	v63 =	vld [tilespmem:$0xE190];
	_ =	sdelay $0x4  }
0x64d: {  	v3 =	vadd.f32 v63, v3;
	_ =	sdelay $0x1  }
0x64e: {  	v3 =	vmul.f32 $4.999999890e-03, v3;
	_ =	sdelay $0x1  }
0x64f: {  	v3 =	vadd.f32 v3, v2;
	_ =	sdelay $0x1  }
0x650: {  	v3 =	vsub.f32 $0.0e+00, v3;
	_ =	sdelay $0x1  }
0x651: {  	v3 =	vmul.f32 $1.442695020e+00, v3;
	_ =	sdelay $0x1  }
0x652: {  	(erf) = vpow2.f32 v3;
	_ =	sdelay $0x8  }
0x653: {  	v3 =	vpop (erf)  }
0x654: {  	v3 =	vadd.f32 $1.000000000e+00, v3;
	_ =	sdelay $0x1  }
0x655: {  	(erf) = vrcp.f32 v3;
	_ =	sdelay $0x7  }
0x656: {  	s12 =	sadd.s32 $0x1, s12  }
0x657: {  	p0 =	sne.s32 s12, $0x10;
	v3 =	vpop (erf)  }
.Ltmp32:
0x658: {  	s16 =	sadd.s32 s2, s16;
	[tilespmem:$0xE178] =	vst v3;
	(pc) =	sbr.rel @p0 .LBB2_2-.Ltmp32, $4  }
0x659: {  	[hbm4b:s16+s3] =	stream.linear.scatter [tilespmem:s31], [sflag:$0x3], $0x80, $0x38;
	[tilespmem:$0xE1B0] =	vst v63  }
0x65a: {  	_ =	swait.ge [sflag:s13], $0x80  }
0x65b: {  	[sflag:s13] =	ssyncset.done $0x0  }
0x65c: {  	[sflag:s13] =	ssyncadd.s32 $0xFFFFFF80  }
0x65d: {  	s1 =	sadd.s32 $0x1, s1  }
0x65e: {  	p0 =	sne.s32 s1, s10  }
.Ltmp33:
0x65f: {  	_ = 	snop;
	(pc) =	sbr.rel @p0 .LBB2_1-.Ltmp33, $1  }
0x660: {  	_ =	sdelay $0x3  }
0x661: {  	_ =	sfence.sel $0x180000  }
0x662: {  	[bflag:$0x0] =	sbarrier.arrive $0xFFFF  }
0x663: {  	_ =	strace $0x90000047  }
0x664: {  	s0 =	stileid.u32;
	[bflag:$0x2] =	sbarrier.arrive $0xFFFF  }
0x665: {  	p0 =	sne.s32 s0, $0x0;
	s0 =	rddreg [dreg:$0x2]  }
0x666: {  	s0 =	sadd.s32 @!p0 $0x100000, s0  }
0x667: {  	[sflag:s0] =	ssyncadd.tile.s32 @!p0 $0x1;
	_ =	shalt  }
.Lfunc_end2:
_tile_overlayer_lowered:
.L_overlay_start_2:
0x668: {  	(tag) =	ssettag $0x2  }
0x669: {  	s0 =	rddreg [dreg:$0x0];
	s2 =	stileid.u32  }
0x66a: {  	s1 =	rddreg [dreg:$0x1];
	p0 =	sne.s32 s2, $0x0  }
0x66b: {  	s3 =	rddreg [dreg:$0x2];
	[bflag:$0x3] =	sbarrier.arrive $0xFFFF;
	s2 =	simm.s32 @!p0 $0x1C03  }
0x66c: {  	[timem:s3], [sflag:s2] =	dma.local @!p0 [hbm:s0], s1  }
0x66d: {  	s0 =	simm.s32 @!p0 $0x3  }
0x66e: {  	_ =	swait.ge @!p0 [sflag:s0], s1  }
0x66f: {  	s1 =	ssub.s32 @!p0 $0x0, s1;
	[sflag:s0] =	ssyncset.done @!p0 $0x0  }
0x670: {  	[sflag:s0] =	ssyncadd.s32 @!p0 s1  }
0x671: {  	[bflag:$0x3] =	sbarrier.arrive $0xFFFF  }
0x672: {  	_ =	shalt  }

</sc_bundles>
